<compile_context>
chip_gen: v7x
topology: tpu7x:2x2x1
jax: 0.10.2.dev20260603
libtpu: 0.0.44.dev20260713+nightly
codegen_flags: <defaults>
</compile_context>

<pallas_src>
import jax
import jax.numpy as jnp
import numpy as np
from jax import lax
from jax.experimental import pallas as pl
from jax.experimental.pallas import tpu as pltpu
from jax.experimental.pallas import tpu_sc as plsc

N = 10000
D = 128
H = 32
G = 64
E = 320000
FH = 12
TV = 4

NSH = 4
FPT = 4
NFG = H // FPT
EPT = E // NSH
CHUNK = 4000
NCHUNK = EPT // CHUNK
CIT = CHUNK // 16
HP = H // 2
NP = 10240
POOLC = 128
NPOOL = NP // POOLC

_F32 = jnp.float32


def _gelu(x):
    return 0.5 * x * (1.0 + lax.erf(x * (2.0 ** -0.5)))


def _leaky_exp(e):
    return jnp.exp(jnp.maximum(e, 0.2 * e))



def _pack_rows(ht):
    lo = lax.bitcast_convert_type(ht[0:HP].astype(jnp.bfloat16),
                                  jnp.int16).astype(jnp.int32) & 0xFFFF
    hi = lax.bitcast_convert_type(ht[HP:H].astype(jnp.bfloat16),
                                  jnp.int16).astype(jnp.int32) << 16
    return hi | lo


def _tc_pre_body(x_ref, w1t_ref, as_ref, ad_ref, ht_ref, aa_ref, hp_ref):
    ht = lax.dot_general(w1t_ref[...], x_ref[...],
                         (((1,), (1,)), ((), ())),
                         preferred_element_type=_F32)
    ht_ref[...] = ht
    hp_ref[...] = _pack_rows(ht)
    aa_ref[0:1, :] = lax.dot_general(as_ref[...], ht, (((1,), (0,)), ((), ())),
                                     preferred_element_type=_F32)
    aa_ref[1:2, :] = lax.dot_general(ad_ref[...], ht, (((1,), (0,)), ((), ())),
                                     preferred_element_type=_F32)


_tc_pre = pl.pallas_call(
    _tc_pre_body,
    out_shape=[jax.ShapeDtypeStruct((H, N), _F32),
               jax.ShapeDtypeStruct((2, N), _F32),
               jax.ShapeDtypeStruct((HP, N), jnp.int32)],
)



def _sc_edge_body(edge_hbm, hp_hbm, aa_hbm, parts_hbm, denp_hbm,
                  hw0, hw1, a0, a1, a2, a3,
                  als_v, ald_v, den_v, src_a, dst_a, src_b, dst_b,
                  sem_sa, sem_da, sem_sb, sem_db):
    c = lax.axis_index("c")
    s = lax.axis_index("s")
    wid = c * 16 + s
    fg = wid % NFG
    sh = wid // NFG
    accs = (a0, a1, a2, a3)

    zero16 = jnp.zeros((16,), _F32)

    @plsc.parallel_loop(0, N // 16, unroll=4)
    def _(i):
        for f in range(FPT):
            accs[f][pl.ds(i * 16, 16)] = zero16
        den_v[pl.ds(i * 16, 16)] = zero16

    ebase = sh * EPT

    def _start(ci, bs, bd, ss, sd):
        off = ebase + ci * CHUNK
        pltpu.async_copy(edge_hbm.at[pl.ds(off, CHUNK)], bs, ss)
        pltpu.async_copy(edge_hbm.at[pl.ds(E + off, CHUNK)], bd, sd)

    def _wait(bs, bd, ss, sd):
        pltpu.make_async_copy(edge_hbm.at[pl.ds(0, CHUNK)], bs, ss).wait()
        pltpu.make_async_copy(edge_hbm.at[pl.ds(0, CHUNK)], bd, sd).wait()

    def _process(sbuf, dbuf):
        @plsc.parallel_loop(0, CIT, unroll=2)
        def _(i):
            srcv = sbuf[pl.ds(i * 16, 16)]
            dstv = dbuf[pl.ds(i * 16, 16)]
            e = plsc.load_gather(als_v, [srcv]) + plsc.load_gather(ald_v, [dstv])
            w = _leaky_exp(e)
            mhi = jnp.int32(-65536)
            for k, hw in enumerate((hw0, hw1)):
                v = plsc.load_gather(hw, [srcv])
                ve = plsc.bitcast(v << 16, _F32)
                vo = plsc.bitcast(v & mhi, _F32)
                plsc.addupdate_scatter(accs[2 * k], [dstv], ve * w)
                plsc.addupdate_scatter(accs[2 * k + 1], [dstv], vo * w)
            plsc.addupdate_scatter(den_v, [dstv], w)

    _start(0, src_a, dst_a, sem_sa, sem_da)
    _start(1, src_b, dst_b, sem_sb, sem_db)
    pltpu.sync_copy(hp_hbm.at[2 * fg], hw0)
    pltpu.sync_copy(hp_hbm.at[2 * fg + 1], hw1)
    pltpu.sync_copy(aa_hbm.at[0], als_v)
    pltpu.sync_copy(aa_hbm.at[1], ald_v)

    def chunk_body(cj, _):
        ca = 2 * cj
        _wait(src_a, dst_a, sem_sa, sem_da)
        _process(src_a, dst_a)

        @pl.when(ca + 2 < NCHUNK)
        def _():
            _start(ca + 2, src_a, dst_a, sem_sa, sem_da)

        _wait(src_b, dst_b, sem_sb, sem_db)
        _process(src_b, dst_b)

        @pl.when(ca + 3 < NCHUNK)
        def _():
            _start(ca + 3, src_b, dst_b, sem_sb, sem_db)

        return 0

    lax.fori_loop(0, NCHUNK // 2, chunk_body, 0)

    pltpu.sync_copy(a0, parts_hbm.at[sh, 2 * fg])
    pltpu.sync_copy(a1, parts_hbm.at[sh, HP + 2 * fg])
    pltpu.sync_copy(a2, parts_hbm.at[sh, 2 * fg + 1])
    pltpu.sync_copy(a3, parts_hbm.at[sh, HP + 2 * fg + 1])

    @pl.when(fg == 0)
    def _():
        pltpu.sync_copy(den_v, denp_hbm.at[sh])


_sc_edge = pl.kernel(
    _sc_edge_body,
    out_type=[jax.ShapeDtypeStruct((NSH, H, N), _F32),
              jax.ShapeDtypeStruct((NSH, N), _F32)],
    mesh=plsc.VectorSubcoreMesh(core_axis_name="c", subcore_axis_name="s"),
    compiler_params=pltpu.CompilerParams(needs_layout_passes=False),
    scratch_types=(
        [pltpu.VMEM((N,), jnp.int32) for _ in range(2)]
        + [pltpu.VMEM((N,), _F32) for _ in range(FPT)]
        + [
            pltpu.VMEM((N,), _F32),
            pltpu.VMEM((N,), _F32),
            pltpu.VMEM((N,), _F32),
            pltpu.VMEM((CHUNK,), jnp.int32),
            pltpu.VMEM((CHUNK,), jnp.int32),
            pltpu.VMEM((CHUNK,), jnp.int32),
            pltpu.VMEM((CHUNK,), jnp.int32),
            pltpu.SemaphoreType.DMA,
            pltpu.SemaphoreType.DMA,
            pltpu.SemaphoreType.DMA,
            pltpu.SemaphoreType.DMA,
        ]
    ),
)



def _tc_combine_body(parts_ref, denp_ref, ht_ref, aa_ref, b_ref,
                     wnt_ref, asn_ref, adn_ref, htn_ref, aan_ref, hpn_ref):
    es = aa_ref[0:1, :] + aa_ref[1:2, :]
    wself = _leaky_exp(es)
    ht = ht_ref[...]
    num = (parts_ref[0] + parts_ref[1] + parts_ref[2] + parts_ref[3]
           + wself * ht)
    den = (denp_ref[0:1, :] + denp_ref[1:2, :] + denp_ref[2:3, :]
           + denp_ref[3:4, :] + wself)
    o = num / (den + 1e-16) + b_ref[...]
    g = _gelu(o)
    htn = lax.dot_general(wnt_ref[...], g, (((1,), (0,)), ((), ())),
                          preferred_element_type=_F32)
    htn_ref[...] = htn
    hpn_ref[...] = _pack_rows(htn)
    aan_ref[0:1, :] = lax.dot_general(asn_ref[...], htn, (((1,), (0,)), ((), ())),
                                      preferred_element_type=_F32)
    aan_ref[1:2, :] = lax.dot_general(adn_ref[...], htn, (((1,), (0,)), ((), ())),
                                      preferred_element_type=_F32)


_tc_combine = pl.pallas_call(
    _tc_combine_body,
    out_shape=[jax.ShapeDtypeStruct((H, N), _F32),
               jax.ShapeDtypeStruct((2, N), _F32),
               jax.ShapeDtypeStruct((HP, N), jnp.int32)],
)



def _tc_head_body(parts_ref, denp_ref, ht_ref, aa_ref, b_ref, batch_ref,
                  wr_ref, br_ref, wm0_ref, bm0_ref, wm1_ref, bm1_ref,
                  wl_ref, bl_ref, out_ref, hf_ref):
    es = aa_ref[0:1, :] + aa_ref[1:2, :]
    wself = _leaky_exp(es)
    num = (parts_ref[0] + parts_ref[1] + parts_ref[2] + parts_ref[3]
           + wself * ht_ref[...])
    den = (denp_ref[0:1, :] + denp_ref[1:2, :] + denp_ref[2:3, :]
           + denp_ref[3:4, :] + wself)
    hf = num / (den + 1e-16) + b_ref[...]
    hf_ref[...] = jnp.zeros((H, NP), _F32)
    hf_ref[:, 0:N] = hf

    batchp = batch_ref[...]
    gids = lax.broadcasted_iota(jnp.int32, (G, NP), 0)
    onehot = (gids == batchp).astype(_F32)
    cnt = jnp.sum(onehot, axis=1, keepdims=True)
    ssum = lax.dot_general(onehot, hf_ref[...], (((1,), (1,)), ((), ())),
                           preferred_element_type=_F32)
    mean = ssum / jnp.maximum(cnt, 1.0)

    gids3 = lax.broadcasted_iota(jnp.int32, (G, 1, POOLC), 0)
    neg = jnp.float32(-jnp.inf)

    def pbody(ci, acc):
        hsl = hf_ref[:, pl.ds(ci * POOLC, POOLC)]
        bsl = batch_ref[0:1, pl.ds(ci * POOLC, POOLC)]
        m3 = bsl.reshape(1, 1, POOLC) == gids3
        sel = jnp.where(m3, hsl.reshape(1, H, POOLC), neg)
        return jnp.maximum(acc, jnp.max(sel, axis=2))

    xmax = lax.fori_loop(0, NPOOL, pbody, jnp.full((G, H), neg, _F32))
    xmax = jnp.where(xmax == neg, 0.0, xmax)

    z = jnp.concatenate([mean, xmax], axis=1)
    z = lax.dot_general(z, wr_ref[...], (((1,), (0,)), ((), ())),
                        preferred_element_type=_F32) + br_ref[...]
    z = jnp.maximum(lax.dot_general(z, wm0_ref[...], (((1,), (0,)), ((), ())),
                                    preferred_element_type=_F32) + bm0_ref[...], 0.0)
    z = jnp.maximum(lax.dot_general(z, wm1_ref[...], (((1,), (0,)), ((), ())),
                                    preferred_element_type=_F32) + bm1_ref[...], 0.0)
    out_ref[...] = lax.dot_general(z, wl_ref[...], (((1,), (0,)), ((), ())),
                                   preferred_element_type=_F32) + bl_ref[...]


_tc_head = pl.pallas_call(
    _tc_head_body,
    out_shape=jax.ShapeDtypeStruct((G, FH * TV), _F32),
    scratch_shapes=[pltpu.VMEM((H, NP), _F32)],
)



_PERM = np.concatenate([np.arange(0, H, 2), np.arange(1, H, 2)])
_BIGP = np.concatenate([_PERM, H + _PERM])


def kernel(x, edge_index, batch, W1, as1, ad1, b1, W2, as2, ad2, b2,
           W3, as3, ad3, b3, Wr, br, Wm0, bm0, Wm1, bm1, Wl, bl):
    batch2 = jnp.concatenate(
        [batch.reshape(1, N), jnp.full((1, NP - N), G, jnp.int32)], axis=1)

    ht1, aa1, hp1 = _tc_pre(x, W1[:, _PERM].T,
                            as1[_PERM].reshape(1, H), ad1[_PERM].reshape(1, H))
    eflat = edge_index.reshape(2 * E)
    p1, d1 = _sc_edge(eflat, hp1, aa1)
    ht2, aa2, hp2 = _tc_combine(p1, d1, ht1, aa1, b1[_PERM].reshape(H, 1),
                                W2[_PERM][:, _PERM].T,
                                as2[_PERM].reshape(1, H),
                                ad2[_PERM].reshape(1, H))
    p2, d2 = _sc_edge(eflat, hp2, aa2)
    ht3, aa3, hp3 = _tc_combine(p2, d2, ht2, aa2, b2[_PERM].reshape(H, 1),
                                W3[_PERM][:, _PERM].T,
                                as3[_PERM].reshape(1, H),
                                ad3[_PERM].reshape(1, H))
    p3, d3 = _sc_edge(eflat, hp3, aa3)
    out = _tc_head(p3, d3, ht3, aa3, b3[_PERM].reshape(H, 1), batch2,
                   Wr[_BIGP], br.reshape(1, H), Wm0, bm0.reshape(1, H),
                   Wm1, bm1.reshape(1, H), Wl, bl.reshape(1, FH * TV))
    return out.reshape(G, FH, TV)

# --- scband reference (transcript-rebuilt; emitter-appended) ---
"""Pipeline reference for scband-graph-model-11836929868640 (READ-ONLY COPY).

The authoritative reference and input builder live on the scoring server;
editing this copy changes nothing except your own understanding.
"""

import jax, jax.numpy as jnp
import numpy as np

N = 10000
E = 320000
D = 128
H = 32
G = 64
FH = 12
TV = 4


def setup_inputs(seed: int = 0):
    key = jax.random.key(seed)
    ks = jax.random.split(key, 24)

    def lin_w(k, fin, fout):
        return (jax.random.normal(k, (fin, fout), dtype=jnp.float32) / np.sqrt(fin)).astype(jnp.float32)

    def vec(k, n):
        return (jax.random.normal(k, (n,), dtype=jnp.float32) * 0.1).astype(jnp.float32)

    inp = {}
    inp['x'] = jax.random.normal(ks[0], (N, D), dtype=jnp.float32)
    inp['edge_index'] = jax.random.randint(ks[1], (2, E), 0, N, dtype=jnp.int32)
    inp['batch'] = jnp.sort(jax.random.randint(ks[2], (N,), 0, G, dtype=jnp.int32))
    # GATConv 1 (in=D, out=H, heads=1)
    inp['W1'] = lin_w(ks[3], D, H); inp['as1'] = vec(ks[4], H); inp['ad1'] = vec(ks[5], H); inp['b1'] = jnp.zeros((H,), jnp.float32)
    # GATConv 2
    inp['W2'] = lin_w(ks[6], H, H); inp['as2'] = vec(ks[7], H); inp['ad2'] = vec(ks[8], H); inp['b2'] = jnp.zeros((H,), jnp.float32)
    # GATConv 3
    inp['W3'] = lin_w(ks[9], H, H); inp['as3'] = vec(ks[10], H); inp['ad3'] = vec(ks[11], H); inp['b3'] = jnp.zeros((H,), jnp.float32)
    # lin_reduce: 2H -> H
    inp['Wr'] = lin_w(ks[12], 2 * H, H); inp['br'] = jnp.zeros((H,), jnp.float32)
    # MLP (n_layers=2): H->H, H->H, relu after each
    inp['Wm0'] = lin_w(ks[13], H, H); inp['bm0'] = jnp.zeros((H,), jnp.float32)
    inp['Wm1'] = lin_w(ks[14], H, H); inp['bm1'] = jnp.zeros((H,), jnp.float32)
    # final lin: H -> TV*FH
    inp['Wl'] = lin_w(ks[15], H, TV * FH); inp['bl'] = jnp.zeros((TV * FH,), jnp.float32)
    return inp


def reference(x, edge_index, batch, W1, as1, ad1, b1, W2, as2, ad2, b2, W3, as3, ad3, b3, Wr, br, Wm0, bm0, Wm1, bm1, Wl, bl):
    # PyG GATConv adds self-loops by default
    loops = jnp.arange(N, dtype=edge_index.dtype)
    src = jnp.concatenate([edge_index[0], loops])
    dst = jnp.concatenate([edge_index[1], loops])

    def gat(h_in, W, a_s, a_d, b):
        h = h_in @ W
        als = (h * a_s).sum(-1)
        ald = (h * a_d).sum(-1)
        e = jax.nn.leaky_relu(als[src] + ald[dst], negative_slope=0.2)
        m = jax.ops.segment_max(e, dst, num_segments=N)
        m = jnp.where(jnp.isfinite(m), m, 0.0)
        ex = jnp.exp(e - m[dst])
        s = jax.ops.segment_sum(ex, dst, num_segments=N)
        alpha = ex / (s[dst] + 1e-16)
        out = jax.ops.segment_sum(h[src] * alpha[:, None], dst, num_segments=N)
        return out + b

    h = jax.nn.gelu(gat(x, W1, as1, ad1, b1), approximate=False)
    h = jax.nn.gelu(gat(h, W2, as2, ad2, b2), approximate=False)
    h = gat(h, W3, as3, ad3, b3)

    ones = jnp.ones((N,), jnp.float32)
    cnt = jax.ops.segment_sum(ones, batch, num_segments=G)
    x_mean = jax.ops.segment_sum(h, batch, num_segments=G) / jnp.maximum(cnt, 1.0)[:, None]
    x_max = jax.ops.segment_max(h, batch, num_segments=G)
    x_max = jnp.where(jnp.isfinite(x_max), x_max, 0.0)

    z = jnp.concatenate([x_mean, x_max], axis=1)
    z = z @ Wr + br
    z = jax.nn.relu(z @ Wm0 + bm0)
    z = jax.nn.relu(z @ Wm1 + bm1)
    z = z @ Wl + bl
    return z.reshape(G, FH, TV)

if __name__ == "__main__":
    import jax
    _d = setup_inputs()
    print(jax.jit(kernel)(*tuple(_d.values())))

</pallas_src>

<mosaic_0001>
#map = affine_map<(d0, d1) -> (0)>
#map1 = affine_map<(d0, d1) -> (0, 0)>
#map2 = affine_map<(d0, d1) -> (0, 0, 0)>
module attributes {stable_mosaic.version = 14 : i64} {
  func.func @_sc_edge_body(%arg0: i32, %arg1: i32, %arg2: memref<640000xi32, #tpu.memory_space<hbm>>, %arg3: memref<16x10000xi32, #tpu.memory_space<hbm>>, %arg4: memref<2x10000xf32, #tpu.memory_space<hbm>>, %arg5: memref<4x32x10000xf32, #tpu.memory_space<hbm>>, %arg6: memref<4x10000xf32, #tpu.memory_space<hbm>>, %arg7: memref<10000xi32, #tpu.memory_space<vmem>>, %arg8: memref<10000xi32, #tpu.memory_space<vmem>>, %arg9: memref<10000xf32, #tpu.memory_space<vmem>>, %arg10: memref<10000xf32, #tpu.memory_space<vmem>>, %arg11: memref<10000xf32, #tpu.memory_space<vmem>>, %arg12: memref<10000xf32, #tpu.memory_space<vmem>>, %arg13: memref<10000xf32, #tpu.memory_space<vmem>>, %arg14: memref<10000xf32, #tpu.memory_space<vmem>>, %arg15: memref<10000xf32, #tpu.memory_space<vmem>>, %arg16: memref<4000xi32, #tpu.memory_space<vmem>>, %arg17: memref<4000xi32, #tpu.memory_space<vmem>>, %arg18: memref<4000xi32, #tpu.memory_space<vmem>>, %arg19: memref<4000xi32, #tpu.memory_space<vmem>>, %arg20: memref<!tpu.dma_semaphore, #tpu.memory_space<semaphore_mem>>, %arg21: memref<!tpu.dma_semaphore, #tpu.memory_space<semaphore_mem>>, %arg22: memref<!tpu.dma_semaphore, #tpu.memory_space<semaphore_mem>>, %arg23: memref<!tpu.dma_semaphore, #tpu.memory_space<semaphore_mem>>) attributes {dimension_semantics = [#tpu.dimension_semantics<core_parallel>, #tpu.dimension_semantics<subcore_parallel>], iteration_bounds = array<i64: 2, 16>, scalar_prefetch = 0 : i64, scratch_operands = 17 : i64, tpu.core_type = #tpu.core_type<sc_vector_subcore>, window_params = [{transform_indices = #map}, {transform_indices = #map1}, {transform_indices = #map1}, {transform_indices = #map2}, {transform_indices = #map1}]} {
    %mul3A = arith.constant 16 : i32
    %mul3A_0 = arith.muli %arg0, %mul3A : i32
    %add3A = arith.addi %mul3A_0, %arg1 : i32
    %jit3A = arith.constant 8 : i32
    %eq3A = arith.constant 0 : i32
    %eq3A_1 = arith.cmpi eq, %jit3A, %eq3A : i32
    %jit3A_2 = arith.constant 1 : i32
    %select_n3A = arith.select %eq3A_1, %jit3A_2, %jit3A : i32
    %rem3A = arith.remsi %add3A, %select_n3A : i32
    %ne3A = arith.constant 0 : i32
    %ne3A_3 = arith.cmpi ne, %rem3A, %ne3A : i32
    %lt3A = arith.constant 0 : i32
    %lt3A_4 = arith.cmpi slt, %rem3A, %lt3A : i32
    %lt3A_5 = arith.constant 0 : i32
    %lt3A_6 = arith.cmpi slt, %select_n3A, %lt3A_5 : i32
    %ne3A_7 = arith.xori %lt3A_4, %lt3A_6 : i1
    %and3A = arith.andi %ne3A_7, %ne3A_3 : i1
    %add3A_8 = arith.addi %rem3A, %select_n3A : i32
    %select_n3A_9 = arith.select %and3A, %add3A_8, %rem3A : i32
    %jit3A_10 = arith.constant 8 : i32
    %div3A = arith.divsi %add3A, %jit3A_10 : i32
    %sign3A = arith.constant 0 : i32
    %sign3A_11 = arith.cmpi sgt, %add3A, %sign3A : i32
    %sign3A_12 = arith.extui %sign3A_11 : i1 to i32
    %sign3A_13 = arith.constant 0 : i32
    %sign3A_14 = arith.cmpi slt, %add3A, %sign3A_13 : i32
    %sign3A_15 = arith.extui %sign3A_14 : i1 to i32
    %sign3A_16 = arith.subi %sign3A_12, %sign3A_15 : i32
    %sign3A_17 = arith.constant 0 : i32
    %sign3A_18 = arith.cmpi sgt, %jit3A_10, %sign3A_17 : i32
    %sign3A_19 = arith.extui %sign3A_18 : i1 to i32
    %sign3A_20 = arith.constant 0 : i32
    %sign3A_21 = arith.cmpi slt, %jit3A_10, %sign3A_20 : i32
    %sign3A_22 = arith.extui %sign3A_21 : i1 to i32
    %sign3A_23 = arith.subi %sign3A_19, %sign3A_22 : i32
    %ne3A_24 = arith.cmpi ne, %sign3A_16, %sign3A_23 : i32
    %rem3A_25 = arith.remsi %add3A, %jit3A_10 : i32
    %ne3A_26 = arith.constant 0 : i32
    %ne3A_27 = arith.cmpi ne, %rem3A_25, %ne3A_26 : i32
    %and3A_28 = arith.andi %ne3A_24, %ne3A_27 : i1
    %sub3A = arith.constant 1 : i32
    %sub3A_29 = arith.subi %div3A, %sub3A : i32
    %select_n3A_30 = arith.select %and3A_28, %sub3A_29, %div3A : i32
    %broadcast_in_dim3A = arith.constant 0.000000e+00 : f32
    %broadcast_in_dim3A_31 = vector.broadcast %broadcast_in_dim3A : f32 to vector<16xf32>
    %parallel_loop3A = arith.constant 0 : i32
    %parallel_loop3A_32 = arith.constant 625 : i32
    %parallel_loop3A_33 = arith.constant 1 : i32
    scf.for %parallel_loop3A_83 = %parallel_loop3A to %parallel_loop3A_32 step %parallel_loop3A_33  : i32 {
      %parallel_loop3A_84 = arith.constant 16 : i32
      %parallel_loop3A_85 = arith.muli %parallel_loop3A_83, %parallel_loop3A_84 : i32
      %parallel_loop3A_86 = arith.index_cast %parallel_loop3A_85 : i32 to index
      %parallel_loop3A_87 = tpu.vector_load %arg9[%parallel_loop3A_86] {strides = array<i32>} : memref<10000xf32, #tpu.memory_space<vmem>>, vector<16xf32>,
      tpu.vector_store %arg9[%parallel_loop3A_86], %broadcast_in_dim3A_31 {strides = array<i32>} : memref<10000xf32, #tpu.memory_space<vmem>>, vector<16xf32>,
      %parallel_loop3A_88 = arith.constant 16 : i32
      %parallel_loop3A_89 = arith.muli %parallel_loop3A_83, %parallel_loop3A_88 : i32
      %parallel_loop3A_90 = arith.index_cast %parallel_loop3A_89 : i32 to index
      %parallel_loop3A_91 = tpu.vector_load %arg10[%parallel_loop3A_90] {strides = array<i32>} : memref<10000xf32, #tpu.memory_space<vmem>>, vector<16xf32>,
      tpu.vector_store %arg10[%parallel_loop3A_90], %broadcast_in_dim3A_31 {strides = array<i32>} : memref<10000xf32, #tpu.memory_space<vmem>>, vector<16xf32>,
      %parallel_loop3A_92 = arith.constant 16 : i32
      %parallel_loop3A_93 = arith.muli %parallel_loop3A_83, %parallel_loop3A_92 : i32
      %parallel_loop3A_94 = arith.index_cast %parallel_loop3A_93 : i32 to index
      %parallel_loop3A_95 = tpu.vector_load %arg11[%parallel_loop3A_94] {strides = array<i32>} : memref<10000xf32, #tpu.memory_space<vmem>>, vector<16xf32>,
      tpu.vector_store %arg11[%parallel_loop3A_94], %broadcast_in_dim3A_31 {strides = array<i32>} : memref<10000xf32, #tpu.memory_space<vmem>>, vector<16xf32>,
      %parallel_loop3A_96 = arith.constant 16 : i32
      %parallel_loop3A_97 = arith.muli %parallel_loop3A_83, %parallel_loop3A_96 : i32
      %parallel_loop3A_98 = arith.index_cast %parallel_loop3A_97 : i32 to index
      %parallel_loop3A_99 = tpu.vector_load %arg12[%parallel_loop3A_98] {strides = array<i32>} : memref<10000xf32, #tpu.memory_space<vmem>>, vector<16xf32>,
      tpu.vector_store %arg12[%parallel_loop3A_98], %broadcast_in_dim3A_31 {strides = array<i32>} : memref<10000xf32, #tpu.memory_space<vmem>>, vector<16xf32>,
      %parallel_loop3A_100 = arith.constant 16 : i32
      %parallel_loop3A_101 = arith.muli %parallel_loop3A_83, %parallel_loop3A_100 : i32
      %parallel_loop3A_102 = arith.index_cast %parallel_loop3A_101 : i32 to index
      %parallel_loop3A_103 = tpu.vector_load %arg15[%parallel_loop3A_102] {strides = array<i32>} : memref<10000xf32, #tpu.memory_space<vmem>>, vector<16xf32>,
      tpu.vector_store %arg15[%parallel_loop3A_102], %broadcast_in_dim3A_31 {strides = array<i32>} : memref<10000xf32, #tpu.memory_space<vmem>>, vector<16xf32>,
    } {sc.loop_unroll_factor = 4 : i64, sc.parallel_access}
    %mul3A_34 = arith.constant 80000 : i32
    %mul3A_35 = arith.muli %select_n3A_30, %mul3A_34 : i32
    %add3A_36 = arith.constant 0 : i32
    %add3A_37 = arith.addi %mul3A_35, %add3A_36 : i32
    %dma_start3A = tpu.memref_slice %arg2[%add3A_37] : memref<640000xi32, #tpu.memory_space<hbm>> -> memref<4000xi32, #tpu.memory_space<hbm>>
    %dma_start3A_38 = tpu.memref_slice %arg2[%add3A_37] : memref<640000xi32, #tpu.memory_space<hbm>> -> memref<4000xi32, #tpu.memory_space<hbm>>
    tpu.enqueue_dma source(%dma_start3A_38 : memref<4000xi32, #tpu.memory_space<hbm>>) target(%arg16 : memref<4000xi32, #tpu.memory_space<vmem>>) target_semaphore(%arg20 : memref<!tpu.dma_semaphore, #tpu.memory_space<semaphore_mem>>)
    %add3A_39 = arith.constant 320000 : i32
    %add3A_40 = arith.addi %add3A_39, %add3A_37 : i32
    %dma_start3A_41 = tpu.memref_slice %arg2[%add3A_40] : memref<640000xi32, #tpu.memory_space<hbm>> -> memref<4000xi32, #tpu.memory_space<hbm>>
    %dma_start3A_42 = tpu.memref_slice %arg2[%add3A_40] : memref<640000xi32, #tpu.memory_space<hbm>> -> memref<4000xi32, #tpu.memory_space<hbm>>
    tpu.enqueue_dma source(%dma_start3A_42 : memref<4000xi32, #tpu.memory_space<hbm>>) target(%arg17 : memref<4000xi32, #tpu.memory_space<vmem>>) target_semaphore(%arg21 : memref<!tpu.dma_semaphore, #tpu.memory_space<semaphore_mem>>)
    %add3A_43 = arith.constant 4000 : i32
    %add3A_44 = arith.addi %mul3A_35, %add3A_43 : i32
    %dma_start3A_45 = tpu.memref_slice %arg2[%add3A_44] : memref<640000xi32, #tpu.memory_space<hbm>> -> memref<4000xi32, #tpu.memory_space<hbm>>
    %dma_start3A_46 = tpu.memref_slice %arg2[%add3A_44] : memref<640000xi32, #tpu.memory_space<hbm>> -> memref<4000xi32, #tpu.memory_space<hbm>>
    tpu.enqueue_dma source(%dma_start3A_46 : memref<4000xi32, #tpu.memory_space<hbm>>) target(%arg18 : memref<4000xi32, #tpu.memory_space<vmem>>) target_semaphore(%arg22 : memref<!tpu.dma_semaphore, #tpu.memory_space<semaphore_mem>>)
    %add3A_47 = arith.constant 320000 : i32
    %add3A_48 = arith.addi %add3A_47, %add3A_44 : i32
    %dma_start3A_49 = tpu.memref_slice %arg2[%add3A_48] : memref<640000xi32, #tpu.memory_space<hbm>> -> memref<4000xi32, #tpu.memory_space<hbm>>
    %dma_start3A_50 = tpu.memref_slice %arg2[%add3A_48] : memref<640000xi32, #tpu.memory_space<hbm>> -> memref<4000xi32, #tpu.memory_space<hbm>>
    tpu.enqueue_dma source(%dma_start3A_50 : memref<4000xi32, #tpu.memory_space<hbm>>) target(%arg19 : memref<4000xi32, #tpu.memory_space<vmem>>) target_semaphore(%arg23 : memref<!tpu.dma_semaphore, #tpu.memory_space<semaphore_mem>>)
    %mul3A_51 = arith.constant 2 : i32
    %mul3A_52 = arith.muli %mul3A_51, %select_n3A_9 : i32
    "tpu.region"() ({
      %run_scoped3A_83 = tpu.sem_alloc : memref<!tpu.dma_semaphore, #tpu.memory_space<semaphore_mem>>
      %dma_start3A_84 = arith.constant 0 : i32
      %dma_start3A_85 = tpu.memref_slice %arg3[%mul3A_52, %dma_start3A_84] : memref<16x10000xi32, #tpu.memory_space<hbm>> -> memref<1x10000xi32, #tpu.memory_space<hbm>>
      %dma_start3A_86 = tpu.memref_squeeze %dma_start3A_85 : memref<1x10000xi32, #tpu.memory_space<hbm>> -> memref<10000xi32, #tpu.memory_space<hbm>>
      %dma_start3A_87 = arith.constant 0 : i32
      %dma_start3A_88 = tpu.memref_slice %arg3[%mul3A_52, %dma_start3A_87] : memref<16x10000xi32, #tpu.memory_space<hbm>> -> memref<1x10000xi32, #tpu.memory_space<hbm>>
      %dma_start3A_89 = tpu.memref_squeeze %dma_start3A_88 : memref<1x10000xi32, #tpu.memory_space<hbm>> -> memref<10000xi32, #tpu.memory_space<hbm>>
      tpu.enqueue_dma source(%dma_start3A_89 : memref<10000xi32, #tpu.memory_space<hbm>>) target(%arg7 : memref<10000xi32, #tpu.memory_space<vmem>>) target_semaphore(%run_scoped3A_83 : memref<!tpu.dma_semaphore, #tpu.memory_space<semaphore_mem>>)
      %dma_wait3A = arith.constant 0 : i32
      %dma_wait3A_90 = tpu.memref_slice %arg3[%mul3A_52, %dma_wait3A] : memref<16x10000xi32, #tpu.memory_space<hbm>> -> memref<1x10000xi32, #tpu.memory_space<hbm>>
      %dma_wait3A_91 = tpu.memref_squeeze %dma_wait3A_90 : memref<1x10000xi32, #tpu.memory_space<hbm>> -> memref<10000xi32, #tpu.memory_space<hbm>>
      %dma_wait3A_92 = arith.constant 0 : i32
      %dma_wait3A_93 = tpu.memref_slice %arg3[%mul3A_52, %dma_wait3A_92] : memref<16x10000xi32, #tpu.memory_space<hbm>> -> memref<1x10000xi32, #tpu.memory_space<hbm>>
      %dma_wait3A_94 = tpu.memref_squeeze %dma_wait3A_93 : memref<1x10000xi32, #tpu.memory_space<hbm>> -> memref<10000xi32, #tpu.memory_space<hbm>>
      tpu.wait_dma2 semaphore(%run_scoped3A_83 : memref<!tpu.dma_semaphore, #tpu.memory_space<semaphore_mem>>) src(%dma_wait3A_94 : memref<10000xi32, #tpu.memory_space<hbm>>) dst(%arg7 : memref<10000xi32, #tpu.memory_space<vmem>>)
      tpu.yield
    }) : () -> ()
    %mul3A_53 = arith.constant 2 : i32
    %mul3A_54 = arith.muli %mul3A_53, %select_n3A_9 : i32
    %add3A_55 = arith.constant 1 : i32
    %add3A_56 = arith.addi %mul3A_54, %add3A_55 : i32
    "tpu.region"() ({
      %run_scoped3A_83 = tpu.sem_alloc : memref<!tpu.dma_semaphore, #tpu.memory_space<semaphore_mem>>
      %dma_start3A_84 = arith.constant 0 : i32
      %dma_start3A_85 = tpu.memref_slice %arg3[%add3A_56, %dma_start3A_84] : memref<16x10000xi32, #tpu.memory_space<hbm>> -> memref<1x10000xi32, #tpu.memory_space<hbm>>
      %dma_start3A_86 = tpu.memref_squeeze %dma_start3A_85 : memref<1x10000xi32, #tpu.memory_space<hbm>> -> memref<10000xi32, #tpu.memory_space<hbm>>
      %dma_start3A_87 = arith.constant 0 : i32
      %dma_start3A_88 = tpu.memref_slice %arg3[%add3A_56, %dma_start3A_87] : memref<16x10000xi32, #tpu.memory_space<hbm>> -> memref<1x10000xi32, #tpu.memory_space<hbm>>
      %dma_start3A_89 = tpu.memref_squeeze %dma_start3A_88 : memref<1x10000xi32, #tpu.memory_space<hbm>> -> memref<10000xi32, #tpu.memory_space<hbm>>
      tpu.enqueue_dma source(%dma_start3A_89 : memref<10000xi32, #tpu.memory_space<hbm>>) target(%arg8 : memref<10000xi32, #tpu.memory_space<vmem>>) target_semaphore(%run_scoped3A_83 : memref<!tpu.dma_semaphore, #tpu.memory_space<semaphore_mem>>)
      %dma_wait3A = arith.constant 0 : i32
      %dma_wait3A_90 = tpu.memref_slice %arg3[%add3A_56, %dma_wait3A] : memref<16x10000xi32, #tpu.memory_space<hbm>> -> memref<1x10000xi32, #tpu.memory_space<hbm>>
      %dma_wait3A_91 = tpu.memref_squeeze %dma_wait3A_90 : memref<1x10000xi32, #tpu.memory_space<hbm>> -> memref<10000xi32, #tpu.memory_space<hbm>>
      %dma_wait3A_92 = arith.constant 0 : i32
      %dma_wait3A_93 = tpu.memref_slice %arg3[%add3A_56, %dma_wait3A_92] : memref<16x10000xi32, #tpu.memory_space<hbm>> -> memref<1x10000xi32, #tpu.memory_space<hbm>>
      %dma_wait3A_94 = tpu.memref_squeeze %dma_wait3A_93 : memref<1x10000xi32, #tpu.memory_space<hbm>> -> memref<10000xi32, #tpu.memory_space<hbm>>
      tpu.wait_dma2 semaphore(%run_scoped3A_83 : memref<!tpu.dma_semaphore, #tpu.memory_space<semaphore_mem>>) src(%dma_wait3A_94 : memref<10000xi32, #tpu.memory_space<hbm>>) dst(%arg8 : memref<10000xi32, #tpu.memory_space<vmem>>)
      tpu.yield
    }) : () -> ()
    %run_scoped3A = arith.constant 0 : i32
    "tpu.region"() ({
      %run_scoped3A_83 = tpu.sem_alloc : memref<!tpu.dma_semaphore, #tpu.memory_space<semaphore_mem>>
      %dma_start3A_84 = arith.constant 0 : i32
      %dma_start3A_85 = tpu.memref_slice %arg4[%run_scoped3A, %dma_start3A_84] : memref<2x10000xf32, #tpu.memory_space<hbm>> -> memref<1x10000xf32, #tpu.memory_space<hbm>>
      %dma_start3A_86 = tpu.memref_squeeze %dma_start3A_85 : memref<1x10000xf32, #tpu.memory_space<hbm>> -> memref<10000xf32, #tpu.memory_space<hbm>>
      %dma_start3A_87 = arith.constant 0 : i32
      %dma_start3A_88 = tpu.memref_slice %arg4[%run_scoped3A, %dma_start3A_87] : memref<2x10000xf32, #tpu.memory_space<hbm>> -> memref<1x10000xf32, #tpu.memory_space<hbm>>
      %dma_start3A_89 = tpu.memref_squeeze %dma_start3A_88 : memref<1x10000xf32, #tpu.memory_space<hbm>> -> memref<10000xf32, #tpu.memory_space<hbm>>
      tpu.enqueue_dma source(%dma_start3A_89 : memref<10000xf32, #tpu.memory_space<hbm>>) target(%arg13 : memref<10000xf32, #tpu.memory_space<vmem>>) target_semaphore(%run_scoped3A_83 : memref<!tpu.dma_semaphore, #tpu.memory_space<semaphore_mem>>)
      %dma_wait3A = arith.constant 0 : i32
      %dma_wait3A_90 = tpu.memref_slice %arg4[%run_scoped3A, %dma_wait3A] : memref<2x10000xf32, #tpu.memory_space<hbm>> -> memref<1x10000xf32, #tpu.memory_space<hbm>>
      %dma_wait3A_91 = tpu.memref_squeeze %dma_wait3A_90 : memref<1x10000xf32, #tpu.memory_space<hbm>> -> memref<10000xf32, #tpu.memory_space<hbm>>
      %dma_wait3A_92 = arith.constant 0 : i32
      %dma_wait3A_93 = tpu.memref_slice %arg4[%run_scoped3A, %dma_wait3A_92] : memref<2x10000xf32, #tpu.memory_space<hbm>> -> memref<1x10000xf32, #tpu.memory_space<hbm>>
      %dma_wait3A_94 = tpu.memref_squeeze %dma_wait3A_93 : memref<1x10000xf32, #tpu.memory_space<hbm>> -> memref<10000xf32, #tpu.memory_space<hbm>>
      tpu.wait_dma2 semaphore(%run_scoped3A_83 : memref<!tpu.dma_semaphore, #tpu.memory_space<semaphore_mem>>) src(%dma_wait3A_94 : memref<10000xf32, #tpu.memory_space<hbm>>) dst(%arg13 : memref<10000xf32, #tpu.memory_space<vmem>>)
      tpu.yield
    }) : () -> ()
    %run_scoped3A_57 = arith.constant 1 : i32
    "tpu.region"() ({
      %run_scoped3A_83 = tpu.sem_alloc : memref<!tpu.dma_semaphore, #tpu.memory_space<semaphore_mem>>
      %dma_start3A_84 = arith.constant 0 : i32
      %dma_start3A_85 = tpu.memref_slice %arg4[%run_scoped3A_57, %dma_start3A_84] : memref<2x10000xf32, #tpu.memory_space<hbm>> -> memref<1x10000xf32, #tpu.memory_space<hbm>>
      %dma_start3A_86 = tpu.memref_squeeze %dma_start3A_85 : memref<1x10000xf32, #tpu.memory_space<hbm>> -> memref<10000xf32, #tpu.memory_space<hbm>>
      %dma_start3A_87 = arith.constant 0 : i32
      %dma_start3A_88 = tpu.memref_slice %arg4[%run_scoped3A_57, %dma_start3A_87] : memref<2x10000xf32, #tpu.memory_space<hbm>> -> memref<1x10000xf32, #tpu.memory_space<hbm>>
      %dma_start3A_89 = tpu.memref_squeeze %dma_start3A_88 : memref<1x10000xf32, #tpu.memory_space<hbm>> -> memref<10000xf32, #tpu.memory_space<hbm>>
      tpu.enqueue_dma source(%dma_start3A_89 : memref<10000xf32, #tpu.memory_space<hbm>>) target(%arg14 : memref<10000xf32, #tpu.memory_space<vmem>>) target_semaphore(%run_scoped3A_83 : memref<!tpu.dma_semaphore, #tpu.memory_space<semaphore_mem>>)
      %dma_wait3A = arith.constant 0 : i32
      %dma_wait3A_90 = tpu.memref_slice %arg4[%run_scoped3A_57, %dma_wait3A] : memref<2x10000xf32, #tpu.memory_space<hbm>> -> memref<1x10000xf32, #tpu.memory_space<hbm>>
      %dma_wait3A_91 = tpu.memref_squeeze %dma_wait3A_90 : memref<1x10000xf32, #tpu.memory_space<hbm>> -> memref<10000xf32, #tpu.memory_space<hbm>>
      %dma_wait3A_92 = arith.constant 0 : i32
      %dma_wait3A_93 = tpu.memref_slice %arg4[%run_scoped3A_57, %dma_wait3A_92] : memref<2x10000xf32, #tpu.memory_space<hbm>> -> memref<1x10000xf32, #tpu.memory_space<hbm>>
      %dma_wait3A_94 = tpu.memref_squeeze %dma_wait3A_93 : memref<1x10000xf32, #tpu.memory_space<hbm>> -> memref<10000xf32, #tpu.memory_space<hbm>>
      tpu.wait_dma2 semaphore(%run_scoped3A_83 : memref<!tpu.dma_semaphore, #tpu.memory_space<semaphore_mem>>) src(%dma_wait3A_94 : memref<10000xf32, #tpu.memory_space<hbm>>) dst(%arg14 : memref<10000xf32, #tpu.memory_space<vmem>>)
      tpu.yield
    }) : () -> ()
    %scan3A = arith.constant 0 : i32
    %scan3A_58 = arith.constant 0 : i32
    %scan3A_59 = arith.constant 10 : i32
    %scan3A_60 = arith.addi %scan3A_58, %scan3A_59 : i32
    %scan3A_61 = arith.constant 1 : i32
    %scan3A_62 = scf.for %scan3A_83 = %scan3A_58 to %scan3A_60 step %scan3A_61 iter_args(%scan3A_84 = %scan3A) -> (i32)  : i32 {
      %mul3A_85 = arith.constant 2 : i32
      %mul3A_86 = arith.muli %mul3A_85, %scan3A_83 : i32
      %dma_wait3A = arith.constant 0 : i32
      %dma_wait3A_87 = tpu.memref_slice %arg2[%dma_wait3A] : memref<640000xi32, #tpu.memory_space<hbm>> -> memref<4000xi32, #tpu.memory_space<hbm>>
      %dma_wait3A_88 = arith.constant 0 : i32
      %dma_wait3A_89 = tpu.memref_slice %arg2[%dma_wait3A_88] : memref<640000xi32, #tpu.memory_space<hbm>> -> memref<4000xi32, #tpu.memory_space<hbm>>
      tpu.wait_dma2 semaphore(%arg20 : memref<!tpu.dma_semaphore, #tpu.memory_space<semaphore_mem>>) src(%dma_wait3A_89 : memref<4000xi32, #tpu.memory_space<hbm>>) dst(%arg16 : memref<4000xi32, #tpu.memory_space<vmem>>)
      %dma_wait3A_90 = arith.constant 0 : i32
      %dma_wait3A_91 = tpu.memref_slice %arg2[%dma_wait3A_90] : memref<640000xi32, #tpu.memory_space<hbm>> -> memref<4000xi32, #tpu.memory_space<hbm>>
      %dma_wait3A_92 = arith.constant 0 : i32
      %dma_wait3A_93 = tpu.memref_slice %arg2[%dma_wait3A_92] : memref<640000xi32, #tpu.memory_space<hbm>> -> memref<4000xi32, #tpu.memory_space<hbm>>
      tpu.wait_dma2 semaphore(%arg21 : memref<!tpu.dma_semaphore, #tpu.memory_space<semaphore_mem>>) src(%dma_wait3A_93 : memref<4000xi32, #tpu.memory_space<hbm>>) dst(%arg17 : memref<4000xi32, #tpu.memory_space<vmem>>)
      %parallel_loop3A_94 = arith.constant 0 : i32
      %parallel_loop3A_95 = arith.constant 250 : i32
      %parallel_loop3A_96 = arith.constant 1 : i32
      scf.for %parallel_loop3A_123 = %parallel_loop3A_94 to %parallel_loop3A_95 step %parallel_loop3A_96  : i32 {
        %parallel_loop3A_124 = arith.constant 16 : i32
        %parallel_loop3A_125 = arith.muli %parallel_loop3A_123, %parallel_loop3A_124 : i32
        %parallel_loop3A_126 = arith.index_cast %parallel_loop3A_125 : i32 to index
        %parallel_loop3A_127 = tpu.vector_load %arg16[%parallel_loop3A_126] {strides = array<i32>} : memref<4000xi32, #tpu.memory_space<vmem>>, vector<16xi32>,
        %parallel_loop3A_128 = arith.constant 16 : i32
        %parallel_loop3A_129 = arith.muli %parallel_loop3A_123, %parallel_loop3A_128 : i32
        %parallel_loop3A_130 = arith.index_cast %parallel_loop3A_129 : i32 to index
        %parallel_loop3A_131 = tpu.vector_load %arg17[%parallel_loop3A_130] {strides = array<i32>} : memref<4000xi32, #tpu.memory_space<vmem>>, vector<16xi32>,
        %parallel_loop3A_132 = tpu.vector_load_idx %arg13[%parallel_loop3A_127] : memref<10000xf32, #tpu.memory_space<vmem>>[vector<16xi32>], vector<16xf32>,
        %parallel_loop3A_133 = tpu.vector_load_idx %arg14[%parallel_loop3A_131] : memref<10000xf32, #tpu.memory_space<vmem>>[vector<16xi32>], vector<16xf32>,
        %parallel_loop3A_134 = arith.addf %parallel_loop3A_132, %parallel_loop3A_133 : vector<16xf32>
        %parallel_loop3A_135 = arith.constant 2.000000e-01 : f32
        %parallel_loop3A_136 = vector.broadcast %parallel_loop3A_135 : f32 to vector<16xf32>
        %parallel_loop3A_137 = arith.mulf %parallel_loop3A_136, %parallel_loop3A_134 : vector<16xf32>
        %parallel_loop3A_138 = arith.maximumf %parallel_loop3A_134, %parallel_loop3A_137 : vector<16xf32>
        %parallel_loop3A_139 = math.exp %parallel_loop3A_138 : vector<16xf32>
        %parallel_loop3A_140 = tpu.vector_load_idx %arg7[%parallel_loop3A_127] : memref<10000xi32, #tpu.memory_space<vmem>>[vector<16xi32>], vector<16xi32>,
        %parallel_loop3A_141 = arith.constant 16 : i32
        %parallel_loop3A_142 = vector.broadcast %parallel_loop3A_141 : i32 to vector<16xi32>
        %parallel_loop3A_143 = arith.shli %parallel_loop3A_140, %parallel_loop3A_142 : vector<16xi32>
        %parallel_loop3A_144 = vector.bitcast %parallel_loop3A_143 : vector<16xi32> to vector<16xf32>
        %parallel_loop3A_145 = arith.constant -65536 : i32
        %parallel_loop3A_146 = vector.broadcast %parallel_loop3A_145 : i32 to vector<16xi32>
        %parallel_loop3A_147 = arith.andi %parallel_loop3A_140, %parallel_loop3A_146 : vector<16xi32>
        %parallel_loop3A_148 = vector.bitcast %parallel_loop3A_147 : vector<16xi32> to vector<16xf32>
        %parallel_loop3A_149 = arith.mulf %parallel_loop3A_144, %parallel_loop3A_139 : vector<16xf32>
        tpu.vector_store_idx %arg9[%parallel_loop3A_131], %parallel_loop3A_149 {add = true} : memref<10000xf32, #tpu.memory_space<vmem>>[vector<16xi32>], vector<16xf32>,
        %parallel_loop3A_150 = arith.mulf %parallel_loop3A_148, %parallel_loop3A_139 : vector<16xf32>
        tpu.vector_store_idx %arg10[%parallel_loop3A_131], %parallel_loop3A_150 {add = true} : memref<10000xf32, #tpu.memory_space<vmem>>[vector<16xi32>], vector<16xf32>,
        %parallel_loop3A_151 = tpu.vector_load_idx %arg8[%parallel_loop3A_127] : memref<10000xi32, #tpu.memory_space<vmem>>[vector<16xi32>], vector<16xi32>,
        %parallel_loop3A_152 = arith.constant 16 : i32
        %parallel_loop3A_153 = vector.broadcast %parallel_loop3A_152 : i32 to vector<16xi32>
        %parallel_loop3A_154 = arith.shli %parallel_loop3A_151, %parallel_loop3A_153 : vector<16xi32>
        %parallel_loop3A_155 = vector.bitcast %parallel_loop3A_154 : vector<16xi32> to vector<16xf32>
        %parallel_loop3A_156 = arith.constant -65536 : i32
        %parallel_loop3A_157 = vector.broadcast %parallel_loop3A_156 : i32 to vector<16xi32>
        %parallel_loop3A_158 = arith.andi %parallel_loop3A_151, %parallel_loop3A_157 : vector<16xi32>
        %parallel_loop3A_159 = vector.bitcast %parallel_loop3A_158 : vector<16xi32> to vector<16xf32>
        %parallel_loop3A_160 = arith.mulf %parallel_loop3A_155, %parallel_loop3A_139 : vector<16xf32>
        tpu.vector_store_idx %arg11[%parallel_loop3A_131], %parallel_loop3A_160 {add = true} : memref<10000xf32, #tpu.memory_space<vmem>>[vector<16xi32>], vector<16xf32>,
        %parallel_loop3A_161 = arith.mulf %parallel_loop3A_159, %parallel_loop3A_139 : vector<16xf32>
        tpu.vector_store_idx %arg12[%parallel_loop3A_131], %parallel_loop3A_161 {add = true} : memref<10000xf32, #tpu.memory_space<vmem>>[vector<16xi32>], vector<16xf32>,
        tpu.vector_store_idx %arg15[%parallel_loop3A_131], %parallel_loop3A_139 {add = true} : memref<10000xf32, #tpu.memory_space<vmem>>[vector<16xi32>], vector<16xf32>,
      } {sc.loop_unroll_factor = 2 : i64, sc.parallel_access}
      %add3A_97 = arith.constant 2 : i32
      %add3A_98 = arith.addi %mul3A_86, %add3A_97 : i32
      %lt3A_99 = arith.constant 20 : i32
      %lt3A_100 = arith.cmpi slt, %add3A_98, %lt3A_99 : i32
      %convert_element_type3A_101 = arith.extui %lt3A_100 : i1 to i32
      %cond3A_102 = arith.constant 0 : i32
      %cond3A_103 = arith.cmpi ne, %convert_element_type3A_101, %cond3A_102 : i32
      scf.if %cond3A_103 {
        %add3A_123 = arith.constant 2 : i32
        %add3A_124 = arith.addi %mul3A_86, %add3A_123 : i32
        %mul3A_125 = arith.constant 4000 : i32
        %mul3A_126 = arith.muli %add3A_124, %mul3A_125 : i32
        %add3A_127 = arith.addi %mul3A_35, %mul3A_126 : i32
        %dma_start3A_128 = tpu.memref_slice %arg2[%add3A_127] : memref<640000xi32, #tpu.memory_space<hbm>> -> memref<4000xi32, #tpu.memory_space<hbm>>
        %dma_start3A_129 = tpu.memref_slice %arg2[%add3A_127] : memref<640000xi32, #tpu.memory_space<hbm>> -> memref<4000xi32, #tpu.memory_space<hbm>>
        tpu.enqueue_dma source(%dma_start3A_129 : memref<4000xi32, #tpu.memory_space<hbm>>) target(%arg16 : memref<4000xi32, #tpu.memory_space<vmem>>) target_semaphore(%arg20 : memref<!tpu.dma_semaphore, #tpu.memory_space<semaphore_mem>>)
        %add3A_130 = arith.constant 320000 : i32
        %add3A_131 = arith.addi %add3A_130, %add3A_127 : i32
        %dma_start3A_132 = tpu.memref_slice %arg2[%add3A_131] : memref<640000xi32, #tpu.memory_space<hbm>> -> memref<4000xi32, #tpu.memory_space<hbm>>
        %dma_start3A_133 = tpu.memref_slice %arg2[%add3A_131] : memref<640000xi32, #tpu.memory_space<hbm>> -> memref<4000xi32, #tpu.memory_space<hbm>>
        tpu.enqueue_dma source(%dma_start3A_133 : memref<4000xi32, #tpu.memory_space<hbm>>) target(%arg17 : memref<4000xi32, #tpu.memory_space<vmem>>) target_semaphore(%arg21 : memref<!tpu.dma_semaphore, #tpu.memory_space<semaphore_mem>>)
      } else {
      }
      %dma_wait3A_104 = arith.constant 0 : i32
      %dma_wait3A_105 = tpu.memref_slice %arg2[%dma_wait3A_104] : memref<640000xi32, #tpu.memory_space<hbm>> -> memref<4000xi32, #tpu.memory_space<hbm>>
      %dma_wait3A_106 = arith.constant 0 : i32
      %dma_wait3A_107 = tpu.memref_slice %arg2[%dma_wait3A_106] : memref<640000xi32, #tpu.memory_space<hbm>> -> memref<4000xi32, #tpu.memory_space<hbm>>
      tpu.wait_dma2 semaphore(%arg22 : memref<!tpu.dma_semaphore, #tpu.memory_space<semaphore_mem>>) src(%dma_wait3A_107 : memref<4000xi32, #tpu.memory_space<hbm>>) dst(%arg18 : memref<4000xi32, #tpu.memory_space<vmem>>)
      %dma_wait3A_108 = arith.constant 0 : i32
      %dma_wait3A_109 = tpu.memref_slice %arg2[%dma_wait3A_108] : memref<640000xi32, #tpu.memory_space<hbm>> -> memref<4000xi32, #tpu.memory_space<hbm>>
      %dma_wait3A_110 = arith.constant 0 : i32
      %dma_wait3A_111 = tpu.memref_slice %arg2[%dma_wait3A_110] : memref<640000xi32, #tpu.memory_space<hbm>> -> memref<4000xi32, #tpu.memory_space<hbm>>
      tpu.wait_dma2 semaphore(%arg23 : memref<!tpu.dma_semaphore, #tpu.memory_space<semaphore_mem>>) src(%dma_wait3A_111 : memref<4000xi32, #tpu.memory_space<hbm>>) dst(%arg19 : memref<4000xi32, #tpu.memory_space<vmem>>)
      %parallel_loop3A_112 = arith.constant 0 : i32
      %parallel_loop3A_113 = arith.constant 250 : i32
      %parallel_loop3A_114 = arith.constant 1 : i32
      scf.for %parallel_loop3A_123 = %parallel_loop3A_112 to %parallel_loop3A_113 step %parallel_loop3A_114  : i32 {
        %parallel_loop3A_124 = arith.constant 16 : i32
        %parallel_loop3A_125 = arith.muli %parallel_loop3A_123, %parallel_loop3A_124 : i32
        %parallel_loop3A_126 = arith.index_cast %parallel_loop3A_125 : i32 to index
        %parallel_loop3A_127 = tpu.vector_load %arg18[%parallel_loop3A_126] {strides = array<i32>} : memref<4000xi32, #tpu.memory_space<vmem>>, vector<16xi32>,
        %parallel_loop3A_128 = arith.constant 16 : i32
        %parallel_loop3A_129 = arith.muli %parallel_loop3A_123, %parallel_loop3A_128 : i32
        %parallel_loop3A_130 = arith.index_cast %parallel_loop3A_129 : i32 to index
        %parallel_loop3A_131 = tpu.vector_load %arg19[%parallel_loop3A_130] {strides = array<i32>} : memref<4000xi32, #tpu.memory_space<vmem>>, vector<16xi32>,
        %parallel_loop3A_132 = tpu.vector_load_idx %arg13[%parallel_loop3A_127] : memref<10000xf32, #tpu.memory_space<vmem>>[vector<16xi32>], vector<16xf32>,
        %parallel_loop3A_133 = tpu.vector_load_idx %arg14[%parallel_loop3A_131] : memref<10000xf32, #tpu.memory_space<vmem>>[vector<16xi32>], vector<16xf32>,
        %parallel_loop3A_134 = arith.addf %parallel_loop3A_132, %parallel_loop3A_133 : vector<16xf32>
        %parallel_loop3A_135 = arith.constant 2.000000e-01 : f32
        %parallel_loop3A_136 = vector.broadcast %parallel_loop3A_135 : f32 to vector<16xf32>
        %parallel_loop3A_137 = arith.mulf %parallel_loop3A_136, %parallel_loop3A_134 : vector<16xf32>
        %parallel_loop3A_138 = arith.maximumf %parallel_loop3A_134, %parallel_loop3A_137 : vector<16xf32>
        %parallel_loop3A_139 = math.exp %parallel_loop3A_138 : vector<16xf32>
        %parallel_loop3A_140 = tpu.vector_load_idx %arg7[%parallel_loop3A_127] : memref<10000xi32, #tpu.memory_space<vmem>>[vector<16xi32>], vector<16xi32>,
        %parallel_loop3A_141 = arith.constant 16 : i32
        %parallel_loop3A_142 = vector.broadcast %parallel_loop3A_141 : i32 to vector<16xi32>
        %parallel_loop3A_143 = arith.shli %parallel_loop3A_140, %parallel_loop3A_142 : vector<16xi32>
        %parallel_loop3A_144 = vector.bitcast %parallel_loop3A_143 : vector<16xi32> to vector<16xf32>
        %parallel_loop3A_145 = arith.constant -65536 : i32
        %parallel_loop3A_146 = vector.broadcast %parallel_loop3A_145 : i32 to vector<16xi32>
        %parallel_loop3A_147 = arith.andi %parallel_loop3A_140, %parallel_loop3A_146 : vector<16xi32>
        %parallel_loop3A_148 = vector.bitcast %parallel_loop3A_147 : vector<16xi32> to vector<16xf32>
        %parallel_loop3A_149 = arith.mulf %parallel_loop3A_144, %parallel_loop3A_139 : vector<16xf32>
        tpu.vector_store_idx %arg9[%parallel_loop3A_131], %parallel_loop3A_149 {add = true} : memref<10000xf32, #tpu.memory_space<vmem>>[vector<16xi32>], vector<16xf32>,
        %parallel_loop3A_150 = arith.mulf %parallel_loop3A_148, %parallel_loop3A_139 : vector<16xf32>
        tpu.vector_store_idx %arg10[%parallel_loop3A_131], %parallel_loop3A_150 {add = true} : memref<10000xf32, #tpu.memory_space<vmem>>[vector<16xi32>], vector<16xf32>,
        %parallel_loop3A_151 = tpu.vector_load_idx %arg8[%parallel_loop3A_127] : memref<10000xi32, #tpu.memory_space<vmem>>[vector<16xi32>], vector<16xi32>,
        %parallel_loop3A_152 = arith.constant 16 : i32
        %parallel_loop3A_153 = vector.broadcast %parallel_loop3A_152 : i32 to vector<16xi32>
        %parallel_loop3A_154 = arith.shli %parallel_loop3A_151, %parallel_loop3A_153 : vector<16xi32>
        %parallel_loop3A_155 = vector.bitcast %parallel_loop3A_154 : vector<16xi32> to vector<16xf32>
        %parallel_loop3A_156 = arith.constant -65536 : i32
        %parallel_loop3A_157 = vector.broadcast %parallel_loop3A_156 : i32 to vector<16xi32>
        %parallel_loop3A_158 = arith.andi %parallel_loop3A_151, %parallel_loop3A_157 : vector<16xi32>
        %parallel_loop3A_159 = vector.bitcast %parallel_loop3A_158 : vector<16xi32> to vector<16xf32>
        %parallel_loop3A_160 = arith.mulf %parallel_loop3A_155, %parallel_loop3A_139 : vector<16xf32>
        tpu.vector_store_idx %arg11[%parallel_loop3A_131], %parallel_loop3A_160 {add = true} : memref<10000xf32, #tpu.memory_space<vmem>>[vector<16xi32>], vector<16xf32>,
        %parallel_loop3A_161 = arith.mulf %parallel_loop3A_159, %parallel_loop3A_139 : vector<16xf32>
        tpu.vector_store_idx %arg12[%parallel_loop3A_131], %parallel_loop3A_161 {add = true} : memref<10000xf32, #tpu.memory_space<vmem>>[vector<16xi32>], vector<16xf32>,
        tpu.vector_store_idx %arg15[%parallel_loop3A_131], %parallel_loop3A_139 {add = true} : memref<10000xf32, #tpu.memory_space<vmem>>[vector<16xi32>], vector<16xf32>,
      } {sc.loop_unroll_factor = 2 : i64, sc.parallel_access}
      %add3A_115 = arith.constant 3 : i32
      %add3A_116 = arith.addi %mul3A_86, %add3A_115 : i32
      %lt3A_117 = arith.constant 20 : i32
      %lt3A_118 = arith.cmpi slt, %add3A_116, %lt3A_117 : i32
      %convert_element_type3A_119 = arith.extui %lt3A_118 : i1 to i32
      %cond3A_120 = arith.constant 0 : i32
      %cond3A_121 = arith.cmpi ne, %convert_element_type3A_119, %cond3A_120 : i32
      scf.if %cond3A_121 {
        %add3A_123 = arith.constant 3 : i32
        %add3A_124 = arith.addi %mul3A_86, %add3A_123 : i32
        %mul3A_125 = arith.constant 4000 : i32
        %mul3A_126 = arith.muli %add3A_124, %mul3A_125 : i32
        %add3A_127 = arith.addi %mul3A_35, %mul3A_126 : i32
        %dma_start3A_128 = tpu.memref_slice %arg2[%add3A_127] : memref<640000xi32, #tpu.memory_space<hbm>> -> memref<4000xi32, #tpu.memory_space<hbm>>
        %dma_start3A_129 = tpu.memref_slice %arg2[%add3A_127] : memref<640000xi32, #tpu.memory_space<hbm>> -> memref<4000xi32, #tpu.memory_space<hbm>>
        tpu.enqueue_dma source(%dma_start3A_129 : memref<4000xi32, #tpu.memory_space<hbm>>) target(%arg18 : memref<4000xi32, #tpu.memory_space<vmem>>) target_semaphore(%arg22 : memref<!tpu.dma_semaphore, #tpu.memory_space<semaphore_mem>>)
        %add3A_130 = arith.constant 320000 : i32
        %add3A_131 = arith.addi %add3A_130, %add3A_127 : i32
        %dma_start3A_132 = tpu.memref_slice %arg2[%add3A_131] : memref<640000xi32, #tpu.memory_space<hbm>> -> memref<4000xi32, #tpu.memory_space<hbm>>
        %dma_start3A_133 = tpu.memref_slice %arg2[%add3A_131] : memref<640000xi32, #tpu.memory_space<hbm>> -> memref<4000xi32, #tpu.memory_space<hbm>>
        tpu.enqueue_dma source(%dma_start3A_133 : memref<4000xi32, #tpu.memory_space<hbm>>) target(%arg19 : memref<4000xi32, #tpu.memory_space<vmem>>) target_semaphore(%arg23 : memref<!tpu.dma_semaphore, #tpu.memory_space<semaphore_mem>>)
      } else {
      }
      %scan3A_122 = arith.constant 0 : i32
      scf.yield %scan3A_122 : i32
    }
    %scan3A_63 = arith.constant 10 : i32
    %mul3A_64 = arith.constant 2 : i32
    %mul3A_65 = arith.muli %mul3A_64, %select_n3A_9 : i32
    "tpu.region"() ({
      %run_scoped3A_83 = tpu.sem_alloc : memref<!tpu.dma_semaphore, #tpu.memory_space<semaphore_mem>>
      %dma_start3A_84 = arith.constant 0 : i32
      %dma_start3A_85 = tpu.memref_slice %arg5[%select_n3A_30, %mul3A_65, %dma_start3A_84] : memref<4x32x10000xf32, #tpu.memory_space<hbm>> -> memref<1x1x10000xf32, #tpu.memory_space<hbm>>
      %dma_start3A_86 = tpu.memref_squeeze %dma_start3A_85 : memref<1x1x10000xf32, #tpu.memory_space<hbm>> -> memref<10000xf32, #tpu.memory_space<hbm>>
      %dma_start3A_87 = arith.constant 0 : i32
      %dma_start3A_88 = tpu.memref_slice %arg5[%select_n3A_30, %mul3A_65, %dma_start3A_87] : memref<4x32x10000xf32, #tpu.memory_space<hbm>> -> memref<1x1x10000xf32, #tpu.memory_space<hbm>>
      %dma_start3A_89 = tpu.memref_squeeze %dma_start3A_88 : memref<1x1x10000xf32, #tpu.memory_space<hbm>> -> memref<10000xf32, #tpu.memory_space<hbm>>
      tpu.enqueue_dma source(%arg9 : memref<10000xf32, #tpu.memory_space<vmem>>) target(%dma_start3A_89 : memref<10000xf32, #tpu.memory_space<hbm>>) target_semaphore(%run_scoped3A_83 : memref<!tpu.dma_semaphore, #tpu.memory_space<semaphore_mem>>)
      %dma_wait3A = arith.constant 0 : i32
      %dma_wait3A_90 = tpu.memref_slice %arg5[%select_n3A_30, %mul3A_65, %dma_wait3A] : memref<4x32x10000xf32, #tpu.memory_space<hbm>> -> memref<1x1x10000xf32, #tpu.memory_space<hbm>>
      %dma_wait3A_91 = tpu.memref_squeeze %dma_wait3A_90 : memref<1x1x10000xf32, #tpu.memory_space<hbm>> -> memref<10000xf32, #tpu.memory_space<hbm>>
      %dma_wait3A_92 = arith.constant 0 : i32
      %dma_wait3A_93 = tpu.memref_slice %arg5[%select_n3A_30, %mul3A_65, %dma_wait3A_92] : memref<4x32x10000xf32, #tpu.memory_space<hbm>> -> memref<1x1x10000xf32, #tpu.memory_space<hbm>>
      %dma_wait3A_94 = tpu.memref_squeeze %dma_wait3A_93 : memref<1x1x10000xf32, #tpu.memory_space<hbm>> -> memref<10000xf32, #tpu.memory_space<hbm>>
      tpu.wait_dma2 semaphore(%run_scoped3A_83 : memref<!tpu.dma_semaphore, #tpu.memory_space<semaphore_mem>>) src(%arg9 : memref<10000xf32, #tpu.memory_space<vmem>>) dst(%dma_wait3A_94 : memref<10000xf32, #tpu.memory_space<hbm>>)
      tpu.yield
    }) : () -> ()
    %mul3A_66 = arith.constant 2 : i32
    %mul3A_67 = arith.muli %mul3A_66, %select_n3A_9 : i32
    %add3A_68 = arith.constant 16 : i32
    %add3A_69 = arith.addi %add3A_68, %mul3A_67 : i32
    "tpu.region"() ({
      %run_scoped3A_83 = tpu.sem_alloc : memref<!tpu.dma_semaphore, #tpu.memory_space<semaphore_mem>>
      %dma_start3A_84 = arith.constant 0 : i32
      %dma_start3A_85 = tpu.memref_slice %arg5[%select_n3A_30, %add3A_69, %dma_start3A_84] : memref<4x32x10000xf32, #tpu.memory_space<hbm>> -> memref<1x1x10000xf32, #tpu.memory_space<hbm>>
      %dma_start3A_86 = tpu.memref_squeeze %dma_start3A_85 : memref<1x1x10000xf32, #tpu.memory_space<hbm>> -> memref<10000xf32, #tpu.memory_space<hbm>>
      %dma_start3A_87 = arith.constant 0 : i32
      %dma_start3A_88 = tpu.memref_slice %arg5[%select_n3A_30, %add3A_69, %dma_start3A_87] : memref<4x32x10000xf32, #tpu.memory_space<hbm>> -> memref<1x1x10000xf32, #tpu.memory_space<hbm>>
      %dma_start3A_89 = tpu.memref_squeeze %dma_start3A_88 : memref<1x1x10000xf32, #tpu.memory_space<hbm>> -> memref<10000xf32, #tpu.memory_space<hbm>>
      tpu.enqueue_dma source(%arg10 : memref<10000xf32, #tpu.memory_space<vmem>>) target(%dma_start3A_89 : memref<10000xf32, #tpu.memory_space<hbm>>) target_semaphore(%run_scoped3A_83 : memref<!tpu.dma_semaphore, #tpu.memory_space<semaphore_mem>>)
      %dma_wait3A = arith.constant 0 : i32
      %dma_wait3A_90 = tpu.memref_slice %arg5[%select_n3A_30, %add3A_69, %dma_wait3A] : memref<4x32x10000xf32, #tpu.memory_space<hbm>> -> memref<1x1x10000xf32, #tpu.memory_space<hbm>>
      %dma_wait3A_91 = tpu.memref_squeeze %dma_wait3A_90 : memref<1x1x10000xf32, #tpu.memory_space<hbm>> -> memref<10000xf32, #tpu.memory_space<hbm>>
      %dma_wait3A_92 = arith.constant 0 : i32
      %dma_wait3A_93 = tpu.memref_slice %arg5[%select_n3A_30, %add3A_69, %dma_wait3A_92] : memref<4x32x10000xf32, #tpu.memory_space<hbm>> -> memref<1x1x10000xf32, #tpu.memory_space<hbm>>
      %dma_wait3A_94 = tpu.memref_squeeze %dma_wait3A_93 : memref<1x1x10000xf32, #tpu.memory_space<hbm>> -> memref<10000xf32, #tpu.memory_space<hbm>>
      tpu.wait_dma2 semaphore(%run_scoped3A_83 : memref<!tpu.dma_semaphore, #tpu.memory_space<semaphore_mem>>) src(%arg10 : memref<10000xf32, #tpu.memory_space<vmem>>) dst(%dma_wait3A_94 : memref<10000xf32, #tpu.memory_space<hbm>>)
      tpu.yield
    }) : () -> ()
    %mul3A_70 = arith.constant 2 : i32
    %mul3A_71 = arith.muli %mul3A_70, %select_n3A_9 : i32
    %add3A_72 = arith.constant 1 : i32
    %add3A_73 = arith.addi %mul3A_71, %add3A_72 : i32
    "tpu.region"() ({
      %run_scoped3A_83 = tpu.sem_alloc : memref<!tpu.dma_semaphore, #tpu.memory_space<semaphore_mem>>
      %dma_start3A_84 = arith.constant 0 : i32
      %dma_start3A_85 = tpu.memref_slice %arg5[%select_n3A_30, %add3A_73, %dma_start3A_84] : memref<4x32x10000xf32, #tpu.memory_space<hbm>> -> memref<1x1x10000xf32, #tpu.memory_space<hbm>>
      %dma_start3A_86 = tpu.memref_squeeze %dma_start3A_85 : memref<1x1x10000xf32, #tpu.memory_space<hbm>> -> memref<10000xf32, #tpu.memory_space<hbm>>
      %dma_start3A_87 = arith.constant 0 : i32
      %dma_start3A_88 = tpu.memref_slice %arg5[%select_n3A_30, %add3A_73, %dma_start3A_87] : memref<4x32x10000xf32, #tpu.memory_space<hbm>> -> memref<1x1x10000xf32, #tpu.memory_space<hbm>>
      %dma_start3A_89 = tpu.memref_squeeze %dma_start3A_88 : memref<1x1x10000xf32, #tpu.memory_space<hbm>> -> memref<10000xf32, #tpu.memory_space<hbm>>
      tpu.enqueue_dma source(%arg11 : memref<10000xf32, #tpu.memory_space<vmem>>) target(%dma_start3A_89 : memref<10000xf32, #tpu.memory_space<hbm>>) target_semaphore(%run_scoped3A_83 : memref<!tpu.dma_semaphore, #tpu.memory_space<semaphore_mem>>)
      %dma_wait3A = arith.constant 0 : i32
      %dma_wait3A_90 = tpu.memref_slice %arg5[%select_n3A_30, %add3A_73, %dma_wait3A] : memref<4x32x10000xf32, #tpu.memory_space<hbm>> -> memref<1x1x10000xf32, #tpu.memory_space<hbm>>
      %dma_wait3A_91 = tpu.memref_squeeze %dma_wait3A_90 : memref<1x1x10000xf32, #tpu.memory_space<hbm>> -> memref<10000xf32, #tpu.memory_space<hbm>>
      %dma_wait3A_92 = arith.constant 0 : i32
      %dma_wait3A_93 = tpu.memref_slice %arg5[%select_n3A_30, %add3A_73, %dma_wait3A_92] : memref<4x32x10000xf32, #tpu.memory_space<hbm>> -> memref<1x1x10000xf32, #tpu.memory_space<hbm>>
      %dma_wait3A_94 = tpu.memref_squeeze %dma_wait3A_93 : memref<1x1x10000xf32, #tpu.memory_space<hbm>> -> memref<10000xf32, #tpu.memory_space<hbm>>
      tpu.wait_dma2 semaphore(%run_scoped3A_83 : memref<!tpu.dma_semaphore, #tpu.memory_space<semaphore_mem>>) src(%arg11 : memref<10000xf32, #tpu.memory_space<vmem>>) dst(%dma_wait3A_94 : memref<10000xf32, #tpu.memory_space<hbm>>)
      tpu.yield
    }) : () -> ()
    %mul3A_74 = arith.constant 2 : i32
    %mul3A_75 = arith.muli %mul3A_74, %select_n3A_9 : i32
    %add3A_76 = arith.constant 16 : i32
    %add3A_77 = arith.addi %add3A_76, %mul3A_75 : i32
    %add3A_78 = arith.constant 1 : i32
    %add3A_79 = arith.addi %add3A_77, %add3A_78 : i32
    "tpu.region"() ({
      %run_scoped3A_83 = tpu.sem_alloc : memref<!tpu.dma_semaphore, #tpu.memory_space<semaphore_mem>>
      %dma_start3A_84 = arith.constant 0 : i32
      %dma_start3A_85 = tpu.memref_slice %arg5[%select_n3A_30, %add3A_79, %dma_start3A_84] : memref<4x32x10000xf32, #tpu.memory_space<hbm>> -> memref<1x1x10000xf32, #tpu.memory_space<hbm>>
      %dma_start3A_86 = tpu.memref_squeeze %dma_start3A_85 : memref<1x1x10000xf32, #tpu.memory_space<hbm>> -> memref<10000xf32, #tpu.memory_space<hbm>>
      %dma_start3A_87 = arith.constant 0 : i32
      %dma_start3A_88 = tpu.memref_slice %arg5[%select_n3A_30, %add3A_79, %dma_start3A_87] : memref<4x32x10000xf32, #tpu.memory_space<hbm>> -> memref<1x1x10000xf32, #tpu.memory_space<hbm>>
      %dma_start3A_89 = tpu.memref_squeeze %dma_start3A_88 : memref<1x1x10000xf32, #tpu.memory_space<hbm>> -> memref<10000xf32, #tpu.memory_space<hbm>>
      tpu.enqueue_dma source(%arg12 : memref<10000xf32, #tpu.memory_space<vmem>>) target(%dma_start3A_89 : memref<10000xf32, #tpu.memory_space<hbm>>) target_semaphore(%run_scoped3A_83 : memref<!tpu.dma_semaphore, #tpu.memory_space<semaphore_mem>>)
      %dma_wait3A = arith.constant 0 : i32
      %dma_wait3A_90 = tpu.memref_slice %arg5[%select_n3A_30, %add3A_79, %dma_wait3A] : memref<4x32x10000xf32, #tpu.memory_space<hbm>> -> memref<1x1x10000xf32, #tpu.memory_space<hbm>>
      %dma_wait3A_91 = tpu.memref_squeeze %dma_wait3A_90 : memref<1x1x10000xf32, #tpu.memory_space<hbm>> -> memref<10000xf32, #tpu.memory_space<hbm>>
      %dma_wait3A_92 = arith.constant 0 : i32
      %dma_wait3A_93 = tpu.memref_slice %arg5[%select_n3A_30, %add3A_79, %dma_wait3A_92] : memref<4x32x10000xf32, #tpu.memory_space<hbm>> -> memref<1x1x10000xf32, #tpu.memory_space<hbm>>
      %dma_wait3A_94 = tpu.memref_squeeze %dma_wait3A_93 : memref<1x1x10000xf32, #tpu.memory_space<hbm>> -> memref<10000xf32, #tpu.memory_space<hbm>>
      tpu.wait_dma2 semaphore(%run_scoped3A_83 : memref<!tpu.dma_semaphore, #tpu.memory_space<semaphore_mem>>) src(%arg12 : memref<10000xf32, #tpu.memory_space<vmem>>) dst(%dma_wait3A_94 : memref<10000xf32, #tpu.memory_space<hbm>>)
      tpu.yield
    }) : () -> ()
    %eq3A_80 = arith.constant 0 : i32
    %eq3A_81 = arith.cmpi eq, %select_n3A_9, %eq3A_80 : i32
    %convert_element_type3A = arith.extui %eq3A_81 : i1 to i32
    %cond3A = arith.constant 0 : i32
    %cond3A_82 = arith.cmpi ne, %convert_element_type3A, %cond3A : i32
    scf.if %cond3A_82 {
      "tpu.region"() ({
        %run_scoped3A_83 = tpu.sem_alloc : memref<!tpu.dma_semaphore, #tpu.memory_space<semaphore_mem>>
        %dma_start3A_84 = arith.constant 0 : i32
        %dma_start3A_85 = tpu.memref_slice %arg6[%select_n3A_30, %dma_start3A_84] : memref<4x10000xf32, #tpu.memory_space<hbm>> -> memref<1x10000xf32, #tpu.memory_space<hbm>>
        %dma_start3A_86 = tpu.memref_squeeze %dma_start3A_85 : memref<1x10000xf32, #tpu.memory_space<hbm>> -> memref<10000xf32, #tpu.memory_space<hbm>>
        %dma_start3A_87 = arith.constant 0 : i32
        %dma_start3A_88 = tpu.memref_slice %arg6[%select_n3A_30, %dma_start3A_87] : memref<4x10000xf32, #tpu.memory_space<hbm>> -> memref<1x10000xf32, #tpu.memory_space<hbm>>
        %dma_start3A_89 = tpu.memref_squeeze %dma_start3A_88 : memref<1x10000xf32, #tpu.memory_space<hbm>> -> memref<10000xf32, #tpu.memory_space<hbm>>
        tpu.enqueue_dma source(%arg15 : memref<10000xf32, #tpu.memory_space<vmem>>) target(%dma_start3A_89 : memref<10000xf32, #tpu.memory_space<hbm>>) target_semaphore(%run_scoped3A_83 : memref<!tpu.dma_semaphore, #tpu.memory_space<semaphore_mem>>)
        %dma_wait3A = arith.constant 0 : i32
        %dma_wait3A_90 = tpu.memref_slice %arg6[%select_n3A_30, %dma_wait3A] : memref<4x10000xf32, #tpu.memory_space<hbm>> -> memref<1x10000xf32, #tpu.memory_space<hbm>>
        %dma_wait3A_91 = tpu.memref_squeeze %dma_wait3A_90 : memref<1x10000xf32, #tpu.memory_space<hbm>> -> memref<10000xf32, #tpu.memory_space<hbm>>
        %dma_wait3A_92 = arith.constant 0 : i32
        %dma_wait3A_93 = tpu.memref_slice %arg6[%select_n3A_30, %dma_wait3A_92] : memref<4x10000xf32, #tpu.memory_space<hbm>> -> memref<1x10000xf32, #tpu.memory_space<hbm>>
        %dma_wait3A_94 = tpu.memref_squeeze %dma_wait3A_93 : memref<1x10000xf32, #tpu.memory_space<hbm>> -> memref<10000xf32, #tpu.memory_space<hbm>>
        tpu.wait_dma2 semaphore(%run_scoped3A_83 : memref<!tpu.dma_semaphore, #tpu.memory_space<semaphore_mem>>) src(%arg15 : memref<10000xf32, #tpu.memory_space<vmem>>) dst(%dma_wait3A_94 : memref<10000xf32, #tpu.memory_space<hbm>>)
        tpu.yield
      }) : () -> ()
    } else {
    }
    return
  }
}

#map = affine_map<(d0, d1) -> (0)>
#map1 = affine_map<(d0, d1) -> (0, 0)>
#map2 = affine_map<(d0, d1) -> (0, 0, 0)>
module attributes {stable_mosaic.version = 14 : i64} {
  func.func @_sc_edge_body(%arg0: i32, %arg1: i32, %arg2: memref<640000xi32, #tpu.memory_space<hbm>>, %arg3: memref<16x10000xi32, #tpu.memory_space<hbm>>, %arg4: memref<2x10000xf32, #tpu.memory_space<hbm>>, %arg5: memref<4x32x10000xf32, #tpu.memory_space<hbm>>, %arg6: memref<4x10000xf32, #tpu.memory_space<hbm>>, %arg7: memref<10000xi32, #tpu.memory_space<vmem>>, %arg8: memref<10000xi32, #tpu.memory_space<vmem>>, %arg9: memref<10000xf32, #tpu.memory_space<vmem>>, %arg10: memref<10000xf32, #tpu.memory_space<vmem>>, %arg11: memref<10000xf32, #tpu.memory_space<vmem>>, %arg12: memref<10000xf32, #tpu.memory_space<vmem>>, %arg13: memref<10000xf32, #tpu.memory_space<vmem>>, %arg14: memref<10000xf32, #tpu.memory_space<vmem>>, %arg15: memref<10000xf32, #tpu.memory_space<vmem>>, %arg16: memref<4000xi32, #tpu.memory_space<vmem>>, %arg17: memref<4000xi32, #tpu.memory_space<vmem>>, %arg18: memref<4000xi32, #tpu.memory_space<vmem>>, %arg19: memref<4000xi32, #tpu.memory_space<vmem>>, %arg20: memref<!tpu.dma_semaphore, #tpu.memory_space<semaphore_mem>>, %arg21: memref<!tpu.dma_semaphore, #tpu.memory_space<semaphore_mem>>, %arg22: memref<!tpu.dma_semaphore, #tpu.memory_space<semaphore_mem>>, %arg23: memref<!tpu.dma_semaphore, #tpu.memory_space<semaphore_mem>>) attributes {dimension_semantics = [#tpu.dimension_semantics<core_parallel>, #tpu.dimension_semantics<subcore_parallel>], iteration_bounds = array<i64: 2, 16>, scalar_prefetch = 0 : i64, scratch_operands = 17 : i64, tpu.core_type = #tpu.core_type<sc_vector_subcore>, window_params = [{transform_indices = #map}, {transform_indices = #map1}, {transform_indices = #map1}, {transform_indices = #map2}, {transform_indices = #map1}]} {
    %mul3A = arith.constant 16 : i32
    %mul3A_0 = arith.muli %arg0, %mul3A : i32
    %add3A = arith.addi %mul3A_0, %arg1 : i32
    %jit3A = arith.constant 8 : i32
    %eq3A = arith.constant 0 : i32
    %eq3A_1 = arith.cmpi eq, %jit3A, %eq3A : i32
    %jit3A_2 = arith.constant 1 : i32
    %select_n3A = arith.select %eq3A_1, %jit3A_2, %jit3A : i32
    %rem3A = arith.remsi %add3A, %select_n3A : i32
    %ne3A = arith.constant 0 : i32
    %ne3A_3 = arith.cmpi ne, %rem3A, %ne3A : i32
    %lt3A = arith.constant 0 : i32
    %lt3A_4 = arith.cmpi slt, %rem3A, %lt3A : i32
    %lt3A_5 = arith.constant 0 : i32
    %lt3A_6 = arith.cmpi slt, %select_n3A, %lt3A_5 : i32
    %ne3A_7 = arith.xori %lt3A_4, %lt3A_6 : i1
    %and3A = arith.andi %ne3A_7, %ne3A_3 : i1
    %add3A_8 = arith.addi %rem3A, %select_n3A : i32
    %select_n3A_9 = arith.select %and3A, %add3A_8, %rem3A : i32
    %jit3A_10 = arith.constant 8 : i32
    %div3A = arith.divsi %add3A, %jit3A_10 : i32
    %sign3A = arith.constant 0 : i32
    %sign3A_11 = arith.cmpi sgt, %add3A, %sign3A : i32
    %sign3A_12 = arith.extui %sign3A_11 : i1 to i32
    %sign3A_13 = arith.constant 0 : i32
    %sign3A_14 = arith.cmpi slt, %add3A, %sign3A_13 : i32
    %sign3A_15 = arith.extui %sign3A_14 : i1 to i32
    %sign3A_16 = arith.subi %sign3A_12, %sign3A_15 : i32
    %sign3A_17 = arith.constant 0 : i32
    %sign3A_18 = arith.cmpi sgt, %jit3A_10, %sign3A_17 : i32
    %sign3A_19 = arith.extui %sign3A_18 : i1 to i32
    %sign3A_20 = arith.constant 0 : i32
    %sign3A_21 = arith.cmpi slt, %jit3A_10, %sign3A_20 : i32
    %sign3A_22 = arith.extui %sign3A_21 : i1 to i32
    %sign3A_23 = arith.subi %sign3A_19, %sign3A_22 : i32
    %ne3A_24 = arith.cmpi ne, %sign3A_16, %sign3A_23 : i32
    %rem3A_25 = arith.remsi %add3A, %jit3A_10 : i32
    %ne3A_26 = arith.constant 0 : i32
    %ne3A_27 = arith.cmpi ne, %rem3A_25, %ne3A_26 : i32
    %and3A_28 = arith.andi %ne3A_24, %ne3A_27 : i1
    %sub3A = arith.constant 1 : i32
    %sub3A_29 = arith.subi %div3A, %sub3A : i32
    %select_n3A_30 = arith.select %and3A_28, %sub3A_29, %div3A : i32
    %broadcast_in_dim3A = arith.constant 0.000000e+00 : f32
    %broadcast_in_dim3A_31 = vector.broadcast %broadcast_in_dim3A : f32 to vector<16xf32>
    %parallel_loop3A = arith.constant 0 : i32
    %parallel_loop3A_32 = arith.constant 625 : i32
    %parallel_loop3A_33 = arith.constant 1 : i32
    scf.for %parallel_loop3A_83 = %parallel_loop3A to %parallel_loop3A_32 step %parallel_loop3A_33  : i32 {
      %parallel_loop3A_84 = arith.constant 16 : i32
      %parallel_loop3A_85 = arith.muli %parallel_loop3A_83, %parallel_loop3A_84 : i32
      %parallel_loop3A_86 = arith.index_cast %parallel_loop3A_85 : i32 to index
      %parallel_loop3A_87 = tpu.vector_load %arg9[%parallel_loop3A_86] {strides = array<i32>} : memref<10000xf32, #tpu.memory_space<vmem>>, vector<16xf32>,
      tpu.vector_store %arg9[%parallel_loop3A_86], %broadcast_in_dim3A_31 {strides = array<i32>} : memref<10000xf32, #tpu.memory_space<vmem>>, vector<16xf32>,
      %parallel_loop3A_88 = arith.constant 16 : i32
      %parallel_loop3A_89 = arith.muli %parallel_loop3A_83, %parallel_loop3A_88 : i32
      %parallel_loop3A_90 = arith.index_cast %parallel_loop3A_89 : i32 to index
      %parallel_loop3A_91 = tpu.vector_load %arg10[%parallel_loop3A_90] {strides = array<i32>} : memref<10000xf32, #tpu.memory_space<vmem>>, vector<16xf32>,
      tpu.vector_store %arg10[%parallel_loop3A_90], %broadcast_in_dim3A_31 {strides = array<i32>} : memref<10000xf32, #tpu.memory_space<vmem>>, vector<16xf32>,
      %parallel_loop3A_92 = arith.constant 16 : i32
      %parallel_loop3A_93 = arith.muli %parallel_loop3A_83, %parallel_loop3A_92 : i32
      %parallel_loop3A_94 = arith.index_cast %parallel_loop3A_93 : i32 to index
      %parallel_loop3A_95 = tpu.vector_load %arg11[%parallel_loop3A_94] {strides = array<i32>} : memref<10000xf32, #tpu.memory_space<vmem>>, vector<16xf32>,
      tpu.vector_store %arg11[%parallel_loop3A_94], %broadcast_in_dim3A_31 {strides = array<i32>} : memref<10000xf32, #tpu.memory_space<vmem>>, vector<16xf32>,
      %parallel_loop3A_96 = arith.constant 16 : i32
      %parallel_loop3A_97 = arith.muli %parallel_loop3A_83, %parallel_loop3A_96 : i32
      %parallel_loop3A_98 = arith.index_cast %parallel_loop3A_97 : i32 to index
      %parallel_loop3A_99 = tpu.vector_load %arg12[%parallel_loop3A_98] {strides = array<i32>} : memref<10000xf32, #tpu.memory_space<vmem>>, vector<16xf32>,
      tpu.vector_store %arg12[%parallel_loop3A_98], %broadcast_in_dim3A_31 {strides = array<i32>} : memref<10000xf32, #tpu.memory_space<vmem>>, vector<16xf32>,
      %parallel_loop3A_100 = arith.constant 16 : i32
      %parallel_loop3A_101 = arith.muli %parallel_loop3A_83, %parallel_loop3A_100 : i32
      %parallel_loop3A_102 = arith.index_cast %parallel_loop3A_101 : i32 to index
      %parallel_loop3A_103 = tpu.vector_load %arg15[%parallel_loop3A_102] {strides = array<i32>} : memref<10000xf32, #tpu.memory_space<vmem>>, vector<16xf32>,
      tpu.vector_store %arg15[%parallel_loop3A_102], %broadcast_in_dim3A_31 {strides = array<i32>} : memref<10000xf32, #tpu.memory_space<vmem>>, vector<16xf32>,
    } {sc.loop_unroll_factor = 4 : i64, sc.parallel_access}
    %mul3A_34 = arith.constant 80000 : i32
    %mul3A_35 = arith.muli %select_n3A_30, %mul3A_34 : i32
    %add3A_36 = arith.constant 0 : i32
    %add3A_37 = arith.addi %mul3A_35, %add3A_36 : i32
    %dma_start3A = tpu.memref_slice %arg2[%add3A_37] : memref<640000xi32, #tpu.memory_space<hbm>> -> memref<4000xi32, #tpu.memory_space<hbm>>
    %dma_start3A_38 = tpu.memref_slice %arg2[%add3A_37] : memref<640000xi32, #tpu.memory_space<hbm>> -> memref<4000xi32, #tpu.memory_space<hbm>>
    tpu.enqueue_dma source(%dma_start3A_38 : memref<4000xi32, #tpu.memory_space<hbm>>) target(%arg16 : memref<4000xi32, #tpu.memory_space<vmem>>) target_semaphore(%arg20 : memref<!tpu.dma_semaphore, #tpu.memory_space<semaphore_mem>>)
    %add3A_39 = arith.constant 320000 : i32
    %add3A_40 = arith.addi %add3A_39, %add3A_37 : i32
    %dma_start3A_41 = tpu.memref_slice %arg2[%add3A_40] : memref<640000xi32, #tpu.memory_space<hbm>> -> memref<4000xi32, #tpu.memory_space<hbm>>
    %dma_start3A_42 = tpu.memref_slice %arg2[%add3A_40] : memref<640000xi32, #tpu.memory_space<hbm>> -> memref<4000xi32, #tpu.memory_space<hbm>>
    tpu.enqueue_dma source(%dma_start3A_42 : memref<4000xi32, #tpu.memory_space<hbm>>) target(%arg17 : memref<4000xi32, #tpu.memory_space<vmem>>) target_semaphore(%arg21 : memref<!tpu.dma_semaphore, #tpu.memory_space<semaphore_mem>>)
    %add3A_43 = arith.constant 4000 : i32
    %add3A_44 = arith.addi %mul3A_35, %add3A_43 : i32
    %dma_start3A_45 = tpu.memref_slice %arg2[%add3A_44] : memref<640000xi32, #tpu.memory_space<hbm>> -> memref<4000xi32, #tpu.memory_space<hbm>>
    %dma_start3A_46 = tpu.memref_slice %arg2[%add3A_44] : memref<640000xi32, #tpu.memory_space<hbm>> -> memref<4000xi32, #tpu.memory_space<hbm>>
    tpu.enqueue_dma source(%dma_start3A_46 : memref<4000xi32, #tpu.memory_space<hbm>>) target(%arg18 : memref<4000xi32, #tpu.memory_space<vmem>>) target_semaphore(%arg22 : memref<!tpu.dma_semaphore, #tpu.memory_space<semaphore_mem>>)
    %add3A_47 = arith.constant 320000 : i32
    %add3A_48 = arith.addi %add3A_47, %add3A_44 : i32
    %dma_start3A_49 = tpu.memref_slice %arg2[%add3A_48] : memref<640000xi32, #tpu.memory_space<hbm>> -> memref<4000xi32, #tpu.memory_space<hbm>>
    %dma_start3A_50 = tpu.memref_slice %arg2[%add3A_48] : memref<640000xi32, #tpu.memory_space<hbm>> -> memref<4000xi32, #tpu.memory_space<hbm>>
    tpu.enqueue_dma source(%dma_start3A_50 : memref<4000xi32, #tpu.memory_space<hbm>>) target(%arg19 : memref<4000xi32, #tpu.memory_space<vmem>>) target_semaphore(%arg23 : memref<!tpu.dma_semaphore, #tpu.memory_space<semaphore_mem>>)
    %mul3A_51 = arith.constant 2 : i32
    %mul3A_52 = arith.muli %mul3A_51, %select_n3A_9 : i32
    "tpu.region"() ({
      %run_scoped3A_83 = tpu.sem_alloc : memref<!tpu.dma_semaphore, #tpu.memory_space<semaphore_mem>>
      %dma_start3A_84 = arith.constant 0 : i32
      %dma_start3A_85 = tpu.memref_slice %arg3[%mul3A_52, %dma_start3A_84] : memref<16x10000xi32, #tpu.memory_space<hbm>> -> memref<1x10000xi32, #tpu.memory_space<hbm>>
      %dma_start3A_86 = tpu.memref_squeeze %dma_start3A_85 : memref<1x10000xi32, #tpu.memory_space<hbm>> -> memref<10000xi32, #tpu.memory_space<hbm>>
      %dma_start3A_87 = arith.constant 0 : i32
      %dma_start3A_88 = tpu.memref_slice %arg3[%mul3A_52, %dma_start3A_87] : memref<16x10000xi32, #tpu.memory_space<hbm>> -> memref<1x10000xi32, #tpu.memory_space<hbm>>
      %dma_start3A_89 = tpu.memref_squeeze %dma_start3A_88 : memref<1x10000xi32, #tpu.memory_space<hbm>> -> memref<10000xi32, #tpu.memory_space<hbm>>
      tpu.enqueue_dma source(%dma_start3A_89 : memref<10000xi32, #tpu.memory_space<hbm>>) target(%arg7 : memref<10000xi32, #tpu.memory_space<vmem>>) target_semaphore(%run_scoped3A_83 : memref<!tpu.dma_semaphore, #tpu.memory_space<semaphore_mem>>)
      %dma_wait3A = arith.constant 0 : i32
      %dma_wait3A_90 = tpu.memref_slice %arg3[%mul3A_52, %dma_wait3A] : memref<16x10000xi32, #tpu.memory_space<hbm>> -> memref<1x10000xi32, #tpu.memory_space<hbm>>
      %dma_wait3A_91 = tpu.memref_squeeze %dma_wait3A_90 : memref<1x10000xi32, #tpu.memory_space<hbm>> -> memref<10000xi32, #tpu.memory_space<hbm>>
      %dma_wait3A_92 = arith.constant 0 : i32
      %dma_wait3A_93 = tpu.memref_slice %arg3[%mul3A_52, %dma_wait3A_92] : memref<16x10000xi32, #tpu.memory_space<hbm>> -> memref<1x10000xi32, #tpu.memory_space<hbm>>
      %dma_wait3A_94 = tpu.memref_squeeze %dma_wait3A_93 : memref<1x10000xi32, #tpu.memory_space<hbm>> -> memref<10000xi32, #tpu.memory_space<hbm>>
      tpu.wait_dma2 semaphore(%run_scoped3A_83 : memref<!tpu.dma_semaphore, #tpu.memory_space<semaphore_mem>>) src(%dma_wait3A_94 : memref<10000xi32, #tpu.memory_space<hbm>>) dst(%arg7 : memref<10000xi32, #tpu.memory_space<vmem>>)
      tpu.yield
    }) : () -> ()
    %mul3A_53 = arith.constant 2 : i32
    %mul3A_54 = arith.muli %mul3A_53, %select_n3A_9 : i32
    %add3A_55 = arith.constant 1 : i32
    %add3A_56 = arith.addi %mul3A_54, %add3A_55 : i32
    "tpu.region"() ({
      %run_scoped3A_83 = tpu.sem_alloc : memref<!tpu.dma_semaphore, #tpu.memory_space<semaphore_mem>>
      %dma_start3A_84 = arith.constant 0 : i32
      %dma_start3A_85 = tpu.memref_slice %arg3[%add3A_56, %dma_start3A_84] : memref<16x10000xi32, #tpu.memory_space<hbm>> -> memref<1x10000xi32, #tpu.memory_space<hbm>>
      %dma_start3A_86 = tpu.memref_squeeze %dma_start3A_85 : memref<1x10000xi32, #tpu.memory_space<hbm>> -> memref<10000xi32, #tpu.memory_space<hbm>>
      %dma_start3A_87 = arith.constant 0 : i32
      %dma_start3A_88 = tpu.memref_slice %arg3[%add3A_56, %dma_start3A_87] : memref<16x10000xi32, #tpu.memory_space<hbm>> -> memref<1x10000xi32, #tpu.memory_space<hbm>>
      %dma_start3A_89 = tpu.memref_squeeze %dma_start3A_88 : memref<1x10000xi32, #tpu.memory_space<hbm>> -> memref<10000xi32, #tpu.memory_space<hbm>>
      tpu.enqueue_dma source(%dma_start3A_89 : memref<10000xi32, #tpu.memory_space<hbm>>) target(%arg8 : memref<10000xi32, #tpu.memory_space<vmem>>) target_semaphore(%run_scoped3A_83 : memref<!tpu.dma_semaphore, #tpu.memory_space<semaphore_mem>>)
      %dma_wait3A = arith.constant 0 : i32
      %dma_wait3A_90 = tpu.memref_slice %arg3[%add3A_56, %dma_wait3A] : memref<16x10000xi32, #tpu.memory_space<hbm>> -> memref<1x10000xi32, #tpu.memory_space<hbm>>
      %dma_wait3A_91 = tpu.memref_squeeze %dma_wait3A_90 : memref<1x10000xi32, #tpu.memory_space<hbm>> -> memref<10000xi32, #tpu.memory_space<hbm>>
      %dma_wait3A_92 = arith.constant 0 : i32
      %dma_wait3A_93 = tpu.memref_slice %arg3[%add3A_56, %dma_wait3A_92] : memref<16x10000xi32, #tpu.memory_space<hbm>> -> memref<1x10000xi32, #tpu.memory_space<hbm>>
      %dma_wait3A_94 = tpu.memref_squeeze %dma_wait3A_93 : memref<1x10000xi32, #tpu.memory_space<hbm>> -> memref<10000xi32, #tpu.memory_space<hbm>>
      tpu.wait_dma2 semaphore(%run_scoped3A_83 : memref<!tpu.dma_semaphore, #tpu.memory_space<semaphore_mem>>) src(%dma_wait3A_94 : memref<10000xi32, #tpu.memory_space<hbm>>) dst(%arg8 : memref<10000xi32, #tpu.memory_space<vmem>>)
      tpu.yield
    }) : () -> ()
    %run_scoped3A = arith.constant 0 : i32
    "tpu.region"() ({
      %run_scoped3A_83 = tpu.sem_alloc : memref<!tpu.dma_semaphore, #tpu.memory_space<semaphore_mem>>
      %dma_start3A_84 = arith.constant 0 : i32
      %dma_start3A_85 = tpu.memref_slice %arg4[%run_scoped3A, %dma_start3A_84] : memref<2x10000xf32, #tpu.memory_space<hbm>> -> memref<1x10000xf32, #tpu.memory_space<hbm>>
      %dma_start3A_86 = tpu.memref_squeeze %dma_start3A_85 : memref<1x10000xf32, #tpu.memory_space<hbm>> -> memref<10000xf32, #tpu.memory_space<hbm>>
      %dma_start3A_87 = arith.constant 0 : i32
      %dma_start3A_88 = tpu.memref_slice %arg4[%run_scoped3A, %dma_start3A_87] : memref<2x10000xf32, #tpu.memory_space<hbm>> -> memref<1x10000xf32, #tpu.memory_space<hbm>>
      %dma_start3A_89 = tpu.memref_squeeze %dma_start3A_88 : memref<1x10000xf32, #tpu.memory_space<hbm>> -> memref<10000xf32, #tpu.memory_space<hbm>>
      tpu.enqueue_dma source(%dma_start3A_89 : memref<10000xf32, #tpu.memory_space<hbm>>) target(%arg13 : memref<10000xf32, #tpu.memory_space<vmem>>) target_semaphore(%run_scoped3A_83 : memref<!tpu.dma_semaphore, #tpu.memory_space<semaphore_mem>>)
      %dma_wait3A = arith.constant 0 : i32
      %dma_wait3A_90 = tpu.memref_slice %arg4[%run_scoped3A, %dma_wait3A] : memref<2x10000xf32, #tpu.memory_space<hbm>> -> memref<1x10000xf32, #tpu.memory_space<hbm>>
      %dma_wait3A_91 = tpu.memref_squeeze %dma_wait3A_90 : memref<1x10000xf32, #tpu.memory_space<hbm>> -> memref<10000xf32, #tpu.memory_space<hbm>>
      %dma_wait3A_92 = arith.constant 0 : i32
      %dma_wait3A_93 = tpu.memref_slice %arg4[%run_scoped3A, %dma_wait3A_92] : memref<2x10000xf32, #tpu.memory_space<hbm>> -> memref<1x10000xf32, #tpu.memory_space<hbm>>
      %dma_wait3A_94 = tpu.memref_squeeze %dma_wait3A_93 : memref<1x10000xf32, #tpu.memory_space<hbm>> -> memref<10000xf32, #tpu.memory_space<hbm>>
      tpu.wait_dma2 semaphore(%run_scoped3A_83 : memref<!tpu.dma_semaphore, #tpu.memory_space<semaphore_mem>>) src(%dma_wait3A_94 : memref<10000xf32, #tpu.memory_space<hbm>>) dst(%arg13 : memref<10000xf32, #tpu.memory_space<vmem>>)
      tpu.yield
    }) : () -> ()
    %run_scoped3A_57 = arith.constant 1 : i32
    "tpu.region"() ({
      %run_scoped3A_83 = tpu.sem_alloc : memref<!tpu.dma_semaphore, #tpu.memory_space<semaphore_mem>>
      %dma_start3A_84 = arith.constant 0 : i32
      %dma_start3A_85 = tpu.memref_slice %arg4[%run_scoped3A_57, %dma_start3A_84] : memref<2x10000xf32, #tpu.memory_space<hbm>> -> memref<1x10000xf32, #tpu.memory_space<hbm>>
      %dma_start3A_86 = tpu.memref_squeeze %dma_start3A_85 : memref<1x10000xf32, #tpu.memory_space<hbm>> -> memref<10000xf32, #tpu.memory_space<hbm>>
      %dma_start3A_87 = arith.constant 0 : i32
      %dma_start3A_88 = tpu.memref_slice %arg4[%run_scoped3A_57, %dma_start3A_87] : memref<2x10000xf32, #tpu.memory_space<hbm>> -> memref<1x10000xf32, #tpu.memory_space<hbm>>
      %dma_start3A_89 = tpu.memref_squeeze %dma_start3A_88 : memref<1x10000xf32, #tpu.memory_space<hbm>> -> memref<10000xf32, #tpu.memory_space<hbm>>
      tpu.enqueue_dma source(%dma_start3A_89 : memref<10000xf32, #tpu.memory_space<hbm>>) target(%arg14 : memref<10000xf32, #tpu.memory_space<vmem>>) target_semaphore(%run_scoped3A_83 : memref<!tpu.dma_semaphore, #tpu.memory_space<semaphore_mem>>)
      %dma_wait3A = arith.constant 0 : i32
      %dma_wait3A_90 = tpu.memref_slice %arg4[%run_scoped3A_57, %dma_wait3A] : memref<2x10000xf32, #tpu.memory_space<hbm>> -> memref<1x10000xf32, #tpu.memory_space<hbm>>
      %dma_wait3A_91 = tpu.memref_squeeze %dma_wait3A_90 : memref<1x10000xf32, #tpu.memory_space<hbm>> -> memref<10000xf32, #tpu.memory_space<hbm>>
      %dma_wait3A_92 = arith.constant 0 : i32
      %dma_wait3A_93 = tpu.memref_slice %arg4[%run_scoped3A_57, %dma_wait3A_92] : memref<2x10000xf32, #tpu.memory_space<hbm>> -> memref<1x10000xf32, #tpu.memory_space<hbm>>
      %dma_wait3A_94 = tpu.memref_squeeze %dma_wait3A_93 : memref<1x10000xf32, #tpu.memory_space<hbm>> -> memref<10000xf32, #tpu.memory_space<hbm>>
      tpu.wait_dma2 semaphore(%run_scoped3A_83 : memref<!tpu.dma_semaphore, #tpu.memory_space<semaphore_mem>>) src(%dma_wait3A_94 : memref<10000xf32, #tpu.memory_space<hbm>>) dst(%arg14 : memref<10000xf32, #tpu.memory_space<vmem>>)
      tpu.yield
    }) : () -> ()
    %scan3A = arith.constant 0 : i32
    %scan3A_58 = arith.constant 0 : i32
    %scan3A_59 = arith.constant 10 : i32
    %scan3A_60 = arith.addi %scan3A_58, %scan3A_59 : i32
    %scan3A_61 = arith.constant 1 : i32
    %scan3A_62 = scf.for %scan3A_83 = %scan3A_58 to %scan3A_60 step %scan3A_61 iter_args(%scan3A_84 = %scan3A) -> (i32)  : i32 {
      %mul3A_85 = arith.constant 2 : i32
      %mul3A_86 = arith.muli %mul3A_85, %scan3A_83 : i32
      %dma_wait3A = arith.constant 0 : i32
      %dma_wait3A_87 = tpu.memref_slice %arg2[%dma_wait3A] : memref<640000xi32, #tpu.memory_space<hbm>> -> memref<4000xi32, #tpu.memory_space<hbm>>
      %dma_wait3A_88 = arith.constant 0 : i32
      %dma_wait3A_89 = tpu.memref_slice %arg2[%dma_wait3A_88] : memref<640000xi32, #tpu.memory_space<hbm>> -> memref<4000xi32, #tpu.memory_space<hbm>>
      tpu.wait_dma2 semaphore(%arg20 : memref<!tpu.dma_semaphore, #tpu.memory_space<semaphore_mem>>) src(%dma_wait3A_89 : memref<4000xi32, #tpu.memory_space<hbm>>) dst(%arg16 : memref<4000xi32, #tpu.memory_space<vmem>>)
      %dma_wait3A_90 = arith.constant 0 : i32
      %dma_wait3A_91 = tpu.memref_slice %arg2[%dma_wait3A_90] : memref<640000xi32, #tpu.memory_space<hbm>> -> memref<4000xi32, #tpu.memory_space<hbm>>
      %dma_wait3A_92 = arith.constant 0 : i32
      %dma_wait3A_93 = tpu.memref_slice %arg2[%dma_wait3A_92] : memref<640000xi32, #tpu.memory_space<hbm>> -> memref<4000xi32, #tpu.memory_space<hbm>>
      tpu.wait_dma2 semaphore(%arg21 : memref<!tpu.dma_semaphore, #tpu.memory_space<semaphore_mem>>) src(%dma_wait3A_93 : memref<4000xi32, #tpu.memory_space<hbm>>) dst(%arg17 : memref<4000xi32, #tpu.memory_space<vmem>>)
      %parallel_loop3A_94 = arith.constant 0 : i32
      %parallel_loop3A_95 = arith.constant 250 : i32
      %parallel_loop3A_96 = arith.constant 1 : i32
      scf.for %parallel_loop3A_123 = %parallel_loop3A_94 to %parallel_loop3A_95 step %parallel_loop3A_96  : i32 {
        %parallel_loop3A_124 = arith.constant 16 : i32
        %parallel_loop3A_125 = arith.muli %parallel_loop3A_123, %parallel_loop3A_124 : i32
        %parallel_loop3A_126 = arith.index_cast %parallel_loop3A_125 : i32 to index
        %parallel_loop3A_127 = tpu.vector_load %arg16[%parallel_loop3A_126] {strides = array<i32>} : memref<4000xi32, #tpu.memory_space<vmem>>, vector<16xi32>,
        %parallel_loop3A_128 = arith.constant 16 : i32
        %parallel_loop3A_129 = arith.muli %parallel_loop3A_123, %parallel_loop3A_128 : i32
        %parallel_loop3A_130 = arith.index_cast %parallel_loop3A_129 : i32 to index
        %parallel_loop3A_131 = tpu.vector_load %arg17[%parallel_loop3A_130] {strides = array<i32>} : memref<4000xi32, #tpu.memory_space<vmem>>, vector<16xi32>,
        %parallel_loop3A_132 = tpu.vector_load_idx %arg13[%parallel_loop3A_127] : memref<10000xf32, #tpu.memory_space<vmem>>[vector<16xi32>], vector<16xf32>,
        %parallel_loop3A_133 = tpu.vector_load_idx %arg14[%parallel_loop3A_131] : memref<10000xf32, #tpu.memory_space<vmem>>[vector<16xi32>], vector<16xf32>,
        %parallel_loop3A_134 = arith.addf %parallel_loop3A_132, %parallel_loop3A_133 : vector<16xf32>
        %parallel_loop3A_135 = arith.constant 2.000000e-01 : f32
        %parallel_loop3A_136 = vector.broadcast %parallel_loop3A_135 : f32 to vector<16xf32>
        %parallel_loop3A_137 = arith.mulf %parallel_loop3A_136, %parallel_loop3A_134 : vector<16xf32>
        %parallel_loop3A_138 = arith.maximumf %parallel_loop3A_134, %parallel_loop3A_137 : vector<16xf32>
        %parallel_loop3A_139 = math.exp %parallel_loop3A_138 : vector<16xf32>
        %parallel_loop3A_140 = tpu.vector_load_idx %arg7[%parallel_loop3A_127] : memref<10000xi32, #tpu.memory_space<vmem>>[vector<16xi32>], vector<16xi32>,
        %parallel_loop3A_141 = arith.constant 16 : i32
        %parallel_loop3A_142 = vector.broadcast %parallel_loop3A_141 : i32 to vector<16xi32>
        %parallel_loop3A_143 = arith.shli %parallel_loop3A_140, %parallel_loop3A_142 : vector<16xi32>
        %parallel_loop3A_144 = vector.bitcast %parallel_loop3A_143 : vector<16xi32> to vector<16xf32>
        %parallel_loop3A_145 = arith.constant -65536 : i32
        %parallel_loop3A_146 = vector.broadcast %parallel_loop3A_145 : i32 to vector<16xi32>
        %parallel_loop3A_147 = arith.andi %parallel_loop3A_140, %parallel_loop3A_146 : vector<16xi32>
        %parallel_loop3A_148 = vector.bitcast %parallel_loop3A_147 : vector<16xi32> to vector<16xf32>
        %parallel_loop3A_149 = arith.mulf %parallel_loop3A_144, %parallel_loop3A_139 : vector<16xf32>
        tpu.vector_store_idx %arg9[%parallel_loop3A_131], %parallel_loop3A_149 {add = true} : memref<10000xf32, #tpu.memory_space<vmem>>[vector<16xi32>], vector<16xf32>,
        %parallel_loop3A_150 = arith.mulf %parallel_loop3A_148, %parallel_loop3A_139 : vector<16xf32>
        tpu.vector_store_idx %arg10[%parallel_loop3A_131], %parallel_loop3A_150 {add = true} : memref<10000xf32, #tpu.memory_space<vmem>>[vector<16xi32>], vector<16xf32>,
        %parallel_loop3A_151 = tpu.vector_load_idx %arg8[%parallel_loop3A_127] : memref<10000xi32, #tpu.memory_space<vmem>>[vector<16xi32>], vector<16xi32>,
        %parallel_loop3A_152 = arith.constant 16 : i32
        %parallel_loop3A_153 = vector.broadcast %parallel_loop3A_152 : i32 to vector<16xi32>
        %parallel_loop3A_154 = arith.shli %parallel_loop3A_151, %parallel_loop3A_153 : vector<16xi32>
        %parallel_loop3A_155 = vector.bitcast %parallel_loop3A_154 : vector<16xi32> to vector<16xf32>
        %parallel_loop3A_156 = arith.constant -65536 : i32
        %parallel_loop3A_157 = vector.broadcast %parallel_loop3A_156 : i32 to vector<16xi32>
        %parallel_loop3A_158 = arith.andi %parallel_loop3A_151, %parallel_loop3A_157 : vector<16xi32>
        %parallel_loop3A_159 = vector.bitcast %parallel_loop3A_158 : vector<16xi32> to vector<16xf32>
        %parallel_loop3A_160 = arith.mulf %parallel_loop3A_155, %parallel_loop3A_139 : vector<16xf32>
        tpu.vector_store_idx %arg11[%parallel_loop3A_131], %parallel_loop3A_160 {add = true} : memref<10000xf32, #tpu.memory_space<vmem>>[vector<16xi32>], vector<16xf32>,
        %parallel_loop3A_161 = arith.mulf %parallel_loop3A_159, %parallel_loop3A_139 : vector<16xf32>
        tpu.vector_store_idx %arg12[%parallel_loop3A_131], %parallel_loop3A_161 {add = true} : memref<10000xf32, #tpu.memory_space<vmem>>[vector<16xi32>], vector<16xf32>,
        tpu.vector_store_idx %arg15[%parallel_loop3A_131], %parallel_loop3A_139 {add = true} : memref<10000xf32, #tpu.memory_space<vmem>>[vector<16xi32>], vector<16xf32>,
      } {sc.loop_unroll_factor = 2 : i64, sc.parallel_access}
      %add3A_97 = arith.constant 2 : i32
      %add3A_98 = arith.addi %mul3A_86, %add3A_97 : i32
      %lt3A_99 = arith.constant 20 : i32
      %lt3A_100 = arith.cmpi slt, %add3A_98, %lt3A_99 : i32
      %convert_element_type3A_101 = arith.extui %lt3A_100 : i1 to i32
      %cond3A_102 = arith.constant 0 : i32
      %cond3A_103 = arith.cmpi ne, %convert_element_type3A_101, %cond3A_102 : i32
      scf.if %cond3A_103 {
        %add3A_123 = arith.constant 2 : i32
        %add3A_124 = arith.addi %mul3A_86, %add3A_123 : i32
        %mul3A_125 = arith.constant 4000 : i32
        %mul3A_126 = arith.muli %add3A_124, %mul3A_125 : i32
        %add3A_127 = arith.addi %mul3A_35, %mul3A_126 : i32
        %dma_start3A_128 = tpu.memref_slice %arg2[%add3A_127] : memref<640000xi32, #tpu.memory_space<hbm>> -> memref<4000xi32, #tpu.memory_space<hbm>>
        %dma_start3A_129 = tpu.memref_slice %arg2[%add3A_127] : memref<640000xi32, #tpu.memory_space<hbm>> -> memref<4000xi32, #tpu.memory_space<hbm>>
        tpu.enqueue_dma source(%dma_start3A_129 : memref<4000xi32, #tpu.memory_space<hbm>>) target(%arg16 : memref<4000xi32, #tpu.memory_space<vmem>>) target_semaphore(%arg20 : memref<!tpu.dma_semaphore, #tpu.memory_space<semaphore_mem>>)
        %add3A_130 = arith.constant 320000 : i32
        %add3A_131 = arith.addi %add3A_130, %add3A_127 : i32
        %dma_start3A_132 = tpu.memref_slice %arg2[%add3A_131] : memref<640000xi32, #tpu.memory_space<hbm>> -> memref<4000xi32, #tpu.memory_space<hbm>>
        %dma_start3A_133 = tpu.memref_slice %arg2[%add3A_131] : memref<640000xi32, #tpu.memory_space<hbm>> -> memref<4000xi32, #tpu.memory_space<hbm>>
        tpu.enqueue_dma source(%dma_start3A_133 : memref<4000xi32, #tpu.memory_space<hbm>>) target(%arg17 : memref<4000xi32, #tpu.memory_space<vmem>>) target_semaphore(%arg21 : memref<!tpu.dma_semaphore, #tpu.memory_space<semaphore_mem>>)
      } else {
      }
      %dma_wait3A_104 = arith.constant 0 : i32
      %dma_wait3A_105 = tpu.memref_slice %arg2[%dma_wait3A_104] : memref<640000xi32, #tpu.memory_space<hbm>> -> memref<4000xi32, #tpu.memory_space<hbm>>
      %dma_wait3A_106 = arith.constant 0 : i32
      %dma_wait3A_107 = tpu.memref_slice %arg2[%dma_wait3A_106] : memref<640000xi32, #tpu.memory_space<hbm>> -> memref<4000xi32, #tpu.memory_space<hbm>>
      tpu.wait_dma2 semaphore(%arg22 : memref<!tpu.dma_semaphore, #tpu.memory_space<semaphore_mem>>) src(%dma_wait3A_107 : memref<4000xi32, #tpu.memory_space<hbm>>) dst(%arg18 : memref<4000xi32, #tpu.memory_space<vmem>>)
      %dma_wait3A_108 = arith.constant 0 : i32
      %dma_wait3A_109 = tpu.memref_slice %arg2[%dma_wait3A_108] : memref<640000xi32, #tpu.memory_space<hbm>> -> memref<4000xi32, #tpu.memory_space<hbm>>
      %dma_wait3A_110 = arith.constant 0 : i32
      %dma_wait3A_111 = tpu.memref_slice %arg2[%dma_wait3A_110] : memref<640000xi32, #tpu.memory_space<hbm>> -> memref<4000xi32, #tpu.memory_space<hbm>>
      tpu.wait_dma2 semaphore(%arg23 : memref<!tpu.dma_semaphore, #tpu.memory_space<semaphore_mem>>) src(%dma_wait3A_111 : memref<4000xi32, #tpu.memory_space<hbm>>) dst(%arg19 : memref<4000xi32, #tpu.memory_space<vmem>>)
      %parallel_loop3A_112 = arith.constant 0 : i32
      %parallel_loop3A_113 = arith.constant 250 : i32
      %parallel_loop3A_114 = arith.constant 1 : i32
      scf.for %parallel_loop3A_123 = %parallel_loop3A_112 to %parallel_loop3A_113 step %parallel_loop3A_114  : i32 {
        %parallel_loop3A_124 = arith.constant 16 : i32
        %parallel_loop3A_125 = arith.muli %parallel_loop3A_123, %parallel_loop3A_124 : i32
        %parallel_loop3A_126 = arith.index_cast %parallel_loop3A_125 : i32 to index
        %parallel_loop3A_127 = tpu.vector_load %arg18[%parallel_loop3A_126] {strides = array<i32>} : memref<4000xi32, #tpu.memory_space<vmem>>, vector<16xi32>,
        %parallel_loop3A_128 = arith.constant 16 : i32
        %parallel_loop3A_129 = arith.muli %parallel_loop3A_123, %parallel_loop3A_128 : i32
        %parallel_loop3A_130 = arith.index_cast %parallel_loop3A_129 : i32 to index
        %parallel_loop3A_131 = tpu.vector_load %arg19[%parallel_loop3A_130] {strides = array<i32>} : memref<4000xi32, #tpu.memory_space<vmem>>, vector<16xi32>,
        %parallel_loop3A_132 = tpu.vector_load_idx %arg13[%parallel_loop3A_127] : memref<10000xf32, #tpu.memory_space<vmem>>[vector<16xi32>], vector<16xf32>,
        %parallel_loop3A_133 = tpu.vector_load_idx %arg14[%parallel_loop3A_131] : memref<10000xf32, #tpu.memory_space<vmem>>[vector<16xi32>], vector<16xf32>,
        %parallel_loop3A_134 = arith.addf %parallel_loop3A_132, %parallel_loop3A_133 : vector<16xf32>
        %parallel_loop3A_135 = arith.constant 2.000000e-01 : f32
        %parallel_loop3A_136 = vector.broadcast %parallel_loop3A_135 : f32 to vector<16xf32>
        %parallel_loop3A_137 = arith.mulf %parallel_loop3A_136, %parallel_loop3A_134 : vector<16xf32>
        %parallel_loop3A_138 = arith.maximumf %parallel_loop3A_134, %parallel_loop3A_137 : vector<16xf32>
        %parallel_loop3A_139 = math.exp %parallel_loop3A_138 : vector<16xf32>
        %parallel_loop3A_140 = tpu.vector_load_idx %arg7[%parallel_loop3A_127] : memref<10000xi32, #tpu.memory_space<vmem>>[vector<16xi32>], vector<16xi32>,
        %parallel_loop3A_141 = arith.constant 16 : i32
        %parallel_loop3A_142 = vector.broadcast %parallel_loop3A_141 : i32 to vector<16xi32>
        %parallel_loop3A_143 = arith.shli %parallel_loop3A_140, %parallel_loop3A_142 : vector<16xi32>
        %parallel_loop3A_144 = vector.bitcast %parallel_loop3A_143 : vector<16xi32> to vector<16xf32>
        %parallel_loop3A_145 = arith.constant -65536 : i32
        %parallel_loop3A_146 = vector.broadcast %parallel_loop3A_145 : i32 to vector<16xi32>
        %parallel_loop3A_147 = arith.andi %parallel_loop3A_140, %parallel_loop3A_146 : vector<16xi32>
        %parallel_loop3A_148 = vector.bitcast %parallel_loop3A_147 : vector<16xi32> to vector<16xf32>
        %parallel_loop3A_149 = arith.mulf %parallel_loop3A_144, %parallel_loop3A_139 : vector<16xf32>
        tpu.vector_store_idx %arg9[%parallel_loop3A_131], %parallel_loop3A_149 {add = true} : memref<10000xf32, #tpu.memory_space<vmem>>[vector<16xi32>], vector<16xf32>,
        %parallel_loop3A_150 = arith.mulf %parallel_loop3A_148, %parallel_loop3A_139 : vector<16xf32>
        tpu.vector_store_idx %arg10[%parallel_loop3A_131], %parallel_loop3A_150 {add = true} : memref<10000xf32, #tpu.memory_space<vmem>>[vector<16xi32>], vector<16xf32>,
        %parallel_loop3A_151 = tpu.vector_load_idx %arg8[%parallel_loop3A_127] : memref<10000xi32, #tpu.memory_space<vmem>>[vector<16xi32>], vector<16xi32>,
        %parallel_loop3A_152 = arith.constant 16 : i32
        %parallel_loop3A_153 = vector.broadcast %parallel_loop3A_152 : i32 to vector<16xi32>
        %parallel_loop3A_154 = arith.shli %parallel_loop3A_151, %parallel_loop3A_153 : vector<16xi32>
        %parallel_loop3A_155 = vector.bitcast %parallel_loop3A_154 : vector<16xi32> to vector<16xf32>
        %parallel_loop3A_156 = arith.constant -65536 : i32
        %parallel_loop3A_157 = vector.broadcast %parallel_loop3A_156 : i32 to vector<16xi32>
        %parallel_loop3A_158 = arith.andi %parallel_loop3A_151, %parallel_loop3A_157 : vector<16xi32>
        %parallel_loop3A_159 = vector.bitcast %parallel_loop3A_158 : vector<16xi32> to vector<16xf32>
        %parallel_loop3A_160 = arith.mulf %parallel_loop3A_155, %parallel_loop3A_139 : vector<16xf32>
        tpu.vector_store_idx %arg11[%parallel_loop3A_131], %parallel_loop3A_160 {add = true} : memref<10000xf32, #tpu.memory_space<vmem>>[vector<16xi32>], vector<16xf32>,
        %parallel_loop3A_161 = arith.mulf %parallel_loop3A_159, %parallel_loop3A_139 : vector<16xf32>
        tpu.vector_store_idx %arg12[%parallel_loop3A_131], %parallel_loop3A_161 {add = true} : memref<10000xf32, #tpu.memory_space<vmem>>[vector<16xi32>], vector<16xf32>,
        tpu.vector_store_idx %arg15[%parallel_loop3A_131], %parallel_loop3A_139 {add = true} : memref<10000xf32, #tpu.memory_space<vmem>>[vector<16xi32>], vector<16xf32>,
      } {sc.loop_unroll_factor = 2 : i64, sc.parallel_access}
      %add3A_115 = arith.constant 3 : i32
      %add3A_116 = arith.addi %mul3A_86, %add3A_115 : i32
      %lt3A_117 = arith.constant 20 : i32
      %lt3A_118 = arith.cmpi slt, %add3A_116, %lt3A_117 : i32
      %convert_element_type3A_119 = arith.extui %lt3A_118 : i1 to i32
      %cond3A_120 = arith.constant 0 : i32
      %cond3A_121 = arith.cmpi ne, %convert_element_type3A_119, %cond3A_120 : i32
      scf.if %cond3A_121 {
        %add3A_123 = arith.constant 3 : i32
        %add3A_124 = arith.addi %mul3A_86, %add3A_123 : i32
        %mul3A_125 = arith.constant 4000 : i32
        %mul3A_126 = arith.muli %add3A_124, %mul3A_125 : i32
        %add3A_127 = arith.addi %mul3A_35, %mul3A_126 : i32
        %dma_start3A_128 = tpu.memref_slice %arg2[%add3A_127] : memref<640000xi32, #tpu.memory_space<hbm>> -> memref<4000xi32, #tpu.memory_space<hbm>>
        %dma_start3A_129 = tpu.memref_slice %arg2[%add3A_127] : memref<640000xi32, #tpu.memory_space<hbm>> -> memref<4000xi32, #tpu.memory_space<hbm>>
        tpu.enqueue_dma source(%dma_start3A_129 : memref<4000xi32, #tpu.memory_space<hbm>>) target(%arg18 : memref<4000xi32, #tpu.memory_space<vmem>>) target_semaphore(%arg22 : memref<!tpu.dma_semaphore, #tpu.memory_space<semaphore_mem>>)
        %add3A_130 = arith.constant 320000 : i32
        %add3A_131 = arith.addi %add3A_130, %add3A_127 : i32
        %dma_start3A_132 = tpu.memref_slice %arg2[%add3A_131] : memref<640000xi32, #tpu.memory_space<hbm>> -> memref<4000xi32, #tpu.memory_space<hbm>>
        %dma_start3A_133 = tpu.memref_slice %arg2[%add3A_131] : memref<640000xi32, #tpu.memory_space<hbm>> -> memref<4000xi32, #tpu.memory_space<hbm>>
        tpu.enqueue_dma source(%dma_start3A_133 : memref<4000xi32, #tpu.memory_space<hbm>>) target(%arg19 : memref<4000xi32, #tpu.memory_space<vmem>>) target_semaphore(%arg23 : memref<!tpu.dma_semaphore, #tpu.memory_space<semaphore_mem>>)
      } else {
      }
      %scan3A_122 = arith.constant 0 : i32
      scf.yield %scan3A_122 : i32
    }
    %scan3A_63 = arith.constant 10 : i32
    %mul3A_64 = arith.constant 2 : i32
    %mul3A_65 = arith.muli %mul3A_64, %select_n3A_9 : i32
    "tpu.region"() ({
      %run_scoped3A_83 = tpu.sem_alloc : memref<!tpu.dma_semaphore, #tpu.memory_space<semaphore_mem>>
      %dma_start3A_84 = arith.constant 0 : i32
      %dma_start3A_85 = tpu.memref_slice %arg5[%select_n3A_30, %mul3A_65, %dma_start3A_84] : memref<4x32x10000xf32, #tpu.memory_space<hbm>> -> memref<1x1x10000xf32, #tpu.memory_space<hbm>>
      %dma_start3A_86 = tpu.memref_squeeze %dma_start3A_85 : memref<1x1x10000xf32, #tpu.memory_space<hbm>> -> memref<10000xf32, #tpu.memory_space<hbm>>
      %dma_start3A_87 = arith.constant 0 : i32
      %dma_start3A_88 = tpu.memref_slice %arg5[%select_n3A_30, %mul3A_65, %dma_start3A_87] : memref<4x32x10000xf32, #tpu.memory_space<hbm>> -> memref<1x1x10000xf32, #tpu.memory_space<hbm>>
      %dma_start3A_89 = tpu.memref_squeeze %dma_start3A_88 : memref<1x1x10000xf32, #tpu.memory_space<hbm>> -> memref<10000xf32, #tpu.memory_space<hbm>>
      tpu.enqueue_dma source(%arg9 : memref<10000xf32, #tpu.memory_space<vmem>>) target(%dma_start3A_89 : memref<10000xf32, #tpu.memory_space<hbm>>) target_semaphore(%run_scoped3A_83 : memref<!tpu.dma_semaphore, #tpu.memory_space<semaphore_mem>>)
      %dma_wait3A = arith.constant 0 : i32
      %dma_wait3A_90 = tpu.memref_slice %arg5[%select_n3A_30, %mul3A_65, %dma_wait3A] : memref<4x32x10000xf32, #tpu.memory_space<hbm>> -> memref<1x1x10000xf32, #tpu.memory_space<hbm>>
      %dma_wait3A_91 = tpu.memref_squeeze %dma_wait3A_90 : memref<1x1x10000xf32, #tpu.memory_space<hbm>> -> memref<10000xf32, #tpu.memory_space<hbm>>
      %dma_wait3A_92 = arith.constant 0 : i32
      %dma_wait3A_93 = tpu.memref_slice %arg5[%select_n3A_30, %mul3A_65, %dma_wait3A_92] : memref<4x32x10000xf32, #tpu.memory_space<hbm>> -> memref<1x1x10000xf32, #tpu.memory_space<hbm>>
      %dma_wait3A_94 = tpu.memref_squeeze %dma_wait3A_93 : memref<1x1x10000xf32, #tpu.memory_space<hbm>> -> memref<10000xf32, #tpu.memory_space<hbm>>
      tpu.wait_dma2 semaphore(%run_scoped3A_83 : memref<!tpu.dma_semaphore, #tpu.memory_space<semaphore_mem>>) src(%arg9 : memref<10000xf32, #tpu.memory_space<vmem>>) dst(%dma_wait3A_94 : memref<10000xf32, #tpu.memory_space<hbm>>)
      tpu.yield
    }) : () -> ()
    %mul3A_66 = arith.constant 2 : i32
    %mul3A_67 = arith.muli %mul3A_66, %select_n3A_9 : i32
    %add3A_68 = arith.constant 16 : i32
    %add3A_69 = arith.addi %add3A_68, %mul3A_67 : i32
    "tpu.region"() ({
      %run_scoped3A_83 = tpu.sem_alloc : memref<!tpu.dma_semaphore, #tpu.memory_space<semaphore_mem>>
      %dma_start3A_84 = arith.constant 0 : i32
      %dma_start3A_85 = tpu.memref_slice %arg5[%select_n3A_30, %add3A_69, %dma_start3A_84] : memref<4x32x10000xf32, #tpu.memory_space<hbm>> -> memref<1x1x10000xf32, #tpu.memory_space<hbm>>
      %dma_start3A_86 = tpu.memref_squeeze %dma_start3A_85 : memref<1x1x10000xf32, #tpu.memory_space<hbm>> -> memref<10000xf32, #tpu.memory_space<hbm>>
      %dma_start3A_87 = arith.constant 0 : i32
      %dma_start3A_88 = tpu.memref_slice %arg5[%select_n3A_30, %add3A_69, %dma_start3A_87] : memref<4x32x10000xf32, #tpu.memory_space<hbm>> -> memref<1x1x10000xf32, #tpu.memory_space<hbm>>
      %dma_start3A_89 = tpu.memref_squeeze %dma_start3A_88 : memref<1x1x10000xf32, #tpu.memory_space<hbm>> -> memref<10000xf32, #tpu.memory_space<hbm>>
      tpu.enqueue_dma source(%arg10 : memref<10000xf32, #tpu.memory_space<vmem>>) target(%dma_start3A_89 : memref<10000xf32, #tpu.memory_space<hbm>>) target_semaphore(%run_scoped3A_83 : memref<!tpu.dma_semaphore, #tpu.memory_space<semaphore_mem>>)
      %dma_wait3A = arith.constant 0 : i32
      %dma_wait3A_90 = tpu.memref_slice %arg5[%select_n3A_30, %add3A_69, %dma_wait3A] : memref<4x32x10000xf32, #tpu.memory_space<hbm>> -> memref<1x1x10000xf32, #tpu.memory_space<hbm>>
      %dma_wait3A_91 = tpu.memref_squeeze %dma_wait3A_90 : memref<1x1x10000xf32, #tpu.memory_space<hbm>> -> memref<10000xf32, #tpu.memory_space<hbm>>
      %dma_wait3A_92 = arith.constant 0 : i32
      %dma_wait3A_93 = tpu.memref_slice %arg5[%select_n3A_30, %add3A_69, %dma_wait3A_92] : memref<4x32x10000xf32, #tpu.memory_space<hbm>> -> memref<1x1x10000xf32, #tpu.memory_space<hbm>>
      %dma_wait3A_94 = tpu.memref_squeeze %dma_wait3A_93 : memref<1x1x10000xf32, #tpu.memory_space<hbm>> -> memref<10000xf32, #tpu.memory_space<hbm>>
      tpu.wait_dma2 semaphore(%run_scoped3A_83 : memref<!tpu.dma_semaphore, #tpu.memory_space<semaphore_mem>>) src(%arg10 : memref<10000xf32, #tpu.memory_space<vmem>>) dst(%dma_wait3A_94 : memref<10000xf32, #tpu.memory_space<hbm>>)
      tpu.yield
    }) : () -> ()
    %mul3A_70 = arith.constant 2 : i32
    %mul3A_71 = arith.muli %mul3A_70, %select_n3A_9 : i32
    %add3A_72 = arith.constant 1 : i32
    %add3A_73 = arith.addi %mul3A_71, %add3A_72 : i32
    "tpu.region"() ({
      %run_scoped3A_83 = tpu.sem_alloc : memref<!tpu.dma_semaphore, #tpu.memory_space<semaphore_mem>>
      %dma_start3A_84 = arith.constant 0 : i32
      %dma_start3A_85 = tpu.memref_slice %arg5[%select_n3A_30, %add3A_73, %dma_start3A_84] : memref<4x32x10000xf32, #tpu.memory_space<hbm>> -> memref<1x1x10000xf32, #tpu.memory_space<hbm>>
      %dma_start3A_86 = tpu.memref_squeeze %dma_start3A_85 : memref<1x1x10000xf32, #tpu.memory_space<hbm>> -> memref<10000xf32, #tpu.memory_space<hbm>>
      %dma_start3A_87 = arith.constant 0 : i32
      %dma_start3A_88 = tpu.memref_slice %arg5[%select_n3A_30, %add3A_73, %dma_start3A_87] : memref<4x32x10000xf32, #tpu.memory_space<hbm>> -> memref<1x1x10000xf32, #tpu.memory_space<hbm>>
      %dma_start3A_89 = tpu.memref_squeeze %dma_start3A_88 : memref<1x1x10000xf32, #tpu.memory_space<hbm>> -> memref<10000xf32, #tpu.memory_space<hbm>>
      tpu.enqueue_dma source(%arg11 : memref<10000xf32, #tpu.memory_space<vmem>>) target(%dma_start3A_89 : memref<10000xf32, #tpu.memory_space<hbm>>) target_semaphore(%run_scoped3A_83 : memref<!tpu.dma_semaphore, #tpu.memory_space<semaphore_mem>>)
      %dma_wait3A = arith.constant 0 : i32
      %dma_wait3A_90 = tpu.memref_slice %arg5[%select_n3A_30, %add3A_73, %dma_wait3A] : memref<4x32x10000xf32, #tpu.memory_space<hbm>> -> memref<1x1x10000xf32, #tpu.memory_space<hbm>>
      %dma_wait3A_91 = tpu.memref_squeeze %dma_wait3A_90 : memref<1x1x10000xf32, #tpu.memory_space<hbm>> -> memref<10000xf32, #tpu.memory_space<hbm>>
      %dma_wait3A_92 = arith.constant 0 : i32
      %dma_wait3A_93 = tpu.memref_slice %arg5[%select_n3A_30, %add3A_73, %dma_wait3A_92] : memref<4x32x10000xf32, #tpu.memory_space<hbm>> -> memref<1x1x10000xf32, #tpu.memory_space<hbm>>
      %dma_wait3A_94 = tpu.memref_squeeze %dma_wait3A_93 : memref<1x1x10000xf32, #tpu.memory_space<hbm>> -> memref<10000xf32, #tpu.memory_space<hbm>>
      tpu.wait_dma2 semaphore(%run_scoped3A_83 : memref<!tpu.dma_semaphore, #tpu.memory_space<semaphore_mem>>) src(%arg11 : memref<10000xf32, #tpu.memory_space<vmem>>) dst(%dma_wait3A_94 : memref<10000xf32, #tpu.memory_space<hbm>>)
      tpu.yield
    }) : () -> ()
    %mul3A_74 = arith.constant 2 : i32
    %mul3A_75 = arith.muli %mul3A_74, %select_n3A_9 : i32
    %add3A_76 = arith.constant 16 : i32
    %add3A_77 = arith.addi %add3A_76, %mul3A_75 : i32
    %add3A_78 = arith.constant 1 : i32
    %add3A_79 = arith.addi %add3A_77, %add3A_78 : i32
    "tpu.region"() ({
      %run_scoped3A_83 = tpu.sem_alloc : memref<!tpu.dma_semaphore, #tpu.memory_space<semaphore_mem>>
      %dma_start3A_84 = arith.constant 0 : i32
      %dma_start3A_85 = tpu.memref_slice %arg5[%select_n3A_30, %add3A_79, %dma_start3A_84] : memref<4x32x10000xf32, #tpu.memory_space<hbm>> -> memref<1x1x10000xf32, #tpu.memory_space<hbm>>
      %dma_start3A_86 = tpu.memref_squeeze %dma_start3A_85 : memref<1x1x10000xf32, #tpu.memory_space<hbm>> -> memref<10000xf32, #tpu.memory_space<hbm>>
      %dma_start3A_87 = arith.constant 0 : i32
      %dma_start3A_88 = tpu.memref_slice %arg5[%select_n3A_30, %add3A_79, %dma_start3A_87] : memref<4x32x10000xf32, #tpu.memory_space<hbm>> -> memref<1x1x10000xf32, #tpu.memory_space<hbm>>
      %dma_start3A_89 = tpu.memref_squeeze %dma_start3A_88 : memref<1x1x10000xf32, #tpu.memory_space<hbm>> -> memref<10000xf32, #tpu.memory_space<hbm>>
      tpu.enqueue_dma source(%arg12 : memref<10000xf32, #tpu.memory_space<vmem>>) target(%dma_start3A_89 : memref<10000xf32, #tpu.memory_space<hbm>>) target_semaphore(%run_scoped3A_83 : memref<!tpu.dma_semaphore, #tpu.memory_space<semaphore_mem>>)
      %dma_wait3A = arith.constant 0 : i32
      %dma_wait3A_90 = tpu.memref_slice %arg5[%select_n3A_30, %add3A_79, %dma_wait3A] : memref<4x32x10000xf32, #tpu.memory_space<hbm>> -> memref<1x1x10000xf32, #tpu.memory_space<hbm>>
      %dma_wait3A_91 = tpu.memref_squeeze %dma_wait3A_90 : memref<1x1x10000xf32, #tpu.memory_space<hbm>> -> memref<10000xf32, #tpu.memory_space<hbm>>
      %dma_wait3A_92 = arith.constant 0 : i32
      %dma_wait3A_93 = tpu.memref_slice %arg5[%select_n3A_30, %add3A_79, %dma_wait3A_92] : memref<4x32x10000xf32, #tpu.memory_space<hbm>> -> memref<1x1x10000xf32, #tpu.memory_space<hbm>>
      %dma_wait3A_94 = tpu.memref_squeeze %dma_wait3A_93 : memref<1x1x10000xf32, #tpu.memory_space<hbm>> -> memref<10000xf32, #tpu.memory_space<hbm>>
      tpu.wait_dma2 semaphore(%run_scoped3A_83 : memref<!tpu.dma_semaphore, #tpu.memory_space<semaphore_mem>>) src(%arg12 : memref<10000xf32, #tpu.memory_space<vmem>>) dst(%dma_wait3A_94 : memref<10000xf32, #tpu.memory_space<hbm>>)
      tpu.yield
    }) : () -> ()
    %eq3A_80 = arith.constant 0 : i32
    %eq3A_81 = arith.cmpi eq, %select_n3A_9, %eq3A_80 : i32
    %convert_element_type3A = arith.extui %eq3A_81 : i1 to i32
    %cond3A = arith.constant 0 : i32
    %cond3A_82 = arith.cmpi ne, %convert_element_type3A, %cond3A : i32
    scf.if %cond3A_82 {
      "tpu.region"() ({
        %run_scoped3A_83 = tpu.sem_alloc : memref<!tpu.dma_semaphore, #tpu.memory_space<semaphore_mem>>
        %dma_start3A_84 = arith.constant 0 : i32
        %dma_start3A_85 = tpu.memref_slice %arg6[%select_n3A_30, %dma_start3A_84] : memref<4x10000xf32, #tpu.memory_space<hbm>> -> memref<1x10000xf32, #tpu.memory_space<hbm>>
        %dma_start3A_86 = tpu.memref_squeeze %dma_start3A_85 : memref<1x10000xf32, #tpu.memory_space<hbm>> -> memref<10000xf32, #tpu.memory_space<hbm>>
        %dma_start3A_87 = arith.constant 0 : i32
        %dma_start3A_88 = tpu.memref_slice %arg6[%select_n3A_30, %dma_start3A_87] : memref<4x10000xf32, #tpu.memory_space<hbm>> -> memref<1x10000xf32, #tpu.memory_space<hbm>>
        %dma_start3A_89 = tpu.memref_squeeze %dma_start3A_88 : memref<1x10000xf32, #tpu.memory_space<hbm>> -> memref<10000xf32, #tpu.memory_space<hbm>>
        tpu.enqueue_dma source(%arg15 : memref<10000xf32, #tpu.memory_space<vmem>>) target(%dma_start3A_89 : memref<10000xf32, #tpu.memory_space<hbm>>) target_semaphore(%run_scoped3A_83 : memref<!tpu.dma_semaphore, #tpu.memory_space<semaphore_mem>>)
        %dma_wait3A = arith.constant 0 : i32
        %dma_wait3A_90 = tpu.memref_slice %arg6[%select_n3A_30, %dma_wait3A] : memref<4x10000xf32, #tpu.memory_space<hbm>> -> memref<1x10000xf32, #tpu.memory_space<hbm>>
        %dma_wait3A_91 = tpu.memref_squeeze %dma_wait3A_90 : memref<1x10000xf32, #tpu.memory_space<hbm>> -> memref<10000xf32, #tpu.memory_space<hbm>>
        %dma_wait3A_92 = arith.constant 0 : i32
        %dma_wait3A_93 = tpu.memref_slice %arg6[%select_n3A_30, %dma_wait3A_92] : memref<4x10000xf32, #tpu.memory_space<hbm>> -> memref<1x10000xf32, #tpu.memory_space<hbm>>
        %dma_wait3A_94 = tpu.memref_squeeze %dma_wait3A_93 : memref<1x10000xf32, #tpu.memory_space<hbm>> -> memref<10000xf32, #tpu.memory_space<hbm>>
        tpu.wait_dma2 semaphore(%run_scoped3A_83 : memref<!tpu.dma_semaphore, #tpu.memory_space<semaphore_mem>>) src(%arg15 : memref<10000xf32, #tpu.memory_space<vmem>>) dst(%dma_wait3A_94 : memref<10000xf32, #tpu.memory_space<hbm>>)
        tpu.yield
      }) : () -> ()
    } else {
    }
    return
  }
}

#map = affine_map<(d0, d1) -> (0)>
#map1 = affine_map<(d0, d1) -> (0, 0)>
#map2 = affine_map<(d0, d1) -> (0, 0, 0)>
module attributes {stable_mosaic.version = 14 : i64} {
  func.func @_sc_edge_body(%arg0: i32, %arg1: i32, %arg2: memref<640000xi32, #tpu.memory_space<hbm>>, %arg3: memref<16x10000xi32, #tpu.memory_space<hbm>>, %arg4: memref<2x10000xf32, #tpu.memory_space<hbm>>, %arg5: memref<4x32x10000xf32, #tpu.memory_space<hbm>>, %arg6: memref<4x10000xf32, #tpu.memory_space<hbm>>, %arg7: memref<10000xi32, #tpu.memory_space<vmem>>, %arg8: memref<10000xi32, #tpu.memory_space<vmem>>, %arg9: memref<10000xf32, #tpu.memory_space<vmem>>, %arg10: memref<10000xf32, #tpu.memory_space<vmem>>, %arg11: memref<10000xf32, #tpu.memory_space<vmem>>, %arg12: memref<10000xf32, #tpu.memory_space<vmem>>, %arg13: memref<10000xf32, #tpu.memory_space<vmem>>, %arg14: memref<10000xf32, #tpu.memory_space<vmem>>, %arg15: memref<10000xf32, #tpu.memory_space<vmem>>, %arg16: memref<4000xi32, #tpu.memory_space<vmem>>, %arg17: memref<4000xi32, #tpu.memory_space<vmem>>, %arg18: memref<4000xi32, #tpu.memory_space<vmem>>, %arg19: memref<4000xi32, #tpu.memory_space<vmem>>, %arg20: memref<!tpu.dma_semaphore, #tpu.memory_space<semaphore_mem>>, %arg21: memref<!tpu.dma_semaphore, #tpu.memory_space<semaphore_mem>>, %arg22: memref<!tpu.dma_semaphore, #tpu.memory_space<semaphore_mem>>, %arg23: memref<!tpu.dma_semaphore, #tpu.memory_space<semaphore_mem>>) attributes {dimension_semantics = [#tpu.dimension_semantics<core_parallel>, #tpu.dimension_semantics<subcore_parallel>], iteration_bounds = array<i64: 2, 16>, scalar_prefetch = 0 : i64, scratch_operands = 17 : i64, tpu.core_type = #tpu.core_type<sc_vector_subcore>, window_params = [{transform_indices = #map}, {transform_indices = #map1}, {transform_indices = #map1}, {transform_indices = #map2}, {transform_indices = #map1}]} {
    %mul3A = arith.constant 16 : i32
    %mul3A_0 = arith.muli %arg0, %mul3A : i32
    %add3A = arith.addi %mul3A_0, %arg1 : i32
    %jit3A = arith.constant 8 : i32
    %eq3A = arith.constant 0 : i32
    %eq3A_1 = arith.cmpi eq, %jit3A, %eq3A : i32
    %jit3A_2 = arith.constant 1 : i32
    %select_n3A = arith.select %eq3A_1, %jit3A_2, %jit3A : i32
    %rem3A = arith.remsi %add3A, %select_n3A : i32
    %ne3A = arith.constant 0 : i32
    %ne3A_3 = arith.cmpi ne, %rem3A, %ne3A : i32
    %lt3A = arith.constant 0 : i32
    %lt3A_4 = arith.cmpi slt, %rem3A, %lt3A : i32
    %lt3A_5 = arith.constant 0 : i32
    %lt3A_6 = arith.cmpi slt, %select_n3A, %lt3A_5 : i32
    %ne3A_7 = arith.xori %lt3A_4, %lt3A_6 : i1
    %and3A = arith.andi %ne3A_7, %ne3A_3 : i1
    %add3A_8 = arith.addi %rem3A, %select_n3A : i32
    %select_n3A_9 = arith.select %and3A, %add3A_8, %rem3A : i32
    %jit3A_10 = arith.constant 8 : i32
    %div3A = arith.divsi %add3A, %jit3A_10 : i32
    %sign3A = arith.constant 0 : i32
    %sign3A_11 = arith.cmpi sgt, %add3A, %sign3A : i32
    %sign3A_12 = arith.extui %sign3A_11 : i1 to i32
    %sign3A_13 = arith.constant 0 : i32
    %sign3A_14 = arith.cmpi slt, %add3A, %sign3A_13 : i32
    %sign3A_15 = arith.extui %sign3A_14 : i1 to i32
    %sign3A_16 = arith.subi %sign3A_12, %sign3A_15 : i32
    %sign3A_17 = arith.constant 0 : i32
    %sign3A_18 = arith.cmpi sgt, %jit3A_10, %sign3A_17 : i32
    %sign3A_19 = arith.extui %sign3A_18 : i1 to i32
    %sign3A_20 = arith.constant 0 : i32
    %sign3A_21 = arith.cmpi slt, %jit3A_10, %sign3A_20 : i32
    %sign3A_22 = arith.extui %sign3A_21 : i1 to i32
    %sign3A_23 = arith.subi %sign3A_19, %sign3A_22 : i32
    %ne3A_24 = arith.cmpi ne, %sign3A_16, %sign3A_23 : i32
    %rem3A_25 = arith.remsi %add3A, %jit3A_10 : i32
    %ne3A_26 = arith.constant 0 : i32
    %ne3A_27 = arith.cmpi ne, %rem3A_25, %ne3A_26 : i32
    %and3A_28 = arith.andi %ne3A_24, %ne3A_27 : i1
    %sub3A = arith.constant 1 : i32
    %sub3A_29 = arith.subi %div3A, %sub3A : i32
    %select_n3A_30 = arith.select %and3A_28, %sub3A_29, %div3A : i32
    %broadcast_in_dim3A = arith.constant 0.000000e+00 : f32
    %broadcast_in_dim3A_31 = vector.broadcast %broadcast_in_dim3A : f32 to vector<16xf32>
    %parallel_loop3A = arith.constant 0 : i32
    %parallel_loop3A_32 = arith.constant 625 : i32
    %parallel_loop3A_33 = arith.constant 1 : i32
    scf.for %parallel_loop3A_83 = %parallel_loop3A to %parallel_loop3A_32 step %parallel_loop3A_33  : i32 {
      %parallel_loop3A_84 = arith.constant 16 : i32
      %parallel_loop3A_85 = arith.muli %parallel_loop3A_83, %parallel_loop3A_84 : i32
      %parallel_loop3A_86 = arith.index_cast %parallel_loop3A_85 : i32 to index
      %parallel_loop3A_87 = tpu.vector_load %arg9[%parallel_loop3A_86] {strides = array<i32>} : memref<10000xf32, #tpu.memory_space<vmem>>, vector<16xf32>,
      tpu.vector_store %arg9[%parallel_loop3A_86], %broadcast_in_dim3A_31 {strides = array<i32>} : memref<10000xf32, #tpu.memory_space<vmem>>, vector<16xf32>,
      %parallel_loop3A_88 = arith.constant 16 : i32
      %parallel_loop3A_89 = arith.muli %parallel_loop3A_83, %parallel_loop3A_88 : i32
      %parallel_loop3A_90 = arith.index_cast %parallel_loop3A_89 : i32 to index
      %parallel_loop3A_91 = tpu.vector_load %arg10[%parallel_loop3A_90] {strides = array<i32>} : memref<10000xf32, #tpu.memory_space<vmem>>, vector<16xf32>,
      tpu.vector_store %arg10[%parallel_loop3A_90], %broadcast_in_dim3A_31 {strides = array<i32>} : memref<10000xf32, #tpu.memory_space<vmem>>, vector<16xf32>,
      %parallel_loop3A_92 = arith.constant 16 : i32
      %parallel_loop3A_93 = arith.muli %parallel_loop3A_83, %parallel_loop3A_92 : i32
      %parallel_loop3A_94 = arith.index_cast %parallel_loop3A_93 : i32 to index
      %parallel_loop3A_95 = tpu.vector_load %arg11[%parallel_loop3A_94] {strides = array<i32>} : memref<10000xf32, #tpu.memory_space<vmem>>, vector<16xf32>,
      tpu.vector_store %arg11[%parallel_loop3A_94], %broadcast_in_dim3A_31 {strides = array<i32>} : memref<10000xf32, #tpu.memory_space<vmem>>, vector<16xf32>,
      %parallel_loop3A_96 = arith.constant 16 : i32
      %parallel_loop3A_97 = arith.muli %parallel_loop3A_83, %parallel_loop3A_96 : i32
      %parallel_loop3A_98 = arith.index_cast %parallel_loop3A_97 : i32 to index
      %parallel_loop3A_99 = tpu.vector_load %arg12[%parallel_loop3A_98] {strides = array<i32>} : memref<10000xf32, #tpu.memory_space<vmem>>, vector<16xf32>,
      tpu.vector_store %arg12[%parallel_loop3A_98], %broadcast_in_dim3A_31 {strides = array<i32>} : memref<10000xf32, #tpu.memory_space<vmem>>, vector<16xf32>,
      %parallel_loop3A_100 = arith.constant 16 : i32
      %parallel_loop3A_101 = arith.muli %parallel_loop3A_83, %parallel_loop3A_100 : i32
      %parallel_loop3A_102 = arith.index_cast %parallel_loop3A_101 : i32 to index
      %parallel_loop3A_103 = tpu.vector_load %arg15[%parallel_loop3A_102] {strides = array<i32>} : memref<10000xf32, #tpu.memory_space<vmem>>, vector<16xf32>,
      tpu.vector_store %arg15[%parallel_loop3A_102], %broadcast_in_dim3A_31 {strides = array<i32>} : memref<10000xf32, #tpu.memory_space<vmem>>, vector<16xf32>,
    } {sc.loop_unroll_factor = 4 : i64, sc.parallel_access}
    %mul3A_34 = arith.constant 80000 : i32
    %mul3A_35 = arith.muli %select_n3A_30, %mul3A_34 : i32
    %add3A_36 = arith.constant 0 : i32
    %add3A_37 = arith.addi %mul3A_35, %add3A_36 : i32
    %dma_start3A = tpu.memref_slice %arg2[%add3A_37] : memref<640000xi32, #tpu.memory_space<hbm>> -> memref<4000xi32, #tpu.memory_space<hbm>>
    %dma_start3A_38 = tpu.memref_slice %arg2[%add3A_37] : memref<640000xi32, #tpu.memory_space<hbm>> -> memref<4000xi32, #tpu.memory_space<hbm>>
    tpu.enqueue_dma source(%dma_start3A_38 : memref<4000xi32, #tpu.memory_space<hbm>>) target(%arg16 : memref<4000xi32, #tpu.memory_space<vmem>>) target_semaphore(%arg20 : memref<!tpu.dma_semaphore, #tpu.memory_space<semaphore_mem>>)
    %add3A_39 = arith.constant 320000 : i32
    %add3A_40 = arith.addi %add3A_39, %add3A_37 : i32
    %dma_start3A_41 = tpu.memref_slice %arg2[%add3A_40] : memref<640000xi32, #tpu.memory_space<hbm>> -> memref<4000xi32, #tpu.memory_space<hbm>>
    %dma_start3A_42 = tpu.memref_slice %arg2[%add3A_40] : memref<640000xi32, #tpu.memory_space<hbm>> -> memref<4000xi32, #tpu.memory_space<hbm>>
    tpu.enqueue_dma source(%dma_start3A_42 : memref<4000xi32, #tpu.memory_space<hbm>>) target(%arg17 : memref<4000xi32, #tpu.memory_space<vmem>>) target_semaphore(%arg21 : memref<!tpu.dma_semaphore, #tpu.memory_space<semaphore_mem>>)
    %add3A_43 = arith.constant 4000 : i32
    %add3A_44 = arith.addi %mul3A_35, %add3A_43 : i32
    %dma_start3A_45 = tpu.memref_slice %arg2[%add3A_44] : memref<640000xi32, #tpu.memory_space<hbm>> -> memref<4000xi32, #tpu.memory_space<hbm>>
    %dma_start3A_46 = tpu.memref_slice %arg2[%add3A_44] : memref<640000xi32, #tpu.memory_space<hbm>> -> memref<4000xi32, #tpu.memory_space<hbm>>
    tpu.enqueue_dma source(%dma_start3A_46 : memref<4000xi32, #tpu.memory_space<hbm>>) target(%arg18 : memref<4000xi32, #tpu.memory_space<vmem>>) target_semaphore(%arg22 : memref<!tpu.dma_semaphore, #tpu.memory_space<semaphore_mem>>)
    %add3A_47 = arith.constant 320000 : i32
    %add3A_48 = arith.addi %add3A_47, %add3A_44 : i32
    %dma_start3A_49 = tpu.memref_slice %arg2[%add3A_48] : memref<640000xi32, #tpu.memory_space<hbm>> -> memref<4000xi32, #tpu.memory_space<hbm>>
    %dma_start3A_50 = tpu.memref_slice %arg2[%add3A_48] : memref<640000xi32, #tpu.memory_space<hbm>> -> memref<4000xi32, #tpu.memory_space<hbm>>
    tpu.enqueue_dma source(%dma_start3A_50 : memref<4000xi32, #tpu.memory_space<hbm>>) target(%arg19 : memref<4000xi32, #tpu.memory_space<vmem>>) target_semaphore(%arg23 : memref<!tpu.dma_semaphore, #tpu.memory_space<semaphore_mem>>)
    %mul3A_51 = arith.constant 2 : i32
    %mul3A_52 = arith.muli %mul3A_51, %select_n3A_9 : i32
    "tpu.region"() ({
      %run_scoped3A_83 = tpu.sem_alloc : memref<!tpu.dma_semaphore, #tpu.memory_space<semaphore_mem>>
      %dma_start3A_84 = arith.constant 0 : i32
      %dma_start3A_85 = tpu.memref_slice %arg3[%mul3A_52, %dma_start3A_84] : memref<16x10000xi32, #tpu.memory_space<hbm>> -> memref<1x10000xi32, #tpu.memory_space<hbm>>
      %dma_start3A_86 = tpu.memref_squeeze %dma_start3A_85 : memref<1x10000xi32, #tpu.memory_space<hbm>> -> memref<10000xi32, #tpu.memory_space<hbm>>
      %dma_start3A_87 = arith.constant 0 : i32
      %dma_start3A_88 = tpu.memref_slice %arg3[%mul3A_52, %dma_start3A_87] : memref<16x10000xi32, #tpu.memory_space<hbm>> -> memref<1x10000xi32, #tpu.memory_space<hbm>>
      %dma_start3A_89 = tpu.memref_squeeze %dma_start3A_88 : memref<1x10000xi32, #tpu.memory_space<hbm>> -> memref<10000xi32, #tpu.memory_space<hbm>>
      tpu.enqueue_dma source(%dma_start3A_89 : memref<10000xi32, #tpu.memory_space<hbm>>) target(%arg7 : memref<10000xi32, #tpu.memory_space<vmem>>) target_semaphore(%run_scoped3A_83 : memref<!tpu.dma_semaphore, #tpu.memory_space<semaphore_mem>>)
      %dma_wait3A = arith.constant 0 : i32
      %dma_wait3A_90 = tpu.memref_slice %arg3[%mul3A_52, %dma_wait3A] : memref<16x10000xi32, #tpu.memory_space<hbm>> -> memref<1x10000xi32, #tpu.memory_space<hbm>>
      %dma_wait3A_91 = tpu.memref_squeeze %dma_wait3A_90 : memref<1x10000xi32, #tpu.memory_space<hbm>> -> memref<10000xi32, #tpu.memory_space<hbm>>
      %dma_wait3A_92 = arith.constant 0 : i32
      %dma_wait3A_93 = tpu.memref_slice %arg3[%mul3A_52, %dma_wait3A_92] : memref<16x10000xi32, #tpu.memory_space<hbm>> -> memref<1x10000xi32, #tpu.memory_space<hbm>>
      %dma_wait3A_94 = tpu.memref_squeeze %dma_wait3A_93 : memref<1x10000xi32, #tpu.memory_space<hbm>> -> memref<10000xi32, #tpu.memory_space<hbm>>
      tpu.wait_dma2 semaphore(%run_scoped3A_83 : memref<!tpu.dma_semaphore, #tpu.memory_space<semaphore_mem>>) src(%dma_wait3A_94 : memref<10000xi32, #tpu.memory_space<hbm>>) dst(%arg7 : memref<10000xi32, #tpu.memory_space<vmem>>)
      tpu.yield
    }) : () -> ()
    %mul3A_53 = arith.constant 2 : i32
    %mul3A_54 = arith.muli %mul3A_53, %select_n3A_9 : i32
    %add3A_55 = arith.constant 1 : i32
    %add3A_56 = arith.addi %mul3A_54, %add3A_55 : i32
    "tpu.region"() ({
      %run_scoped3A_83 = tpu.sem_alloc : memref<!tpu.dma_semaphore, #tpu.memory_space<semaphore_mem>>
      %dma_start3A_84 = arith.constant 0 : i32
      %dma_start3A_85 = tpu.memref_slice %arg3[%add3A_56, %dma_start3A_84] : memref<16x10000xi32, #tpu.memory_space<hbm>> -> memref<1x10000xi32, #tpu.memory_space<hbm>>
      %dma_start3A_86 = tpu.memref_squeeze %dma_start3A_85 : memref<1x10000xi32, #tpu.memory_space<hbm>> -> memref<10000xi32, #tpu.memory_space<hbm>>
      %dma_start3A_87 = arith.constant 0 : i32
      %dma_start3A_88 = tpu.memref_slice %arg3[%add3A_56, %dma_start3A_87] : memref<16x10000xi32, #tpu.memory_space<hbm>> -> memref<1x10000xi32, #tpu.memory_space<hbm>>
      %dma_start3A_89 = tpu.memref_squeeze %dma_start3A_88 : memref<1x10000xi32, #tpu.memory_space<hbm>> -> memref<10000xi32, #tpu.memory_space<hbm>>
      tpu.enqueue_dma source(%dma_start3A_89 : memref<10000xi32, #tpu.memory_space<hbm>>) target(%arg8 : memref<10000xi32, #tpu.memory_space<vmem>>) target_semaphore(%run_scoped3A_83 : memref<!tpu.dma_semaphore, #tpu.memory_space<semaphore_mem>>)
      %dma_wait3A = arith.constant 0 : i32
      %dma_wait3A_90 = tpu.memref_slice %arg3[%add3A_56, %dma_wait3A] : memref<16x10000xi32, #tpu.memory_space<hbm>> -> memref<1x10000xi32, #tpu.memory_space<hbm>>
      %dma_wait3A_91 = tpu.memref_squeeze %dma_wait3A_90 : memref<1x10000xi32, #tpu.memory_space<hbm>> -> memref<10000xi32, #tpu.memory_space<hbm>>
      %dma_wait3A_92 = arith.constant 0 : i32
      %dma_wait3A_93 = tpu.memref_slice %arg3[%add3A_56, %dma_wait3A_92] : memref<16x10000xi32, #tpu.memory_space<hbm>> -> memref<1x10000xi32, #tpu.memory_space<hbm>>
      %dma_wait3A_94 = tpu.memref_squeeze %dma_wait3A_93 : memref<1x10000xi32, #tpu.memory_space<hbm>> -> memref<10000xi32, #tpu.memory_space<hbm>>
      tpu.wait_dma2 semaphore(%run_scoped3A_83 : memref<!tpu.dma_semaphore, #tpu.memory_space<semaphore_mem>>) src(%dma_wait3A_94 : memref<10000xi32, #tpu.memory_space<hbm>>) dst(%arg8 : memref<10000xi32, #tpu.memory_space<vmem>>)
      tpu.yield
    }) : () -> ()
    %run_scoped3A = arith.constant 0 : i32
    "tpu.region"() ({
      %run_scoped3A_83 = tpu.sem_alloc : memref<!tpu.dma_semaphore, #tpu.memory_space<semaphore_mem>>
      %dma_start3A_84 = arith.constant 0 : i32
      %dma_start3A_85 = tpu.memref_slice %arg4[%run_scoped3A, %dma_start3A_84] : memref<2x10000xf32, #tpu.memory_space<hbm>> -> memref<1x10000xf32, #tpu.memory_space<hbm>>
      %dma_start3A_86 = tpu.memref_squeeze %dma_start3A_85 : memref<1x10000xf32, #tpu.memory_space<hbm>> -> memref<10000xf32, #tpu.memory_space<hbm>>
      %dma_start3A_87 = arith.constant 0 : i32
      %dma_start3A_88 = tpu.memref_slice %arg4[%run_scoped3A, %dma_start3A_87] : memref<2x10000xf32, #tpu.memory_space<hbm>> -> memref<1x10000xf32, #tpu.memory_space<hbm>>
      %dma_start3A_89 = tpu.memref_squeeze %dma_start3A_88 : memref<1x10000xf32, #tpu.memory_space<hbm>> -> memref<10000xf32, #tpu.memory_space<hbm>>
      tpu.enqueue_dma source(%dma_start3A_89 : memref<10000xf32, #tpu.memory_space<hbm>>) target(%arg13 : memref<10000xf32, #tpu.memory_space<vmem>>) target_semaphore(%run_scoped3A_83 : memref<!tpu.dma_semaphore, #tpu.memory_space<semaphore_mem>>)
      %dma_wait3A = arith.constant 0 : i32
      %dma_wait3A_90 = tpu.memref_slice %arg4[%run_scoped3A, %dma_wait3A] : memref<2x10000xf32, #tpu.memory_space<hbm>> -> memref<1x10000xf32, #tpu.memory_space<hbm>>
      %dma_wait3A_91 = tpu.memref_squeeze %dma_wait3A_90 : memref<1x10000xf32, #tpu.memory_space<hbm>> -> memref<10000xf32, #tpu.memory_space<hbm>>
      %dma_wait3A_92 = arith.constant 0 : i32
      %dma_wait3A_93 = tpu.memref_slice %arg4[%run_scoped3A, %dma_wait3A_92] : memref<2x10000xf32, #tpu.memory_space<hbm>> -> memref<1x10000xf32, #tpu.memory_space<hbm>>
      %dma_wait3A_94 = tpu.memref_squeeze %dma_wait3A_93 : memref<1x10000xf32, #tpu.memory_space<hbm>> -> memref<10000xf32, #tpu.memory_space<hbm>>
      tpu.wait_dma2 semaphore(%run_scoped3A_83 : memref<!tpu.dma_semaphore, #tpu.memory_space<semaphore_mem>>) src(%dma_wait3A_94 : memref<10000xf32, #tpu.memory_space<hbm>>) dst(%arg13 : memref<10000xf32, #tpu.memory_space<vmem>>)
      tpu.yield
    }) : () -> ()
    %run_scoped3A_57 = arith.constant 1 : i32
    "tpu.region"() ({
      %run_scoped3A_83 = tpu.sem_alloc : memref<!tpu.dma_semaphore, #tpu.memory_space<semaphore_mem>>
      %dma_start3A_84 = arith.constant 0 : i32
      %dma_start3A_85 = tpu.memref_slice %arg4[%run_scoped3A_57, %dma_start3A_84] : memref<2x10000xf32, #tpu.memory_space<hbm>> -> memref<1x10000xf32, #tpu.memory_space<hbm>>
      %dma_start3A_86 = tpu.memref_squeeze %dma_start3A_85 : memref<1x10000xf32, #tpu.memory_space<hbm>> -> memref<10000xf32, #tpu.memory_space<hbm>>
      %dma_start3A_87 = arith.constant 0 : i32
      %dma_start3A_88 = tpu.memref_slice %arg4[%run_scoped3A_57, %dma_start3A_87] : memref<2x10000xf32, #tpu.memory_space<hbm>> -> memref<1x10000xf32, #tpu.memory_space<hbm>>
      %dma_start3A_89 = tpu.memref_squeeze %dma_start3A_88 : memref<1x10000xf32, #tpu.memory_space<hbm>> -> memref<10000xf32, #tpu.memory_space<hbm>>
      tpu.enqueue_dma source(%dma_start3A_89 : memref<10000xf32, #tpu.memory_space<hbm>>) target(%arg14 : memref<10000xf32, #tpu.memory_space<vmem>>) target_semaphore(%run_scoped3A_83 : memref<!tpu.dma_semaphore, #tpu.memory_space<semaphore_mem>>)
      %dma_wait3A = arith.constant 0 : i32
      %dma_wait3A_90 = tpu.memref_slice %arg4[%run_scoped3A_57, %dma_wait3A] : memref<2x10000xf32, #tpu.memory_space<hbm>> -> memref<1x10000xf32, #tpu.memory_space<hbm>>
      %dma_wait3A_91 = tpu.memref_squeeze %dma_wait3A_90 : memref<1x10000xf32, #tpu.memory_space<hbm>> -> memref<10000xf32, #tpu.memory_space<hbm>>
      %dma_wait3A_92 = arith.constant 0 : i32
      %dma_wait3A_93 = tpu.memref_slice %arg4[%run_scoped3A_57, %dma_wait3A_92] : memref<2x10000xf32, #tpu.memory_space<hbm>> -> memref<1x10000xf32, #tpu.memory_space<hbm>>
      %dma_wait3A_94 = tpu.memref_squeeze %dma_wait3A_93 : memref<1x10000xf32, #tpu.memory_space<hbm>> -> memref<10000xf32, #tpu.memory_space<hbm>>
      tpu.wait_dma2 semaphore(%run_scoped3A_83 : memref<!tpu.dma_semaphore, #tpu.memory_space<semaphore_mem>>) src(%dma_wait3A_94 : memref<10000xf32, #tpu.memory_space<hbm>>) dst(%arg14 : memref<10000xf32, #tpu.memory_space<vmem>>)
      tpu.yield
    }) : () -> ()
    %scan3A = arith.constant 0 : i32
    %scan3A_58 = arith.constant 0 : i32
    %scan3A_59 = arith.constant 10 : i32
    %scan3A_60 = arith.addi %scan3A_58, %scan3A_59 : i32
    %scan3A_61 = arith.constant 1 : i32
    %scan3A_62 = scf.for %scan3A_83 = %scan3A_58 to %scan3A_60 step %scan3A_61 iter_args(%scan3A_84 = %scan3A) -> (i32)  : i32 {
      %mul3A_85 = arith.constant 2 : i32
      %mul3A_86 = arith.muli %mul3A_85, %scan3A_83 : i32
      %dma_wait3A = arith.constant 0 : i32
      %dma_wait3A_87 = tpu.memref_slice %arg2[%dma_wait3A] : memref<640000xi32, #tpu.memory_space<hbm>> -> memref<4000xi32, #tpu.memory_space<hbm>>
      %dma_wait3A_88 = arith.constant 0 : i32
      %dma_wait3A_89 = tpu.memref_slice %arg2[%dma_wait3A_88] : memref<640000xi32, #tpu.memory_space<hbm>> -> memref<4000xi32, #tpu.memory_space<hbm>>
      tpu.wait_dma2 semaphore(%arg20 : memref<!tpu.dma_semaphore, #tpu.memory_space<semaphore_mem>>) src(%dma_wait3A_89 : memref<4000xi32, #tpu.memory_space<hbm>>) dst(%arg16 : memref<4000xi32, #tpu.memory_space<vmem>>)
      %dma_wait3A_90 = arith.constant 0 : i32
      %dma_wait3A_91 = tpu.memref_slice %arg2[%dma_wait3A_90] : memref<640000xi32, #tpu.memory_space<hbm>> -> memref<4000xi32, #tpu.memory_space<hbm>>
      %dma_wait3A_92 = arith.constant 0 : i32
      %dma_wait3A_93 = tpu.memref_slice %arg2[%dma_wait3A_92] : memref<640000xi32, #tpu.memory_space<hbm>> -> memref<4000xi32, #tpu.memory_space<hbm>>
      tpu.wait_dma2 semaphore(%arg21 : memref<!tpu.dma_semaphore, #tpu.memory_space<semaphore_mem>>) src(%dma_wait3A_93 : memref<4000xi32, #tpu.memory_space<hbm>>) dst(%arg17 : memref<4000xi32, #tpu.memory_space<vmem>>)
      %parallel_loop3A_94 = arith.constant 0 : i32
      %parallel_loop3A_95 = arith.constant 250 : i32
      %parallel_loop3A_96 = arith.constant 1 : i32
      scf.for %parallel_loop3A_123 = %parallel_loop3A_94 to %parallel_loop3A_95 step %parallel_loop3A_96  : i32 {
        %parallel_loop3A_124 = arith.constant 16 : i32
        %parallel_loop3A_125 = arith.muli %parallel_loop3A_123, %parallel_loop3A_124 : i32
        %parallel_loop3A_126 = arith.index_cast %parallel_loop3A_125 : i32 to index
        %parallel_loop3A_127 = tpu.vector_load %arg16[%parallel_loop3A_126] {strides = array<i32>} : memref<4000xi32, #tpu.memory_space<vmem>>, vector<16xi32>,
        %parallel_loop3A_128 = arith.constant 16 : i32
        %parallel_loop3A_129 = arith.muli %parallel_loop3A_123, %parallel_loop3A_128 : i32
        %parallel_loop3A_130 = arith.index_cast %parallel_loop3A_129 : i32 to index
        %parallel_loop3A_131 = tpu.vector_load %arg17[%parallel_loop3A_130] {strides = array<i32>} : memref<4000xi32, #tpu.memory_space<vmem>>, vector<16xi32>,
        %parallel_loop3A_132 = tpu.vector_load_idx %arg13[%parallel_loop3A_127] : memref<10000xf32, #tpu.memory_space<vmem>>[vector<16xi32>], vector<16xf32>,
        %parallel_loop3A_133 = tpu.vector_load_idx %arg14[%parallel_loop3A_131] : memref<10000xf32, #tpu.memory_space<vmem>>[vector<16xi32>], vector<16xf32>,
        %parallel_loop3A_134 = arith.addf %parallel_loop3A_132, %parallel_loop3A_133 : vector<16xf32>
        %parallel_loop3A_135 = arith.constant 2.000000e-01 : f32
        %parallel_loop3A_136 = vector.broadcast %parallel_loop3A_135 : f32 to vector<16xf32>
        %parallel_loop3A_137 = arith.mulf %parallel_loop3A_136, %parallel_loop3A_134 : vector<16xf32>
        %parallel_loop3A_138 = arith.maximumf %parallel_loop3A_134, %parallel_loop3A_137 : vector<16xf32>
        %parallel_loop3A_139 = math.exp %parallel_loop3A_138 : vector<16xf32>
        %parallel_loop3A_140 = tpu.vector_load_idx %arg7[%parallel_loop3A_127] : memref<10000xi32, #tpu.memory_space<vmem>>[vector<16xi32>], vector<16xi32>,
        %parallel_loop3A_141 = arith.constant 16 : i32
        %parallel_loop3A_142 = vector.broadcast %parallel_loop3A_141 : i32 to vector<16xi32>
        %parallel_loop3A_143 = arith.shli %parallel_loop3A_140, %parallel_loop3A_142 : vector<16xi32>
        %parallel_loop3A_144 = vector.bitcast %parallel_loop3A_143 : vector<16xi32> to vector<16xf32>
        %parallel_loop3A_145 = arith.constant -65536 : i32
        %parallel_loop3A_146 = vector.broadcast %parallel_loop3A_145 : i32 to vector<16xi32>
        %parallel_loop3A_147 = arith.andi %parallel_loop3A_140, %parallel_loop3A_146 : vector<16xi32>
        %parallel_loop3A_148 = vector.bitcast %parallel_loop3A_147 : vector<16xi32> to vector<16xf32>
        %parallel_loop3A_149 = arith.mulf %parallel_loop3A_144, %parallel_loop3A_139 : vector<16xf32>
        tpu.vector_store_idx %arg9[%parallel_loop3A_131], %parallel_loop3A_149 {add = true} : memref<10000xf32, #tpu.memory_space<vmem>>[vector<16xi32>], vector<16xf32>,
        %parallel_loop3A_150 = arith.mulf %parallel_loop3A_148, %parallel_loop3A_139 : vector<16xf32>
        tpu.vector_store_idx %arg10[%parallel_loop3A_131], %parallel_loop3A_150 {add = true} : memref<10000xf32, #tpu.memory_space<vmem>>[vector<16xi32>], vector<16xf32>,
        %parallel_loop3A_151 = tpu.vector_load_idx %arg8[%parallel_loop3A_127] : memref<10000xi32, #tpu.memory_space<vmem>>[vector<16xi32>], vector<16xi32>,
        %parallel_loop3A_152 = arith.constant 16 : i32
        %parallel_loop3A_153 = vector.broadcast %parallel_loop3A_152 : i32 to vector<16xi32>
        %parallel_loop3A_154 = arith.shli %parallel_loop3A_151, %parallel_loop3A_153 : vector<16xi32>
        %parallel_loop3A_155 = vector.bitcast %parallel_loop3A_154 : vector<16xi32> to vector<16xf32>
        %parallel_loop3A_156 = arith.constant -65536 : i32
        %parallel_loop3A_157 = vector.broadcast %parallel_loop3A_156 : i32 to vector<16xi32>
        %parallel_loop3A_158 = arith.andi %parallel_loop3A_151, %parallel_loop3A_157 : vector<16xi32>
        %parallel_loop3A_159 = vector.bitcast %parallel_loop3A_158 : vector<16xi32> to vector<16xf32>
        %parallel_loop3A_160 = arith.mulf %parallel_loop3A_155, %parallel_loop3A_139 : vector<16xf32>
        tpu.vector_store_idx %arg11[%parallel_loop3A_131], %parallel_loop3A_160 {add = true} : memref<10000xf32, #tpu.memory_space<vmem>>[vector<16xi32>], vector<16xf32>,
        %parallel_loop3A_161 = arith.mulf %parallel_loop3A_159, %parallel_loop3A_139 : vector<16xf32>
        tpu.vector_store_idx %arg12[%parallel_loop3A_131], %parallel_loop3A_161 {add = true} : memref<10000xf32, #tpu.memory_space<vmem>>[vector<16xi32>], vector<16xf32>,
        tpu.vector_store_idx %arg15[%parallel_loop3A_131], %parallel_loop3A_139 {add = true} : memref<10000xf32, #tpu.memory_space<vmem>>[vector<16xi32>], vector<16xf32>,
      } {sc.loop_unroll_factor = 2 : i64, sc.parallel_access}
      %add3A_97 = arith.constant 2 : i32
      %add3A_98 = arith.addi %mul3A_86, %add3A_97 : i32
      %lt3A_99 = arith.constant 20 : i32
      %lt3A_100 = arith.cmpi slt, %add3A_98, %lt3A_99 : i32
      %convert_element_type3A_101 = arith.extui %lt3A_100 : i1 to i32
      %cond3A_102 = arith.constant 0 : i32
      %cond3A_103 = arith.cmpi ne, %convert_element_type3A_101, %cond3A_102 : i32
      scf.if %cond3A_103 {
        %add3A_123 = arith.constant 2 : i32
        %add3A_124 = arith.addi %mul3A_86, %add3A_123 : i32
        %mul3A_125 = arith.constant 4000 : i32
        %mul3A_126 = arith.muli %add3A_124, %mul3A_125 : i32
        %add3A_127 = arith.addi %mul3A_35, %mul3A_126 : i32
        %dma_start3A_128 = tpu.memref_slice %arg2[%add3A_127] : memref<640000xi32, #tpu.memory_space<hbm>> -> memref<4000xi32, #tpu.memory_space<hbm>>
        %dma_start3A_129 = tpu.memref_slice %arg2[%add3A_127] : memref<640000xi32, #tpu.memory_space<hbm>> -> memref<4000xi32, #tpu.memory_space<hbm>>
        tpu.enqueue_dma source(%dma_start3A_129 : memref<4000xi32, #tpu.memory_space<hbm>>) target(%arg16 : memref<4000xi32, #tpu.memory_space<vmem>>) target_semaphore(%arg20 : memref<!tpu.dma_semaphore, #tpu.memory_space<semaphore_mem>>)
        %add3A_130 = arith.constant 320000 : i32
        %add3A_131 = arith.addi %add3A_130, %add3A_127 : i32
        %dma_start3A_132 = tpu.memref_slice %arg2[%add3A_131] : memref<640000xi32, #tpu.memory_space<hbm>> -> memref<4000xi32, #tpu.memory_space<hbm>>
        %dma_start3A_133 = tpu.memref_slice %arg2[%add3A_131] : memref<640000xi32, #tpu.memory_space<hbm>> -> memref<4000xi32, #tpu.memory_space<hbm>>
        tpu.enqueue_dma source(%dma_start3A_133 : memref<4000xi32, #tpu.memory_space<hbm>>) target(%arg17 : memref<4000xi32, #tpu.memory_space<vmem>>) target_semaphore(%arg21 : memref<!tpu.dma_semaphore, #tpu.memory_space<semaphore_mem>>)
      } else {
      }
      %dma_wait3A_104 = arith.constant 0 : i32
      %dma_wait3A_105 = tpu.memref_slice %arg2[%dma_wait3A_104] : memref<640000xi32, #tpu.memory_space<hbm>> -> memref<4000xi32, #tpu.memory_space<hbm>>
      %dma_wait3A_106 = arith.constant 0 : i32
      %dma_wait3A_107 = tpu.memref_slice %arg2[%dma_wait3A_106] : memref<640000xi32, #tpu.memory_space<hbm>> -> memref<4000xi32, #tpu.memory_space<hbm>>
      tpu.wait_dma2 semaphore(%arg22 : memref<!tpu.dma_semaphore, #tpu.memory_space<semaphore_mem>>) src(%dma_wait3A_107 : memref<4000xi32, #tpu.memory_space<hbm>>) dst(%arg18 : memref<4000xi32, #tpu.memory_space<vmem>>)
      %dma_wait3A_108 = arith.constant 0 : i32
      %dma_wait3A_109 = tpu.memref_slice %arg2[%dma_wait3A_108] : memref<640000xi32, #tpu.memory_space<hbm>> -> memref<4000xi32, #tpu.memory_space<hbm>>
      %dma_wait3A_110 = arith.constant 0 : i32
      %dma_wait3A_111 = tpu.memref_slice %arg2[%dma_wait3A_110] : memref<640000xi32, #tpu.memory_space<hbm>> -> memref<4000xi32, #tpu.memory_space<hbm>>
      tpu.wait_dma2 semaphore(%arg23 : memref<!tpu.dma_semaphore, #tpu.memory_space<semaphore_mem>>) src(%dma_wait3A_111 : memref<4000xi32, #tpu.memory_space<hbm>>) dst(%arg19 : memref<4000xi32, #tpu.memory_space<vmem>>)
      %parallel_loop3A_112 = arith.constant 0 : i32
      %parallel_loop3A_113 = arith.constant 250 : i32
      %parallel_loop3A_114 = arith.constant 1 : i32
      scf.for %parallel_loop3A_123 = %parallel_loop3A_112 to %parallel_loop3A_113 step %parallel_loop3A_114  : i32 {
        %parallel_loop3A_124 = arith.constant 16 : i32
        %parallel_loop3A_125 = arith.muli %parallel_loop3A_123, %parallel_loop3A_124 : i32
        %parallel_loop3A_126 = arith.index_cast %parallel_loop3A_125 : i32 to index
        %parallel_loop3A_127 = tpu.vector_load %arg18[%parallel_loop3A_126] {strides = array<i32>} : memref<4000xi32, #tpu.memory_space<vmem>>, vector<16xi32>,
        %parallel_loop3A_128 = arith.constant 16 : i32
        %parallel_loop3A_129 = arith.muli %parallel_loop3A_123, %parallel_loop3A_128 : i32
        %parallel_loop3A_130 = arith.index_cast %parallel_loop3A_129 : i32 to index
        %parallel_loop3A_131 = tpu.vector_load %arg19[%parallel_loop3A_130] {strides = array<i32>} : memref<4000xi32, #tpu.memory_space<vmem>>, vector<16xi32>,
        %parallel_loop3A_132 = tpu.vector_load_idx %arg13[%parallel_loop3A_127] : memref<10000xf32, #tpu.memory_space<vmem>>[vector<16xi32>], vector<16xf32>,
        %parallel_loop3A_133 = tpu.vector_load_idx %arg14[%parallel_loop3A_131] : memref<10000xf32, #tpu.memory_space<vmem>>[vector<16xi32>], vector<16xf32>,
        %parallel_loop3A_134 = arith.addf %parallel_loop3A_132, %parallel_loop3A_133 : vector<16xf32>
        %parallel_loop3A_135 = arith.constant 2.000000e-01 : f32
        %parallel_loop3A_136 = vector.broadcast %parallel_loop3A_135 : f32 to vector<16xf32>
        %parallel_loop3A_137 = arith.mulf %parallel_loop3A_136, %parallel_loop3A_134 : vector<16xf32>
        %parallel_loop3A_138 = arith.maximumf %parallel_loop3A_134, %parallel_loop3A_137 : vector<16xf32>
        %parallel_loop3A_139 = math.exp %parallel_loop3A_138 : vector<16xf32>
        %parallel_loop3A_140 = tpu.vector_load_idx %arg7[%parallel_loop3A_127] : memref<10000xi32, #tpu.memory_space<vmem>>[vector<16xi32>], vector<16xi32>,
        %parallel_loop3A_141 = arith.constant 16 : i32
        %parallel_loop3A_142 = vector.broadcast %parallel_loop3A_141 : i32 to vector<16xi32>
        %parallel_loop3A_143 = arith.shli %parallel_loop3A_140, %parallel_loop3A_142 : vector<16xi32>
        %parallel_loop3A_144 = vector.bitcast %parallel_loop3A_143 : vector<16xi32> to vector<16xf32>
        %parallel_loop3A_145 = arith.constant -65536 : i32
        %parallel_loop3A_146 = vector.broadcast %parallel_loop3A_145 : i32 to vector<16xi32>
        %parallel_loop3A_147 = arith.andi %parallel_loop3A_140, %parallel_loop3A_146 : vector<16xi32>
        %parallel_loop3A_148 = vector.bitcast %parallel_loop3A_147 : vector<16xi32> to vector<16xf32>
        %parallel_loop3A_149 = arith.mulf %parallel_loop3A_144, %parallel_loop3A_139 : vector<16xf32>
        tpu.vector_store_idx %arg9[%parallel_loop3A_131], %parallel_loop3A_149 {add = true} : memref<10000xf32, #tpu.memory_space<vmem>>[vector<16xi32>], vector<16xf32>,
        %parallel_loop3A_150 = arith.mulf %parallel_loop3A_148, %parallel_loop3A_139 : vector<16xf32>
        tpu.vector_store_idx %arg10[%parallel_loop3A_131], %parallel_loop3A_150 {add = true} : memref<10000xf32, #tpu.memory_space<vmem>>[vector<16xi32>], vector<16xf32>,
        %parallel_loop3A_151 = tpu.vector_load_idx %arg8[%parallel_loop3A_127] : memref<10000xi32, #tpu.memory_space<vmem>>[vector<16xi32>], vector<16xi32>,
        %parallel_loop3A_152 = arith.constant 16 : i32
        %parallel_loop3A_153 = vector.broadcast %parallel_loop3A_152 : i32 to vector<16xi32>
        %parallel_loop3A_154 = arith.shli %parallel_loop3A_151, %parallel_loop3A_153 : vector<16xi32>
        %parallel_loop3A_155 = vector.bitcast %parallel_loop3A_154 : vector<16xi32> to vector<16xf32>
        %parallel_loop3A_156 = arith.constant -65536 : i32
        %parallel_loop3A_157 = vector.broadcast %parallel_loop3A_156 : i32 to vector<16xi32>
        %parallel_loop3A_158 = arith.andi %parallel_loop3A_151, %parallel_loop3A_157 : vector<16xi32>
        %parallel_loop3A_159 = vector.bitcast %parallel_loop3A_158 : vector<16xi32> to vector<16xf32>
        %parallel_loop3A_160 = arith.mulf %parallel_loop3A_155, %parallel_loop3A_139 : vector<16xf32>
        tpu.vector_store_idx %arg11[%parallel_loop3A_131], %parallel_loop3A_160 {add = true} : memref<10000xf32, #tpu.memory_space<vmem>>[vector<16xi32>], vector<16xf32>,
        %parallel_loop3A_161 = arith.mulf %parallel_loop3A_159, %parallel_loop3A_139 : vector<16xf32>
        tpu.vector_store_idx %arg12[%parallel_loop3A_131], %parallel_loop3A_161 {add = true} : memref<10000xf32, #tpu.memory_space<vmem>>[vector<16xi32>], vector<16xf32>,
        tpu.vector_store_idx %arg15[%parallel_loop3A_131], %parallel_loop3A_139 {add = true} : memref<10000xf32, #tpu.memory_space<vmem>>[vector<16xi32>], vector<16xf32>,
      } {sc.loop_unroll_factor = 2 : i64, sc.parallel_access}
      %add3A_115 = arith.constant 3 : i32
      %add3A_116 = arith.addi %mul3A_86, %add3A_115 : i32
      %lt3A_117 = arith.constant 20 : i32
      %lt3A_118 = arith.cmpi slt, %add3A_116, %lt3A_117 : i32
      %convert_element_type3A_119 = arith.extui %lt3A_118 : i1 to i32
      %cond3A_120 = arith.constant 0 : i32
      %cond3A_121 = arith.cmpi ne, %convert_element_type3A_119, %cond3A_120 : i32
      scf.if %cond3A_121 {
        %add3A_123 = arith.constant 3 : i32
        %add3A_124 = arith.addi %mul3A_86, %add3A_123 : i32
        %mul3A_125 = arith.constant 4000 : i32
        %mul3A_126 = arith.muli %add3A_124, %mul3A_125 : i32
        %add3A_127 = arith.addi %mul3A_35, %mul3A_126 : i32
        %dma_start3A_128 = tpu.memref_slice %arg2[%add3A_127] : memref<640000xi32, #tpu.memory_space<hbm>> -> memref<4000xi32, #tpu.memory_space<hbm>>
        %dma_start3A_129 = tpu.memref_slice %arg2[%add3A_127] : memref<640000xi32, #tpu.memory_space<hbm>> -> memref<4000xi32, #tpu.memory_space<hbm>>
        tpu.enqueue_dma source(%dma_start3A_129 : memref<4000xi32, #tpu.memory_space<hbm>>) target(%arg18 : memref<4000xi32, #tpu.memory_space<vmem>>) target_semaphore(%arg22 : memref<!tpu.dma_semaphore, #tpu.memory_space<semaphore_mem>>)
        %add3A_130 = arith.constant 320000 : i32
        %add3A_131 = arith.addi %add3A_130, %add3A_127 : i32
        %dma_start3A_132 = tpu.memref_slice %arg2[%add3A_131] : memref<640000xi32, #tpu.memory_space<hbm>> -> memref<4000xi32, #tpu.memory_space<hbm>>
        %dma_start3A_133 = tpu.memref_slice %arg2[%add3A_131] : memref<640000xi32, #tpu.memory_space<hbm>> -> memref<4000xi32, #tpu.memory_space<hbm>>
        tpu.enqueue_dma source(%dma_start3A_133 : memref<4000xi32, #tpu.memory_space<hbm>>) target(%arg19 : memref<4000xi32, #tpu.memory_space<vmem>>) target_semaphore(%arg23 : memref<!tpu.dma_semaphore, #tpu.memory_space<semaphore_mem>>)
      } else {
      }
      %scan3A_122 = arith.constant 0 : i32
      scf.yield %scan3A_122 : i32
    }
    %scan3A_63 = arith.constant 10 : i32
    %mul3A_64 = arith.constant 2 : i32
    %mul3A_65 = arith.muli %mul3A_64, %select_n3A_9 : i32
    "tpu.region"() ({
      %run_scoped3A_83 = tpu.sem_alloc : memref<!tpu.dma_semaphore, #tpu.memory_space<semaphore_mem>>
      %dma_start3A_84 = arith.constant 0 : i32
      %dma_start3A_85 = tpu.memref_slice %arg5[%select_n3A_30, %mul3A_65, %dma_start3A_84] : memref<4x32x10000xf32, #tpu.memory_space<hbm>> -> memref<1x1x10000xf32, #tpu.memory_space<hbm>>
      %dma_start3A_86 = tpu.memref_squeeze %dma_start3A_85 : memref<1x1x10000xf32, #tpu.memory_space<hbm>> -> memref<10000xf32, #tpu.memory_space<hbm>>
      %dma_start3A_87 = arith.constant 0 : i32
      %dma_start3A_88 = tpu.memref_slice %arg5[%select_n3A_30, %mul3A_65, %dma_start3A_87] : memref<4x32x10000xf32, #tpu.memory_space<hbm>> -> memref<1x1x10000xf32, #tpu.memory_space<hbm>>
      %dma_start3A_89 = tpu.memref_squeeze %dma_start3A_88 : memref<1x1x10000xf32, #tpu.memory_space<hbm>> -> memref<10000xf32, #tpu.memory_space<hbm>>
      tpu.enqueue_dma source(%arg9 : memref<10000xf32, #tpu.memory_space<vmem>>) target(%dma_start3A_89 : memref<10000xf32, #tpu.memory_space<hbm>>) target_semaphore(%run_scoped3A_83 : memref<!tpu.dma_semaphore, #tpu.memory_space<semaphore_mem>>)
      %dma_wait3A = arith.constant 0 : i32
      %dma_wait3A_90 = tpu.memref_slice %arg5[%select_n3A_30, %mul3A_65, %dma_wait3A] : memref<4x32x10000xf32, #tpu.memory_space<hbm>> -> memref<1x1x10000xf32, #tpu.memory_space<hbm>>
      %dma_wait3A_91 = tpu.memref_squeeze %dma_wait3A_90 : memref<1x1x10000xf32, #tpu.memory_space<hbm>> -> memref<10000xf32, #tpu.memory_space<hbm>>
      %dma_wait3A_92 = arith.constant 0 : i32
      %dma_wait3A_93 = tpu.memref_slice %arg5[%select_n3A_30, %mul3A_65, %dma_wait3A_92] : memref<4x32x10000xf32, #tpu.memory_space<hbm>> -> memref<1x1x10000xf32, #tpu.memory_space<hbm>>
      %dma_wait3A_94 = tpu.memref_squeeze %dma_wait3A_93 : memref<1x1x10000xf32, #tpu.memory_space<hbm>> -> memref<10000xf32, #tpu.memory_space<hbm>>
      tpu.wait_dma2 semaphore(%run_scoped3A_83 : memref<!tpu.dma_semaphore, #tpu.memory_space<semaphore_mem>>) src(%arg9 : memref<10000xf32, #tpu.memory_space<vmem>>) dst(%dma_wait3A_94 : memref<10000xf32, #tpu.memory_space<hbm>>)
      tpu.yield
    }) : () -> ()
    %mul3A_66 = arith.constant 2 : i32
    %mul3A_67 = arith.muli %mul3A_66, %select_n3A_9 : i32
    %add3A_68 = arith.constant 16 : i32
    %add3A_69 = arith.addi %add3A_68, %mul3A_67 : i32
    "tpu.region"() ({
      %run_scoped3A_83 = tpu.sem_alloc : memref<!tpu.dma_semaphore, #tpu.memory_space<semaphore_mem>>
      %dma_start3A_84 = arith.constant 0 : i32
      %dma_start3A_85 = tpu.memref_slice %arg5[%select_n3A_30, %add3A_69, %dma_start3A_84] : memref<4x32x10000xf32, #tpu.memory_space<hbm>> -> memref<1x1x10000xf32, #tpu.memory_space<hbm>>
      %dma_start3A_86 = tpu.memref_squeeze %dma_start3A_85 : memref<1x1x10000xf32, #tpu.memory_space<hbm>> -> memref<10000xf32, #tpu.memory_space<hbm>>
      %dma_start3A_87 = arith.constant 0 : i32
      %dma_start3A_88 = tpu.memref_slice %arg5[%select_n3A_30, %add3A_69, %dma_start3A_87] : memref<4x32x10000xf32, #tpu.memory_space<hbm>> -> memref<1x1x10000xf32, #tpu.memory_space<hbm>>
      %dma_start3A_89 = tpu.memref_squeeze %dma_start3A_88 : memref<1x1x10000xf32, #tpu.memory_space<hbm>> -> memref<10000xf32, #tpu.memory_space<hbm>>
      tpu.enqueue_dma source(%arg10 : memref<10000xf32, #tpu.memory_space<vmem>>) target(%dma_start3A_89 : memref<10000xf32, #tpu.memory_space<hbm>>) target_semaphore(%run_scoped3A_83 : memref<!tpu.dma_semaphore, #tpu.memory_space<semaphore_mem>>)
      %dma_wait3A = arith.constant 0 : i32
      %dma_wait3A_90 = tpu.memref_slice %arg5[%select_n3A_30, %add3A_69, %dma_wait3A] : memref<4x32x10000xf32, #tpu.memory_space<hbm>> -> memref<1x1x10000xf32, #tpu.memory_space<hbm>>
      %dma_wait3A_91 = tpu.memref_squeeze %dma_wait3A_90 : memref<1x1x10000xf32, #tpu.memory_space<hbm>> -> memref<10000xf32, #tpu.memory_space<hbm>>
      %dma_wait3A_92 = arith.constant 0 : i32
      %dma_wait3A_93 = tpu.memref_slice %arg5[%select_n3A_30, %add3A_69, %dma_wait3A_92] : memref<4x32x10000xf32, #tpu.memory_space<hbm>> -> memref<1x1x10000xf32, #tpu.memory_space<hbm>>
      %dma_wait3A_94 = tpu.memref_squeeze %dma_wait3A_93 : memref<1x1x10000xf32, #tpu.memory_space<hbm>> -> memref<10000xf32, #tpu.memory_space<hbm>>
      tpu.wait_dma2 semaphore(%run_scoped3A_83 : memref<!tpu.dma_semaphore, #tpu.memory_space<semaphore_mem>>) src(%arg10 : memref<10000xf32, #tpu.memory_space<vmem>>) dst(%dma_wait3A_94 : memref<10000xf32, #tpu.memory_space<hbm>>)
      tpu.yield
    }) : () -> ()
    %mul3A_70 = arith.constant 2 : i32
    %mul3A_71 = arith.muli %mul3A_70, %select_n3A_9 : i32
    %add3A_72 = arith.constant 1 : i32
    %add3A_73 = arith.addi %mul3A_71, %add3A_72 : i32
    "tpu.region"() ({
      %run_scoped3A_83 = tpu.sem_alloc : memref<!tpu.dma_semaphore, #tpu.memory_space<semaphore_mem>>
      %dma_start3A_84 = arith.constant 0 : i32
      %dma_start3A_85 = tpu.memref_slice %arg5[%select_n3A_30, %add3A_73, %dma_start3A_84] : memref<4x32x10000xf32, #tpu.memory_space<hbm>> -> memref<1x1x10000xf32, #tpu.memory_space<hbm>>
      %dma_start3A_86 = tpu.memref_squeeze %dma_start3A_85 : memref<1x1x10000xf32, #tpu.memory_space<hbm>> -> memref<10000xf32, #tpu.memory_space<hbm>>
      %dma_start3A_87 = arith.constant 0 : i32
      %dma_start3A_88 = tpu.memref_slice %arg5[%select_n3A_30, %add3A_73, %dma_start3A_87] : memref<4x32x10000xf32, #tpu.memory_space<hbm>> -> memref<1x1x10000xf32, #tpu.memory_space<hbm>>
      %dma_start3A_89 = tpu.memref_squeeze %dma_start3A_88 : memref<1x1x10000xf32, #tpu.memory_space<hbm>> -> memref<10000xf32, #tpu.memory_space<hbm>>
      tpu.enqueue_dma source(%arg11 : memref<10000xf32, #tpu.memory_space<vmem>>) target(%dma_start3A_89 : memref<10000xf32, #tpu.memory_space<hbm>>) target_semaphore(%run_scoped3A_83 : memref<!tpu.dma_semaphore, #tpu.memory_space<semaphore_mem>>)
      %dma_wait3A = arith.constant 0 : i32
      %dma_wait3A_90 = tpu.memref_slice %arg5[%select_n3A_30, %add3A_73, %dma_wait3A] : memref<4x32x10000xf32, #tpu.memory_space<hbm>> -> memref<1x1x10000xf32, #tpu.memory_space<hbm>>
      %dma_wait3A_91 = tpu.memref_squeeze %dma_wait3A_90 : memref<1x1x10000xf32, #tpu.memory_space<hbm>> -> memref<10000xf32, #tpu.memory_space<hbm>>
      %dma_wait3A_92 = arith.constant 0 : i32
      %dma_wait3A_93 = tpu.memref_slice %arg5[%select_n3A_30, %add3A_73, %dma_wait3A_92] : memref<4x32x10000xf32, #tpu.memory_space<hbm>> -> memref<1x1x10000xf32, #tpu.memory_space<hbm>>
      %dma_wait3A_94 = tpu.memref_squeeze %dma_wait3A_93 : memref<1x1x10000xf32, #tpu.memory_space<hbm>> -> memref<10000xf32, #tpu.memory_space<hbm>>
      tpu.wait_dma2 semaphore(%run_scoped3A_83 : memref<!tpu.dma_semaphore, #tpu.memory_space<semaphore_mem>>) src(%arg11 : memref<10000xf32, #tpu.memory_space<vmem>>) dst(%dma_wait3A_94 : memref<10000xf32, #tpu.memory_space<hbm>>)
      tpu.yield
    }) : () -> ()
    %mul3A_74 = arith.constant 2 : i32
    %mul3A_75 = arith.muli %mul3A_74, %select_n3A_9 : i32
    %add3A_76 = arith.constant 16 : i32
    %add3A_77 = arith.addi %add3A_76, %mul3A_75 : i32
    %add3A_78 = arith.constant 1 : i32
    %add3A_79 = arith.addi %add3A_77, %add3A_78 : i32
    "tpu.region"() ({
      %run_scoped3A_83 = tpu.sem_alloc : memref<!tpu.dma_semaphore, #tpu.memory_space<semaphore_mem>>
      %dma_start3A_84 = arith.constant 0 : i32
      %dma_start3A_85 = tpu.memref_slice %arg5[%select_n3A_30, %add3A_79, %dma_start3A_84] : memref<4x32x10000xf32, #tpu.memory_space<hbm>> -> memref<1x1x10000xf32, #tpu.memory_space<hbm>>
      %dma_start3A_86 = tpu.memref_squeeze %dma_start3A_85 : memref<1x1x10000xf32, #tpu.memory_space<hbm>> -> memref<10000xf32, #tpu.memory_space<hbm>>
      %dma_start3A_87 = arith.constant 0 : i32
      %dma_start3A_88 = tpu.memref_slice %arg5[%select_n3A_30, %add3A_79, %dma_start3A_87] : memref<4x32x10000xf32, #tpu.memory_space<hbm>> -> memref<1x1x10000xf32, #tpu.memory_space<hbm>>
      %dma_start3A_89 = tpu.memref_squeeze %dma_start3A_88 : memref<1x1x10000xf32, #tpu.memory_space<hbm>> -> memref<10000xf32, #tpu.memory_space<hbm>>
      tpu.enqueue_dma source(%arg12 : memref<10000xf32, #tpu.memory_space<vmem>>) target(%dma_start3A_89 : memref<10000xf32, #tpu.memory_space<hbm>>) target_semaphore(%run_scoped3A_83 : memref<!tpu.dma_semaphore, #tpu.memory_space<semaphore_mem>>)
      %dma_wait3A = arith.constant 0 : i32
      %dma_wait3A_90 = tpu.memref_slice %arg5[%select_n3A_30, %add3A_79, %dma_wait3A] : memref<4x32x10000xf32, #tpu.memory_space<hbm>> -> memref<1x1x10000xf32, #tpu.memory_space<hbm>>
      %dma_wait3A_91 = tpu.memref_squeeze %dma_wait3A_90 : memref<1x1x10000xf32, #tpu.memory_space<hbm>> -> memref<10000xf32, #tpu.memory_space<hbm>>
      %dma_wait3A_92 = arith.constant 0 : i32
      %dma_wait3A_93 = tpu.memref_slice %arg5[%select_n3A_30, %add3A_79, %dma_wait3A_92] : memref<4x32x10000xf32, #tpu.memory_space<hbm>> -> memref<1x1x10000xf32, #tpu.memory_space<hbm>>
      %dma_wait3A_94 = tpu.memref_squeeze %dma_wait3A_93 : memref<1x1x10000xf32, #tpu.memory_space<hbm>> -> memref<10000xf32, #tpu.memory_space<hbm>>
      tpu.wait_dma2 semaphore(%run_scoped3A_83 : memref<!tpu.dma_semaphore, #tpu.memory_space<semaphore_mem>>) src(%arg12 : memref<10000xf32, #tpu.memory_space<vmem>>) dst(%dma_wait3A_94 : memref<10000xf32, #tpu.memory_space<hbm>>)
      tpu.yield
    }) : () -> ()
    %eq3A_80 = arith.constant 0 : i32
    %eq3A_81 = arith.cmpi eq, %select_n3A_9, %eq3A_80 : i32
    %convert_element_type3A = arith.extui %eq3A_81 : i1 to i32
    %cond3A = arith.constant 0 : i32
    %cond3A_82 = arith.cmpi ne, %convert_element_type3A, %cond3A : i32
    scf.if %cond3A_82 {
      "tpu.region"() ({
        %run_scoped3A_83 = tpu.sem_alloc : memref<!tpu.dma_semaphore, #tpu.memory_space<semaphore_mem>>
        %dma_start3A_84 = arith.constant 0 : i32
        %dma_start3A_85 = tpu.memref_slice %arg6[%select_n3A_30, %dma_start3A_84] : memref<4x10000xf32, #tpu.memory_space<hbm>> -> memref<1x10000xf32, #tpu.memory_space<hbm>>
        %dma_start3A_86 = tpu.memref_squeeze %dma_start3A_85 : memref<1x10000xf32, #tpu.memory_space<hbm>> -> memref<10000xf32, #tpu.memory_space<hbm>>
        %dma_start3A_87 = arith.constant 0 : i32
        %dma_start3A_88 = tpu.memref_slice %arg6[%select_n3A_30, %dma_start3A_87] : memref<4x10000xf32, #tpu.memory_space<hbm>> -> memref<1x10000xf32, #tpu.memory_space<hbm>>
        %dma_start3A_89 = tpu.memref_squeeze %dma_start3A_88 : memref<1x10000xf32, #tpu.memory_space<hbm>> -> memref<10000xf32, #tpu.memory_space<hbm>>
        tpu.enqueue_dma source(%arg15 : memref<10000xf32, #tpu.memory_space<vmem>>) target(%dma_start3A_89 : memref<10000xf32, #tpu.memory_space<hbm>>) target_semaphore(%run_scoped3A_83 : memref<!tpu.dma_semaphore, #tpu.memory_space<semaphore_mem>>)
        %dma_wait3A = arith.constant 0 : i32
        %dma_wait3A_90 = tpu.memref_slice %arg6[%select_n3A_30, %dma_wait3A] : memref<4x10000xf32, #tpu.memory_space<hbm>> -> memref<1x10000xf32, #tpu.memory_space<hbm>>
        %dma_wait3A_91 = tpu.memref_squeeze %dma_wait3A_90 : memref<1x10000xf32, #tpu.memory_space<hbm>> -> memref<10000xf32, #tpu.memory_space<hbm>>
        %dma_wait3A_92 = arith.constant 0 : i32
        %dma_wait3A_93 = tpu.memref_slice %arg6[%select_n3A_30, %dma_wait3A_92] : memref<4x10000xf32, #tpu.memory_space<hbm>> -> memref<1x10000xf32, #tpu.memory_space<hbm>>
        %dma_wait3A_94 = tpu.memref_squeeze %dma_wait3A_93 : memref<1x10000xf32, #tpu.memory_space<hbm>> -> memref<10000xf32, #tpu.memory_space<hbm>>
        tpu.wait_dma2 semaphore(%run_scoped3A_83 : memref<!tpu.dma_semaphore, #tpu.memory_space<semaphore_mem>>) src(%arg15 : memref<10000xf32, #tpu.memory_space<vmem>>) dst(%dma_wait3A_94 : memref<10000xf32, #tpu.memory_space<hbm>>)
        tpu.yield
      }) : () -> ()
    } else {
    }
    return
  }
}

module attributes {stable_mosaic.version = 14 : i64} {
  func.func @_tc_pre_body(%arg0: memref<10000x128xf32, #tpu.memory_space<vmem>>, %arg1: memref<32x128xf32, #tpu.memory_space<vmem>>, %arg2: memref<1x32xf32, #tpu.memory_space<vmem>>, %arg3: memref<1x32xf32, #tpu.memory_space<vmem>>, %arg4: memref<32x10000xf32, #tpu.memory_space<vmem>>, %arg5: memref<2x10000xf32, #tpu.memory_space<vmem>>, %arg6: memref<16x10000xi32, #tpu.memory_space<vmem>>) attributes {dimension_semantics = [], scalar_prefetch = 0 : i64, scratch_operands = 0 : i64, tpu.core_type = #tpu.core_type<tc>} {
    %get3A = arith.constant 0 : index
    %get3A_0 = arith.constant 0 : index
    %get3A_1 = vector.load %arg1[%get3A, %get3A_0] : memref<32x128xf32, #tpu.memory_space<vmem>>, vector<32x128xf32>
    %get3A_2 = arith.constant 0 : index
    %get3A_3 = arith.constant 0 : index
    %get3A_4 = vector.load %arg0[%get3A_2, %get3A_3] : memref<10000x128xf32, #tpu.memory_space<vmem>>, vector<10000x128xf32>
    %dot_general3A = arith.constant dense<0.000000e+00> : vector<32x10000xf32>
    %dot_general3A_5 = tpu.matmul %get3A_1, %get3A_4, %dot_general3A {dimension_numbers = #tpu.dot_dimension_numbers<[1], [1], [0], [0], [0, 0, 1, 0], [], []>, transpose_lhs_hint = false} : vector<32x128xf32>, vector<10000x128xf32>, vector<32x10000xf32> -> vector<32x10000xf32>
    %swap3A = arith.constant 0 : index
    %swap3A_6 = arith.constant 0 : index
    %swap3A_7 = vector.load %arg4[%swap3A, %swap3A_6] : memref<32x10000xf32, #tpu.memory_space<vmem>>, vector<32x10000xf32>
    tpu.vector_store %arg4[%swap3A, %swap3A_6], %dot_general3A_5 {strides = array<i32>} : memref<32x10000xf32, #tpu.memory_space<vmem>>, vector<32x10000xf32>,
    %slice3A = vector.extract_strided_slice %dot_general3A_5 {offsets = [0, 0], sizes = [16, 10000], strides = [1, 1]} : vector<32x10000xf32> to vector<16x10000xf32>
    %convert_element_type3A = arith.truncf %slice3A : vector<16x10000xf32> to vector<16x10000xbf16>
    %bitcast_convert_type3A = tpu.bitcast %convert_element_type3A : vector<16x10000xbf16> -> vector<16x10000xi16>
    %convert_element_type3A_8 = arith.extsi %bitcast_convert_type3A : vector<16x10000xi16> to vector<16x10000xi32>
    %and3A = arith.constant 65535 : i32
    %and3A_9 = vector.broadcast %and3A : i32 to vector<16x10000xi32>
    %and3A_10 = arith.andi %convert_element_type3A_8, %and3A_9 : vector<16x10000xi32>
    %slice3A_11 = vector.extract_strided_slice %dot_general3A_5 {offsets = [16, 0], sizes = [16, 10000], strides = [1, 1]} : vector<32x10000xf32> to vector<16x10000xf32>
    %convert_element_type3A_12 = arith.truncf %slice3A_11 : vector<16x10000xf32> to vector<16x10000xbf16>
    %bitcast_convert_type3A_13 = tpu.bitcast %convert_element_type3A_12 : vector<16x10000xbf16> -> vector<16x10000xi16>
    %convert_element_type3A_14 = arith.extsi %bitcast_convert_type3A_13 : vector<16x10000xi16> to vector<16x10000xi32>
    %shift_left3A = arith.constant 16 : i32
    %shift_left3A_15 = vector.broadcast %shift_left3A : i32 to vector<16x10000xi32>
    %shift_left3A_16 = arith.shli %convert_element_type3A_14, %shift_left3A_15 : vector<16x10000xi32>
    %or3A = arith.ori %shift_left3A_16, %and3A_10 : vector<16x10000xi32>
    %swap3A_17 = arith.constant 0 : index
    %swap3A_18 = arith.constant 0 : index
    %swap3A_19 = vector.load %arg6[%swap3A_17, %swap3A_18] : memref<16x10000xi32, #tpu.memory_space<vmem>>, vector<16x10000xi32>
    tpu.vector_store %arg6[%swap3A_17, %swap3A_18], %or3A {strides = array<i32>} : memref<16x10000xi32, #tpu.memory_space<vmem>>, vector<16x10000xi32>,
    %get3A_20 = arith.constant 0 : index
    %get3A_21 = arith.constant 0 : index
    %get3A_22 = vector.load %arg2[%get3A_20, %get3A_21] : memref<1x32xf32, #tpu.memory_space<vmem>>, vector<1x32xf32>
    %dot_general3A_23 = arith.constant dense<0.000000e+00> : vector<1x10000xf32>
    %dot_general3A_24 = tpu.matmul %get3A_22, %dot_general3A_5, %dot_general3A_23 {dimension_numbers = #tpu.dot_dimension_numbers<[1], [0], [0], [1], [0, 0, 1, 1], [], []>, transpose_lhs_hint = false} : vector<1x32xf32>, vector<32x10000xf32>, vector<1x10000xf32> -> vector<1x10000xf32>
    %swap3A_25 = arith.constant 0 : index
    %swap3A_26 = arith.constant 0 : index
    %swap3A_27 = vector.load %arg5[%swap3A_25, %swap3A_26] : memref<2x10000xf32, #tpu.memory_space<vmem>>, vector<1x10000xf32>
    tpu.vector_store %arg5[%swap3A_25, %swap3A_26], %dot_general3A_24 {strides = array<i32>} : memref<2x10000xf32, #tpu.memory_space<vmem>>, vector<1x10000xf32>,
    %get3A_28 = arith.constant 0 : index
    %get3A_29 = arith.constant 0 : index
    %get3A_30 = vector.load %arg3[%get3A_28, %get3A_29] : memref<1x32xf32, #tpu.memory_space<vmem>>, vector<1x32xf32>
    %dot_general3A_31 = arith.constant dense<0.000000e+00> : vector<1x10000xf32>
    %dot_general3A_32 = tpu.matmul %get3A_30, %dot_general3A_5, %dot_general3A_31 {dimension_numbers = #tpu.dot_dimension_numbers<[1], [0], [0], [1], [0, 0, 1, 1], [], []>, transpose_lhs_hint = false} : vector<1x32xf32>, vector<32x10000xf32>, vector<1x10000xf32> -> vector<1x10000xf32>
    %swap3A_33 = arith.constant 1 : index
    %swap3A_34 = arith.constant 0 : index
    %swap3A_35 = vector.load %arg5[%swap3A_33, %swap3A_34] : memref<2x10000xf32, #tpu.memory_space<vmem>>, vector<1x10000xf32>
    tpu.vector_store %arg5[%swap3A_33, %swap3A_34], %dot_general3A_32 {strides = array<i32>} : memref<2x10000xf32, #tpu.memory_space<vmem>>, vector<1x10000xf32>,
    return
  }
}

module attributes {stable_mosaic.version = 14 : i64} {
  func.func @_tc_combine_body(%arg0: memref<4x32x10000xf32, #tpu.memory_space<vmem>>, %arg1: memref<4x10000xf32, #tpu.memory_space<vmem>>, %arg2: memref<32x10000xf32, #tpu.memory_space<vmem>>, %arg3: memref<2x10000xf32, #tpu.memory_space<vmem>>, %arg4: memref<32x1xf32, #tpu.memory_space<vmem>>, %arg5: memref<32x32xf32, #tpu.memory_space<vmem>>, %arg6: memref<1x32xf32, #tpu.memory_space<vmem>>, %arg7: memref<1x32xf32, #tpu.memory_space<vmem>>, %arg8: memref<32x10000xf32, #tpu.memory_space<vmem>>, %arg9: memref<2x10000xf32, #tpu.memory_space<vmem>>, %arg10: memref<16x10000xi32, #tpu.memory_space<vmem>>) attributes {dimension_semantics = [], scalar_prefetch = 0 : i64, scratch_operands = 0 : i64, tpu.core_type = #tpu.core_type<tc>} {
    %get3A = arith.constant 0 : index
    %get3A_0 = arith.constant 0 : index
    %get3A_1 = vector.load %arg3[%get3A, %get3A_0] : memref<2x10000xf32, #tpu.memory_space<vmem>>, vector<1x10000xf32>
    %get3A_2 = arith.constant 1 : index
    %get3A_3 = arith.constant 0 : index
    %get3A_4 = vector.load %arg3[%get3A_2, %get3A_3] : memref<2x10000xf32, #tpu.memory_space<vmem>>, vector<1x10000xf32>
    %add3A = arith.addf %get3A_1, %get3A_4 : vector<1x10000xf32>
    %mul3A = arith.constant 2.000000e-01 : f32
    %mul3A_5 = vector.broadcast %mul3A : f32 to vector<1x10000xf32>
    %mul3A_6 = arith.mulf %mul3A_5, %add3A : vector<1x10000xf32>
    %max3A = arith.maximumf %add3A, %mul3A_6 : vector<1x10000xf32>
    %exp3A = math.exp %max3A : vector<1x10000xf32>
    %get3A_7 = arith.constant 0 : index
    %get3A_8 = arith.constant 0 : index
    %get3A_9 = vector.load %arg2[%get3A_7, %get3A_8] : memref<32x10000xf32, #tpu.memory_space<vmem>>, vector<32x10000xf32>
    %get3A_10 = arith.constant 0 : index
    %get3A_11 = arith.constant 0 : index
    %get3A_12 = arith.constant 0 : index
    %get3A_13 = vector.load %arg0[%get3A_10, %get3A_11, %get3A_12] : memref<4x32x10000xf32, #tpu.memory_space<vmem>>, vector<1x32x10000xf32>
    %get3A_14 = vector.shape_cast %get3A_13 : vector<1x32x10000xf32> to vector<32x10000xf32>
    %get3A_15 = arith.constant 1 : index
    %get3A_16 = arith.constant 0 : index
    %get3A_17 = arith.constant 0 : index
    %get3A_18 = vector.load %arg0[%get3A_15, %get3A_16, %get3A_17] : memref<4x32x10000xf32, #tpu.memory_space<vmem>>, vector<1x32x10000xf32>
    %get3A_19 = vector.shape_cast %get3A_18 : vector<1x32x10000xf32> to vector<32x10000xf32>
    %add3A_20 = arith.addf %get3A_14, %get3A_19 : vector<32x10000xf32>
    %get3A_21 = arith.constant 2 : index
    %get3A_22 = arith.constant 0 : index
    %get3A_23 = arith.constant 0 : index
    %get3A_24 = vector.load %arg0[%get3A_21, %get3A_22, %get3A_23] : memref<4x32x10000xf32, #tpu.memory_space<vmem>>, vector<1x32x10000xf32>
    %get3A_25 = vector.shape_cast %get3A_24 : vector<1x32x10000xf32> to vector<32x10000xf32>
    %add3A_26 = arith.addf %add3A_20, %get3A_25 : vector<32x10000xf32>
    %get3A_27 = arith.constant 3 : index
    %get3A_28 = arith.constant 0 : index
    %get3A_29 = arith.constant 0 : index
    %get3A_30 = vector.load %arg0[%get3A_27, %get3A_28, %get3A_29] : memref<4x32x10000xf32, #tpu.memory_space<vmem>>, vector<1x32x10000xf32>
    %get3A_31 = vector.shape_cast %get3A_30 : vector<1x32x10000xf32> to vector<32x10000xf32>
    %add3A_32 = arith.addf %add3A_26, %get3A_31 : vector<32x10000xf32>
    %mul3A_33 = vector.broadcast %exp3A : vector<1x10000xf32> to vector<32x10000xf32>
    %mul3A_34 = arith.mulf %mul3A_33, %get3A_9 : vector<32x10000xf32>
    %add3A_35 = arith.addf %add3A_32, %mul3A_34 : vector<32x10000xf32>
    %get3A_36 = arith.constant 0 : index
    %get3A_37 = arith.constant 0 : index
    %get3A_38 = vector.load %arg1[%get3A_36, %get3A_37] : memref<4x10000xf32, #tpu.memory_space<vmem>>, vector<1x10000xf32>
    %get3A_39 = arith.constant 1 : index
    %get3A_40 = arith.constant 0 : index
    %get3A_41 = vector.load %arg1[%get3A_39, %get3A_40] : memref<4x10000xf32, #tpu.memory_space<vmem>>, vector<1x10000xf32>
    %add3A_42 = arith.addf %get3A_38, %get3A_41 : vector<1x10000xf32>
    %get3A_43 = arith.constant 2 : index
    %get3A_44 = arith.constant 0 : index
    %get3A_45 = vector.load %arg1[%get3A_43, %get3A_44] : memref<4x10000xf32, #tpu.memory_space<vmem>>, vector<1x10000xf32>
    %add3A_46 = arith.addf %add3A_42, %get3A_45 : vector<1x10000xf32>
    %get3A_47 = arith.constant 3 : index
    %get3A_48 = arith.constant 0 : index
    %get3A_49 = vector.load %arg1[%get3A_47, %get3A_48] : memref<4x10000xf32, #tpu.memory_space<vmem>>, vector<1x10000xf32>
    %add3A_50 = arith.addf %add3A_46, %get3A_49 : vector<1x10000xf32>
    %add3A_51 = arith.addf %add3A_50, %exp3A : vector<1x10000xf32>
    %add3A_52 = arith.constant 1.000000e-16 : f32
    %add3A_53 = vector.broadcast %add3A_52 : f32 to vector<1x10000xf32>
    %add3A_54 = arith.addf %add3A_51, %add3A_53 : vector<1x10000xf32>
    %div3A = vector.broadcast %add3A_54 : vector<1x10000xf32> to vector<32x10000xf32>
    %div3A_55 = arith.divf %add3A_35, %div3A : vector<32x10000xf32>
    %get3A_56 = arith.constant 0 : index
    %get3A_57 = arith.constant 0 : index
    %get3A_58 = vector.load %arg4[%get3A_56, %get3A_57] : memref<32x1xf32, #tpu.memory_space<vmem>>, vector<32x1xf32>
    %add3A_59 = vector.broadcast %get3A_58 : vector<32x1xf32> to vector<32x10000xf32>
    %add3A_60 = arith.addf %div3A_55, %add3A_59 : vector<32x10000xf32>
    %mul3A_61 = arith.constant 5.000000e-01 : f32
    %mul3A_62 = vector.broadcast %mul3A_61 : f32 to vector<32x10000xf32>
    %mul3A_63 = arith.mulf %mul3A_62, %add3A_60 : vector<32x10000xf32>
    %mul3A_64 = arith.constant 0.707106769 : f32
    %mul3A_65 = vector.broadcast %mul3A_64 : f32 to vector<32x10000xf32>
    %mul3A_66 = arith.mulf %add3A_60, %mul3A_65 : vector<32x10000xf32>
    %erf3A = math.erf %mul3A_66 : vector<32x10000xf32>
    %add3A_67 = arith.constant 1.000000e+00 : f32
    %add3A_68 = vector.broadcast %add3A_67 : f32 to vector<32x10000xf32>
    %add3A_69 = arith.addf %add3A_68, %erf3A : vector<32x10000xf32>
    %mul3A_70 = arith.mulf %mul3A_63, %add3A_69 : vector<32x10000xf32>
    %get3A_71 = arith.constant 0 : index
    %get3A_72 = arith.constant 0 : index
    %get3A_73 = vector.load %arg5[%get3A_71, %get3A_72] : memref<32x32xf32, #tpu.memory_space<vmem>>, vector<32x32xf32>
    %dot_general3A = arith.constant dense<0.000000e+00> : vector<32x10000xf32>
    %dot_general3A_74 = tpu.matmul %get3A_73, %mul3A_70, %dot_general3A {dimension_numbers = #tpu.dot_dimension_numbers<[1], [0], [0], [1], [0, 0, 1, 1], [], []>, transpose_lhs_hint = false} : vector<32x32xf32>, vector<32x10000xf32>, vector<32x10000xf32> -> vector<32x10000xf32>
    %swap3A = arith.constant 0 : index
    %swap3A_75 = arith.constant 0 : index
    %swap3A_76 = vector.load %arg8[%swap3A, %swap3A_75] : memref<32x10000xf32, #tpu.memory_space<vmem>>, vector<32x10000xf32>
    tpu.vector_store %arg8[%swap3A, %swap3A_75], %dot_general3A_74 {strides = array<i32>} : memref<32x10000xf32, #tpu.memory_space<vmem>>, vector<32x10000xf32>,
    %slice3A = vector.extract_strided_slice %dot_general3A_74 {offsets = [0, 0], sizes = [16, 10000], strides = [1, 1]} : vector<32x10000xf32> to vector<16x10000xf32>
    %convert_element_type3A = arith.truncf %slice3A : vector<16x10000xf32> to vector<16x10000xbf16>
    %bitcast_convert_type3A = tpu.bitcast %convert_element_type3A : vector<16x10000xbf16> -> vector<16x10000xi16>
    %convert_element_type3A_77 = arith.extsi %bitcast_convert_type3A : vector<16x10000xi16> to vector<16x10000xi32>
    %and3A = arith.constant 65535 : i32
    %and3A_78 = vector.broadcast %and3A : i32 to vector<16x10000xi32>
    %and3A_79 = arith.andi %convert_element_type3A_77, %and3A_78 : vector<16x10000xi32>
    %slice3A_80 = vector.extract_strided_slice %dot_general3A_74 {offsets = [16, 0], sizes = [16, 10000], strides = [1, 1]} : vector<32x10000xf32> to vector<16x10000xf32>
    %convert_element_type3A_81 = arith.truncf %slice3A_80 : vector<16x10000xf32> to vector<16x10000xbf16>
    %bitcast_convert_type3A_82 = tpu.bitcast %convert_element_type3A_81 : vector<16x10000xbf16> -> vector<16x10000xi16>
    %convert_element_type3A_83 = arith.extsi %bitcast_convert_type3A_82 : vector<16x10000xi16> to vector<16x10000xi32>
    %shift_left3A = arith.constant 16 : i32
    %shift_left3A_84 = vector.broadcast %shift_left3A : i32 to vector<16x10000xi32>
    %shift_left3A_85 = arith.shli %convert_element_type3A_83, %shift_left3A_84 : vector<16x10000xi32>
    %or3A = arith.ori %shift_left3A_85, %and3A_79 : vector<16x10000xi32>
    %swap3A_86 = arith.constant 0 : index
    %swap3A_87 = arith.constant 0 : index
    %swap3A_88 = vector.load %arg10[%swap3A_86, %swap3A_87] : memref<16x10000xi32, #tpu.memory_space<vmem>>, vector<16x10000xi32>
    tpu.vector_store %arg10[%swap3A_86, %swap3A_87], %or3A {strides = array<i32>} : memref<16x10000xi32, #tpu.memory_space<vmem>>, vector<16x10000xi32>,
    %get3A_89 = arith.constant 0 : index
    %get3A_90 = arith.constant 0 : index
    %get3A_91 = vector.load %arg6[%get3A_89, %get3A_90] : memref<1x32xf32, #tpu.memory_space<vmem>>, vector<1x32xf32>
    %dot_general3A_92 = arith.constant dense<0.000000e+00> : vector<1x10000xf32>
    %dot_general3A_93 = tpu.matmul %get3A_91, %dot_general3A_74, %dot_general3A_92 {dimension_numbers = #tpu.dot_dimension_numbers<[1], [0], [0], [1], [0, 0, 1, 1], [], []>, transpose_lhs_hint = false} : vector<1x32xf32>, vector<32x10000xf32>, vector<1x10000xf32> -> vector<1x10000xf32>
    %swap3A_94 = arith.constant 0 : index
    %swap3A_95 = arith.constant 0 : index
    %swap3A_96 = vector.load %arg9[%swap3A_94, %swap3A_95] : memref<2x10000xf32, #tpu.memory_space<vmem>>, vector<1x10000xf32>
    tpu.vector_store %arg9[%swap3A_94, %swap3A_95], %dot_general3A_93 {strides = array<i32>} : memref<2x10000xf32, #tpu.memory_space<vmem>>, vector<1x10000xf32>,
    %get3A_97 = arith.constant 0 : index
    %get3A_98 = arith.constant 0 : index
    %get3A_99 = vector.load %arg7[%get3A_97, %get3A_98] : memref<1x32xf32, #tpu.memory_space<vmem>>, vector<1x32xf32>
    %dot_general3A_100 = arith.constant dense<0.000000e+00> : vector<1x10000xf32>
    %dot_general3A_101 = tpu.matmul %get3A_99, %dot_general3A_74, %dot_general3A_100 {dimension_numbers = #tpu.dot_dimension_numbers<[1], [0], [0], [1], [0, 0, 1, 1], [], []>, transpose_lhs_hint = false} : vector<1x32xf32>, vector<32x10000xf32>, vector<1x10000xf32> -> vector<1x10000xf32>
    %swap3A_102 = arith.constant 1 : index
    %swap3A_103 = arith.constant 0 : index
    %swap3A_104 = vector.load %arg9[%swap3A_102, %swap3A_103] : memref<2x10000xf32, #tpu.memory_space<vmem>>, vector<1x10000xf32>
    tpu.vector_store %arg9[%swap3A_102, %swap3A_103], %dot_general3A_101 {strides = array<i32>} : memref<2x10000xf32, #tpu.memory_space<vmem>>, vector<1x10000xf32>,
    return
  }
}

module attributes {stable_mosaic.version = 14 : i64} {
  func.func @_tc_head_body(%arg0: memref<4x32x10000xf32, #tpu.memory_space<vmem>>, %arg1: memref<4x10000xf32, #tpu.memory_space<vmem>>, %arg2: memref<32x10000xf32, #tpu.memory_space<vmem>>, %arg3: memref<2x10000xf32, #tpu.memory_space<vmem>>, %arg4: memref<32x1xf32, #tpu.memory_space<vmem>>, %arg5: memref<1x10240xi32, #tpu.memory_space<vmem>>, %arg6: memref<64x32xf32, #tpu.memory_space<vmem>>, %arg7: memref<1x32xf32, #tpu.memory_space<vmem>>, %arg8: memref<32x32xf32, #tpu.memory_space<vmem>>, %arg9: memref<1x32xf32, #tpu.memory_space<vmem>>, %arg10: memref<32x32xf32, #tpu.memory_space<vmem>>, %arg11: memref<1x32xf32, #tpu.memory_space<vmem>>, %arg12: memref<32x48xf32, #tpu.memory_space<vmem>>, %arg13: memref<1x48xf32, #tpu.memory_space<vmem>>, %arg14: memref<64x48xf32, #tpu.memory_space<vmem>>, %arg15: memref<32x10240xf32, #tpu.memory_space<vmem>>) attributes {dimension_semantics = [], scalar_prefetch = 0 : i64, scratch_operands = 1 : i64, tpu.core_type = #tpu.core_type<tc>} {
    %get3A = arith.constant 0 : index
    %get3A_0 = arith.constant 0 : index
    %get3A_1 = vector.load %arg3[%get3A, %get3A_0] : memref<2x10000xf32, #tpu.memory_space<vmem>>, vector<1x10000xf32>
    %get3A_2 = arith.constant 1 : index
    %get3A_3 = arith.constant 0 : index
    %get3A_4 = vector.load %arg3[%get3A_2, %get3A_3] : memref<2x10000xf32, #tpu.memory_space<vmem>>, vector<1x10000xf32>
    %add3A = arith.addf %get3A_1, %get3A_4 : vector<1x10000xf32>
    %mul3A = arith.constant 2.000000e-01 : f32
    %mul3A_5 = vector.broadcast %mul3A : f32 to vector<1x10000xf32>
    %mul3A_6 = arith.mulf %mul3A_5, %add3A : vector<1x10000xf32>
    %max3A = arith.maximumf %add3A, %mul3A_6 : vector<1x10000xf32>
    %exp3A = math.exp %max3A : vector<1x10000xf32>
    %get3A_7 = arith.constant 0 : index
    %get3A_8 = arith.constant 0 : index
    %get3A_9 = arith.constant 0 : index
    %get3A_10 = vector.load %arg0[%get3A_7, %get3A_8, %get3A_9] : memref<4x32x10000xf32, #tpu.memory_space<vmem>>, vector<1x32x10000xf32>
    %get3A_11 = vector.shape_cast %get3A_10 : vector<1x32x10000xf32> to vector<32x10000xf32>
    %get3A_12 = arith.constant 1 : index
    %get3A_13 = arith.constant 0 : index
    %get3A_14 = arith.constant 0 : index
    %get3A_15 = vector.load %arg0[%get3A_12, %get3A_13, %get3A_14] : memref<4x32x10000xf32, #tpu.memory_space<vmem>>, vector<1x32x10000xf32>
    %get3A_16 = vector.shape_cast %get3A_15 : vector<1x32x10000xf32> to vector<32x10000xf32>
    %add3A_17 = arith.addf %get3A_11, %get3A_16 : vector<32x10000xf32>
    %get3A_18 = arith.constant 2 : index
    %get3A_19 = arith.constant 0 : index
    %get3A_20 = arith.constant 0 : index
    %get3A_21 = vector.load %arg0[%get3A_18, %get3A_19, %get3A_20] : memref<4x32x10000xf32, #tpu.memory_space<vmem>>, vector<1x32x10000xf32>
    %get3A_22 = vector.shape_cast %get3A_21 : vector<1x32x10000xf32> to vector<32x10000xf32>
    %add3A_23 = arith.addf %add3A_17, %get3A_22 : vector<32x10000xf32>
    %get3A_24 = arith.constant 3 : index
    %get3A_25 = arith.constant 0 : index
    %get3A_26 = arith.constant 0 : index
    %get3A_27 = vector.load %arg0[%get3A_24, %get3A_25, %get3A_26] : memref<4x32x10000xf32, #tpu.memory_space<vmem>>, vector<1x32x10000xf32>
    %get3A_28 = vector.shape_cast %get3A_27 : vector<1x32x10000xf32> to vector<32x10000xf32>
    %add3A_29 = arith.addf %add3A_23, %get3A_28 : vector<32x10000xf32>
    %get3A_30 = arith.constant 0 : index
    %get3A_31 = arith.constant 0 : index
    %get3A_32 = vector.load %arg2[%get3A_30, %get3A_31] : memref<32x10000xf32, #tpu.memory_space<vmem>>, vector<32x10000xf32>
    %mul3A_33 = vector.broadcast %exp3A : vector<1x10000xf32> to vector<32x10000xf32>
    %mul3A_34 = arith.mulf %mul3A_33, %get3A_32 : vector<32x10000xf32>
    %add3A_35 = arith.addf %add3A_29, %mul3A_34 : vector<32x10000xf32>
    %get3A_36 = arith.constant 0 : index
    %get3A_37 = arith.constant 0 : index
    %get3A_38 = vector.load %arg1[%get3A_36, %get3A_37] : memref<4x10000xf32, #tpu.memory_space<vmem>>, vector<1x10000xf32>
    %get3A_39 = arith.constant 1 : index
    %get3A_40 = arith.constant 0 : index
    %get3A_41 = vector.load %arg1[%get3A_39, %get3A_40] : memref<4x10000xf32, #tpu.memory_space<vmem>>, vector<1x10000xf32>
    %add3A_42 = arith.addf %get3A_38, %get3A_41 : vector<1x10000xf32>
    %get3A_43 = arith.constant 2 : index
    %get3A_44 = arith.constant 0 : index
    %get3A_45 = vector.load %arg1[%get3A_43, %get3A_44] : memref<4x10000xf32, #tpu.memory_space<vmem>>, vector<1x10000xf32>
    %add3A_46 = arith.addf %add3A_42, %get3A_45 : vector<1x10000xf32>
    %get3A_47 = arith.constant 3 : index
    %get3A_48 = arith.constant 0 : index
    %get3A_49 = vector.load %arg1[%get3A_47, %get3A_48] : memref<4x10000xf32, #tpu.memory_space<vmem>>, vector<1x10000xf32>
    %add3A_50 = arith.addf %add3A_46, %get3A_49 : vector<1x10000xf32>
    %add3A_51 = arith.addf %add3A_50, %exp3A : vector<1x10000xf32>
    %add3A_52 = arith.constant 1.000000e-16 : f32
    %add3A_53 = vector.broadcast %add3A_52 : f32 to vector<1x10000xf32>
    %add3A_54 = arith.addf %add3A_51, %add3A_53 : vector<1x10000xf32>
    %div3A = vector.broadcast %add3A_54 : vector<1x10000xf32> to vector<32x10000xf32>
    %div3A_55 = arith.divf %add3A_35, %div3A : vector<32x10000xf32>
    %get3A_56 = arith.constant 0 : index
    %get3A_57 = arith.constant 0 : index
    %get3A_58 = vector.load %arg4[%get3A_56, %get3A_57] : memref<32x1xf32, #tpu.memory_space<vmem>>, vector<32x1xf32>
    %add3A_59 = vector.broadcast %get3A_58 : vector<32x1xf32> to vector<32x10000xf32>
    %add3A_60 = arith.addf %div3A_55, %add3A_59 : vector<32x10000xf32>
    %broadcast_in_dim3A = arith.constant 0.000000e+00 : f32
    %broadcast_in_dim3A_61 = vector.broadcast %broadcast_in_dim3A : f32 to vector<32x10240xf32>
    %swap3A = arith.constant 0 : index
    %swap3A_62 = arith.constant 0 : index
    %swap3A_63 = vector.load %arg15[%swap3A, %swap3A_62] : memref<32x10240xf32, #tpu.memory_space<vmem>>, vector<32x10240xf32>
    tpu.vector_store %arg15[%swap3A, %swap3A_62], %broadcast_in_dim3A_61 {strides = array<i32>} : memref<32x10240xf32, #tpu.memory_space<vmem>>, vector<32x10240xf32>,
    %swap3A_64 = arith.constant 0 : index
    %swap3A_65 = arith.constant 0 : index
    %swap3A_66 = vector.load %arg15[%swap3A_64, %swap3A_65] : memref<32x10240xf32, #tpu.memory_space<vmem>>, vector<32x10000xf32>
    tpu.vector_store %arg15[%swap3A_64, %swap3A_65], %add3A_60 {strides = array<i32>} : memref<32x10240xf32, #tpu.memory_space<vmem>>, vector<32x10000xf32>,
    %get3A_67 = arith.constant 0 : index
    %get3A_68 = arith.constant 0 : index
    %get3A_69 = vector.load %arg5[%get3A_67, %get3A_68] : memref<1x10240xi32, #tpu.memory_space<vmem>>, vector<1x10240xi32>
    %iota3A = tpu.iota {dimensions = array<i32: 0>} : vector<64x10240xi32>
    %eq3A = vector.broadcast %get3A_69 : vector<1x10240xi32> to vector<64x10240xi32>
    %eq3A_70 = arith.cmpi eq, %iota3A, %eq3A : vector<64x10240xi32>
    %convert_element_type3A = arith.extui %eq3A_70 : vector<64x10240xi1> to vector<64x10240xi32>
    %convert_element_type3A_71 = arith.sitofp %convert_element_type3A : vector<64x10240xi32> to vector<64x10240xf32>
    %reduce_sum3A = arith.constant dense<0.000000e+00> : vector<64xf32>
    %reduce_sum3A_72 = vector.multi_reduction <add>, %convert_element_type3A_71, %reduce_sum3A [1] : vector<64x10240xf32> to vector<64xf32>
    %broadcast_in_dim3A_73 = vector.shape_cast %reduce_sum3A_72 : vector<64xf32> to vector<64x1xf32>
    %get3A_74 = arith.constant 0 : index
    %get3A_75 = arith.constant 0 : index
    %get3A_76 = vector.load %arg15[%get3A_74, %get3A_75] : memref<32x10240xf32, #tpu.memory_space<vmem>>, vector<32x10240xf32>
    %dot_general3A = arith.constant dense<0.000000e+00> : vector<64x32xf32>
    %dot_general3A_77 = tpu.matmul %convert_element_type3A_71, %get3A_76, %dot_general3A {dimension_numbers = #tpu.dot_dimension_numbers<[1], [1], [0], [0], [0, 0, 1, 0], [], []>, transpose_lhs_hint = false} : vector<64x10240xf32>, vector<32x10240xf32>, vector<64x32xf32> -> vector<64x32xf32>
    %max3A_78 = arith.constant 1.000000e+00 : f32
    %max3A_79 = vector.broadcast %max3A_78 : f32 to vector<64x1xf32>
    %max3A_80 = arith.maximumf %broadcast_in_dim3A_73, %max3A_79 : vector<64x1xf32>
    %div3A_81 = vector.broadcast %max3A_80 : vector<64x1xf32> to vector<64x32xf32>
    %div3A_82 = arith.divf %dot_general3A_77, %div3A_81 : vector<64x32xf32>
    %iota3A_83 = tpu.iota {dimensions = array<i32: 0>} : vector<64x1x128xi32>
    %broadcast_in_dim3A_84 = arith.constant 0xFF800000 : f32
    %broadcast_in_dim3A_85 = vector.broadcast %broadcast_in_dim3A_84 : f32 to vector<64x32xf32>
    %scan3A = arith.constant 0xFF800000 : f32
    %scan3A_86 = arith.constant 0 : i32
    %scan3A_87 = arith.constant 80 : i32
    %scan3A_88 = arith.addi %scan3A_86, %scan3A_87 : i32
    %scan3A_89 = arith.constant 1 : i32
    %scan3A_90 = scf.for %scan3A_145 = %scan3A_86 to %scan3A_88 step %scan3A_89 iter_args(%scan3A_146 = %broadcast_in_dim3A_85) -> (vector<64x32xf32>)  : i32 {
      %mul3A_147 = arith.constant 128 : i32
      %mul3A_148 = arith.muli %scan3A_145, %mul3A_147 : i32
      %get3A_149 = arith.constant 0 : index
      %get3A_150 = arith.index_cast %mul3A_148 : i32 to index
      %get3A_151 = vector.load %arg15[%get3A_149, %get3A_150] : memref<32x10240xf32, #tpu.memory_space<vmem>>, vector<32x128xf32>
      %mul3A_152 = arith.constant 128 : i32
      %mul3A_153 = arith.muli %scan3A_145, %mul3A_152 : i32
      %get3A_154 = arith.constant 0 : index
      %get3A_155 = arith.index_cast %mul3A_153 : i32 to index
      %get3A_156 = vector.load %arg5[%get3A_154, %get3A_155] : memref<1x10240xi32, #tpu.memory_space<vmem>>, vector<1x128xi32>
      %reshape3A = vector.shape_cast %get3A_156 : vector<1x128xi32> to vector<1x1x128xi32>
      %eq3A_157 = vector.broadcast %reshape3A : vector<1x1x128xi32> to vector<64x1x128xi32>
      %eq3A_158 = arith.cmpi eq, %eq3A_157, %iota3A_83 : vector<64x1x128xi32>
      %reshape3A_159 = vector.shape_cast %get3A_151 : vector<32x128xf32> to vector<1x32x128xf32>
      %broadcast_in_dim3A_160 = vector.shape_cast %eq3A_158 : vector<64x1x128xi1> to vector<64x1x128xi1>
      %broadcast_in_dim3A_161 = vector.broadcast %broadcast_in_dim3A_160 : vector<64x1x128xi1> to vector<64x32x128xi1>
      %broadcast_in_dim3A_162 = vector.shape_cast %reshape3A_159 : vector<1x32x128xf32> to vector<1x32x128xf32>
      %broadcast_in_dim3A_163 = vector.broadcast %broadcast_in_dim3A_162 : vector<1x32x128xf32> to vector<64x32x128xf32>
      %broadcast_in_dim3A_164 = vector.broadcast %scan3A : f32 to vector<64x32x128xf32>
      %select_n3A_165 = arith.select %broadcast_in_dim3A_161, %broadcast_in_dim3A_163, %broadcast_in_dim3A_164 : vector<64x32x128xi1>, vector<64x32x128xf32>
      %reduce_max3A = arith.constant dense<0xFF800000> : vector<64x32xf32>
      %reduce_max3A_166 = vector.multi_reduction <maximumf>, %select_n3A_165, %reduce_max3A [2] : vector<64x32x128xf32> to vector<64x32xf32>
      %max3A_167 = arith.maximumf %scan3A_146, %reduce_max3A_166 : vector<64x32xf32>
      scf.yield %max3A_167 : vector<64x32xf32>
    }
    %scan3A_91 = arith.constant 80 : i32
    %eq3A_92 = arith.constant 0xFF800000 : f32
    %eq3A_93 = vector.broadcast %eq3A_92 : f32 to vector<64x32xf32>
    %eq3A_94 = arith.cmpf oeq, %scan3A_90, %eq3A_93 : vector<64x32xf32>
    %jit3A = arith.constant 0.000000e+00 : f32
    %broadcast_in_dim3A_95 = vector.broadcast %jit3A : f32 to vector<64x32xf32>
    %select_n3A = arith.select %eq3A_94, %broadcast_in_dim3A_95, %scan3A_90 : vector<64x32xi1>, vector<64x32xf32>
    %concatenate3A = tpu.concatenate %div3A_82, %select_n3A in 1 : vector<64x32xf32>, vector<64x32xf32> -> vector<64x64xf32>
    %get3A_96 = arith.constant 0 : index
    %get3A_97 = arith.constant 0 : index
    %get3A_98 = vector.load %arg6[%get3A_96, %get3A_97] : memref<64x32xf32, #tpu.memory_space<vmem>>, vector<64x32xf32>
    %dot_general3A_99 = arith.constant dense<0.000000e+00> : vector<64x32xf32>
    %dot_general3A_100 = tpu.matmul %concatenate3A, %get3A_98, %dot_general3A_99 {dimension_numbers = #tpu.dot_dimension_numbers<[1], [0], [0], [1], [0, 0, 1, 1], [], []>, transpose_lhs_hint = false} : vector<64x64xf32>, vector<64x32xf32>, vector<64x32xf32> -> vector<64x32xf32>
    %get3A_101 = arith.constant 0 : index
    %get3A_102 = arith.constant 0 : index
    %get3A_103 = vector.load %arg7[%get3A_101, %get3A_102] : memref<1x32xf32, #tpu.memory_space<vmem>>, vector<1x32xf32>
    %add3A_104 = vector.broadcast %get3A_103 : vector<1x32xf32> to vector<64x32xf32>
    %add3A_105 = arith.addf %dot_general3A_100, %add3A_104 : vector<64x32xf32>
    %get3A_106 = arith.constant 0 : index
    %get3A_107 = arith.constant 0 : index
    %get3A_108 = vector.load %arg8[%get3A_106, %get3A_107] : memref<32x32xf32, #tpu.memory_space<vmem>>, vector<32x32xf32>
    %dot_general3A_109 = arith.constant dense<0.000000e+00> : vector<64x32xf32>
    %dot_general3A_110 = tpu.matmul %add3A_105, %get3A_108, %dot_general3A_109 {dimension_numbers = #tpu.dot_dimension_numbers<[1], [0], [0], [1], [0, 0, 1, 1], [], []>, transpose_lhs_hint = false} : vector<64x32xf32>, vector<32x32xf32>, vector<64x32xf32> -> vector<64x32xf32>
    %get3A_111 = arith.constant 0 : index
    %get3A_112 = arith.constant 0 : index
    %get3A_113 = vector.load %arg9[%get3A_111, %get3A_112] : memref<1x32xf32, #tpu.memory_space<vmem>>, vector<1x32xf32>
    %add3A_114 = vector.broadcast %get3A_113 : vector<1x32xf32> to vector<64x32xf32>
    %add3A_115 = arith.addf %dot_general3A_110, %add3A_114 : vector<64x32xf32>
    %max3A_116 = arith.constant 0.000000e+00 : f32
    %max3A_117 = vector.broadcast %max3A_116 : f32 to vector<64x32xf32>
    %max3A_118 = arith.maximumf %add3A_115, %max3A_117 : vector<64x32xf32>
    %get3A_119 = arith.constant 0 : index
    %get3A_120 = arith.constant 0 : index
    %get3A_121 = vector.load %arg10[%get3A_119, %get3A_120] : memref<32x32xf32, #tpu.memory_space<vmem>>, vector<32x32xf32>
    %dot_general3A_122 = arith.constant dense<0.000000e+00> : vector<64x32xf32>
    %dot_general3A_123 = tpu.matmul %max3A_118, %get3A_121, %dot_general3A_122 {dimension_numbers = #tpu.dot_dimension_numbers<[1], [0], [0], [1], [0, 0, 1, 1], [], []>, transpose_lhs_hint = false} : vector<64x32xf32>, vector<32x32xf32>, vector<64x32xf32> -> vector<64x32xf32>
    %get3A_124 = arith.constant 0 : index
    %get3A_125 = arith.constant 0 : index
    %get3A_126 = vector.load %arg11[%get3A_124, %get3A_125] : memref<1x32xf32, #tpu.memory_space<vmem>>, vector<1x32xf32>
    %add3A_127 = vector.broadcast %get3A_126 : vector<1x32xf32> to vector<64x32xf32>
    %add3A_128 = arith.addf %dot_general3A_123, %add3A_127 : vector<64x32xf32>
    %max3A_129 = arith.constant 0.000000e+00 : f32
    %max3A_130 = vector.broadcast %max3A_129 : f32 to vector<64x32xf32>
    %max3A_131 = arith.maximumf %add3A_128, %max3A_130 : vector<64x32xf32>
    %get3A_132 = arith.constant 0 : index
    %get3A_133 = arith.constant 0 : index
    %get3A_134 = vector.load %arg12[%get3A_132, %get3A_133] : memref<32x48xf32, #tpu.memory_space<vmem>>, vector<32x48xf32>
    %dot_general3A_135 = arith.constant dense<0.000000e+00> : vector<64x48xf32>
    %dot_general3A_136 = tpu.matmul %max3A_131, %get3A_134, %dot_general3A_135 {dimension_numbers = #tpu.dot_dimension_numbers<[1], [0], [0], [1], [0, 0, 1, 1], [], []>, transpose_lhs_hint = false} : vector<64x32xf32>, vector<32x48xf32>, vector<64x48xf32> -> vector<64x48xf32>
    %get3A_137 = arith.constant 0 : index
    %get3A_138 = arith.constant 0 : index
    %get3A_139 = vector.load %arg13[%get3A_137, %get3A_138] : memref<1x48xf32, #tpu.memory_space<vmem>>, vector<1x48xf32>
    %add3A_140 = vector.broadcast %get3A_139 : vector<1x48xf32> to vector<64x48xf32>
    %add3A_141 = arith.addf %dot_general3A_136, %add3A_140 : vector<64x48xf32>
    %swap3A_142 = arith.constant 0 : index
    %swap3A_143 = arith.constant 0 : index
    %swap3A_144 = vector.load %arg14[%swap3A_142, %swap3A_143] : memref<64x48xf32, #tpu.memory_space<vmem>>, vector<64x48xf32>
    tpu.vector_store %arg14[%swap3A_142, %swap3A_143], %add3A_141 {strides = array<i32>} : memref<64x48xf32, #tpu.memory_space<vmem>>, vector<64x48xf32>,
    return
  }
}

</mosaic_0001>

<sc_bundles>
// kernel: kernel.12.cloned.1.call-start
scs
__scs_entry_jumppad:
0x0: {  	(pc) =	sbr.rel $0x88, $3  }
0x1: {  	(tag) =	ssettag $0x0;
	lr =	simm.s32 $0x1  }
0x2: {  	[smem:$0x3F8A] =	sst lr;
	_ =	strace $0xD0000000  }
0x3: {  	_ = 	snop  }
0x4: {  	_ = 	snop  }
0x5: {  	_ = 	snop  }
0x6: {  	_ = 	snop  }
0x7: {  	_ = 	snop  }
__scs_overlays_trampoline_lowered:
0x8: {  	[smem:$0x3F99] =	sst s0  }
0x9: {  	[smem:$0x3F9A] =	sst s1  }
0xa: {  	[smem:$0x3F9B] =	sst s2  }
0xb: {  	[smem:$0x3F9C] =	sst s3  }
0xc: {  	[smem:$0x3F9D] =	sst s4  }
0xd: {  	[smem:$0x3F9E] =	sst s5  }
0xe: {  	[smem:$0x3F9F] =	sst s6  }
0xf: {  	[smem:$0x3FA0] =	sst s7  }
0x10: {  	[smem:$0x3FA1] =	sst s8  }
0x11: {  	[smem:$0x3FA2] =	sst s9;
	s0 =	simm.s32 @!p0 $0x0  }
0x12: {  	s1 =	sld [smem:$0x3F88];
	s0 =	simm.s32 @p0 $0x1  }
0x13: {  	[smem:$0x3FA3] =	sst s0;
	s0 =	simm.s32 @!p1 $0x0  }
0x14: {  	s2 =	sld [smem:$0x3F87];
	s0 =	simm.s32 @p1 $0x1  }
0x15: {  	[smem:$0x3FA4] =	sst s0;
	s0 =	simm.s32 @!p2 $0x0  }
0x16: {  	s3 =	sld [smem:$0x3FDB];
	s0 =	simm.s32 @p2 $0x1  }
0x17: {  	s4 =	simm.s32 $0x1BF5;
	[smem:$0x3FA6] =	sst s0  }
0x18: {  	s0 =	sld [smem:$0x3F89];
	_ =	swait.ge [sflag:s4], $0x0  }
0x19: {  	s7 =	sld [smem:$0x3F8A]  }
0x1a: {  	s8 =	sadd.s32 $0xFFFFE003, lr  }
0x1b: {  	s9 =	sadd.s32 $0xFFFFFEF7, lr;
	s5 =	simm.s32 $0xFFFFFFFF;
	p2 =	slt.u32 s8, $0xFFFFF086  }
0x1c: {  	p1 =	slt.u32 s9, $0xF7A;
	s5 =	simm.s32 @!p2 $0x0  }
0x1d: {  	s5 =	simm.s32 @p1 $0x1;
	p0 =	seq.s32 s7, s2  }
0x1e: {  	s7 =	smul.u32 @!p0 $0xF7A, s2;
	p2 =	seq.s32 @!p0 s5, $0x0  }
0x1f: {  	s9 =	smul.u32 $0xF7A, s1;
	s8 =	simm.s32 @!p0 $0x1BF5;
	p2 =	por !p2, p0  }
0x20: {  	[sflag:s8] =	ssyncset.s32 @!p0 $0xFFFFF086;
	s6 =	sadd.s32 @!p0 s3, s7;
	s7 =	simm.s32 @!p0 $0x108  }
0x21: {  	s3 =	sadd.s32 s3, s9;
	s6 =	sadd.s32 @!p0 $0x88, s6;
	s7 =	simm.s32 @p2 $0x1082  }
0x22: {  	[simem:s7], [sflag:s8] =	dma.local @!p0 [hbm:s6], $0xF7A  }
0x23: {  	s9 =	sor.u32 $0xD0000000, s2;
	s6 =	simm.s32 $0x108;
	_ =	swait.ge @!p0 [sflag:s8], $0x0  }
0x24: {  	s3 =	sadd.s32 $0x88, s3;
	s6 =	simm.s32 @!p1 $0x1082;
	[sflag:s4] =	ssyncset.s32 $0xFFFFF086  }
0x25: {  	[simem:s6], [sflag:s4] =	dma.local [hbm:s3], $0xF7A  }
0x26: {  	[smem:$0x3F8A] =	sst s1;
	(tag) =	ssettag s2;
	_ =	strace s9  }
0x27: {  	s1 =	sld [smem:$0x3F9A]  }
0x28: {  	s2 =	sld [smem:$0x3F9B]  }
0x29: {  	s4 =	sld [smem:$0x3F9D]  }
0x2a: {  	p0 =	seq.s32 s5, $0x0;
	s5 =	sld [smem:$0x3F9E]  }
0x2b: {  	s6 =	sld [smem:$0x3F9F]  }
0x2c: {  	s7 =	sld [smem:$0x3FA0]  }
0x2d: {  	s3 =	simm.s32 $0x108;
	s8 =	sld [smem:$0x3FA1]  }
0x2e: {  	s3 =	simm.s32 @!p0 $0x1082;
	s9 =	sld [smem:$0x3FA2]  }
0x2f: {  	lr =	sadd.s32 s0, s3;
	s0 =	sld [smem:$0x3F99]  }
0x30: {  	s3 =	sld [smem:$0x3F9C]  }
0x31: {  	[smem:$0x3FA5] =	sst s10  }
0x32: {  	s10 =	sld [smem:$0x3FA3];
	_ =	sdelay $0x3  }
0x33: {  	p0 =	seq.s32 s10, $0x1;
	s10 =	sld [smem:$0x3FA5];
	_ =	sdelay $0x3  }
0x34: {  	[smem:$0x3FA5] =	sst s10  }
0x35: {  	s10 =	sld [smem:$0x3FA4];
	_ =	sdelay $0x3  }
0x36: {  	p1 =	seq.s32 s10, $0x1;
	s10 =	sld [smem:$0x3FA5];
	_ =	sdelay $0x3  }
0x37: {  	[smem:$0x3FA5] =	sst s10  }
0x38: {  	s10 =	sld [smem:$0x3FA6]  }
0x39: {  	_ = 	snop;
	(pc) =	sbr.ind lr, $3  }
0x3a: {  	_ = 	snop  }
0x3b: {  	_ = 	snop  }
0x3c: {  	p2 =	seq.s32 s10, $0x1;
	s10 =	sld [smem:$0x3FA5]  }
0x3d: {  	_ =	shalt  }
0x3e: {  	_ =	shalt  }
0x3f: {  	_ =	shalt  }
0x40: {  	_ =	shalt  }
0x41: {  	_ =	shalt  }
0x42: {  	_ =	shalt  }
0x43: {  	_ =	shalt  }
0x44: {  	_ =	shalt  }
0x45: {  	_ =	shalt  }
0x46: {  	_ =	shalt  }
0x47: {  	_ =	shalt  }
0x48: {  	_ =	shalt  }
0x49: {  	_ =	shalt  }
0x4a: {  	_ =	shalt  }
0x4b: {  	_ =	shalt  }
0x4c: {  	_ =	shalt  }
0x4d: {  	_ =	shalt  }
0x4e: {  	_ =	shalt  }
0x4f: {  	_ =	shalt  }
0x50: {  	_ =	shalt  }
0x51: {  	_ =	shalt  }
0x52: {  	_ =	shalt  }
0x53: {  	_ =	shalt  }
0x54: {  	_ =	shalt  }
0x55: {  	_ =	shalt  }
0x56: {  	_ =	shalt  }
0x57: {  	_ =	shalt  }
0x58: {  	_ =	shalt  }
0x59: {  	_ =	shalt  }
0x5a: {  	_ =	shalt  }
0x5b: {  	_ =	shalt  }
0x5c: {  	_ =	shalt  }
0x5d: {  	_ =	shalt  }
0x5e: {  	_ =	shalt  }
0x5f: {  	_ =	shalt  }
0x60: {  	_ =	shalt  }
0x61: {  	_ =	shalt  }
0x62: {  	_ =	shalt  }
0x63: {  	_ =	shalt  }
0x64: {  	_ =	shalt  }
0x65: {  	_ =	shalt  }
0x66: {  	_ =	shalt  }
0x67: {  	_ =	shalt  }
0x68: {  	_ =	shalt  }
0x69: {  	_ =	shalt  }
0x6a: {  	_ =	shalt  }
0x6b: {  	_ =	shalt  }
0x6c: {  	_ =	shalt  }
0x6d: {  	_ =	shalt  }
0x6e: {  	_ =	shalt  }
0x6f: {  	_ =	shalt  }
0x70: {  	_ =	shalt  }
0x71: {  	_ =	shalt  }
0x72: {  	_ =	shalt  }
0x73: {  	_ =	shalt  }
0x74: {  	_ =	shalt  }
0x75: {  	_ =	shalt  }
0x76: {  	_ =	shalt  }
0x77: {  	_ =	shalt  }
0x78: {  	_ =	shalt  }
0x79: {  	_ =	shalt  }
0x7a: {  	_ =	shalt  }
0x7b: {  	_ =	shalt  }
0x7c: {  	_ =	shalt  }
0x7d: {  	_ =	shalt  }
0x7e: {  	_ =	shalt  }
0x7f: {  	_ =	shalt  }
0x80: {  	_ =	shalt  }
0x81: {  	_ =	shalt  }
0x82: {  	_ =	shalt  }
0x83: {  	_ =	shalt  }
0x84: {  	_ =	shalt  }
0x85: {  	_ =	shalt  }
0x86: {  	_ =	shalt  }
0x87: {  	_ =	shalt  }
.Lfunc_end0:
.L_simem_size_0:
called_computation.1_lowered:
.L_overlay_start_0:
0x88: {  	s2 =	sld [smem:$0x3FD9]  }
0x89: {  	s3 =	sld [smem:$0x3FFE];
	_ =	sdelay $0x1  }
0x8a: {  	s1 =	srdreg.scid  }
0x8b: {  	s0 =	sand.u32 $0x1, s1  }
0x8c: {  	s16 =	sshll.u32 s0, $0xA;
	s2 =	sadd.s32 s3, s2  }
0x8d: {  	s2 =	sadd.s32 s2, s16  }
0x8e: {  	[smem:$0x3FB1] =	sst s2  }
0x8f: {  	_ = 	snop  }
0x90: {  	(tm) =	ssettm $0x1  }
0x91: {  	s17 =	sld [smem:$0x3FFB];
	_ =	sdelay $0x3  }
0x92: {  	_ =	strace s17  }
0x93: {  	s2 =	sld [smem:$0x3FFC];
	_ =	sdelay $0x3  }
0x94: {  	_ =	strace s2  }
0x95: {  	s2 =	sld [smem:$0x3FFD];
	_ =	sdelay $0x3  }
0x96: {  	_ =	strace s2  }
0x97: {  	_ =	strace $0x8FFFFFFF  }
0x98: {  	s18 =	sld [smem:$0x3FDB];
	_ =	sdelay $0x1  }
0x99: {  	s19 =	simm.s32 $_scs_section_size  }
0x9a: {  	s4 =	simm.s32 $_size__tile_overlayer_lowered;
	s5 =	simm.s32 $_tile_overlayer_lowered  }
0x9b: {  	s22 =	simm.s32 $0x1BFF;
	s21 =	sshll.u32 s5, $0x1;
	s2 =	sadd.s32 s19, s18  }
0x9c: {  	s6 =	simm.s32 $0x0;
	s20 =	sshll.u32 s4, $0x1;
	s4 =	sadd.s32 s21, s2  }
0x9d: {  	[timem:s6], [sflag:s22] =	dma.local [hbm:s4], s20  }
0x9e: {  	_ =	swait.ge [sflag:s22], s20  }
0x9f: {  	s3 =	ssub.s32 $0x0, s20;
	[sflag:s22] =	ssyncset.done $0x0  }
0xa0: {  	[sflag:s22] =	ssyncadd.s32 s3;
	_ =	sdelay $0x1  }
0xa1: {  	s23 =	simm.s32 $0x1B8B  }
0xa2: {  	_ =	swait.ge [sflag:s23], $0x1  }
0xa3: {  	[sflag:s23] =	ssyncset.done $0x0  }
0xa4: {  	s25 =	simm.s32 $0x1B8E;
	s24 =	sld [smem:$0x3FFE];
	[sflag:s23] =	ssyncadd.s32 $0xFFFFFFFF  }
0xa5: {  	s26 =	simm.s32 $execute0_lowered;
	[smem:$0x3FD2] =	sst s25  }
0xa6: {  	s4 =	sshll.u32 s26, $0x1;
	_ =	strace $0x80000049;
	[dreg:$0x1] =	wrdreg $0xFFFFFFFF  }
0xa7: {  	s28 =	simm.s32 $_size_execute0_lowered;
	s2 =	sadd.s32 s2, s4;
	[dreg:$0x0] =	wrdreg $0x0  }
0xa8: {  	s4 =	sshll.u32 s28, $0x1;
	[dreg:$0x2] =	wrdreg s2  }
0xa9: {  	[dreg:$0x3] =	wrdreg s4  }
0xaa: {  	[dreg:$0x4] =	wrdreg $0xC0  }
0xab: {  	_ =	task [dreg:s6], $0x5FFFF  }
0xac: {  	[dreg:$0x1] =	wrdreg $0xFFFFFFFF  }
0xad: {  	[dreg:$0x0] =	wrdreg $0x60  }
0xae: {  	[dreg:$0x2] =	wrdreg s24  }
0xaf: {  	[dreg:$0x3] =	wrdreg $0x9  }
0xb0: {  	_ =	task.clear_ibuf [dreg:s6], $0x4FFFF;
	_ =	strace $0x90000049  }
0xb1: {  	s29 =	simm.s32 $0x9;
	_ =	strace $0x8000004B  }
0xb2: {  	_ =	swait.ge [sflag:s29], $0x1  }
0xb3: {  	[sflag:s29] =	ssyncadd.s32 $0xFFFFFFFF  }
0xb4: {  	_ =	strace $0x9000004B  }
0xb5: {  	_ =	sfence  }
0xb6: {  	s30 =	sld [smem:$0x0];
	_ =	sdelay $0x2  }
0xb7: {  	s31 =	sshll.u32 s1, $0xD;
	s1 =	sshrl.u32 s1, $0x2  }
0xb8: {  	s3 =	sand.u32 $0x4000, s31;
	s1 =	sadd.s32 s1, s30  }
0xb9: {  	s0 =	sor.u32 s3, s0;
	s1 =	sshll.u32 s1, $0x11  }
0xba: {  	s0 =	sor.u32 s1, s0  }
0xbb: {  	s0 =	sadd.s32 $0x8F2B, s0  }
0xbc: {  	[sflag:s0] =	ssyncadd.remote.s32 $0x1  }
0xbd: {  	_ =	sfence.sel $0xFFFF  }
0xbe: {  	[dreg:$0x0] =	wrdreg $0xFFFFFFFF;
	(pc) =	sbr.abs _section_cstart, $3  }
0xbf: {  	[dreg:$0x1] =	wrdreg $0xFFFFFFFF  }
0xc0: {  	_ =	task.clear_ibuf [dreg:s6], $0x2FFFF;
	_ =	strace $0x9FFFFFFF  }
0xc1: {  	(tm) =	ssettm $0x7FFFFFFF  }
tec
execute0_lowered:
.L_overlay_start_1:
0x0: {  	(tag) =	ssettag $0x1  }
0x1: {  	s0 =	srdreg.scid  }
0x2: {  	s16 =	stileid.u32;
	s6 =	rddreg [dreg:$0x0]  }
0x3: {  	s3 =	simm.s32 $0x1;
	s2 =	simm.s32 $0x0;
	s28 =	simm.s32 $0x5  }
0x4: {  	s29 =	simm.s32 $0x2780;
	s30 =	simm.s32 $0x100;
	s31 =	simm.s32 $0xED00  }
0x5: {  	s0 =	sand.u32 $0x1, s0;
	s4 =	sand.u32 $0x7, s16;
	[smem:$0x7FF] =	sst s2  }
0x6: {  	s8 =	sadd.s32 $0x1A000, s6;
	s9 =	sadd.s32 $0x1F000, s6;
	s17 =	sshll.u32 s16, $0x8  }
0x7: {  	s1 =	sshll.u32 s0, $0x4;
	p0 =	sne.s32 s4, $0x0;
	_ =	strace $0x8000004A  }
0x8: {  	[dreg:$0x2] =	wrdreg s9;
	s9 =	sadd.s32 $0x1FA00, s6;
	s1 =	sor.u32 s16, s1  }
0x9: {  	s0 =	ssub.s32 $0x2, s0;
	s4 =	sshrl.u32 s4, $0x2;
	p1 =	seq.s32 s1, $0x0  }
0xa: {  	s11 =	sshrl.u32 s0, $0x1;
	s16 =	sshll.u32 s16, $0x1;
	p1 =	por !p0, !p1  }
0xb: {  	s4 =	smul.u32 $0x13C00, s4;
	s21 =	sor.u32 $0x11, s16;
	p1 =	por !p1, !p1  }
0xc: {  	s1 =	sshrl.u32 s1, $0x3;
	s23 =	sshrl.u32 s21, $0x3;
	s3 =	simm.s32 @!p1 $0x0  }
0xd: {  	s0 =	ssub.s32 s0, s11;
	s24 =	smul.u32 $0x13C00, s23;
	s1 =	ssub.s32 s1, s3  }
0xe: {  	s23 =	simm.s32 $0x18380;
	s5 =	sshrl.u32 s1, $0x2;
	s10 =	smul.u32 $0x13880, s1  }
0xf: {  	s3 =	sadd.s32 $0x6600, s6;
	s7 =	sshll.u32 s1, $0x7;
	s5 =	smul.u32 $0x9E00, s5  }
0x10: {  	s1 =	smul.u32 $0x4F000, s1;
	s7 =	sand.u32 $0x180, s7;
	s12 =	sadd.s32 $0x4E200, s10  }
0x11: {  	s13 =	sshrl.u32 s10, $0x3;
	s15 =	sadd.s32 $0xFA0, s10;
	s7 =	sor.u32 s7, s5  }
0x12: {  	s5 =	simm.s32 $0x1;
	s12 =	sshrl.u32 s12, $0x3;
	s11 =	sadd.s32 s3, s13  }
0x13: {  	s13 =	sadd.s32 $0x4F1A0, s10;
	s7 =	sshrl.u32 s7, $0x3;
	[dreg:$0x3] =	wrdreg s11  }
0x14: {  	s14 =	sadd.s32 s3, s12;
	s11 =	sshrl.u32 s15, $0x3;
	s12 =	sand.u32 $0x300, s17  }
0x15: {  	s18 =	sshrl.u32 s13, $0x3;
	s7 =	sadd.s32 s7, s6;
	[dreg:$0x4] =	wrdreg s14  }
0x16: {  	s11 =	sadd.s32 s3, s11;
	s15 =	sor.u32 $0x80, s12;
	s19 =	sor.u32 s12, s4  }
0x17: {  	s6 =	sadd.s32 $0x1F010, s6;
	[dreg:$0x5] =	wrdreg s11;
	s11 =	sadd.s32 s3, s18  }
0x18: {  	s20 =	sor.u32 s15, s4;
	s14 =	sshrl.u32 s19, $0x3;
	[dreg:$0x9] =	wrdreg s6  }
0x19: {  	s4 =	sadd.s32 s4, s1;
	s25 =	sadd.s32 s1, s19;
	s6 =	sshll.u32 s21, $0x7  }
0x1a: {  	s1 =	sadd.s32 s24, s1;
	s19 =	sadd.s32 $0x47200, s7;
	s24 =	simm.s32 $0x19380  }
0x1b: {  	s21 =	simm.s32 $0x4F00;
	s7 =	simm.s32 $0x13C00;
	[dreg:$0x6] =	wrdreg s11  }
0x1c: {  	s13 =	sshrl.u32 s20, $0x3;
	s14 =	sadd.s32 s8, s14;
	s22 =	sor.u32 s12, s4  }
0x1d: {  	s6 =	sand.u32 $0x380, s6;
	s4 =	sor.u32 s15, s4;
	s20 =	smax.u32 s0, $0x1  }
0x1e: {  	s0 =	simm.s32 $0x2;
	[dreg:$0x7] =	wrdreg s14;
	s8 =	sadd.s32 s8, s13  }
0x1f: {  	s13 =	sadd.s32 $0x1F40, s10;
	s14 =	sadd.s32 $0x2EE0, s10;
	s1 =	sor.u32 s6, s1  }
0x20: {  	s4 =	sshrl.u32 s4, $0x3;
	s6 =	simm.s32 $0xC580;
	s10 =	simm.s32 $0x0  }
0x21: {  	[dreg:$0x8] =	wrdreg s8;
	s8 =	sshrl.u32 s22, $0x3;
	s1 =	sshrl.u32 s1, $0x3  }
0x22: {  	s4 =	sadd.s32 s9, s4;
	s22 =	simm.s32 $0x7680;
	s8 =	sadd.s32 s9, s8  }
.Ltmp0:
0x23: {  	[dreg:$0xc] =	wrdreg s4;
	s1 =	sadd.s32 s9, s1;
	(pc) =	sbr.rel .LBB2_1-.Ltmp0, $4  }
0x24: {  	s4 =	simm.s32 $0x9E00;
	[dreg:$0xa] =	wrdreg s8;
	s8 =	sadd.s32 $0x27800, s25  }
0x25: {  	[dreg:$0xd] =	wrdreg s1;
	s25 =	simm.s32 $0x80;
	s8 =	sshrl.u32 s8, $0x3  }
0x26: {  	s1 =	simm.s32 $0x11480;
	s26 =	sadd.s32 s9, s8;
	s8 =	simm.s32 $0x3  }
0x27: {  	v0 =	vimm.f32 $0.0e+00;
	s9 =	simm.s32 $0x4;
	[dreg:$0xb] =	wrdreg s26;
	s26 =	simm.s32 $0x400  }
.LBB2_10:
0x28: {  	s11 =	rddreg [dreg:$0xa]  }
0x29: {  	[hbm4b:s11+s25] =	stream.strided.scatter [tilespmem:s21], [sflag:$0x5], $0x2780, s26, s25, $0x38;
	[tilespmem:$0x1A380] =	vst v63  }
0x2a: {  	_ =	swait.ge [sflag:s28], $0x2780  }
0x2b: {  	[sflag:s28] =	ssyncset.done $0x0  }
0x2c: {  	s16 =	rddreg [dreg:$0xb];
	[sflag:s28] =	ssyncadd.s32 $0xFFFFD880  }
0x2d: {  	[hbm4b:s16+s25] =	stream.strided.scatter [tilespmem:s22], [sflag:$0x5], $0x2780, s26, s25, $0x38;
	[tilespmem:$0x1A380] =	vst v63  }
0x2e: {  	_ =	swait.ge [sflag:s28], $0x2780  }
0x2f: {  	[sflag:s28] =	ssyncset.done $0x0  }
0x30: {  	s17 =	rddreg [dreg:$0xc];
	[sflag:s28] =	ssyncadd.s32 $0xFFFFD880  }
0x31: {  	[hbm4b:s17+s25] =	stream.strided.scatter [tilespmem:s4], [sflag:$0x5], $0x2780, s26, s25, $0x38;
	[tilespmem:$0x1A380] =	vst v63  }
0x32: {  	_ =	swait.ge [sflag:s28], $0x2780  }
0x33: {  	[sflag:s28] =	ssyncset.done $0x0  }
0x34: {  	s18 =	rddreg [dreg:$0xd];
	[sflag:s28] =	ssyncadd.s32 $0xFFFFD880  }
0x35: {  	[hbm4b:s18+s25] =	stream.strided.scatter [tilespmem:s6], [sflag:$0x5], $0x2780, s26, s25, $0x38;
	[tilespmem:$0x1A380] =	vst v63  }
0x36: {  	s12 =	simm.s32 @!p0 $0x200;
	_ =	swait.ge [sflag:s28], $0x2780  }
0x37: {  	s15 =	simm.s32 @!p0 $0x13C00;
	s10 =	sadd.s32 $0x1, s10;
	[sflag:s28] =	ssyncset.done $0x0  }
0x38: {  	s11 =	simm.s32 @!p0 $0x80;
	p1 =	sne.s32 s10, s20;
	[sflag:s28] =	ssyncadd.s32 $0xFFFFD880  }
0x39: {  	[hbm4b:s19+s11] =	stream.strided.scatter @!p0 [tilespmem:s15], [sflag:$0x5], $0x2780, s12, s11, $0x38;
	[tilespmem:$0x1A380] =	vst v63  }
.Ltmp1:
0x3a: {  	_ = 	snop;
	(pc) =	sbr.rel @!p1 .LBB2_11-.Ltmp1, $4  }
0x3b: {  	s11 =	simm.s32 @!p0 $0x5  }
0x3c: {  	_ =	swait.ge @!p0 [sflag:s11], $0x2780  }
0x3d: {  	[sflag:s11] =	ssyncset.done @!p0 $0x0  }
0x3e: {  	[sflag:s11] =	ssyncadd.s32 @!p0 $0xFFFFD880  }
.LBB2_1:
0x3f: {  	s17 =	simm.s32 $0x4F20  }
0x40: {  	[tilespmem:s17+$0xFFFFFFF0] =	vst v0  }
0x41: {  	[tilespmem:s17+$0x0] =	vst v0  }
0x42: {  	[tilespmem:s17+$0x10] =	vst v0  }
0x43: {  	s11 =	simm.s32 $0x76A0;
	[tilespmem:s17+$0xFFFFFFE0] =	vst v0  }
0x44: {  	[tilespmem:s11+$0xFFFFFFF0] =	vst v0  }
0x45: {  	[tilespmem:s11+$0x0] =	vst v0  }
0x46: {  	[tilespmem:s11+$0x10] =	vst v0  }
0x47: {  	s12 =	simm.s32 $0x9E20;
	[tilespmem:s11+$0xFFFFFFE0] =	vst v0  }
0x48: {  	[tilespmem:s12+$0xFFFFFFF0] =	vst v0  }
0x49: {  	[tilespmem:s12+$0x0] =	vst v0  }
0x4a: {  	[tilespmem:s12+$0x10] =	vst v0  }
0x4b: {  	s15 =	simm.s32 $0xC5A0;
	[tilespmem:s12+$0xFFFFFFE0] =	vst v0  }
0x4c: {  	[tilespmem:s15+$0xFFFFFFF0] =	vst v0  }
0x4d: {  	[tilespmem:s15+$0x0] =	vst v0  }
0x4e: {  	[tilespmem:s15+$0x10] =	vst v0  }
0x4f: {  	s16 =	simm.s32 $0x13C20;
	[tilespmem:s15+$0xFFFFFFE0] =	vst v0  }
0x50: {  	[tilespmem:s16+$0xFFFFFFF0] =	vst v0  }
0x51: {  	[tilespmem:s16+$0x0] =	vst v0  }
0x52: {  	[tilespmem:s16+$0x10] =	vst v0  }
0x53: {  	s18 =	simm.s32 $0x4F60;
	s17 =	simm.s32 $0x0;
	[tilespmem:s16+$0xFFFFFFE0] =	vst v0  }
.LBB2_2:
0x54: {  	[tilespmem:s18+$0xFFFFFFF0] =	vst v0;
	s11 =	sadd.s32 $0x40, s11  }
0x55: {  	s12 =	sadd.s32 $0x40, s12;
	[tilespmem:s11+$0xFFFFFFF0] =	vst v0  }
0x56: {  	s15 =	sadd.s32 $0x40, s15;
	[tilespmem:s12+$0xFFFFFFF0] =	vst v0  }
0x57: {  	s16 =	sadd.s32 $0x40, s16;
	[tilespmem:s15+$0xFFFFFFF0] =	vst v0  }
0x58: {  	[tilespmem:s16+$0xFFFFFFF0] =	vst v0  }
0x59: {  	[tilespmem:s18+$0x0] =	vst v0  }
0x5a: {  	[tilespmem:s11+$0x0] =	vst v0  }
0x5b: {  	[tilespmem:s12+$0x0] =	vst v0  }
0x5c: {  	[tilespmem:s15+$0x0] =	vst v0  }
0x5d: {  	[tilespmem:s16+$0x0] =	vst v0  }
0x5e: {  	[tilespmem:s18+$0x10] =	vst v0  }
0x5f: {  	[tilespmem:s11+$0x10] =	vst v0  }
0x60: {  	[tilespmem:s12+$0x10] =	vst v0  }
0x61: {  	s17 =	sadd.s32 $0x4, s17;
	[tilespmem:s15+$0x10] =	vst v0  }
0x62: {  	p1 =	slt.u32 s17, $0x26C;
	[tilespmem:s16+$0x10] =	vst v0  }
.Ltmp2:
0x63: {  	[tilespmem:s18+$0xFFFFFFE0] =	vst v0;
	(pc) =	sbr.rel @p1 .LBB2_2-.Ltmp2, $4  }
0x64: {  	[tilespmem:s11+$0xFFFFFFE0] =	vst v0  }
0x65: {  	[tilespmem:s12+$0xFFFFFFE0] =	vst v0  }
0x66: {  	[tilespmem:s15+$0xFFFFFFE0] =	vst v0  }
0x67: {  	s18 =	sadd.s32 $0x40, s18;
	[tilespmem:s16+$0xFFFFFFE0] =	vst v0  }
0x68: {  	[tilespmem:$0x7600] =	vst v0  }
0x69: {  	[tilespmem:$0x9D80] =	vst v0  }
0x6a: {  	[tilespmem:$0xC500] =	vst v0  }
0x6b: {  	[tilespmem:$0xEC80] =	vst v0  }
0x6c: {  	[tilespmem:$0x16300] =	vst v0;
	s11 =	simm.s32 $0x0;
	s12 =	rddreg [dreg:$0x3];
	s15 =	simm.s32 $0x16380  }
0x6d: {  	[tilespmem:s15], [sflag:$0x1] =	stream.linear.gather [hbm4b:s12+s11], $0xFA0, $0x38;
	[tilespmem:$0x1A380] =	vst v63  }
0x6e: {  	s16 =	simm.s32 $0x17380;
	s15 =	rddreg [dreg:$0x4]  }
0x6f: {  	[tilespmem:s16], [sflag:$0x2] =	stream.linear.gather [hbm4b:s15+s11], $0xFA0, $0x38;
	[tilespmem:$0x1A380] =	vst v63  }
0x70: {  	s17 =	rddreg [dreg:$0x5]  }
0x71: {  	[tilespmem:s23], [sflag:$0x3] =	stream.linear.gather [hbm4b:s17+s11], $0xFA0, $0x38;
	[tilespmem:$0x1A380] =	vst v63  }
0x72: {  	s18 =	rddreg [dreg:$0x6]  }
0x73: {  	[tilespmem:s24], [sflag:$0x4] =	stream.linear.gather [hbm4b:s18+s11], $0xFA0, $0x38;
	[tilespmem:$0x1A380] =	vst v63  }
0x74: {  	s15 =	rddreg [dreg:$0x7]  }
0x75: {  	[tilespmem:s11], [sflag:$0x5] =	stream.strided.gather [hbm4b:s15+s25], $0x2780, s26, s25, $0x38;
	[tilespmem:$0x1A380] =	vst v63  }
0x76: {  	_ =	swait.ge [sflag:s28], $0x2780  }
0x77: {  	[sflag:s28] =	ssyncset.done $0x0  }
0x78: {  	s16 =	rddreg [dreg:$0x8];
	[sflag:s28] =	ssyncadd.s32 $0xFFFFD880  }
0x79: {  	[tilespmem:s29], [sflag:$0x5] =	stream.strided.gather [hbm4b:s16+s25], $0x2780, s26, s25, $0x38;
	[tilespmem:$0x1A380] =	vst v63  }
0x7a: {  	_ =	swait.ge [sflag:s28], $0x2780  }
0x7b: {  	[sflag:s28] =	ssyncset.done $0x0  }
0x7c: {  	s17 =	rddreg [dreg:$0x2];
	[sflag:s28] =	ssyncadd.s32 $0xFFFFD880  }
0x7d: {  	[tilespmem:s31], [sflag:$0x5] =	stream.strided.gather [hbm4b:s17+s25], $0x2780, s30, s25, $0x38;
	[tilespmem:$0x1A380] =	vst v63  }
0x7e: {  	_ =	swait.ge [sflag:s28], $0x2780  }
0x7f: {  	[sflag:s28] =	ssyncset.done $0x0  }
0x80: {  	s18 =	rddreg [dreg:$0x9];
	[sflag:s28] =	ssyncadd.s32 $0xFFFFD880  }
0x81: {  	[tilespmem:s1], [sflag:$0x5] =	stream.strided.gather [hbm4b:s18+s25], $0x2780, s30, s25, $0x38;
	[tilespmem:$0x1A380] =	vst v63  }
0x82: {  	_ =	swait.ge [sflag:s28], $0x2780  }
0x83: {  	[sflag:s28] =	ssyncset.done $0x0  }
0x84: {  	[sflag:s28] =	ssyncadd.s32 $0xFFFFD880  }
.LBB2_4:
0x85: {  	_ =	swait.ge [sflag:s5], $0xFA0  }
0x86: {  	[sflag:s5] =	ssyncset.done $0x0  }
0x87: {  	[sflag:s5] =	ssyncadd.s32 $0xFFFFF060  }
0x88: {  	_ =	swait.ge [sflag:s0], $0xFA0  }
0x89: {  	[sflag:s0] =	ssyncset.done $0x0  }
0x8a: {  	s12 =	simm.s32 $0x16390;
	[sflag:s0] =	ssyncadd.s32 $0xFFFFF060  }
0x8b: {  	s15 =	simm.s32 $0x17390;
	v5 =	vld [tilespmem:s12+$0x0]  }
0x8c: {  	v10 =	vld [tilespmem:s15+$0x0];
	_ =	sdelay $0x4  }
0x8d: {  	v1 =	vld [tilespmem:s15+$0xFFFFFFF0]  }
0x8e: {  	v11 =	vld [tilespmem:s12+$0xFFFFFFF0]  }
0x8f: {  	v2 =	vld.idx.msk [tilespmem:v5+s31+$0x0], $0xffff  }
0x90: {  	v3 =	vld.idx.msk [tilespmem:v10+s1+$0x0], $0xffff;
	_ =	sdelay $0x4  }
0x91: {  	v2 =	vadd.f32 v3, v2;
	_ =	sdelay $0x1  }
0x92: {  	v4 =	vld.idx.msk [tilespmem:v11+s31+$0x0], $0xffff;
	v3 =	vmul.f32 $2.000000030e-01, v2  }
0x93: {  	v6 =	vld.idx.msk [tilespmem:v1+s1+$0x0], $0xffff  }
0x94: {  	v2 =	vmax.f32 v2, v3  }
0x95: {  	s17 =	simm.s32 $0x173B0;
	v2 =	vmul.f32 $1.442695020e+00, v2  }
0x96: {  	s16 =	simm.s32 $0x163B0;
	v3 =	vld [tilespmem:s17+$0x0]  }
0x97: {  	v12 =	vld [tilespmem:s16+$0x0];
	(erf) = vpow2.f32 v2  }
0x98: {  	v2 =	vadd.f32 v6, v4;
	_ =	sdelay $0x1  }
0x99: {  	v4 =	vmul.f32 $2.000000030e-01, v2  }
0x9a: {  	v6 =	vld.idx.msk [tilespmem:v5+s2+$0x0], $0xffff  }
0x9b: {  	v4 =	vmax.f32 v2, v4;
	v2 =	vld [tilespmem:s17+$0xFFFFFFF0]  }
0x9c: {  	v7 =	vmul.f32 $1.442695020e+00, v4;
	v4 =	vld [tilespmem:s16+$0xFFFFFFF0]  }
0x9d: {  	v8 =	vld.idx.msk [tilespmem:v3+s1+$0x0], $0xffff  }
0x9e: {  	(erf) = vpow2.f32 v7;
	v7 =	vld.idx.msk [tilespmem:v12+s31+$0x0], $0xffff  }
0x9f: {  	v9 =	vshll.u32 v6, $0x10;
	v13 =	vpop (erf)  }
0xa0: {  	v9 =	vmul.f32 v9, v13  }
0xa1: {  	v14 =	vld.idx.msk [tilespmem:v11+s2+$0x0], $0xffff;
	v6 =	vand.u32 $0xFFFF0000, v6  }
0xa2: {  	v6 =	vmul.f32 v6, v13;
	[tilespmem:v10+s21+$0x0] =	vst.idx.add.f32.msk $0xffff, v9  }
0xa3: {  	v7 =	vadd.f32 v8, v7;
	v15 =	vld.idx.msk [tilespmem:v2+s1+$0x0], $0xffff  }
0xa4: {  	[tilespmem:v10+s22+$0x0] =	vst.idx.add.f32.msk $0xffff, v6  }
0xa5: {  	v9 =	vld.idx.msk [tilespmem:v4+s31+$0x0], $0xffff;
	v8 =	vmul.f32 $2.000000030e-01, v7  }
0xa6: {  	v5 =	vld.idx.msk [tilespmem:v5+s29+$0x0], $0xffff  }
0xa7: {  	v16 =	vshll.u32 v14, $0x10;
	v6 =	vpop (erf);
	v7 =	vmax.f32 v7, v8  }
0xa8: {  	s18 =	simm.s32 $0x163D0;
	v18 =	vld.idx.msk [tilespmem:v4+s2+$0x0], $0xffff;
	v16 =	vmul.f32 v16, v6;
	v7 =	vmul.f32 $1.442695020e+00, v7  }
0xa9: {  	v8 =	vld [tilespmem:s18+$0x0]  }
0xaa: {  	s12 =	simm.s32 $0x173D0;
	v14 =	vand.u32 $0xFFFF0000, v14;
	v9 =	vadd.f32 v15, v9;
	[tilespmem:v1+s21+$0x0] =	vst.idx.add.f32.msk $0xffff, v16;
	(erf) = vpow2.f32 v7  }
0xab: {  	v14 =	vmul.f32 v14, v6;
	v16 =	vshll.u32 v5, $0x10;
	v7 =	vld [tilespmem:s12+$0x0]  }
0xac: {  	v15 =	vmul.f32 v16, v13;
	v16 =	vld.idx.msk [tilespmem:v12+s2+$0x0], $0xffff;
	v17 =	vmul.f32 $2.000000030e-01, v9  }
0xad: {  	[tilespmem:v1+s22+$0x0] =	vst.idx.add.f32.msk $0xffff, v14  }
0xae: {  	v5 =	vand.u32 $0xFFFF0000, v5;
	v14 =	vld.idx.msk [tilespmem:v11+s29+$0x0], $0xffff;
	v9 =	vmax.f32 v9, v17  }
0xaf: {  	v5 =	vmul.f32 v5, v13;
	[tilespmem:v10+s4+$0x0] =	vst.idx.add.f32.msk $0xffff, v15;
	v15 =	vmul.f32 $1.442695020e+00, v9  }
0xb0: {  	v9 =	vld [tilespmem:s18+$0xFFFFFFF0]  }
0xb1: {  	[tilespmem:v10+s6+$0x0] =	vst.idx.add.f32.msk $0xffff, v5;
	(erf) = vpow2.f32 v15  }
0xb2: {  	v5 =	vld [tilespmem:s12+$0xFFFFFFF0]  }
0xb3: {  	v17 =	vld.idx.msk [tilespmem:v8+s31+$0x0], $0xffff;
	v15 =	vshll.u32 v16, $0x10;
	v11 =	vpop (erf)  }
0xb4: {  	v16 =	vand.u32 $0xFFFF0000, v16;
	v19 =	vld.idx.msk [tilespmem:v7+s1+$0x0], $0xffff;
	v15 =	vmul.f32 v15, v11  }
0xb5: {  	[tilespmem:v10+s7+$0x0] =	vst.idx.add.f32.msk $0xffff, v13;
	v10 =	vmul.f32 v16, v11  }
0xb6: {  	[tilespmem:v3+s21+$0x0] =	vst.idx.add.f32.msk $0xffff, v15  }
0xb7: {  	[tilespmem:v3+s22+$0x0] =	vst.idx.add.f32.msk $0xffff, v10;
	v10 =	vshll.u32 v14, $0x10  }
0xb8: {  	v16 =	vld.idx.msk [tilespmem:v9+s31+$0x0], $0xffff  }
0xb9: {  	v19 =	vadd.f32 v19, v17;
	v15 =	vld.idx.msk [tilespmem:v12+s29+$0x0], $0xffff  }
0xba: {  	v13 =	vld.idx.msk [tilespmem:v9+s2+$0x0], $0xffff;
	v12 =	vshll.u32 v18, $0x10;
	v20 =	vmul.f32 v10, v6;
	v10 =	vpop (erf)  }
0xbb: {  	v17 =	vld.idx.msk [tilespmem:v5+s1+$0x0], $0xffff;
	v14 =	vand.u32 $0xFFFF0000, v14;
	v21 =	vmul.f32 $2.000000030e-01, v19;
	v22 =	vmul.f32 v12, v10  }
0xbc: {  	v18 =	vand.u32 $0xFFFF0000, v18;
	[tilespmem:v1+s4+$0x0] =	vst.idx.add.f32.msk $0xffff, v20;
	v12 =	vmul.f32 v14, v6  }
0xbd: {  	s15 =	simm.s32 $0x4;
	s16 =	simm.s32 $0x163F0;
	v14 =	vmul.f32 v18, v10;
	v18 =	vmax.f32 v19, v21;
	[tilespmem:v2+s21+$0x0] =	vst.idx.add.f32.msk $0xffff, v22  }
.LBB2_5:
0xbe: {  	v19 =	vld [tilespmem:s16+$0x0];
	v18 =	vmul.f32 $1.442695020e+00, v18;
	s12 =	sadd.s32 $0x20, s12;
	v20 =	vshll.u32 v15, $0x10  }
0xbf: {  	v15 =	vand.u32 $0xFFFF0000, v15;
	v21 =	vld [tilespmem:s12+$0x0];
	v20 =	vmul.f32 v20, v11  }
0xc0: {  	v16 =	vadd.f32 v17, v16;
	v15 =	vmul.f32 v15, v11;
	v17 =	vld.idx.msk [tilespmem:v8+s2+$0x0], $0xffff;
	(erf) = vpow2.f32 v18  }
0xc1: {  	v18 =	vshll.u32 v13, $0x10;
	v22 =	vand.u32 $0xFFFF0000, v13;
	[tilespmem:v3+s4+$0x0] =	vst.idx.add.f32.msk $0xffff, v20  }
0xc2: {  	v13 =	vmul.f32 $2.000000030e-01, v16;
	[tilespmem:v3+s6+$0x0] =	vst.idx.add.f32.msk $0xffff, v15  }
0xc3: {  	[tilespmem:v3+s7+$0x0] =	vst.idx.add.f32.msk $0xffff, v11;
	v3 =	vmov v7  }
0xc4: {  	s15 =	sadd.s32 $0x2, s15;
	v11 =	vmax.f32 v16, v13;
	v15 =	vld [tilespmem:s12+$0xFFFFFFF0];
	v7 =	vmov v21  }
0xc5: {  	p1 =	slt.u32 s15, $0xF8;
	v11 =	vmul.f32 $1.442695020e+00, v11;
	v13 =	vld [tilespmem:s16+$0xFFFFFFF0]  }
0xc6: {  	[tilespmem:v2+s22+$0x0] =	vst.idx.add.f32.msk $0xffff, v14  }
0xc7: {  	(erf) = vpow2.f32 v11;
	v14 =	vld.idx.msk [tilespmem:v4+s29+$0x0], $0xffff;
	v4 =	vmov v9  }
0xc8: {  	v20 =	vld.idx.msk [tilespmem:v19+s31+$0x0], $0xffff  }
0xc9: {  	v23 =	vshll.u32 v17, $0x10;
	v21 =	vld.idx.msk [tilespmem:v21+s1+$0x0], $0xffff;
	v11 =	vpop (erf)  }
0xca: {  	v16 =	vand.u32 $0xFFFF0000, v17;
	v17 =	vmul.f32 v23, v11;
	[tilespmem:v1+s6+$0x0] =	vst.idx.add.f32.msk $0xffff, v12;
	v9 =	vmov v13  }
0xcb: {  	v12 =	vmul.f32 v16, v11;
	[tilespmem:v1+s7+$0x0] =	vst.idx.add.f32.msk $0xffff, v6;
	v1 =	vmovc v2;
	v2 =	vmov v5;
	v5 =	vmov v15  }
0xcc: {  	v6 =	vmov v10;
	[tilespmem:v3+s21+$0x0] =	vst.idx.add.f32.msk $0xffff, v17  }
0xcd: {  	v10 =	vshll.u32 v14, $0x10;
	[tilespmem:v3+s22+$0x0] =	vst.idx.add.f32.msk $0xffff, v12;
	v12 =	vand.u32 $0xFFFF0000, v14  }
0xce: {  	v23 =	vmul.f32 v10, v6;
	v15 =	vld.idx.msk [tilespmem:v8+s29+$0x0], $0xffff;
	v12 =	vmul.f32 v12, v6;
	v8 =	vmov v19  }
.Ltmp3:
0xcf: {  	v19 =	vadd.f32 v21, v20;
	v16 =	vld.idx.msk [tilespmem:v13+s31+$0x0], $0xffff;
	(pc) =	sbr.rel @p1 .LBB2_5-.Ltmp3, $4  }
0xd0: {  	v17 =	vld.idx.msk [tilespmem:v5+s1+$0x0], $0xffff;
	v10 =	vpop (erf)  }
0xd1: {  	v20 =	vmul.f32 $2.000000030e-01, v19;
	v13 =	vld.idx.msk [tilespmem:v13+s2+$0x0], $0xffff;
	v21 =	vmul.f32 v18, v10  }
0xd2: {  	v14 =	vmul.f32 v22, v10;
	[tilespmem:v1+s4+$0x0] =	vst.idx.add.f32.msk $0xffff, v23  }
0xd3: {  	s16 =	sadd.s32 $0x20, s16;
	v18 =	vmax.f32 v19, v20;
	[tilespmem:v2+s21+$0x0] =	vst.idx.add.f32.msk $0xffff, v21  }
0xd4: {  	_ = 	snop  }
0xd5: {  	v18 =	vmul.f32 $1.442695020e+00, v18;
	v16 =	vadd.f32 v17, v16;
	_ =	sdelay $0x1  }
0xd6: {  	(erf) = vpow2.f32 v18;
	v17 =	vmul.f32 $2.000000030e-01, v16;
	_ =	sdelay $0x1  }
0xd7: {  	v16 =	vmax.f32 v16, v17  }
0xd8: {  	v16 =	vmul.f32 $1.442695020e+00, v16  }
0xd9: {  	v18 =	vshll.u32 v15, $0x10;
	v17 =	vld.idx.msk [tilespmem:v8+s2+$0x0], $0xffff  }
0xda: {  	(erf) = vpow2.f32 v16;
	v16 =	vmul.f32 v18, v11  }
0xdb: {  	v15 =	vand.u32 $0xFFFF0000, v15  }
0xdc: {  	v15 =	vmul.f32 v15, v11  }
0xdd: {  	[tilespmem:v3+s4+$0x0] =	vst.idx.add.f32.msk $0xffff, v16  }
0xde: {  	[tilespmem:v3+s6+$0x0] =	vst.idx.add.f32.msk $0xffff, v15;
	v15 =	vshll.u32 v17, $0x10;
	v16 =	vpop (erf)  }
0xdf: {  	[tilespmem:v2+s22+$0x0] =	vst.idx.add.f32.msk $0xffff, v14;
	v14 =	vand.u32 $0xFFFF0000, v17;
	v15 =	vmul.f32 v15, v16  }
0xe0: {  	v4 =	vld.idx.msk [tilespmem:v4+s29+$0x0], $0xffff;
	v14 =	vmul.f32 v14, v16  }
0xe1: {  	[tilespmem:v7+s21+$0x0] =	vst.idx.add.f32.msk $0xffff, v15  }
0xe2: {  	[tilespmem:v7+s22+$0x0] =	vst.idx.add.f32.msk $0xffff, v14  }
0xe3: {  	v14 =	vshll.u32 v13, $0x10;
	v8 =	vld.idx.msk [tilespmem:v8+s29+$0x0], $0xffff;
	v15 =	vpop (erf)  }
0xe4: {  	[tilespmem:v3+s7+$0x0] =	vst.idx.add.f32.msk $0xffff, v11;
	v13 =	vand.u32 $0xFFFF0000, v13;
	v3 =	vmul.f32 v14, v15  }
0xe5: {  	[tilespmem:v1+s6+$0x0] =	vst.idx.add.f32.msk $0xffff, v12;
	v11 =	vmul.f32 v13, v15  }
0xe6: {  	[tilespmem:v5+s21+$0x0] =	vst.idx.add.f32.msk $0xffff, v3  }
0xe7: {  	v3 =	vshll.u32 v4, $0x10;
	[tilespmem:v5+s22+$0x0] =	vst.idx.add.f32.msk $0xffff, v11  }
0xe8: {  	v3 =	vmul.f32 v3, v10;
	v11 =	vshll.u32 v8, $0x10;
	v9 =	vld.idx.msk [tilespmem:v9+s29+$0x0], $0xffff  }
0xe9: {  	[tilespmem:v1+s7+$0x0] =	vst.idx.add.f32.msk $0xffff, v6;
	v1 =	vand.u32 $0xFFFF0000, v8;
	v6 =	vmul.f32 v11, v16  }
0xea: {  	[tilespmem:v2+s4+$0x0] =	vst.idx.add.f32.msk $0xffff, v3;
	v1 =	vmul.f32 v1, v16;
	v3 =	vand.u32 $0xFFFF0000, v4  }
0xeb: {  	v3 =	vmul.f32 v3, v10;
	[tilespmem:v7+s4+$0x0] =	vst.idx.add.f32.msk $0xffff, v6  }
0xec: {  	[tilespmem:v7+s6+$0x0] =	vst.idx.add.f32.msk $0xffff, v1  }
0xed: {  	p1 =	seq.s32 s11, $0x9;
	[tilespmem:v2+s6+$0x0] =	vst.idx.add.f32.msk $0xffff, v3;
	v1 =	vshll.u32 v9, $0x10  }
0xee: {  	s12 =	smul.u32 @!p1 $0x1F40, s11;
	[tilespmem:v7+s7+$0x0] =	vst.idx.add.f32.msk $0xffff, v16;
	v3 =	vand.u32 $0xFFFF0000, v9;
	v1 =	vmul.f32 v1, v15  }
0xef: {  	[tilespmem:v2+s7+$0x0] =	vst.idx.add.f32.msk $0xffff, v10;
	v2 =	vmul.f32 v3, v15  }
0xf0: {  	s12 =	sadd.s32 @!p1 s12, s13;
	[tilespmem:v5+s4+$0x0] =	vst.idx.add.f32.msk $0xffff, v1  }
0xf1: {  	s16 =	simm.s32 @!p1 $0x0;
	s15 =	sshrl.u32 @!p1 s12, $0x3;
	s12 =	sadd.s32 @!p1 $0x4E200, s12;
	[tilespmem:v5+s6+$0x0] =	vst.idx.add.f32.msk $0xffff, v2  }
0xf2: {  	s17 =	simm.s32 @!p1 $0x16380;
	s15 =	sadd.s32 @!p1 s3, s15;
	s12 =	sshrl.u32 @!p1 s12, $0x3;
	[tilespmem:v5+s7+$0x0] =	vst.idx.add.f32.msk $0xffff, v15  }
0xf3: {  	[tilespmem:s17], [sflag:$0x1] =	stream.linear.gather @!p1 [hbm4b:s15+s16], $0xFA0, $0x38;
	[tilespmem:$0x1A380] =	vst v63  }
0xf4: {  	s12 =	sadd.s32 @!p1 s3, s12;
	s15 =	simm.s32 @!p1 $0x17380  }
0xf5: {  	[tilespmem:s15], [sflag:$0x2] =	stream.linear.gather @!p1 [hbm4b:s12+s16], $0xFA0, $0x38;
	[tilespmem:$0x1A380] =	vst v63  }
0xf6: {  	_ =	swait.ge [sflag:s8], $0xFA0  }
0xf7: {  	[sflag:s8] =	ssyncset.done $0x0  }
0xf8: {  	[sflag:s8] =	ssyncadd.s32 $0xFFFFF060  }
0xf9: {  	_ =	swait.ge [sflag:s9], $0xFA0  }
0xfa: {  	[sflag:s9] =	ssyncset.done $0x0  }
0xfb: {  	s17 =	simm.s32 $0x18390;
	[sflag:s9] =	ssyncadd.s32 $0xFFFFF060  }
0xfc: {  	s18 =	simm.s32 $0x19390;
	v5 =	vld [tilespmem:s17+$0x0]  }
0xfd: {  	v10 =	vld [tilespmem:s18+$0x0];
	_ =	sdelay $0x4  }
0xfe: {  	v1 =	vld [tilespmem:s18+$0xFFFFFFF0]  }
0xff: {  	v11 =	vld [tilespmem:s17+$0xFFFFFFF0]  }
0x100: {  	v2 =	vld.idx.msk [tilespmem:v5+s31+$0x0], $0xffff  }
0x101: {  	v3 =	vld.idx.msk [tilespmem:v10+s1+$0x0], $0xffff;
	_ =	sdelay $0x4  }
0x102: {  	v2 =	vadd.f32 v3, v2;
	_ =	sdelay $0x1  }
0x103: {  	v4 =	vld.idx.msk [tilespmem:v11+s31+$0x0], $0xffff;
	v3 =	vmul.f32 $2.000000030e-01, v2  }
0x104: {  	v6 =	vld.idx.msk [tilespmem:v1+s1+$0x0], $0xffff  }
0x105: {  	v2 =	vmax.f32 v2, v3  }
0x106: {  	s17 =	simm.s32 $0x193B0;
	v2 =	vmul.f32 $1.442695020e+00, v2  }
0x107: {  	s16 =	simm.s32 $0x183B0;
	v3 =	vld [tilespmem:s17+$0x0]  }
0x108: {  	v12 =	vld [tilespmem:s16+$0x0];
	(erf) = vpow2.f32 v2  }
0x109: {  	v2 =	vadd.f32 v6, v4;
	_ =	sdelay $0x1  }
0x10a: {  	v4 =	vmul.f32 $2.000000030e-01, v2  }
0x10b: {  	v6 =	vld.idx.msk [tilespmem:v5+s2+$0x0], $0xffff  }
0x10c: {  	v4 =	vmax.f32 v2, v4;
	v2 =	vld [tilespmem:s17+$0xFFFFFFF0]  }
0x10d: {  	v7 =	vmul.f32 $1.442695020e+00, v4;
	v4 =	vld [tilespmem:s16+$0xFFFFFFF0]  }
0x10e: {  	v8 =	vld.idx.msk [tilespmem:v3+s1+$0x0], $0xffff  }
0x10f: {  	(erf) = vpow2.f32 v7;
	v7 =	vld.idx.msk [tilespmem:v12+s31+$0x0], $0xffff  }
0x110: {  	v9 =	vshll.u32 v6, $0x10;
	v13 =	vpop (erf)  }
0x111: {  	v9 =	vmul.f32 v9, v13  }
0x112: {  	v14 =	vld.idx.msk [tilespmem:v11+s2+$0x0], $0xffff;
	v6 =	vand.u32 $0xFFFF0000, v6  }
0x113: {  	v6 =	vmul.f32 v6, v13;
	[tilespmem:v10+s21+$0x0] =	vst.idx.add.f32.msk $0xffff, v9  }
0x114: {  	v7 =	vadd.f32 v8, v7;
	v15 =	vld.idx.msk [tilespmem:v2+s1+$0x0], $0xffff  }
0x115: {  	[tilespmem:v10+s22+$0x0] =	vst.idx.add.f32.msk $0xffff, v6  }
0x116: {  	v9 =	vld.idx.msk [tilespmem:v4+s31+$0x0], $0xffff;
	v8 =	vmul.f32 $2.000000030e-01, v7  }
0x117: {  	v6 =	vld.idx.msk [tilespmem:v5+s29+$0x0], $0xffff  }
0x118: {  	v16 =	vshll.u32 v14, $0x10;
	v5 =	vpop (erf);
	v7 =	vmax.f32 v7, v8  }
0x119: {  	s18 =	simm.s32 $0x183D0;
	v18 =	vld.idx.msk [tilespmem:v4+s2+$0x0], $0xffff;
	v16 =	vmul.f32 v16, v5;
	v7 =	vmul.f32 $1.442695020e+00, v7  }
0x11a: {  	v8 =	vld [tilespmem:s18+$0x0]  }
0x11b: {  	s12 =	simm.s32 $0x193D0;
	v14 =	vand.u32 $0xFFFF0000, v14;
	v9 =	vadd.f32 v15, v9;
	[tilespmem:v1+s21+$0x0] =	vst.idx.add.f32.msk $0xffff, v16;
	(erf) = vpow2.f32 v7  }
0x11c: {  	v14 =	vmul.f32 v14, v5;
	v16 =	vshll.u32 v6, $0x10;
	v7 =	vld [tilespmem:s12+$0x0]  }
0x11d: {  	v15 =	vmul.f32 v16, v13;
	v16 =	vld.idx.msk [tilespmem:v12+s2+$0x0], $0xffff;
	v17 =	vmul.f32 $2.000000030e-01, v9  }
0x11e: {  	[tilespmem:v1+s22+$0x0] =	vst.idx.add.f32.msk $0xffff, v14  }
0x11f: {  	v6 =	vand.u32 $0xFFFF0000, v6;
	v14 =	vld.idx.msk [tilespmem:v11+s29+$0x0], $0xffff;
	v9 =	vmax.f32 v9, v17  }
0x120: {  	v6 =	vmul.f32 v6, v13;
	[tilespmem:v10+s4+$0x0] =	vst.idx.add.f32.msk $0xffff, v15;
	v15 =	vmul.f32 $1.442695020e+00, v9  }
0x121: {  	v9 =	vld [tilespmem:s18+$0xFFFFFFF0]  }
0x122: {  	[tilespmem:v10+s6+$0x0] =	vst.idx.add.f32.msk $0xffff, v6;
	(erf) = vpow2.f32 v15  }
0x123: {  	v6 =	vld [tilespmem:s12+$0xFFFFFFF0]  }
0x124: {  	v17 =	vld.idx.msk [tilespmem:v8+s31+$0x0], $0xffff;
	v15 =	vshll.u32 v16, $0x10;
	v11 =	vpop (erf)  }
0x125: {  	v16 =	vand.u32 $0xFFFF0000, v16;
	v19 =	vld.idx.msk [tilespmem:v7+s1+$0x0], $0xffff;
	v15 =	vmul.f32 v15, v11  }
0x126: {  	[tilespmem:v10+s7+$0x0] =	vst.idx.add.f32.msk $0xffff, v13;
	v10 =	vmul.f32 v16, v11  }
0x127: {  	[tilespmem:v3+s21+$0x0] =	vst.idx.add.f32.msk $0xffff, v15  }
0x128: {  	[tilespmem:v3+s22+$0x0] =	vst.idx.add.f32.msk $0xffff, v10;
	v10 =	vshll.u32 v14, $0x10  }
0x129: {  	v16 =	vld.idx.msk [tilespmem:v9+s31+$0x0], $0xffff  }
0x12a: {  	v19 =	vadd.f32 v19, v17;
	v15 =	vld.idx.msk [tilespmem:v12+s29+$0x0], $0xffff  }
0x12b: {  	v13 =	vld.idx.msk [tilespmem:v9+s2+$0x0], $0xffff;
	v12 =	vshll.u32 v18, $0x10;
	v20 =	vmul.f32 v10, v5;
	v10 =	vpop (erf)  }
0x12c: {  	v17 =	vld.idx.msk [tilespmem:v6+s1+$0x0], $0xffff;
	v14 =	vand.u32 $0xFFFF0000, v14;
	v21 =	vmul.f32 $2.000000030e-01, v19;
	v22 =	vmul.f32 v12, v10  }
0x12d: {  	v18 =	vand.u32 $0xFFFF0000, v18;
	[tilespmem:v1+s4+$0x0] =	vst.idx.add.f32.msk $0xffff, v20;
	v12 =	vmul.f32 v14, v5  }
0x12e: {  	s15 =	simm.s32 $0x4;
	s16 =	simm.s32 $0x183F0;
	v14 =	vmul.f32 v18, v10;
	v18 =	vmax.f32 v19, v21;
	[tilespmem:v2+s21+$0x0] =	vst.idx.add.f32.msk $0xffff, v22  }
.LBB2_7:
0x12f: {  	v19 =	vld [tilespmem:s16+$0x0];
	v18 =	vmul.f32 $1.442695020e+00, v18;
	s12 =	sadd.s32 $0x20, s12;
	v20 =	vshll.u32 v15, $0x10  }
0x130: {  	v15 =	vand.u32 $0xFFFF0000, v15;
	v21 =	vld [tilespmem:s12+$0x0];
	v20 =	vmul.f32 v20, v11  }
0x131: {  	v16 =	vadd.f32 v17, v16;
	v15 =	vmul.f32 v15, v11;
	v17 =	vld.idx.msk [tilespmem:v8+s2+$0x0], $0xffff;
	(erf) = vpow2.f32 v18  }
0x132: {  	v18 =	vshll.u32 v13, $0x10;
	v22 =	vand.u32 $0xFFFF0000, v13;
	[tilespmem:v3+s4+$0x0] =	vst.idx.add.f32.msk $0xffff, v20  }
0x133: {  	v13 =	vmul.f32 $2.000000030e-01, v16;
	[tilespmem:v3+s6+$0x0] =	vst.idx.add.f32.msk $0xffff, v15  }
0x134: {  	[tilespmem:v3+s7+$0x0] =	vst.idx.add.f32.msk $0xffff, v11;
	v3 =	vmov v7  }
0x135: {  	s15 =	sadd.s32 $0x2, s15;
	v11 =	vmax.f32 v16, v13;
	v15 =	vld [tilespmem:s12+$0xFFFFFFF0];
	v7 =	vmov v21  }
0x136: {  	p2 =	slt.u32 s15, $0xF8;
	v11 =	vmul.f32 $1.442695020e+00, v11;
	v13 =	vld [tilespmem:s16+$0xFFFFFFF0]  }
0x137: {  	[tilespmem:v2+s22+$0x0] =	vst.idx.add.f32.msk $0xffff, v14  }
0x138: {  	(erf) = vpow2.f32 v11;
	v14 =	vld.idx.msk [tilespmem:v4+s29+$0x0], $0xffff;
	v4 =	vmov v9  }
0x139: {  	v20 =	vld.idx.msk [tilespmem:v19+s31+$0x0], $0xffff  }
0x13a: {  	v23 =	vshll.u32 v17, $0x10;
	v21 =	vld.idx.msk [tilespmem:v21+s1+$0x0], $0xffff;
	v11 =	vpop (erf)  }
0x13b: {  	v16 =	vand.u32 $0xFFFF0000, v17;
	v17 =	vmul.f32 v23, v11;
	[tilespmem:v1+s6+$0x0] =	vst.idx.add.f32.msk $0xffff, v12;
	v9 =	vmov v13  }
0x13c: {  	v12 =	vmul.f32 v16, v11;
	[tilespmem:v1+s7+$0x0] =	vst.idx.add.f32.msk $0xffff, v5;
	v1 =	vmovc v2;
	v2 =	vmov v6;
	v6 =	vmov v15  }
0x13d: {  	v5 =	vmov v10;
	[tilespmem:v3+s21+$0x0] =	vst.idx.add.f32.msk $0xffff, v17  }
0x13e: {  	v10 =	vshll.u32 v14, $0x10;
	[tilespmem:v3+s22+$0x0] =	vst.idx.add.f32.msk $0xffff, v12;
	v12 =	vand.u32 $0xFFFF0000, v14  }
0x13f: {  	v23 =	vmul.f32 v10, v5;
	v15 =	vld.idx.msk [tilespmem:v8+s29+$0x0], $0xffff;
	v12 =	vmul.f32 v12, v5;
	v8 =	vmov v19  }
.Ltmp4:
0x140: {  	v19 =	vadd.f32 v21, v20;
	v16 =	vld.idx.msk [tilespmem:v13+s31+$0x0], $0xffff;
	(pc) =	sbr.rel @p2 .LBB2_7-.Ltmp4, $4  }
0x141: {  	v17 =	vld.idx.msk [tilespmem:v6+s1+$0x0], $0xffff;
	v10 =	vpop (erf)  }
0x142: {  	v20 =	vmul.f32 $2.000000030e-01, v19;
	v13 =	vld.idx.msk [tilespmem:v13+s2+$0x0], $0xffff;
	v21 =	vmul.f32 v18, v10  }
0x143: {  	v14 =	vmul.f32 v22, v10;
	[tilespmem:v1+s4+$0x0] =	vst.idx.add.f32.msk $0xffff, v23  }
0x144: {  	s16 =	sadd.s32 $0x20, s16;
	v18 =	vmax.f32 v19, v20;
	[tilespmem:v2+s21+$0x0] =	vst.idx.add.f32.msk $0xffff, v21  }
0x145: {  	_ = 	snop  }
0x146: {  	v18 =	vmul.f32 $1.442695020e+00, v18;
	v16 =	vadd.f32 v17, v16;
	_ =	sdelay $0x1  }
0x147: {  	(erf) = vpow2.f32 v18;
	v17 =	vmul.f32 $2.000000030e-01, v16;
	_ =	sdelay $0x1  }
0x148: {  	v16 =	vmax.f32 v16, v17  }
0x149: {  	v16 =	vmul.f32 $1.442695020e+00, v16  }
0x14a: {  	v50 =	vld.idx.msk [tilespmem:v8+s2+$0x0], $0xffff  }
0x14b: {  	(erf) = vpow2.f32 v16  }
0x14c: {  	v51 =	vshll.u32 v15, $0x10  }
0x14d: {  	v52 =	vand.u32 $0xFFFF0000, v15;
	v53 =	vmul.f32 v51, v11  }
0x14e: {  	[tilespmem:v2+s22+$0x0] =	vst.idx.add.f32.msk $0xffff, v14;
	v15 =	vmul.f32 v52, v11  }
0x14f: {  	[tilespmem:v3+s4+$0x0] =	vst.idx.add.f32.msk $0xffff, v53;
	v54 =	vshll.u32 v50, $0x10;
	v55 =	vpop (erf)  }
0x150: {  	[tilespmem:v3+s6+$0x0] =	vst.idx.add.f32.msk $0xffff, v15;
	v56 =	vand.u32 $0xFFFF0000, v50;
	v15 =	vmul.f32 v54, v55  }
0x151: {  	v4 =	vld.idx.msk [tilespmem:v4+s29+$0x0], $0xffff;
	v14 =	vmul.f32 v56, v55  }
0x152: {  	[tilespmem:v7+s21+$0x0] =	vst.idx.add.f32.msk $0xffff, v15  }
0x153: {  	[tilespmem:v7+s22+$0x0] =	vst.idx.add.f32.msk $0xffff, v14  }
0x154: {  	v57 =	vshll.u32 v13, $0x10;
	v58 =	vld.idx.msk [tilespmem:v8+s29+$0x0], $0xffff;
	v59 =	vpop (erf)  }
0x155: {  	v60 =	vand.u32 $0xFFFF0000, v13;
	[tilespmem:v3+s7+$0x0] =	vst.idx.add.f32.msk $0xffff, v11;
	v3 =	vmul.f32 v57, v59  }
0x156: {  	[tilespmem:v1+s6+$0x0] =	vst.idx.add.f32.msk $0xffff, v12;
	v61 =	vmul.f32 v60, v59  }
0x157: {  	[tilespmem:v6+s21+$0x0] =	vst.idx.add.f32.msk $0xffff, v3  }
0x158: {  	v3 =	vshll.u32 v4, $0x10;
	[tilespmem:v6+s22+$0x0] =	vst.idx.add.f32.msk $0xffff, v61  }
0x159: {  	v3 =	vmul.f32 v3, v10;
	v62 =	vshll.u32 v58, $0x10;
	v9 =	vld.idx.msk [tilespmem:v9+s29+$0x0], $0xffff  }
0x15a: {  	[tilespmem:v1+s7+$0x0] =	vst.idx.add.f32.msk $0xffff, v5;
	v1 =	vand.u32 $0xFFFF0000, v58;
	v63 =	vmul.f32 v62, v55  }
0x15b: {  	v1 =	vmul.f32 v1, v55;
	[tilespmem:v2+s4+$0x0] =	vst.idx.add.f32.msk $0xffff, v3  }
0x15c: {  	v3 =	vand.u32 $0xFFFF0000, v4;
	[tilespmem:v7+s4+$0x0] =	vst.idx.add.f32.msk $0xffff, v63  }
0x15d: {  	v3 =	vmul.f32 v3, v10;
	[tilespmem:v7+s6+$0x0] =	vst.idx.add.f32.msk $0xffff, v1  }
0x15e: {  	[tilespmem:v7+s7+$0x0] =	vst.idx.add.f32.msk $0xffff, v55;
	v1 =	vshll.u32 v9, $0x10  }
.Ltmp5:
0x15f: {  	[tilespmem:v2+s6+$0x0] =	vst.idx.add.f32.msk $0xffff, v3;
	v3 =	vand.u32 $0xFFFF0000, v9;
	v1 =	vmul.f32 v1, v59;
	(pc) =	sbr.rel @p1 .LBB2_10-.Ltmp5, $4  }
0x160: {  	[tilespmem:v2+s7+$0x0] =	vst.idx.add.f32.msk $0xffff, v10;
	v2 =	vmul.f32 v3, v59  }
0x161: {  	[tilespmem:v6+s4+$0x0] =	vst.idx.add.f32.msk $0xffff, v1  }
0x162: {  	[tilespmem:v6+s6+$0x0] =	vst.idx.add.f32.msk $0xffff, v2  }
0x163: {  	[tilespmem:v6+s7+$0x0] =	vst.idx.add.f32.msk $0xffff, v59  }
0x164: {  	s12 =	smul.u32 $0x1F40, s11;
	_ =	sdelay $0x1  }
0x165: {  	s12 =	sadd.s32 s12, s14  }
.Ltmp6:
0x166: {  	s15 =	sshrl.u32 s12, $0x3;
	s12 =	sadd.s32 $0x4E200, s12;
	(pc) =	sbr.rel .LBB2_4-.Ltmp6, $4  }
0x167: {  	s15 =	sadd.s32 s3, s15;
	s12 =	sshrl.u32 s12, $0x3  }
0x168: {  	[tilespmem:s23], [sflag:$0x3] =	stream.linear.gather [hbm4b:s15+s2], $0xFA0, $0x38;
	[tilespmem:$0x1A380] =	vst v63  }
0x169: {  	s11 =	sadd.s32 $0x1, s11;
	s12 =	sadd.s32 s3, s12  }
0x16a: {  	[tilespmem:s24], [sflag:$0x4] =	stream.linear.gather [hbm4b:s12+s2], $0xFA0, $0x38;
	[tilespmem:$0x1A380] =	vst v63  }
.LBB2_11:
0x16b: {  	_ =	sfence.sel $0x180000  }
0x16c: {  	[bflag:$0x0] =	sbarrier.arrive $0xFFFF  }
0x16d: {  	_ =	strace $0x9000004A  }
0x16e: {  	s0 =	stileid.u32;
	[bflag:$0x2] =	sbarrier.arrive $0xFFFF  }
0x16f: {  	p0 =	sne.s32 s0, $0x0;
	s0 =	rddreg [dreg:$0x1]  }
0x170: {  	s0 =	sadd.s32 @!p0 $0x100000, s0  }
0x171: {  	[sflag:s0] =	ssyncadd.tile.s32 @!p0 $0x1;
	_ =	shalt  }
.Lfunc_end2:
_tile_overlayer_lowered:
.L_overlay_start_2:
0x172: {  	(tag) =	ssettag $0x2  }
0x173: {  	s0 =	rddreg [dreg:$0x0];
	s2 =	stileid.u32  }
0x174: {  	s1 =	rddreg [dreg:$0x1];
	p0 =	sne.s32 s2, $0x0  }
0x175: {  	s3 =	rddreg [dreg:$0x2];
	[bflag:$0x3] =	sbarrier.arrive $0xFFFF;
	s2 =	simm.s32 @!p0 $0x1C05  }
0x176: {  	[timem:s3], [sflag:s2] =	dma.local @!p0 [hbm:s0], s1  }
0x177: {  	s0 =	simm.s32 @!p0 $0x5  }
0x178: {  	_ =	swait.ge @!p0 [sflag:s0], s1  }
0x179: {  	s1 =	ssub.s32 @!p0 $0x0, s1;
	[sflag:s0] =	ssyncset.done @!p0 $0x0  }
0x17a: {  	[sflag:s0] =	ssyncadd.s32 @!p0 s1  }
0x17b: {  	[bflag:$0x3] =	sbarrier.arrive $0xFFFF  }
0x17c: {  	_ =	shalt  }

// kernel: kernel.15.cloned.1.call-start
scs
__scs_entry_jumppad:
0x0: {  	(pc) =	sbr.rel $0x88, $3  }
0x1: {  	(tag) =	ssettag $0x0;
	lr =	simm.s32 $0x1  }
0x2: {  	[smem:$0x3F8A] =	sst lr;
	_ =	strace $0xD0000000  }
0x3: {  	_ = 	snop  }
0x4: {  	_ = 	snop  }
0x5: {  	_ = 	snop  }
0x6: {  	_ = 	snop  }
0x7: {  	_ = 	snop  }
__scs_overlays_trampoline_lowered:
0x8: {  	[smem:$0x3F99] =	sst s0  }
0x9: {  	[smem:$0x3F9A] =	sst s1  }
0xa: {  	[smem:$0x3F9B] =	sst s2  }
0xb: {  	[smem:$0x3F9C] =	sst s3  }
0xc: {  	[smem:$0x3F9D] =	sst s4  }
0xd: {  	[smem:$0x3F9E] =	sst s5  }
0xe: {  	[smem:$0x3F9F] =	sst s6  }
0xf: {  	[smem:$0x3FA0] =	sst s7  }
0x10: {  	[smem:$0x3FA1] =	sst s8  }
0x11: {  	[smem:$0x3FA2] =	sst s9;
	s0 =	simm.s32 @!p0 $0x0  }
0x12: {  	s1 =	sld [smem:$0x3F88];
	s0 =	simm.s32 @p0 $0x1  }
0x13: {  	[smem:$0x3FA3] =	sst s0;
	s0 =	simm.s32 @!p1 $0x0  }
0x14: {  	s2 =	sld [smem:$0x3F87];
	s0 =	simm.s32 @p1 $0x1  }
0x15: {  	[smem:$0x3FA4] =	sst s0;
	s0 =	simm.s32 @!p2 $0x0  }
0x16: {  	s3 =	sld [smem:$0x3FDB];
	s0 =	simm.s32 @p2 $0x1  }
0x17: {  	s4 =	simm.s32 $0x1BF5;
	[smem:$0x3FA6] =	sst s0  }
0x18: {  	s0 =	sld [smem:$0x3F89];
	_ =	swait.ge [sflag:s4], $0x0  }
0x19: {  	s7 =	sld [smem:$0x3F8A]  }
0x1a: {  	s8 =	sadd.s32 $0xFFFFE003, lr  }
0x1b: {  	s9 =	sadd.s32 $0xFFFFFEF7, lr;
	s5 =	simm.s32 $0xFFFFFFFF;
	p2 =	slt.u32 s8, $0xFFFFF086  }
0x1c: {  	p1 =	slt.u32 s9, $0xF7A;
	s5 =	simm.s32 @!p2 $0x0  }
0x1d: {  	s5 =	simm.s32 @p1 $0x1;
	p0 =	seq.s32 s7, s2  }
0x1e: {  	s7 =	smul.u32 @!p0 $0xF7A, s2;
	p2 =	seq.s32 @!p0 s5, $0x0  }
0x1f: {  	s9 =	smul.u32 $0xF7A, s1;
	s8 =	simm.s32 @!p0 $0x1BF5;
	p2 =	por !p2, p0  }
0x20: {  	[sflag:s8] =	ssyncset.s32 @!p0 $0xFFFFF086;
	s6 =	sadd.s32 @!p0 s3, s7;
	s7 =	simm.s32 @!p0 $0x108  }
0x21: {  	s3 =	sadd.s32 s3, s9;
	s6 =	sadd.s32 @!p0 $0x88, s6;
	s7 =	simm.s32 @p2 $0x1082  }
0x22: {  	[simem:s7], [sflag:s8] =	dma.local @!p0 [hbm:s6], $0xF7A  }
0x23: {  	s9 =	sor.u32 $0xD0000000, s2;
	s6 =	simm.s32 $0x108;
	_ =	swait.ge @!p0 [sflag:s8], $0x0  }
0x24: {  	s3 =	sadd.s32 $0x88, s3;
	s6 =	simm.s32 @!p1 $0x1082;
	[sflag:s4] =	ssyncset.s32 $0xFFFFF086  }
0x25: {  	[simem:s6], [sflag:s4] =	dma.local [hbm:s3], $0xF7A  }
0x26: {  	[smem:$0x3F8A] =	sst s1;
	(tag) =	ssettag s2;
	_ =	strace s9  }
0x27: {  	s1 =	sld [smem:$0x3F9A]  }
0x28: {  	s2 =	sld [smem:$0x3F9B]  }
0x29: {  	s4 =	sld [smem:$0x3F9D]  }
0x2a: {  	p0 =	seq.s32 s5, $0x0;
	s5 =	sld [smem:$0x3F9E]  }
0x2b: {  	s6 =	sld [smem:$0x3F9F]  }
0x2c: {  	s7 =	sld [smem:$0x3FA0]  }
0x2d: {  	s3 =	simm.s32 $0x108;
	s8 =	sld [smem:$0x3FA1]  }
0x2e: {  	s3 =	simm.s32 @!p0 $0x1082;
	s9 =	sld [smem:$0x3FA2]  }
0x2f: {  	lr =	sadd.s32 s0, s3;
	s0 =	sld [smem:$0x3F99]  }
0x30: {  	s3 =	sld [smem:$0x3F9C]  }
0x31: {  	[smem:$0x3FA5] =	sst s10  }
0x32: {  	s10 =	sld [smem:$0x3FA3];
	_ =	sdelay $0x3  }
0x33: {  	p0 =	seq.s32 s10, $0x1;
	s10 =	sld [smem:$0x3FA5];
	_ =	sdelay $0x3  }
0x34: {  	[smem:$0x3FA5] =	sst s10  }
0x35: {  	s10 =	sld [smem:$0x3FA4];
	_ =	sdelay $0x3  }
0x36: {  	p1 =	seq.s32 s10, $0x1;
	s10 =	sld [smem:$0x3FA5];
	_ =	sdelay $0x3  }
0x37: {  	[smem:$0x3FA5] =	sst s10  }
0x38: {  	s10 =	sld [smem:$0x3FA6]  }
0x39: {  	_ = 	snop;
	(pc) =	sbr.ind lr, $3  }
0x3a: {  	_ = 	snop  }
0x3b: {  	_ = 	snop  }
0x3c: {  	p2 =	seq.s32 s10, $0x1;
	s10 =	sld [smem:$0x3FA5]  }
0x3d: {  	_ =	shalt  }
0x3e: {  	_ =	shalt  }
0x3f: {  	_ =	shalt  }
0x40: {  	_ =	shalt  }
0x41: {  	_ =	shalt  }
0x42: {  	_ =	shalt  }
0x43: {  	_ =	shalt  }
0x44: {  	_ =	shalt  }
0x45: {  	_ =	shalt  }
0x46: {  	_ =	shalt  }
0x47: {  	_ =	shalt  }
0x48: {  	_ =	shalt  }
0x49: {  	_ =	shalt  }
0x4a: {  	_ =	shalt  }
0x4b: {  	_ =	shalt  }
0x4c: {  	_ =	shalt  }
0x4d: {  	_ =	shalt  }
0x4e: {  	_ =	shalt  }
0x4f: {  	_ =	shalt  }
0x50: {  	_ =	shalt  }
0x51: {  	_ =	shalt  }
0x52: {  	_ =	shalt  }
0x53: {  	_ =	shalt  }
0x54: {  	_ =	shalt  }
0x55: {  	_ =	shalt  }
0x56: {  	_ =	shalt  }
0x57: {  	_ =	shalt  }
0x58: {  	_ =	shalt  }
0x59: {  	_ =	shalt  }
0x5a: {  	_ =	shalt  }
0x5b: {  	_ =	shalt  }
0x5c: {  	_ =	shalt  }
0x5d: {  	_ =	shalt  }
0x5e: {  	_ =	shalt  }
0x5f: {  	_ =	shalt  }
0x60: {  	_ =	shalt  }
0x61: {  	_ =	shalt  }
0x62: {  	_ =	shalt  }
0x63: {  	_ =	shalt  }
0x64: {  	_ =	shalt  }
0x65: {  	_ =	shalt  }
0x66: {  	_ =	shalt  }
0x67: {  	_ =	shalt  }
0x68: {  	_ =	shalt  }
0x69: {  	_ =	shalt  }
0x6a: {  	_ =	shalt  }
0x6b: {  	_ =	shalt  }
0x6c: {  	_ =	shalt  }
0x6d: {  	_ =	shalt  }
0x6e: {  	_ =	shalt  }
0x6f: {  	_ =	shalt  }
0x70: {  	_ =	shalt  }
0x71: {  	_ =	shalt  }
0x72: {  	_ =	shalt  }
0x73: {  	_ =	shalt  }
0x74: {  	_ =	shalt  }
0x75: {  	_ =	shalt  }
0x76: {  	_ =	shalt  }
0x77: {  	_ =	shalt  }
0x78: {  	_ =	shalt  }
0x79: {  	_ =	shalt  }
0x7a: {  	_ =	shalt  }
0x7b: {  	_ =	shalt  }
0x7c: {  	_ =	shalt  }
0x7d: {  	_ =	shalt  }
0x7e: {  	_ =	shalt  }
0x7f: {  	_ =	shalt  }
0x80: {  	_ =	shalt  }
0x81: {  	_ =	shalt  }
0x82: {  	_ =	shalt  }
0x83: {  	_ =	shalt  }
0x84: {  	_ =	shalt  }
0x85: {  	_ =	shalt  }
0x86: {  	_ =	shalt  }
0x87: {  	_ =	shalt  }
.Lfunc_end0:
.L_simem_size_0:
called_computation.2_lowered:
.L_overlay_start_0:
0x88: {  	s2 =	sld [smem:$0x3FD9]  }
0x89: {  	s3 =	sld [smem:$0x3FFE];
	_ =	sdelay $0x1  }
0x8a: {  	s1 =	srdreg.scid  }
0x8b: {  	s0 =	sand.u32 $0x1, s1  }
0x8c: {  	s16 =	sshll.u32 s0, $0xA;
	s2 =	sadd.s32 s3, s2  }
0x8d: {  	s2 =	sadd.s32 s2, s16  }
0x8e: {  	[smem:$0x3FB1] =	sst s2  }
0x8f: {  	_ = 	snop  }
0x90: {  	(tm) =	ssettm $0x1  }
0x91: {  	s17 =	sld [smem:$0x3FFB];
	_ =	sdelay $0x3  }
0x92: {  	_ =	strace s17  }
0x93: {  	s2 =	sld [smem:$0x3FFC];
	_ =	sdelay $0x3  }
0x94: {  	_ =	strace s2  }
0x95: {  	s2 =	sld [smem:$0x3FFD];
	_ =	sdelay $0x3  }
0x96: {  	_ =	strace s2  }
0x97: {  	_ =	strace $0x8FFFFFFF  }
0x98: {  	s18 =	sld [smem:$0x3FDB];
	_ =	sdelay $0x1  }
0x99: {  	s19 =	simm.s32 $_scs_section_size  }
0x9a: {  	s4 =	simm.s32 $_size__tile_overlayer_lowered;
	s5 =	simm.s32 $_tile_overlayer_lowered  }
0x9b: {  	s22 =	simm.s32 $0x1BFF;
	s21 =	sshll.u32 s5, $0x1;
	s2 =	sadd.s32 s19, s18  }
0x9c: {  	s6 =	simm.s32 $0x0;
	s20 =	sshll.u32 s4, $0x1;
	s4 =	sadd.s32 s21, s2  }
0x9d: {  	[timem:s6], [sflag:s22] =	dma.local [hbm:s4], s20  }
0x9e: {  	_ =	swait.ge [sflag:s22], s20  }
0x9f: {  	s3 =	ssub.s32 $0x0, s20;
	[sflag:s22] =	ssyncset.done $0x0  }
0xa0: {  	[sflag:s22] =	ssyncadd.s32 s3;
	_ =	sdelay $0x1  }
0xa1: {  	s23 =	simm.s32 $0x1B8B  }
0xa2: {  	_ =	swait.ge [sflag:s23], $0x1  }
0xa3: {  	[sflag:s23] =	ssyncset.done $0x0  }
0xa4: {  	s25 =	simm.s32 $0x1B8E;
	s24 =	sld [smem:$0x3FFE];
	[sflag:s23] =	ssyncadd.s32 $0xFFFFFFFF  }
0xa5: {  	s26 =	simm.s32 $execute0_lowered;
	[smem:$0x3FD2] =	sst s25  }
0xa6: {  	s4 =	sshll.u32 s26, $0x1;
	_ =	strace $0x8000004C;
	[dreg:$0x1] =	wrdreg $0xFFFFFFFF  }
0xa7: {  	s28 =	simm.s32 $_size_execute0_lowered;
	s2 =	sadd.s32 s2, s4;
	[dreg:$0x0] =	wrdreg $0x0  }
0xa8: {  	s4 =	sshll.u32 s28, $0x1;
	[dreg:$0x2] =	wrdreg s2  }
0xa9: {  	[dreg:$0x3] =	wrdreg s4  }
0xaa: {  	[dreg:$0x4] =	wrdreg $0xC0  }
0xab: {  	_ =	task [dreg:s6], $0x5FFFF  }
0xac: {  	[dreg:$0x1] =	wrdreg $0xFFFFFFFF  }
0xad: {  	[dreg:$0x0] =	wrdreg $0x60  }
0xae: {  	[dreg:$0x2] =	wrdreg s24  }
0xaf: {  	[dreg:$0x3] =	wrdreg $0x9  }
0xb0: {  	_ =	task.clear_ibuf [dreg:s6], $0x4FFFF;
	_ =	strace $0x9000004C  }
0xb1: {  	s29 =	simm.s32 $0x9;
	_ =	strace $0x8000004E  }
0xb2: {  	_ =	swait.ge [sflag:s29], $0x1  }
0xb3: {  	[sflag:s29] =	ssyncadd.s32 $0xFFFFFFFF  }
0xb4: {  	_ =	strace $0x9000004E  }
0xb5: {  	_ =	sfence  }
0xb6: {  	s30 =	sld [smem:$0x0];
	_ =	sdelay $0x2  }
0xb7: {  	s31 =	sshll.u32 s1, $0xD;
	s1 =	sshrl.u32 s1, $0x2  }
0xb8: {  	s3 =	sand.u32 $0x4000, s31;
	s1 =	sadd.s32 s1, s30  }
0xb9: {  	s0 =	sor.u32 s3, s0;
	s1 =	sshll.u32 s1, $0x11  }
0xba: {  	s0 =	sor.u32 s1, s0  }
0xbb: {  	s0 =	sadd.s32 $0x8F2B, s0  }
0xbc: {  	[sflag:s0] =	ssyncadd.remote.s32 $0x1  }
0xbd: {  	_ =	sfence.sel $0xFFFF  }
0xbe: {  	[dreg:$0x0] =	wrdreg $0xFFFFFFFF;
	(pc) =	sbr.abs _section_cstart, $3  }
0xbf: {  	[dreg:$0x1] =	wrdreg $0xFFFFFFFF  }
0xc0: {  	_ =	task.clear_ibuf [dreg:s6], $0x2FFFF;
	_ =	strace $0x9FFFFFFF  }
0xc1: {  	(tm) =	ssettm $0x7FFFFFFF  }
tec
execute0_lowered:
.L_overlay_start_1:
0x0: {  	(tag) =	ssettag $0x1  }
0x1: {  	s0 =	srdreg.scid  }
0x2: {  	s16 =	stileid.u32;
	s6 =	rddreg [dreg:$0x0]  }
0x3: {  	s3 =	simm.s32 $0x1;
	s2 =	simm.s32 $0x0;
	s28 =	simm.s32 $0x5  }
0x4: {  	s29 =	simm.s32 $0x2780;
	s30 =	simm.s32 $0x100;
	s31 =	simm.s32 $0xED00  }
0x5: {  	s0 =	sand.u32 $0x1, s0;
	s4 =	sand.u32 $0x7, s16;
	[smem:$0x7FF] =	sst s2  }
0x6: {  	s8 =	sadd.s32 $0x1A000, s6;
	s9 =	sadd.s32 $0x1F000, s6;
	s17 =	sshll.u32 s16, $0x8  }
0x7: {  	s1 =	sshll.u32 s0, $0x4;
	p0 =	sne.s32 s4, $0x0;
	_ =	strace $0x8000004D  }
0x8: {  	[dreg:$0x2] =	wrdreg s9;
	s9 =	sadd.s32 $0x1FA00, s6;
	s1 =	sor.u32 s16, s1  }
0x9: {  	s0 =	ssub.s32 $0x2, s0;
	s4 =	sshrl.u32 s4, $0x2;
	p1 =	seq.s32 s1, $0x0  }
0xa: {  	s11 =	sshrl.u32 s0, $0x1;
	s16 =	sshll.u32 s16, $0x1;
	p1 =	por !p0, !p1  }
0xb: {  	s4 =	smul.u32 $0x13C00, s4;
	s21 =	sor.u32 $0x11, s16;
	p1 =	por !p1, !p1  }
0xc: {  	s1 =	sshrl.u32 s1, $0x3;
	s23 =	sshrl.u32 s21, $0x3;
	s3 =	simm.s32 @!p1 $0x0  }
0xd: {  	s0 =	ssub.s32 s0, s11;
	s24 =	smul.u32 $0x13C00, s23;
	s1 =	ssub.s32 s1, s3  }
0xe: {  	s23 =	simm.s32 $0x18380;
	s5 =	sshrl.u32 s1, $0x2;
	s10 =	smul.u32 $0x13880, s1  }
0xf: {  	s3 =	sadd.s32 $0x6600, s6;
	s7 =	sshll.u32 s1, $0x7;
	s5 =	smul.u32 $0x9E00, s5  }
0x10: {  	s1 =	smul.u32 $0x4F000, s1;
	s7 =	sand.u32 $0x180, s7;
	s12 =	sadd.s32 $0x4E200, s10  }
0x11: {  	s13 =	sshrl.u32 s10, $0x3;
	s15 =	sadd.s32 $0xFA0, s10;
	s7 =	sor.u32 s7, s5  }
0x12: {  	s5 =	simm.s32 $0x1;
	s12 =	sshrl.u32 s12, $0x3;
	s11 =	sadd.s32 s3, s13  }
0x13: {  	s13 =	sadd.s32 $0x4F1A0, s10;
	s7 =	sshrl.u32 s7, $0x3;
	[dreg:$0x3] =	wrdreg s11  }
0x14: {  	s14 =	sadd.s32 s3, s12;
	s11 =	sshrl.u32 s15, $0x3;
	s12 =	sand.u32 $0x300, s17  }
0x15: {  	s18 =	sshrl.u32 s13, $0x3;
	s7 =	sadd.s32 s7, s6;
	[dreg:$0x4] =	wrdreg s14  }
0x16: {  	s11 =	sadd.s32 s3, s11;
	s15 =	sor.u32 $0x80, s12;
	s19 =	sor.u32 s12, s4  }
0x17: {  	s6 =	sadd.s32 $0x1F010, s6;
	[dreg:$0x5] =	wrdreg s11;
	s11 =	sadd.s32 s3, s18  }
0x18: {  	s20 =	sor.u32 s15, s4;
	s14 =	sshrl.u32 s19, $0x3;
	[dreg:$0x9] =	wrdreg s6  }
0x19: {  	s4 =	sadd.s32 s4, s1;
	s25 =	sadd.s32 s1, s19;
	s6 =	sshll.u32 s21, $0x7  }
0x1a: {  	s1 =	sadd.s32 s24, s1;
	s19 =	sadd.s32 $0x47200, s7;
	s24 =	simm.s32 $0x19380  }
0x1b: {  	s21 =	simm.s32 $0x4F00;
	s7 =	simm.s32 $0x13C00;
	[dreg:$0x6] =	wrdreg s11  }
0x1c: {  	s13 =	sshrl.u32 s20, $0x3;
	s14 =	sadd.s32 s8, s14;
	s22 =	sor.u32 s12, s4  }
0x1d: {  	s6 =	sand.u32 $0x380, s6;
	s4 =	sor.u32 s15, s4;
	s20 =	smax.u32 s0, $0x1  }
0x1e: {  	s0 =	simm.s32 $0x2;
	[dreg:$0x7] =	wrdreg s14;
	s8 =	sadd.s32 s8, s13  }
0x1f: {  	s13 =	sadd.s32 $0x1F40, s10;
	s14 =	sadd.s32 $0x2EE0, s10;
	s1 =	sor.u32 s6, s1  }
0x20: {  	s4 =	sshrl.u32 s4, $0x3;
	s6 =	simm.s32 $0xC580;
	s10 =	simm.s32 $0x0  }
0x21: {  	[dreg:$0x8] =	wrdreg s8;
	s8 =	sshrl.u32 s22, $0x3;
	s1 =	sshrl.u32 s1, $0x3  }
0x22: {  	s4 =	sadd.s32 s9, s4;
	s22 =	simm.s32 $0x7680;
	s8 =	sadd.s32 s9, s8  }
.Ltmp0:
0x23: {  	[dreg:$0xc] =	wrdreg s4;
	s1 =	sadd.s32 s9, s1;
	(pc) =	sbr.rel .LBB2_1-.Ltmp0, $4  }
0x24: {  	s4 =	simm.s32 $0x9E00;
	[dreg:$0xa] =	wrdreg s8;
	s8 =	sadd.s32 $0x27800, s25  }
0x25: {  	[dreg:$0xd] =	wrdreg s1;
	s25 =	simm.s32 $0x80;
	s8 =	sshrl.u32 s8, $0x3  }
0x26: {  	s1 =	simm.s32 $0x11480;
	s26 =	sadd.s32 s9, s8;
	s8 =	simm.s32 $0x3  }
0x27: {  	v0 =	vimm.f32 $0.0e+00;
	s9 =	simm.s32 $0x4;
	[dreg:$0xb] =	wrdreg s26;
	s26 =	simm.s32 $0x400  }
.LBB2_10:
0x28: {  	s11 =	rddreg [dreg:$0xa]  }
0x29: {  	[hbm4b:s11+s25] =	stream.strided.scatter [tilespmem:s21], [sflag:$0x5], $0x2780, s26, s25, $0x38;
	[tilespmem:$0x1A380] =	vst v63  }
0x2a: {  	_ =	swait.ge [sflag:s28], $0x2780  }
0x2b: {  	[sflag:s28] =	ssyncset.done $0x0  }
0x2c: {  	s16 =	rddreg [dreg:$0xb];
	[sflag:s28] =	ssyncadd.s32 $0xFFFFD880  }
0x2d: {  	[hbm4b:s16+s25] =	stream.strided.scatter [tilespmem:s22], [sflag:$0x5], $0x2780, s26, s25, $0x38;
	[tilespmem:$0x1A380] =	vst v63  }
0x2e: {  	_ =	swait.ge [sflag:s28], $0x2780  }
0x2f: {  	[sflag:s28] =	ssyncset.done $0x0  }
0x30: {  	s17 =	rddreg [dreg:$0xc];
	[sflag:s28] =	ssyncadd.s32 $0xFFFFD880  }
0x31: {  	[hbm4b:s17+s25] =	stream.strided.scatter [tilespmem:s4], [sflag:$0x5], $0x2780, s26, s25, $0x38;
	[tilespmem:$0x1A380] =	vst v63  }
0x32: {  	_ =	swait.ge [sflag:s28], $0x2780  }
0x33: {  	[sflag:s28] =	ssyncset.done $0x0  }
0x34: {  	s18 =	rddreg [dreg:$0xd];
	[sflag:s28] =	ssyncadd.s32 $0xFFFFD880  }
0x35: {  	[hbm4b:s18+s25] =	stream.strided.scatter [tilespmem:s6], [sflag:$0x5], $0x2780, s26, s25, $0x38;
	[tilespmem:$0x1A380] =	vst v63  }
0x36: {  	s12 =	simm.s32 @!p0 $0x200;
	_ =	swait.ge [sflag:s28], $0x2780  }
0x37: {  	s15 =	simm.s32 @!p0 $0x13C00;
	s10 =	sadd.s32 $0x1, s10;
	[sflag:s28] =	ssyncset.done $0x0  }
0x38: {  	s11 =	simm.s32 @!p0 $0x80;
	p1 =	sne.s32 s10, s20;
	[sflag:s28] =	ssyncadd.s32 $0xFFFFD880  }
0x39: {  	[hbm4b:s19+s11] =	stream.strided.scatter @!p0 [tilespmem:s15], [sflag:$0x5], $0x2780, s12, s11, $0x38;
	[tilespmem:$0x1A380] =	vst v63  }
.Ltmp1:
0x3a: {  	_ = 	snop;
	(pc) =	sbr.rel @!p1 .LBB2_11-.Ltmp1, $4  }
0x3b: {  	s11 =	simm.s32 @!p0 $0x5  }
0x3c: {  	_ =	swait.ge @!p0 [sflag:s11], $0x2780  }
0x3d: {  	[sflag:s11] =	ssyncset.done @!p0 $0x0  }
0x3e: {  	[sflag:s11] =	ssyncadd.s32 @!p0 $0xFFFFD880  }
.LBB2_1:
0x3f: {  	s17 =	simm.s32 $0x4F20  }
0x40: {  	[tilespmem:s17+$0xFFFFFFF0] =	vst v0  }
0x41: {  	[tilespmem:s17+$0x0] =	vst v0  }
0x42: {  	[tilespmem:s17+$0x10] =	vst v0  }
0x43: {  	s11 =	simm.s32 $0x76A0;
	[tilespmem:s17+$0xFFFFFFE0] =	vst v0  }
0x44: {  	[tilespmem:s11+$0xFFFFFFF0] =	vst v0  }
0x45: {  	[tilespmem:s11+$0x0] =	vst v0  }
0x46: {  	[tilespmem:s11+$0x10] =	vst v0  }
0x47: {  	s12 =	simm.s32 $0x9E20;
	[tilespmem:s11+$0xFFFFFFE0] =	vst v0  }
0x48: {  	[tilespmem:s12+$0xFFFFFFF0] =	vst v0  }
0x49: {  	[tilespmem:s12+$0x0] =	vst v0  }
0x4a: {  	[tilespmem:s12+$0x10] =	vst v0  }
0x4b: {  	s15 =	simm.s32 $0xC5A0;
	[tilespmem:s12+$0xFFFFFFE0] =	vst v0  }
0x4c: {  	[tilespmem:s15+$0xFFFFFFF0] =	vst v0  }
0x4d: {  	[tilespmem:s15+$0x0] =	vst v0  }
0x4e: {  	[tilespmem:s15+$0x10] =	vst v0  }
0x4f: {  	s16 =	simm.s32 $0x13C20;
	[tilespmem:s15+$0xFFFFFFE0] =	vst v0  }
0x50: {  	[tilespmem:s16+$0xFFFFFFF0] =	vst v0  }
0x51: {  	[tilespmem:s16+$0x0] =	vst v0  }
0x52: {  	[tilespmem:s16+$0x10] =	vst v0  }
0x53: {  	s18 =	simm.s32 $0x4F60;
	s17 =	simm.s32 $0x0;
	[tilespmem:s16+$0xFFFFFFE0] =	vst v0  }
.LBB2_2:
0x54: {  	[tilespmem:s18+$0xFFFFFFF0] =	vst v0;
	s11 =	sadd.s32 $0x40, s11  }
0x55: {  	s12 =	sadd.s32 $0x40, s12;
	[tilespmem:s11+$0xFFFFFFF0] =	vst v0  }
0x56: {  	s15 =	sadd.s32 $0x40, s15;
	[tilespmem:s12+$0xFFFFFFF0] =	vst v0  }
0x57: {  	s16 =	sadd.s32 $0x40, s16;
	[tilespmem:s15+$0xFFFFFFF0] =	vst v0  }
0x58: {  	[tilespmem:s16+$0xFFFFFFF0] =	vst v0  }
0x59: {  	[tilespmem:s18+$0x0] =	vst v0  }
0x5a: {  	[tilespmem:s11+$0x0] =	vst v0  }
0x5b: {  	[tilespmem:s12+$0x0] =	vst v0  }
0x5c: {  	[tilespmem:s15+$0x0] =	vst v0  }
0x5d: {  	[tilespmem:s16+$0x0] =	vst v0  }
0x5e: {  	[tilespmem:s18+$0x10] =	vst v0  }
0x5f: {  	[tilespmem:s11+$0x10] =	vst v0  }
0x60: {  	[tilespmem:s12+$0x10] =	vst v0  }
0x61: {  	s17 =	sadd.s32 $0x4, s17;
	[tilespmem:s15+$0x10] =	vst v0  }
0x62: {  	p1 =	slt.u32 s17, $0x26C;
	[tilespmem:s16+$0x10] =	vst v0  }
.Ltmp2:
0x63: {  	[tilespmem:s18+$0xFFFFFFE0] =	vst v0;
	(pc) =	sbr.rel @p1 .LBB2_2-.Ltmp2, $4  }
0x64: {  	[tilespmem:s11+$0xFFFFFFE0] =	vst v0  }
0x65: {  	[tilespmem:s12+$0xFFFFFFE0] =	vst v0  }
0x66: {  	[tilespmem:s15+$0xFFFFFFE0] =	vst v0  }
0x67: {  	s18 =	sadd.s32 $0x40, s18;
	[tilespmem:s16+$0xFFFFFFE0] =	vst v0  }
0x68: {  	[tilespmem:$0x7600] =	vst v0  }
0x69: {  	[tilespmem:$0x9D80] =	vst v0  }
0x6a: {  	[tilespmem:$0xC500] =	vst v0  }
0x6b: {  	[tilespmem:$0xEC80] =	vst v0  }
0x6c: {  	[tilespmem:$0x16300] =	vst v0;
	s11 =	simm.s32 $0x0;
	s12 =	rddreg [dreg:$0x3];
	s15 =	simm.s32 $0x16380  }
0x6d: {  	[tilespmem:s15], [sflag:$0x1] =	stream.linear.gather [hbm4b:s12+s11], $0xFA0, $0x38;
	[tilespmem:$0x1A380] =	vst v63  }
0x6e: {  	s16 =	simm.s32 $0x17380;
	s15 =	rddreg [dreg:$0x4]  }
0x6f: {  	[tilespmem:s16], [sflag:$0x2] =	stream.linear.gather [hbm4b:s15+s11], $0xFA0, $0x38;
	[tilespmem:$0x1A380] =	vst v63  }
0x70: {  	s17 =	rddreg [dreg:$0x5]  }
0x71: {  	[tilespmem:s23], [sflag:$0x3] =	stream.linear.gather [hbm4b:s17+s11], $0xFA0, $0x38;
	[tilespmem:$0x1A380] =	vst v63  }
0x72: {  	s18 =	rddreg [dreg:$0x6]  }
0x73: {  	[tilespmem:s24], [sflag:$0x4] =	stream.linear.gather [hbm4b:s18+s11], $0xFA0, $0x38;
	[tilespmem:$0x1A380] =	vst v63  }
0x74: {  	s15 =	rddreg [dreg:$0x7]  }
0x75: {  	[tilespmem:s11], [sflag:$0x5] =	stream.strided.gather [hbm4b:s15+s25], $0x2780, s26, s25, $0x38;
	[tilespmem:$0x1A380] =	vst v63  }
0x76: {  	_ =	swait.ge [sflag:s28], $0x2780  }
0x77: {  	[sflag:s28] =	ssyncset.done $0x0  }
0x78: {  	s16 =	rddreg [dreg:$0x8];
	[sflag:s28] =	ssyncadd.s32 $0xFFFFD880  }
0x79: {  	[tilespmem:s29], [sflag:$0x5] =	stream.strided.gather [hbm4b:s16+s25], $0x2780, s26, s25, $0x38;
	[tilespmem:$0x1A380] =	vst v63  }
0x7a: {  	_ =	swait.ge [sflag:s28], $0x2780  }
0x7b: {  	[sflag:s28] =	ssyncset.done $0x0  }
0x7c: {  	s17 =	rddreg [dreg:$0x2];
	[sflag:s28] =	ssyncadd.s32 $0xFFFFD880  }
0x7d: {  	[tilespmem:s31], [sflag:$0x5] =	stream.strided.gather [hbm4b:s17+s25], $0x2780, s30, s25, $0x38;
	[tilespmem:$0x1A380] =	vst v63  }
0x7e: {  	_ =	swait.ge [sflag:s28], $0x2780  }
0x7f: {  	[sflag:s28] =	ssyncset.done $0x0  }
0x80: {  	s18 =	rddreg [dreg:$0x9];
	[sflag:s28] =	ssyncadd.s32 $0xFFFFD880  }
0x81: {  	[tilespmem:s1], [sflag:$0x5] =	stream.strided.gather [hbm4b:s18+s25], $0x2780, s30, s25, $0x38;
	[tilespmem:$0x1A380] =	vst v63  }
0x82: {  	_ =	swait.ge [sflag:s28], $0x2780  }
0x83: {  	[sflag:s28] =	ssyncset.done $0x0  }
0x84: {  	[sflag:s28] =	ssyncadd.s32 $0xFFFFD880  }
.LBB2_4:
0x85: {  	_ =	swait.ge [sflag:s5], $0xFA0  }
0x86: {  	[sflag:s5] =	ssyncset.done $0x0  }
0x87: {  	[sflag:s5] =	ssyncadd.s32 $0xFFFFF060  }
0x88: {  	_ =	swait.ge [sflag:s0], $0xFA0  }
0x89: {  	[sflag:s0] =	ssyncset.done $0x0  }
0x8a: {  	s12 =	simm.s32 $0x16390;
	[sflag:s0] =	ssyncadd.s32 $0xFFFFF060  }
0x8b: {  	s15 =	simm.s32 $0x17390;
	v5 =	vld [tilespmem:s12+$0x0]  }
0x8c: {  	v10 =	vld [tilespmem:s15+$0x0];
	_ =	sdelay $0x4  }
0x8d: {  	v1 =	vld [tilespmem:s15+$0xFFFFFFF0]  }
0x8e: {  	v11 =	vld [tilespmem:s12+$0xFFFFFFF0]  }
0x8f: {  	v2 =	vld.idx.msk [tilespmem:v5+s31+$0x0], $0xffff  }
0x90: {  	v3 =	vld.idx.msk [tilespmem:v10+s1+$0x0], $0xffff;
	_ =	sdelay $0x4  }
0x91: {  	v2 =	vadd.f32 v3, v2;
	_ =	sdelay $0x1  }
0x92: {  	v4 =	vld.idx.msk [tilespmem:v11+s31+$0x0], $0xffff;
	v3 =	vmul.f32 $2.000000030e-01, v2  }
0x93: {  	v6 =	vld.idx.msk [tilespmem:v1+s1+$0x0], $0xffff  }
0x94: {  	v2 =	vmax.f32 v2, v3  }
0x95: {  	s17 =	simm.s32 $0x173B0;
	v2 =	vmul.f32 $1.442695020e+00, v2  }
0x96: {  	s16 =	simm.s32 $0x163B0;
	v3 =	vld [tilespmem:s17+$0x0]  }
0x97: {  	v12 =	vld [tilespmem:s16+$0x0];
	(erf) = vpow2.f32 v2  }
0x98: {  	v2 =	vadd.f32 v6, v4;
	_ =	sdelay $0x1  }
0x99: {  	v4 =	vmul.f32 $2.000000030e-01, v2  }
0x9a: {  	v6 =	vld.idx.msk [tilespmem:v5+s2+$0x0], $0xffff  }
0x9b: {  	v4 =	vmax.f32 v2, v4;
	v2 =	vld [tilespmem:s17+$0xFFFFFFF0]  }
0x9c: {  	v7 =	vmul.f32 $1.442695020e+00, v4;
	v4 =	vld [tilespmem:s16+$0xFFFFFFF0]  }
0x9d: {  	v8 =	vld.idx.msk [tilespmem:v3+s1+$0x0], $0xffff  }
0x9e: {  	(erf) = vpow2.f32 v7;
	v7 =	vld.idx.msk [tilespmem:v12+s31+$0x0], $0xffff  }
0x9f: {  	v9 =	vshll.u32 v6, $0x10;
	v13 =	vpop (erf)  }
0xa0: {  	v9 =	vmul.f32 v9, v13  }
0xa1: {  	v14 =	vld.idx.msk [tilespmem:v11+s2+$0x0], $0xffff;
	v6 =	vand.u32 $0xFFFF0000, v6  }
0xa2: {  	v6 =	vmul.f32 v6, v13;
	[tilespmem:v10+s21+$0x0] =	vst.idx.add.f32.msk $0xffff, v9  }
0xa3: {  	v7 =	vadd.f32 v8, v7;
	v15 =	vld.idx.msk [tilespmem:v2+s1+$0x0], $0xffff  }
0xa4: {  	[tilespmem:v10+s22+$0x0] =	vst.idx.add.f32.msk $0xffff, v6  }
0xa5: {  	v9 =	vld.idx.msk [tilespmem:v4+s31+$0x0], $0xffff;
	v8 =	vmul.f32 $2.000000030e-01, v7  }
0xa6: {  	v5 =	vld.idx.msk [tilespmem:v5+s29+$0x0], $0xffff  }
0xa7: {  	v16 =	vshll.u32 v14, $0x10;
	v6 =	vpop (erf);
	v7 =	vmax.f32 v7, v8  }
0xa8: {  	s18 =	simm.s32 $0x163D0;
	v18 =	vld.idx.msk [tilespmem:v4+s2+$0x0], $0xffff;
	v16 =	vmul.f32 v16, v6;
	v7 =	vmul.f32 $1.442695020e+00, v7  }
0xa9: {  	v8 =	vld [tilespmem:s18+$0x0]  }
0xaa: {  	s12 =	simm.s32 $0x173D0;
	v14 =	vand.u32 $0xFFFF0000, v14;
	v9 =	vadd.f32 v15, v9;
	[tilespmem:v1+s21+$0x0] =	vst.idx.add.f32.msk $0xffff, v16;
	(erf) = vpow2.f32 v7  }
0xab: {  	v14 =	vmul.f32 v14, v6;
	v16 =	vshll.u32 v5, $0x10;
	v7 =	vld [tilespmem:s12+$0x0]  }
0xac: {  	v15 =	vmul.f32 v16, v13;
	v16 =	vld.idx.msk [tilespmem:v12+s2+$0x0], $0xffff;
	v17 =	vmul.f32 $2.000000030e-01, v9  }
0xad: {  	[tilespmem:v1+s22+$0x0] =	vst.idx.add.f32.msk $0xffff, v14  }
0xae: {  	v5 =	vand.u32 $0xFFFF0000, v5;
	v14 =	vld.idx.msk [tilespmem:v11+s29+$0x0], $0xffff;
	v9 =	vmax.f32 v9, v17  }
0xaf: {  	v5 =	vmul.f32 v5, v13;
	[tilespmem:v10+s4+$0x0] =	vst.idx.add.f32.msk $0xffff, v15;
	v15 =	vmul.f32 $1.442695020e+00, v9  }
0xb0: {  	v9 =	vld [tilespmem:s18+$0xFFFFFFF0]  }
0xb1: {  	[tilespmem:v10+s6+$0x0] =	vst.idx.add.f32.msk $0xffff, v5;
	(erf) = vpow2.f32 v15  }
0xb2: {  	v5 =	vld [tilespmem:s12+$0xFFFFFFF0]  }
0xb3: {  	v17 =	vld.idx.msk [tilespmem:v8+s31+$0x0], $0xffff;
	v15 =	vshll.u32 v16, $0x10;
	v11 =	vpop (erf)  }
0xb4: {  	v16 =	vand.u32 $0xFFFF0000, v16;
	v19 =	vld.idx.msk [tilespmem:v7+s1+$0x0], $0xffff;
	v15 =	vmul.f32 v15, v11  }
0xb5: {  	[tilespmem:v10+s7+$0x0] =	vst.idx.add.f32.msk $0xffff, v13;
	v10 =	vmul.f32 v16, v11  }
0xb6: {  	[tilespmem:v3+s21+$0x0] =	vst.idx.add.f32.msk $0xffff, v15  }
0xb7: {  	[tilespmem:v3+s22+$0x0] =	vst.idx.add.f32.msk $0xffff, v10;
	v10 =	vshll.u32 v14, $0x10  }
0xb8: {  	v16 =	vld.idx.msk [tilespmem:v9+s31+$0x0], $0xffff  }
0xb9: {  	v19 =	vadd.f32 v19, v17;
	v15 =	vld.idx.msk [tilespmem:v12+s29+$0x0], $0xffff  }
0xba: {  	v13 =	vld.idx.msk [tilespmem:v9+s2+$0x0], $0xffff;
	v12 =	vshll.u32 v18, $0x10;
	v20 =	vmul.f32 v10, v6;
	v10 =	vpop (erf)  }
0xbb: {  	v17 =	vld.idx.msk [tilespmem:v5+s1+$0x0], $0xffff;
	v14 =	vand.u32 $0xFFFF0000, v14;
	v21 =	vmul.f32 $2.000000030e-01, v19;
	v22 =	vmul.f32 v12, v10  }
0xbc: {  	v18 =	vand.u32 $0xFFFF0000, v18;
	[tilespmem:v1+s4+$0x0] =	vst.idx.add.f32.msk $0xffff, v20;
	v12 =	vmul.f32 v14, v6  }
0xbd: {  	s15 =	simm.s32 $0x4;
	s16 =	simm.s32 $0x163F0;
	v14 =	vmul.f32 v18, v10;
	v18 =	vmax.f32 v19, v21;
	[tilespmem:v2+s21+$0x0] =	vst.idx.add.f32.msk $0xffff, v22  }
.LBB2_5:
0xbe: {  	v19 =	vld [tilespmem:s16+$0x0];
	v18 =	vmul.f32 $1.442695020e+00, v18;
	s12 =	sadd.s32 $0x20, s12;
	v20 =	vshll.u32 v15, $0x10  }
0xbf: {  	v15 =	vand.u32 $0xFFFF0000, v15;
	v21 =	vld [tilespmem:s12+$0x0];
	v20 =	vmul.f32 v20, v11  }
0xc0: {  	v16 =	vadd.f32 v17, v16;
	v15 =	vmul.f32 v15, v11;
	v17 =	vld.idx.msk [tilespmem:v8+s2+$0x0], $0xffff;
	(erf) = vpow2.f32 v18  }
0xc1: {  	v18 =	vshll.u32 v13, $0x10;
	v22 =	vand.u32 $0xFFFF0000, v13;
	[tilespmem:v3+s4+$0x0] =	vst.idx.add.f32.msk $0xffff, v20  }
0xc2: {  	v13 =	vmul.f32 $2.000000030e-01, v16;
	[tilespmem:v3+s6+$0x0] =	vst.idx.add.f32.msk $0xffff, v15  }
0xc3: {  	[tilespmem:v3+s7+$0x0] =	vst.idx.add.f32.msk $0xffff, v11;
	v3 =	vmov v7  }
0xc4: {  	s15 =	sadd.s32 $0x2, s15;
	v11 =	vmax.f32 v16, v13;
	v15 =	vld [tilespmem:s12+$0xFFFFFFF0];
	v7 =	vmov v21  }
0xc5: {  	p1 =	slt.u32 s15, $0xF8;
	v11 =	vmul.f32 $1.442695020e+00, v11;
	v13 =	vld [tilespmem:s16+$0xFFFFFFF0]  }
0xc6: {  	[tilespmem:v2+s22+$0x0] =	vst.idx.add.f32.msk $0xffff, v14  }
0xc7: {  	(erf) = vpow2.f32 v11;
	v14 =	vld.idx.msk [tilespmem:v4+s29+$0x0], $0xffff;
	v4 =	vmov v9  }
0xc8: {  	v20 =	vld.idx.msk [tilespmem:v19+s31+$0x0], $0xffff  }
0xc9: {  	v23 =	vshll.u32 v17, $0x10;
	v21 =	vld.idx.msk [tilespmem:v21+s1+$0x0], $0xffff;
	v11 =	vpop (erf)  }
0xca: {  	v16 =	vand.u32 $0xFFFF0000, v17;
	v17 =	vmul.f32 v23, v11;
	[tilespmem:v1+s6+$0x0] =	vst.idx.add.f32.msk $0xffff, v12;
	v9 =	vmov v13  }
0xcb: {  	v12 =	vmul.f32 v16, v11;
	[tilespmem:v1+s7+$0x0] =	vst.idx.add.f32.msk $0xffff, v6;
	v1 =	vmovc v2;
	v2 =	vmov v5;
	v5 =	vmov v15  }
0xcc: {  	v6 =	vmov v10;
	[tilespmem:v3+s21+$0x0] =	vst.idx.add.f32.msk $0xffff, v17  }
0xcd: {  	v10 =	vshll.u32 v14, $0x10;
	[tilespmem:v3+s22+$0x0] =	vst.idx.add.f32.msk $0xffff, v12;
	v12 =	vand.u32 $0xFFFF0000, v14  }
0xce: {  	v23 =	vmul.f32 v10, v6;
	v15 =	vld.idx.msk [tilespmem:v8+s29+$0x0], $0xffff;
	v12 =	vmul.f32 v12, v6;
	v8 =	vmov v19  }
.Ltmp3:
0xcf: {  	v19 =	vadd.f32 v21, v20;
	v16 =	vld.idx.msk [tilespmem:v13+s31+$0x0], $0xffff;
	(pc) =	sbr.rel @p1 .LBB2_5-.Ltmp3, $4  }
0xd0: {  	v17 =	vld.idx.msk [tilespmem:v5+s1+$0x0], $0xffff;
	v10 =	vpop (erf)  }
0xd1: {  	v20 =	vmul.f32 $2.000000030e-01, v19;
	v13 =	vld.idx.msk [tilespmem:v13+s2+$0x0], $0xffff;
	v21 =	vmul.f32 v18, v10  }
0xd2: {  	v14 =	vmul.f32 v22, v10;
	[tilespmem:v1+s4+$0x0] =	vst.idx.add.f32.msk $0xffff, v23  }
0xd3: {  	s16 =	sadd.s32 $0x20, s16;
	v18 =	vmax.f32 v19, v20;
	[tilespmem:v2+s21+$0x0] =	vst.idx.add.f32.msk $0xffff, v21  }
0xd4: {  	_ = 	snop  }
0xd5: {  	v18 =	vmul.f32 $1.442695020e+00, v18;
	v16 =	vadd.f32 v17, v16;
	_ =	sdelay $0x1  }
0xd6: {  	(erf) = vpow2.f32 v18;
	v17 =	vmul.f32 $2.000000030e-01, v16;
	_ =	sdelay $0x1  }
0xd7: {  	v16 =	vmax.f32 v16, v17  }
0xd8: {  	v16 =	vmul.f32 $1.442695020e+00, v16  }
0xd9: {  	v18 =	vshll.u32 v15, $0x10;
	v17 =	vld.idx.msk [tilespmem:v8+s2+$0x0], $0xffff  }
0xda: {  	(erf) = vpow2.f32 v16;
	v16 =	vmul.f32 v18, v11  }
0xdb: {  	v15 =	vand.u32 $0xFFFF0000, v15  }
0xdc: {  	v15 =	vmul.f32 v15, v11  }
0xdd: {  	[tilespmem:v3+s4+$0x0] =	vst.idx.add.f32.msk $0xffff, v16  }
0xde: {  	[tilespmem:v3+s6+$0x0] =	vst.idx.add.f32.msk $0xffff, v15;
	v15 =	vshll.u32 v17, $0x10;
	v16 =	vpop (erf)  }
0xdf: {  	[tilespmem:v2+s22+$0x0] =	vst.idx.add.f32.msk $0xffff, v14;
	v14 =	vand.u32 $0xFFFF0000, v17;
	v15 =	vmul.f32 v15, v16  }
0xe0: {  	v4 =	vld.idx.msk [tilespmem:v4+s29+$0x0], $0xffff;
	v14 =	vmul.f32 v14, v16  }
0xe1: {  	[tilespmem:v7+s21+$0x0] =	vst.idx.add.f32.msk $0xffff, v15  }
0xe2: {  	[tilespmem:v7+s22+$0x0] =	vst.idx.add.f32.msk $0xffff, v14  }
0xe3: {  	v14 =	vshll.u32 v13, $0x10;
	v8 =	vld.idx.msk [tilespmem:v8+s29+$0x0], $0xffff;
	v15 =	vpop (erf)  }
0xe4: {  	[tilespmem:v3+s7+$0x0] =	vst.idx.add.f32.msk $0xffff, v11;
	v13 =	vand.u32 $0xFFFF0000, v13;
	v3 =	vmul.f32 v14, v15  }
0xe5: {  	[tilespmem:v1+s6+$0x0] =	vst.idx.add.f32.msk $0xffff, v12;
	v11 =	vmul.f32 v13, v15  }
0xe6: {  	[tilespmem:v5+s21+$0x0] =	vst.idx.add.f32.msk $0xffff, v3  }
0xe7: {  	v3 =	vshll.u32 v4, $0x10;
	[tilespmem:v5+s22+$0x0] =	vst.idx.add.f32.msk $0xffff, v11  }
0xe8: {  	v3 =	vmul.f32 v3, v10;
	v11 =	vshll.u32 v8, $0x10;
	v9 =	vld.idx.msk [tilespmem:v9+s29+$0x0], $0xffff  }
0xe9: {  	[tilespmem:v1+s7+$0x0] =	vst.idx.add.f32.msk $0xffff, v6;
	v1 =	vand.u32 $0xFFFF0000, v8;
	v6 =	vmul.f32 v11, v16  }
0xea: {  	[tilespmem:v2+s4+$0x0] =	vst.idx.add.f32.msk $0xffff, v3;
	v1 =	vmul.f32 v1, v16;
	v3 =	vand.u32 $0xFFFF0000, v4  }
0xeb: {  	v3 =	vmul.f32 v3, v10;
	[tilespmem:v7+s4+$0x0] =	vst.idx.add.f32.msk $0xffff, v6  }
0xec: {  	[tilespmem:v7+s6+$0x0] =	vst.idx.add.f32.msk $0xffff, v1  }
0xed: {  	p1 =	seq.s32 s11, $0x9;
	[tilespmem:v2+s6+$0x0] =	vst.idx.add.f32.msk $0xffff, v3;
	v1 =	vshll.u32 v9, $0x10  }
0xee: {  	s12 =	smul.u32 @!p1 $0x1F40, s11;
	[tilespmem:v7+s7+$0x0] =	vst.idx.add.f32.msk $0xffff, v16;
	v3 =	vand.u32 $0xFFFF0000, v9;
	v1 =	vmul.f32 v1, v15  }
0xef: {  	[tilespmem:v2+s7+$0x0] =	vst.idx.add.f32.msk $0xffff, v10;
	v2 =	vmul.f32 v3, v15  }
0xf0: {  	s12 =	sadd.s32 @!p1 s12, s13;
	[tilespmem:v5+s4+$0x0] =	vst.idx.add.f32.msk $0xffff, v1  }
0xf1: {  	s16 =	simm.s32 @!p1 $0x0;
	s15 =	sshrl.u32 @!p1 s12, $0x3;
	s12 =	sadd.s32 @!p1 $0x4E200, s12;
	[tilespmem:v5+s6+$0x0] =	vst.idx.add.f32.msk $0xffff, v2  }
0xf2: {  	s17 =	simm.s32 @!p1 $0x16380;
	s15 =	sadd.s32 @!p1 s3, s15;
	s12 =	sshrl.u32 @!p1 s12, $0x3;
	[tilespmem:v5+s7+$0x0] =	vst.idx.add.f32.msk $0xffff, v15  }
0xf3: {  	[tilespmem:s17], [sflag:$0x1] =	stream.linear.gather @!p1 [hbm4b:s15+s16], $0xFA0, $0x38;
	[tilespmem:$0x1A380] =	vst v63  }
0xf4: {  	s12 =	sadd.s32 @!p1 s3, s12;
	s15 =	simm.s32 @!p1 $0x17380  }
0xf5: {  	[tilespmem:s15], [sflag:$0x2] =	stream.linear.gather @!p1 [hbm4b:s12+s16], $0xFA0, $0x38;
	[tilespmem:$0x1A380] =	vst v63  }
0xf6: {  	_ =	swait.ge [sflag:s8], $0xFA0  }
0xf7: {  	[sflag:s8] =	ssyncset.done $0x0  }
0xf8: {  	[sflag:s8] =	ssyncadd.s32 $0xFFFFF060  }
0xf9: {  	_ =	swait.ge [sflag:s9], $0xFA0  }
0xfa: {  	[sflag:s9] =	ssyncset.done $0x0  }
0xfb: {  	s17 =	simm.s32 $0x18390;
	[sflag:s9] =	ssyncadd.s32 $0xFFFFF060  }
0xfc: {  	s18 =	simm.s32 $0x19390;
	v5 =	vld [tilespmem:s17+$0x0]  }
0xfd: {  	v10 =	vld [tilespmem:s18+$0x0];
	_ =	sdelay $0x4  }
0xfe: {  	v1 =	vld [tilespmem:s18+$0xFFFFFFF0]  }
0xff: {  	v11 =	vld [tilespmem:s17+$0xFFFFFFF0]  }
0x100: {  	v2 =	vld.idx.msk [tilespmem:v5+s31+$0x0], $0xffff  }
0x101: {  	v3 =	vld.idx.msk [tilespmem:v10+s1+$0x0], $0xffff;
	_ =	sdelay $0x4  }
0x102: {  	v2 =	vadd.f32 v3, v2;
	_ =	sdelay $0x1  }
0x103: {  	v4 =	vld.idx.msk [tilespmem:v11+s31+$0x0], $0xffff;
	v3 =	vmul.f32 $2.000000030e-01, v2  }
0x104: {  	v6 =	vld.idx.msk [tilespmem:v1+s1+$0x0], $0xffff  }
0x105: {  	v2 =	vmax.f32 v2, v3  }
0x106: {  	s17 =	simm.s32 $0x193B0;
	v2 =	vmul.f32 $1.442695020e+00, v2  }
0x107: {  	s16 =	simm.s32 $0x183B0;
	v3 =	vld [tilespmem:s17+$0x0]  }
0x108: {  	v12 =	vld [tilespmem:s16+$0x0];
	(erf) = vpow2.f32 v2  }
0x109: {  	v2 =	vadd.f32 v6, v4;
	_ =	sdelay $0x1  }
0x10a: {  	v4 =	vmul.f32 $2.000000030e-01, v2  }
0x10b: {  	v6 =	vld.idx.msk [tilespmem:v5+s2+$0x0], $0xffff  }
0x10c: {  	v4 =	vmax.f32 v2, v4;
	v2 =	vld [tilespmem:s17+$0xFFFFFFF0]  }
0x10d: {  	v7 =	vmul.f32 $1.442695020e+00, v4;
	v4 =	vld [tilespmem:s16+$0xFFFFFFF0]  }
0x10e: {  	v8 =	vld.idx.msk [tilespmem:v3+s1+$0x0], $0xffff  }
0x10f: {  	(erf) = vpow2.f32 v7;
	v7 =	vld.idx.msk [tilespmem:v12+s31+$0x0], $0xffff  }
0x110: {  	v9 =	vshll.u32 v6, $0x10;
	v13 =	vpop (erf)  }
0x111: {  	v9 =	vmul.f32 v9, v13  }
0x112: {  	v14 =	vld.idx.msk [tilespmem:v11+s2+$0x0], $0xffff;
	v6 =	vand.u32 $0xFFFF0000, v6  }
0x113: {  	v6 =	vmul.f32 v6, v13;
	[tilespmem:v10+s21+$0x0] =	vst.idx.add.f32.msk $0xffff, v9  }
0x114: {  	v7 =	vadd.f32 v8, v7;
	v15 =	vld.idx.msk [tilespmem:v2+s1+$0x0], $0xffff  }
0x115: {  	[tilespmem:v10+s22+$0x0] =	vst.idx.add.f32.msk $0xffff, v6  }
0x116: {  	v9 =	vld.idx.msk [tilespmem:v4+s31+$0x0], $0xffff;
	v8 =	vmul.f32 $2.000000030e-01, v7  }
0x117: {  	v6 =	vld.idx.msk [tilespmem:v5+s29+$0x0], $0xffff  }
0x118: {  	v16 =	vshll.u32 v14, $0x10;
	v5 =	vpop (erf);
	v7 =	vmax.f32 v7, v8  }
0x119: {  	s18 =	simm.s32 $0x183D0;
	v18 =	vld.idx.msk [tilespmem:v4+s2+$0x0], $0xffff;
	v16 =	vmul.f32 v16, v5;
	v7 =	vmul.f32 $1.442695020e+00, v7  }
0x11a: {  	v8 =	vld [tilespmem:s18+$0x0]  }
0x11b: {  	s12 =	simm.s32 $0x193D0;
	v14 =	vand.u32 $0xFFFF0000, v14;
	v9 =	vadd.f32 v15, v9;
	[tilespmem:v1+s21+$0x0] =	vst.idx.add.f32.msk $0xffff, v16;
	(erf) = vpow2.f32 v7  }
0x11c: {  	v14 =	vmul.f32 v14, v5;
	v16 =	vshll.u32 v6, $0x10;
	v7 =	vld [tilespmem:s12+$0x0]  }
0x11d: {  	v15 =	vmul.f32 v16, v13;
	v16 =	vld.idx.msk [tilespmem:v12+s2+$0x0], $0xffff;
	v17 =	vmul.f32 $2.000000030e-01, v9  }
0x11e: {  	[tilespmem:v1+s22+$0x0] =	vst.idx.add.f32.msk $0xffff, v14  }
0x11f: {  	v6 =	vand.u32 $0xFFFF0000, v6;
	v14 =	vld.idx.msk [tilespmem:v11+s29+$0x0], $0xffff;
	v9 =	vmax.f32 v9, v17  }
0x120: {  	v6 =	vmul.f32 v6, v13;
	[tilespmem:v10+s4+$0x0] =	vst.idx.add.f32.msk $0xffff, v15;
	v15 =	vmul.f32 $1.442695020e+00, v9  }
0x121: {  	v9 =	vld [tilespmem:s18+$0xFFFFFFF0]  }
0x122: {  	[tilespmem:v10+s6+$0x0] =	vst.idx.add.f32.msk $0xffff, v6;
	(erf) = vpow2.f32 v15  }
0x123: {  	v6 =	vld [tilespmem:s12+$0xFFFFFFF0]  }
0x124: {  	v17 =	vld.idx.msk [tilespmem:v8+s31+$0x0], $0xffff;
	v15 =	vshll.u32 v16, $0x10;
	v11 =	vpop (erf)  }
0x125: {  	v16 =	vand.u32 $0xFFFF0000, v16;
	v19 =	vld.idx.msk [tilespmem:v7+s1+$0x0], $0xffff;
	v15 =	vmul.f32 v15, v11  }
0x126: {  	[tilespmem:v10+s7+$0x0] =	vst.idx.add.f32.msk $0xffff, v13;
	v10 =	vmul.f32 v16, v11  }
0x127: {  	[tilespmem:v3+s21+$0x0] =	vst.idx.add.f32.msk $0xffff, v15  }
0x128: {  	[tilespmem:v3+s22+$0x0] =	vst.idx.add.f32.msk $0xffff, v10;
	v10 =	vshll.u32 v14, $0x10  }
0x129: {  	v16 =	vld.idx.msk [tilespmem:v9+s31+$0x0], $0xffff  }
0x12a: {  	v19 =	vadd.f32 v19, v17;
	v15 =	vld.idx.msk [tilespmem:v12+s29+$0x0], $0xffff  }
0x12b: {  	v13 =	vld.idx.msk [tilespmem:v9+s2+$0x0], $0xffff;
	v12 =	vshll.u32 v18, $0x10;
	v20 =	vmul.f32 v10, v5;
	v10 =	vpop (erf)  }
0x12c: {  	v17 =	vld.idx.msk [tilespmem:v6+s1+$0x0], $0xffff;
	v14 =	vand.u32 $0xFFFF0000, v14;
	v21 =	vmul.f32 $2.000000030e-01, v19;
	v22 =	vmul.f32 v12, v10  }
0x12d: {  	v18 =	vand.u32 $0xFFFF0000, v18;
	[tilespmem:v1+s4+$0x0] =	vst.idx.add.f32.msk $0xffff, v20;
	v12 =	vmul.f32 v14, v5  }
0x12e: {  	s15 =	simm.s32 $0x4;
	s16 =	simm.s32 $0x183F0;
	v14 =	vmul.f32 v18, v10;
	v18 =	vmax.f32 v19, v21;
	[tilespmem:v2+s21+$0x0] =	vst.idx.add.f32.msk $0xffff, v22  }
.LBB2_7:
0x12f: {  	v19 =	vld [tilespmem:s16+$0x0];
	v18 =	vmul.f32 $1.442695020e+00, v18;
	s12 =	sadd.s32 $0x20, s12;
	v20 =	vshll.u32 v15, $0x10  }
0x130: {  	v15 =	vand.u32 $0xFFFF0000, v15;
	v21 =	vld [tilespmem:s12+$0x0];
	v20 =	vmul.f32 v20, v11  }
0x131: {  	v16 =	vadd.f32 v17, v16;
	v15 =	vmul.f32 v15, v11;
	v17 =	vld.idx.msk [tilespmem:v8+s2+$0x0], $0xffff;
	(erf) = vpow2.f32 v18  }
0x132: {  	v18 =	vshll.u32 v13, $0x10;
	v22 =	vand.u32 $0xFFFF0000, v13;
	[tilespmem:v3+s4+$0x0] =	vst.idx.add.f32.msk $0xffff, v20  }
0x133: {  	v13 =	vmul.f32 $2.000000030e-01, v16;
	[tilespmem:v3+s6+$0x0] =	vst.idx.add.f32.msk $0xffff, v15  }
0x134: {  	[tilespmem:v3+s7+$0x0] =	vst.idx.add.f32.msk $0xffff, v11;
	v3 =	vmov v7  }
0x135: {  	s15 =	sadd.s32 $0x2, s15;
	v11 =	vmax.f32 v16, v13;
	v15 =	vld [tilespmem:s12+$0xFFFFFFF0];
	v7 =	vmov v21  }
0x136: {  	p2 =	slt.u32 s15, $0xF8;
	v11 =	vmul.f32 $1.442695020e+00, v11;
	v13 =	vld [tilespmem:s16+$0xFFFFFFF0]  }
0x137: {  	[tilespmem:v2+s22+$0x0] =	vst.idx.add.f32.msk $0xffff, v14  }
0x138: {  	(erf) = vpow2.f32 v11;
	v14 =	vld.idx.msk [tilespmem:v4+s29+$0x0], $0xffff;
	v4 =	vmov v9  }
0x139: {  	v20 =	vld.idx.msk [tilespmem:v19+s31+$0x0], $0xffff  }
0x13a: {  	v23 =	vshll.u32 v17, $0x10;
	v21 =	vld.idx.msk [tilespmem:v21+s1+$0x0], $0xffff;
	v11 =	vpop (erf)  }
0x13b: {  	v16 =	vand.u32 $0xFFFF0000, v17;
	v17 =	vmul.f32 v23, v11;
	[tilespmem:v1+s6+$0x0] =	vst.idx.add.f32.msk $0xffff, v12;
	v9 =	vmov v13  }
0x13c: {  	v12 =	vmul.f32 v16, v11;
	[tilespmem:v1+s7+$0x0] =	vst.idx.add.f32.msk $0xffff, v5;
	v1 =	vmovc v2;
	v2 =	vmov v6;
	v6 =	vmov v15  }
0x13d: {  	v5 =	vmov v10;
	[tilespmem:v3+s21+$0x0] =	vst.idx.add.f32.msk $0xffff, v17  }
0x13e: {  	v10 =	vshll.u32 v14, $0x10;
	[tilespmem:v3+s22+$0x0] =	vst.idx.add.f32.msk $0xffff, v12;
	v12 =	vand.u32 $0xFFFF0000, v14  }
0x13f: {  	v23 =	vmul.f32 v10, v5;
	v15 =	vld.idx.msk [tilespmem:v8+s29+$0x0], $0xffff;
	v12 =	vmul.f32 v12, v5;
	v8 =	vmov v19  }
.Ltmp4:
0x140: {  	v19 =	vadd.f32 v21, v20;
	v16 =	vld.idx.msk [tilespmem:v13+s31+$0x0], $0xffff;
	(pc) =	sbr.rel @p2 .LBB2_7-.Ltmp4, $4  }
0x141: {  	v17 =	vld.idx.msk [tilespmem:v6+s1+$0x0], $0xffff;
	v10 =	vpop (erf)  }
0x142: {  	v20 =	vmul.f32 $2.000000030e-01, v19;
	v13 =	vld.idx.msk [tilespmem:v13+s2+$0x0], $0xffff;
	v21 =	vmul.f32 v18, v10  }
0x143: {  	v14 =	vmul.f32 v22, v10;
	[tilespmem:v1+s4+$0x0] =	vst.idx.add.f32.msk $0xffff, v23  }
0x144: {  	s16 =	sadd.s32 $0x20, s16;
	v18 =	vmax.f32 v19, v20;
	[tilespmem:v2+s21+$0x0] =	vst.idx.add.f32.msk $0xffff, v21  }
0x145: {  	_ = 	snop  }
0x146: {  	v18 =	vmul.f32 $1.442695020e+00, v18;
	v16 =	vadd.f32 v17, v16;
	_ =	sdelay $0x1  }
0x147: {  	(erf) = vpow2.f32 v18;
	v17 =	vmul.f32 $2.000000030e-01, v16;
	_ =	sdelay $0x1  }
0x148: {  	v16 =	vmax.f32 v16, v17  }
0x149: {  	v16 =	vmul.f32 $1.442695020e+00, v16  }
0x14a: {  	v50 =	vld.idx.msk [tilespmem:v8+s2+$0x0], $0xffff  }
0x14b: {  	(erf) = vpow2.f32 v16  }
0x14c: {  	v51 =	vshll.u32 v15, $0x10  }
0x14d: {  	v52 =	vand.u32 $0xFFFF0000, v15;
	v53 =	vmul.f32 v51, v11  }
0x14e: {  	[tilespmem:v2+s22+$0x0] =	vst.idx.add.f32.msk $0xffff, v14;
	v15 =	vmul.f32 v52, v11  }
0x14f: {  	[tilespmem:v3+s4+$0x0] =	vst.idx.add.f32.msk $0xffff, v53;
	v54 =	vshll.u32 v50, $0x10;
	v55 =	vpop (erf)  }
0x150: {  	[tilespmem:v3+s6+$0x0] =	vst.idx.add.f32.msk $0xffff, v15;
	v56 =	vand.u32 $0xFFFF0000, v50;
	v15 =	vmul.f32 v54, v55  }
0x151: {  	v4 =	vld.idx.msk [tilespmem:v4+s29+$0x0], $0xffff;
	v14 =	vmul.f32 v56, v55  }
0x152: {  	[tilespmem:v7+s21+$0x0] =	vst.idx.add.f32.msk $0xffff, v15  }
0x153: {  	[tilespmem:v7+s22+$0x0] =	vst.idx.add.f32.msk $0xffff, v14  }
0x154: {  	v57 =	vshll.u32 v13, $0x10;
	v58 =	vld.idx.msk [tilespmem:v8+s29+$0x0], $0xffff;
	v59 =	vpop (erf)  }
0x155: {  	v60 =	vand.u32 $0xFFFF0000, v13;
	[tilespmem:v3+s7+$0x0] =	vst.idx.add.f32.msk $0xffff, v11;
	v3 =	vmul.f32 v57, v59  }
0x156: {  	[tilespmem:v1+s6+$0x0] =	vst.idx.add.f32.msk $0xffff, v12;
	v61 =	vmul.f32 v60, v59  }
0x157: {  	[tilespmem:v6+s21+$0x0] =	vst.idx.add.f32.msk $0xffff, v3  }
0x158: {  	v3 =	vshll.u32 v4, $0x10;
	[tilespmem:v6+s22+$0x0] =	vst.idx.add.f32.msk $0xffff, v61  }
0x159: {  	v3 =	vmul.f32 v3, v10;
	v62 =	vshll.u32 v58, $0x10;
	v9 =	vld.idx.msk [tilespmem:v9+s29+$0x0], $0xffff  }
0x15a: {  	[tilespmem:v1+s7+$0x0] =	vst.idx.add.f32.msk $0xffff, v5;
	v1 =	vand.u32 $0xFFFF0000, v58;
	v63 =	vmul.f32 v62, v55  }
0x15b: {  	v1 =	vmul.f32 v1, v55;
	[tilespmem:v2+s4+$0x0] =	vst.idx.add.f32.msk $0xffff, v3  }
0x15c: {  	v3 =	vand.u32 $0xFFFF0000, v4;
	[tilespmem:v7+s4+$0x0] =	vst.idx.add.f32.msk $0xffff, v63  }
0x15d: {  	v3 =	vmul.f32 v3, v10;
	[tilespmem:v7+s6+$0x0] =	vst.idx.add.f32.msk $0xffff, v1  }
0x15e: {  	[tilespmem:v7+s7+$0x0] =	vst.idx.add.f32.msk $0xffff, v55;
	v1 =	vshll.u32 v9, $0x10  }
.Ltmp5:
0x15f: {  	[tilespmem:v2+s6+$0x0] =	vst.idx.add.f32.msk $0xffff, v3;
	v3 =	vand.u32 $0xFFFF0000, v9;
	v1 =	vmul.f32 v1, v59;
	(pc) =	sbr.rel @p1 .LBB2_10-.Ltmp5, $4  }
0x160: {  	[tilespmem:v2+s7+$0x0] =	vst.idx.add.f32.msk $0xffff, v10;
	v2 =	vmul.f32 v3, v59  }
0x161: {  	[tilespmem:v6+s4+$0x0] =	vst.idx.add.f32.msk $0xffff, v1  }
0x162: {  	[tilespmem:v6+s6+$0x0] =	vst.idx.add.f32.msk $0xffff, v2  }
0x163: {  	[tilespmem:v6+s7+$0x0] =	vst.idx.add.f32.msk $0xffff, v59  }
0x164: {  	s12 =	smul.u32 $0x1F40, s11;
	_ =	sdelay $0x1  }
0x165: {  	s12 =	sadd.s32 s12, s14  }
.Ltmp6:
0x166: {  	s15 =	sshrl.u32 s12, $0x3;
	s12 =	sadd.s32 $0x4E200, s12;
	(pc) =	sbr.rel .LBB2_4-.Ltmp6, $4  }
0x167: {  	s15 =	sadd.s32 s3, s15;
	s12 =	sshrl.u32 s12, $0x3  }
0x168: {  	[tilespmem:s23], [sflag:$0x3] =	stream.linear.gather [hbm4b:s15+s2], $0xFA0, $0x38;
	[tilespmem:$0x1A380] =	vst v63  }
0x169: {  	s11 =	sadd.s32 $0x1, s11;
	s12 =	sadd.s32 s3, s12  }
0x16a: {  	[tilespmem:s24], [sflag:$0x4] =	stream.linear.gather [hbm4b:s12+s2], $0xFA0, $0x38;
	[tilespmem:$0x1A380] =	vst v63  }
.LBB2_11:
0x16b: {  	_ =	sfence.sel $0x180000  }
0x16c: {  	[bflag:$0x0] =	sbarrier.arrive $0xFFFF  }
0x16d: {  	_ =	strace $0x9000004D  }
0x16e: {  	s0 =	stileid.u32;
	[bflag:$0x2] =	sbarrier.arrive $0xFFFF  }
0x16f: {  	p0 =	sne.s32 s0, $0x0;
	s0 =	rddreg [dreg:$0x1]  }
0x170: {  	s0 =	sadd.s32 @!p0 $0x100000, s0  }
0x171: {  	[sflag:s0] =	ssyncadd.tile.s32 @!p0 $0x1;
	_ =	shalt  }
.Lfunc_end2:
_tile_overlayer_lowered:
.L_overlay_start_2:
0x172: {  	(tag) =	ssettag $0x2  }
0x173: {  	s0 =	rddreg [dreg:$0x0];
	s2 =	stileid.u32  }
0x174: {  	s1 =	rddreg [dreg:$0x1];
	p0 =	sne.s32 s2, $0x0  }
0x175: {  	s3 =	rddreg [dreg:$0x2];
	[bflag:$0x3] =	sbarrier.arrive $0xFFFF;
	s2 =	simm.s32 @!p0 $0x1C05  }
0x176: {  	[timem:s3], [sflag:s2] =	dma.local @!p0 [hbm:s0], s1  }
0x177: {  	s0 =	simm.s32 @!p0 $0x5  }
0x178: {  	_ =	swait.ge @!p0 [sflag:s0], s1  }
0x179: {  	s1 =	ssub.s32 @!p0 $0x0, s1;
	[sflag:s0] =	ssyncset.done @!p0 $0x0  }
0x17a: {  	[sflag:s0] =	ssyncadd.s32 @!p0 s1  }
0x17b: {  	[bflag:$0x3] =	sbarrier.arrive $0xFFFF  }
0x17c: {  	_ =	shalt  }

// kernel: kernel.9.cloned.1.call-start
scs
__scs_entry_jumppad:
0x0: {  	(pc) =	sbr.rel $0x88, $3  }
0x1: {  	(tag) =	ssettag $0x0;
	lr =	simm.s32 $0x1  }
0x2: {  	[smem:$0x3F8A] =	sst lr;
	_ =	strace $0xD0000000  }
0x3: {  	_ = 	snop  }
0x4: {  	_ = 	snop  }
0x5: {  	_ = 	snop  }
0x6: {  	_ = 	snop  }
0x7: {  	_ = 	snop  }
__scs_overlays_trampoline_lowered:
0x8: {  	[smem:$0x3F99] =	sst s0  }
0x9: {  	[smem:$0x3F9A] =	sst s1  }
0xa: {  	[smem:$0x3F9B] =	sst s2  }
0xb: {  	[smem:$0x3F9C] =	sst s3  }
0xc: {  	[smem:$0x3F9D] =	sst s4  }
0xd: {  	[smem:$0x3F9E] =	sst s5  }
0xe: {  	[smem:$0x3F9F] =	sst s6  }
0xf: {  	[smem:$0x3FA0] =	sst s7  }
0x10: {  	[smem:$0x3FA1] =	sst s8  }
0x11: {  	[smem:$0x3FA2] =	sst s9;
	s0 =	simm.s32 @!p0 $0x0  }
0x12: {  	s1 =	sld [smem:$0x3F88];
	s0 =	simm.s32 @p0 $0x1  }
0x13: {  	[smem:$0x3FA3] =	sst s0;
	s0 =	simm.s32 @!p1 $0x0  }
0x14: {  	s2 =	sld [smem:$0x3F87];
	s0 =	simm.s32 @p1 $0x1  }
0x15: {  	[smem:$0x3FA4] =	sst s0;
	s0 =	simm.s32 @!p2 $0x0  }
0x16: {  	s3 =	sld [smem:$0x3FDB];
	s0 =	simm.s32 @p2 $0x1  }
0x17: {  	s4 =	simm.s32 $0x1BF5;
	[smem:$0x3FA6] =	sst s0  }
0x18: {  	s0 =	sld [smem:$0x3F89];
	_ =	swait.ge [sflag:s4], $0x0  }
0x19: {  	s7 =	sld [smem:$0x3F8A]  }
0x1a: {  	s8 =	sadd.s32 $0xFFFFE003, lr  }
0x1b: {  	s9 =	sadd.s32 $0xFFFFFEF7, lr;
	s5 =	simm.s32 $0xFFFFFFFF;
	p2 =	slt.u32 s8, $0xFFFFF086  }
0x1c: {  	p1 =	slt.u32 s9, $0xF7A;
	s5 =	simm.s32 @!p2 $0x0  }
0x1d: {  	s5 =	simm.s32 @p1 $0x1;
	p0 =	seq.s32 s7, s2  }
0x1e: {  	s7 =	smul.u32 @!p0 $0xF7A, s2;
	p2 =	seq.s32 @!p0 s5, $0x0  }
0x1f: {  	s9 =	smul.u32 $0xF7A, s1;
	s8 =	simm.s32 @!p0 $0x1BF5;
	p2 =	por !p2, p0  }
0x20: {  	[sflag:s8] =	ssyncset.s32 @!p0 $0xFFFFF086;
	s6 =	sadd.s32 @!p0 s3, s7;
	s7 =	simm.s32 @!p0 $0x108  }
0x21: {  	s3 =	sadd.s32 s3, s9;
	s6 =	sadd.s32 @!p0 $0x88, s6;
	s7 =	simm.s32 @p2 $0x1082  }
0x22: {  	[simem:s7], [sflag:s8] =	dma.local @!p0 [hbm:s6], $0xF7A  }
0x23: {  	s9 =	sor.u32 $0xD0000000, s2;
	s6 =	simm.s32 $0x108;
	_ =	swait.ge @!p0 [sflag:s8], $0x0  }
0x24: {  	s3 =	sadd.s32 $0x88, s3;
	s6 =	simm.s32 @!p1 $0x1082;
	[sflag:s4] =	ssyncset.s32 $0xFFFFF086  }
0x25: {  	[simem:s6], [sflag:s4] =	dma.local [hbm:s3], $0xF7A  }
0x26: {  	[smem:$0x3F8A] =	sst s1;
	(tag) =	ssettag s2;
	_ =	strace s9  }
0x27: {  	s1 =	sld [smem:$0x3F9A]  }
0x28: {  	s2 =	sld [smem:$0x3F9B]  }
0x29: {  	s4 =	sld [smem:$0x3F9D]  }
0x2a: {  	p0 =	seq.s32 s5, $0x0;
	s5 =	sld [smem:$0x3F9E]  }
0x2b: {  	s6 =	sld [smem:$0x3F9F]  }
0x2c: {  	s7 =	sld [smem:$0x3FA0]  }
0x2d: {  	s3 =	simm.s32 $0x108;
	s8 =	sld [smem:$0x3FA1]  }
0x2e: {  	s3 =	simm.s32 @!p0 $0x1082;
	s9 =	sld [smem:$0x3FA2]  }
0x2f: {  	lr =	sadd.s32 s0, s3;
	s0 =	sld [smem:$0x3F99]  }
0x30: {  	s3 =	sld [smem:$0x3F9C]  }
0x31: {  	[smem:$0x3FA5] =	sst s10  }
0x32: {  	s10 =	sld [smem:$0x3FA3];
	_ =	sdelay $0x3  }
0x33: {  	p0 =	seq.s32 s10, $0x1;
	s10 =	sld [smem:$0x3FA5];
	_ =	sdelay $0x3  }
0x34: {  	[smem:$0x3FA5] =	sst s10  }
0x35: {  	s10 =	sld [smem:$0x3FA4];
	_ =	sdelay $0x3  }
0x36: {  	p1 =	seq.s32 s10, $0x1;
	s10 =	sld [smem:$0x3FA5];
	_ =	sdelay $0x3  }
0x37: {  	[smem:$0x3FA5] =	sst s10  }
0x38: {  	s10 =	sld [smem:$0x3FA6]  }
0x39: {  	_ = 	snop;
	(pc) =	sbr.ind lr, $3  }
0x3a: {  	_ = 	snop  }
0x3b: {  	_ = 	snop  }
0x3c: {  	p2 =	seq.s32 s10, $0x1;
	s10 =	sld [smem:$0x3FA5]  }
0x3d: {  	_ =	shalt  }
0x3e: {  	_ =	shalt  }
0x3f: {  	_ =	shalt  }
0x40: {  	_ =	shalt  }
0x41: {  	_ =	shalt  }
0x42: {  	_ =	shalt  }
0x43: {  	_ =	shalt  }
0x44: {  	_ =	shalt  }
0x45: {  	_ =	shalt  }
0x46: {  	_ =	shalt  }
0x47: {  	_ =	shalt  }
0x48: {  	_ =	shalt  }
0x49: {  	_ =	shalt  }
0x4a: {  	_ =	shalt  }
0x4b: {  	_ =	shalt  }
0x4c: {  	_ =	shalt  }
0x4d: {  	_ =	shalt  }
0x4e: {  	_ =	shalt  }
0x4f: {  	_ =	shalt  }
0x50: {  	_ =	shalt  }
0x51: {  	_ =	shalt  }
0x52: {  	_ =	shalt  }
0x53: {  	_ =	shalt  }
0x54: {  	_ =	shalt  }
0x55: {  	_ =	shalt  }
0x56: {  	_ =	shalt  }
0x57: {  	_ =	shalt  }
0x58: {  	_ =	shalt  }
0x59: {  	_ =	shalt  }
0x5a: {  	_ =	shalt  }
0x5b: {  	_ =	shalt  }
0x5c: {  	_ =	shalt  }
0x5d: {  	_ =	shalt  }
0x5e: {  	_ =	shalt  }
0x5f: {  	_ =	shalt  }
0x60: {  	_ =	shalt  }
0x61: {  	_ =	shalt  }
0x62: {  	_ =	shalt  }
0x63: {  	_ =	shalt  }
0x64: {  	_ =	shalt  }
0x65: {  	_ =	shalt  }
0x66: {  	_ =	shalt  }
0x67: {  	_ =	shalt  }
0x68: {  	_ =	shalt  }
0x69: {  	_ =	shalt  }
0x6a: {  	_ =	shalt  }
0x6b: {  	_ =	shalt  }
0x6c: {  	_ =	shalt  }
0x6d: {  	_ =	shalt  }
0x6e: {  	_ =	shalt  }
0x6f: {  	_ =	shalt  }
0x70: {  	_ =	shalt  }
0x71: {  	_ =	shalt  }
0x72: {  	_ =	shalt  }
0x73: {  	_ =	shalt  }
0x74: {  	_ =	shalt  }
0x75: {  	_ =	shalt  }
0x76: {  	_ =	shalt  }
0x77: {  	_ =	shalt  }
0x78: {  	_ =	shalt  }
0x79: {  	_ =	shalt  }
0x7a: {  	_ =	shalt  }
0x7b: {  	_ =	shalt  }
0x7c: {  	_ =	shalt  }
0x7d: {  	_ =	shalt  }
0x7e: {  	_ =	shalt  }
0x7f: {  	_ =	shalt  }
0x80: {  	_ =	shalt  }
0x81: {  	_ =	shalt  }
0x82: {  	_ =	shalt  }
0x83: {  	_ =	shalt  }
0x84: {  	_ =	shalt  }
0x85: {  	_ =	shalt  }
0x86: {  	_ =	shalt  }
0x87: {  	_ =	shalt  }
.Lfunc_end0:
.L_simem_size_0:
called_computation_lowered:
.L_overlay_start_0:
0x88: {  	s2 =	sld [smem:$0x3FD9]  }
0x89: {  	s3 =	sld [smem:$0x3FFE];
	_ =	sdelay $0x1  }
0x8a: {  	s1 =	srdreg.scid  }
0x8b: {  	s0 =	sand.u32 $0x1, s1  }
0x8c: {  	s16 =	sshll.u32 s0, $0xA;
	s2 =	sadd.s32 s3, s2  }
0x8d: {  	s2 =	sadd.s32 s2, s16  }
0x8e: {  	[smem:$0x3FB1] =	sst s2  }
0x8f: {  	_ = 	snop  }
0x90: {  	(tm) =	ssettm $0x1  }
0x91: {  	s17 =	sld [smem:$0x3FFB];
	_ =	sdelay $0x3  }
0x92: {  	_ =	strace s17  }
0x93: {  	s2 =	sld [smem:$0x3FFC];
	_ =	sdelay $0x3  }
0x94: {  	_ =	strace s2  }
0x95: {  	s2 =	sld [smem:$0x3FFD];
	_ =	sdelay $0x3  }
0x96: {  	_ =	strace s2  }
0x97: {  	_ =	strace $0x8FFFFFFF  }
0x98: {  	s18 =	sld [smem:$0x3FDB];
	_ =	sdelay $0x1  }
0x99: {  	s19 =	simm.s32 $_scs_section_size  }
0x9a: {  	s4 =	simm.s32 $_size__tile_overlayer_lowered;
	s5 =	simm.s32 $_tile_overlayer_lowered  }
0x9b: {  	s22 =	simm.s32 $0x1BFF;
	s21 =	sshll.u32 s5, $0x1;
	s2 =	sadd.s32 s19, s18  }
0x9c: {  	s6 =	simm.s32 $0x0;
	s20 =	sshll.u32 s4, $0x1;
	s4 =	sadd.s32 s21, s2  }
0x9d: {  	[timem:s6], [sflag:s22] =	dma.local [hbm:s4], s20  }
0x9e: {  	_ =	swait.ge [sflag:s22], s20  }
0x9f: {  	s3 =	ssub.s32 $0x0, s20;
	[sflag:s22] =	ssyncset.done $0x0  }
0xa0: {  	[sflag:s22] =	ssyncadd.s32 s3;
	_ =	sdelay $0x1  }
0xa1: {  	s23 =	simm.s32 $0x1B8B  }
0xa2: {  	_ =	swait.ge [sflag:s23], $0x1  }
0xa3: {  	[sflag:s23] =	ssyncset.done $0x0  }
0xa4: {  	s25 =	simm.s32 $0x1B8E;
	s24 =	sld [smem:$0x3FFE];
	[sflag:s23] =	ssyncadd.s32 $0xFFFFFFFF  }
0xa5: {  	s26 =	simm.s32 $execute0_lowered;
	[smem:$0x3FD2] =	sst s25  }
0xa6: {  	s4 =	sshll.u32 s26, $0x1;
	_ =	strace $0x80000046;
	[dreg:$0x1] =	wrdreg $0xFFFFFFFF  }
0xa7: {  	s28 =	simm.s32 $_size_execute0_lowered;
	s2 =	sadd.s32 s2, s4;
	[dreg:$0x0] =	wrdreg $0x0  }
0xa8: {  	s4 =	sshll.u32 s28, $0x1;
	[dreg:$0x2] =	wrdreg s2  }
0xa9: {  	[dreg:$0x3] =	wrdreg s4  }
0xaa: {  	[dreg:$0x4] =	wrdreg $0xC0  }
0xab: {  	_ =	task [dreg:s6], $0x5FFFF  }
0xac: {  	[dreg:$0x1] =	wrdreg $0xFFFFFFFF  }
0xad: {  	[dreg:$0x0] =	wrdreg $0x60  }
0xae: {  	[dreg:$0x2] =	wrdreg s24  }
0xaf: {  	[dreg:$0x3] =	wrdreg $0x9  }
0xb0: {  	_ =	task.clear_ibuf [dreg:s6], $0x4FFFF;
	_ =	strace $0x90000046  }
0xb1: {  	s29 =	simm.s32 $0x9;
	_ =	strace $0x80000048  }
0xb2: {  	_ =	swait.ge [sflag:s29], $0x1  }
0xb3: {  	[sflag:s29] =	ssyncadd.s32 $0xFFFFFFFF  }
0xb4: {  	_ =	strace $0x90000048  }
0xb5: {  	_ =	sfence  }
0xb6: {  	s30 =	sld [smem:$0x0];
	_ =	sdelay $0x2  }
0xb7: {  	s31 =	sshll.u32 s1, $0xD;
	s1 =	sshrl.u32 s1, $0x2  }
0xb8: {  	s3 =	sand.u32 $0x4000, s31;
	s1 =	sadd.s32 s1, s30  }
0xb9: {  	s0 =	sor.u32 s3, s0;
	s1 =	sshll.u32 s1, $0x11  }
0xba: {  	s0 =	sor.u32 s1, s0  }
0xbb: {  	s0 =	sadd.s32 $0x8F2B, s0  }
0xbc: {  	[sflag:s0] =	ssyncadd.remote.s32 $0x1  }
0xbd: {  	_ =	sfence.sel $0xFFFF  }
0xbe: {  	[dreg:$0x0] =	wrdreg $0xFFFFFFFF;
	(pc) =	sbr.abs _section_cstart, $3  }
0xbf: {  	[dreg:$0x1] =	wrdreg $0xFFFFFFFF  }
0xc0: {  	_ =	task.clear_ibuf [dreg:s6], $0x2FFFF;
	_ =	strace $0x9FFFFFFF  }
0xc1: {  	(tm) =	ssettm $0x7FFFFFFF  }
tec
execute0_lowered:
.L_overlay_start_1:
0x0: {  	(tag) =	ssettag $0x1  }
0x1: {  	s0 =	srdreg.scid  }
0x2: {  	s16 =	stileid.u32;
	s6 =	rddreg [dreg:$0x0]  }
0x3: {  	s3 =	simm.s32 $0x1;
	s2 =	simm.s32 $0x0;
	s28 =	simm.s32 $0x5  }
0x4: {  	s29 =	simm.s32 $0x2780;
	s30 =	simm.s32 $0x100;
	s31 =	simm.s32 $0xED00  }
0x5: {  	s0 =	sand.u32 $0x1, s0;
	s4 =	sand.u32 $0x7, s16;
	[smem:$0x7FF] =	sst s2  }
0x6: {  	s8 =	sadd.s32 $0x1A000, s6;
	s9 =	sadd.s32 $0x1F000, s6;
	s17 =	sshll.u32 s16, $0x8  }
0x7: {  	s1 =	sshll.u32 s0, $0x4;
	p0 =	sne.s32 s4, $0x0;
	_ =	strace $0x80000047  }
0x8: {  	[dreg:$0x2] =	wrdreg s9;
	s9 =	sadd.s32 $0x1FA00, s6;
	s1 =	sor.u32 s16, s1  }
0x9: {  	s0 =	ssub.s32 $0x2, s0;
	s4 =	sshrl.u32 s4, $0x2;
	p1 =	seq.s32 s1, $0x0  }
0xa: {  	s11 =	sshrl.u32 s0, $0x1;
	s16 =	sshll.u32 s16, $0x1;
	p1 =	por !p0, !p1  }
0xb: {  	s4 =	smul.u32 $0x13C00, s4;
	s21 =	sor.u32 $0x11, s16;
	p1 =	por !p1, !p1  }
0xc: {  	s1 =	sshrl.u32 s1, $0x3;
	s23 =	sshrl.u32 s21, $0x3;
	s3 =	simm.s32 @!p1 $0x0  }
0xd: {  	s0 =	ssub.s32 s0, s11;
	s24 =	smul.u32 $0x13C00, s23;
	s1 =	ssub.s32 s1, s3  }
0xe: {  	s23 =	simm.s32 $0x18380;
	s5 =	sshrl.u32 s1, $0x2;
	s10 =	smul.u32 $0x13880, s1  }
0xf: {  	s3 =	sadd.s32 $0x6600, s6;
	s7 =	sshll.u32 s1, $0x7;
	s5 =	smul.u32 $0x9E00, s5  }
0x10: {  	s1 =	smul.u32 $0x4F000, s1;
	s7 =	sand.u32 $0x180, s7;
	s12 =	sadd.s32 $0x4E200, s10  }
0x11: {  	s13 =	sshrl.u32 s10, $0x3;
	s15 =	sadd.s32 $0xFA0, s10;
	s7 =	sor.u32 s7, s5  }
0x12: {  	s5 =	simm.s32 $0x1;
	s12 =	sshrl.u32 s12, $0x3;
	s11 =	sadd.s32 s3, s13  }
0x13: {  	s13 =	sadd.s32 $0x4F1A0, s10;
	s7 =	sshrl.u32 s7, $0x3;
	[dreg:$0x3] =	wrdreg s11  }
0x14: {  	s14 =	sadd.s32 s3, s12;
	s11 =	sshrl.u32 s15, $0x3;
	s12 =	sand.u32 $0x300, s17  }
0x15: {  	s18 =	sshrl.u32 s13, $0x3;
	s7 =	sadd.s32 s7, s6;
	[dreg:$0x4] =	wrdreg s14  }
0x16: {  	s11 =	sadd.s32 s3, s11;
	s15 =	sor.u32 $0x80, s12;
	s19 =	sor.u32 s12, s4  }
0x17: {  	s6 =	sadd.s32 $0x1F010, s6;
	[dreg:$0x5] =	wrdreg s11;
	s11 =	sadd.s32 s3, s18  }
0x18: {  	s20 =	sor.u32 s15, s4;
	s14 =	sshrl.u32 s19, $0x3;
	[dreg:$0x9] =	wrdreg s6  }
0x19: {  	s4 =	sadd.s32 s4, s1;
	s25 =	sadd.s32 s1, s19;
	s6 =	sshll.u32 s21, $0x7  }
0x1a: {  	s1 =	sadd.s32 s24, s1;
	s19 =	sadd.s32 $0x47200, s7;
	s24 =	simm.s32 $0x19380  }
0x1b: {  	s21 =	simm.s32 $0x4F00;
	s7 =	simm.s32 $0x13C00;
	[dreg:$0x6] =	wrdreg s11  }
0x1c: {  	s13 =	sshrl.u32 s20, $0x3;
	s14 =	sadd.s32 s8, s14;
	s22 =	sor.u32 s12, s4  }
0x1d: {  	s6 =	sand.u32 $0x380, s6;
	s4 =	sor.u32 s15, s4;
	s20 =	smax.u32 s0, $0x1  }
0x1e: {  	s0 =	simm.s32 $0x2;
	[dreg:$0x7] =	wrdreg s14;
	s8 =	sadd.s32 s8, s13  }
0x1f: {  	s13 =	sadd.s32 $0x1F40, s10;
	s14 =	sadd.s32 $0x2EE0, s10;
	s1 =	sor.u32 s6, s1  }
0x20: {  	s4 =	sshrl.u32 s4, $0x3;
	s6 =	simm.s32 $0xC580;
	s10 =	simm.s32 $0x0  }
0x21: {  	[dreg:$0x8] =	wrdreg s8;
	s8 =	sshrl.u32 s22, $0x3;
	s1 =	sshrl.u32 s1, $0x3  }
0x22: {  	s4 =	sadd.s32 s9, s4;
	s22 =	simm.s32 $0x7680;
	s8 =	sadd.s32 s9, s8  }
.Ltmp0:
0x23: {  	[dreg:$0xc] =	wrdreg s4;
	s1 =	sadd.s32 s9, s1;
	(pc) =	sbr.rel .LBB2_1-.Ltmp0, $4  }
0x24: {  	s4 =	simm.s32 $0x9E00;
	[dreg:$0xa] =	wrdreg s8;
	s8 =	sadd.s32 $0x27800, s25  }
0x25: {  	[dreg:$0xd] =	wrdreg s1;
	s25 =	simm.s32 $0x80;
	s8 =	sshrl.u32 s8, $0x3  }
0x26: {  	s1 =	simm.s32 $0x11480;
	s26 =	sadd.s32 s9, s8;
	s8 =	simm.s32 $0x3  }
0x27: {  	v0 =	vimm.f32 $0.0e+00;
	s9 =	simm.s32 $0x4;
	[dreg:$0xb] =	wrdreg s26;
	s26 =	simm.s32 $0x400  }
.LBB2_10:
0x28: {  	s11 =	rddreg [dreg:$0xa]  }
0x29: {  	[hbm4b:s11+s25] =	stream.strided.scatter [tilespmem:s21], [sflag:$0x5], $0x2780, s26, s25, $0x38;
	[tilespmem:$0x1A380] =	vst v63  }
0x2a: {  	_ =	swait.ge [sflag:s28], $0x2780  }
0x2b: {  	[sflag:s28] =	ssyncset.done $0x0  }
0x2c: {  	s16 =	rddreg [dreg:$0xb];
	[sflag:s28] =	ssyncadd.s32 $0xFFFFD880  }
0x2d: {  	[hbm4b:s16+s25] =	stream.strided.scatter [tilespmem:s22], [sflag:$0x5], $0x2780, s26, s25, $0x38;
	[tilespmem:$0x1A380] =	vst v63  }
0x2e: {  	_ =	swait.ge [sflag:s28], $0x2780  }
0x2f: {  	[sflag:s28] =	ssyncset.done $0x0  }
0x30: {  	s17 =	rddreg [dreg:$0xc];
	[sflag:s28] =	ssyncadd.s32 $0xFFFFD880  }
0x31: {  	[hbm4b:s17+s25] =	stream.strided.scatter [tilespmem:s4], [sflag:$0x5], $0x2780, s26, s25, $0x38;
	[tilespmem:$0x1A380] =	vst v63  }
0x32: {  	_ =	swait.ge [sflag:s28], $0x2780  }
0x33: {  	[sflag:s28] =	ssyncset.done $0x0  }
0x34: {  	s18 =	rddreg [dreg:$0xd];
	[sflag:s28] =	ssyncadd.s32 $0xFFFFD880  }
0x35: {  	[hbm4b:s18+s25] =	stream.strided.scatter [tilespmem:s6], [sflag:$0x5], $0x2780, s26, s25, $0x38;
	[tilespmem:$0x1A380] =	vst v63  }
0x36: {  	s12 =	simm.s32 @!p0 $0x200;
	_ =	swait.ge [sflag:s28], $0x2780  }
0x37: {  	s15 =	simm.s32 @!p0 $0x13C00;
	s10 =	sadd.s32 $0x1, s10;
	[sflag:s28] =	ssyncset.done $0x0  }
0x38: {  	s11 =	simm.s32 @!p0 $0x80;
	p1 =	sne.s32 s10, s20;
	[sflag:s28] =	ssyncadd.s32 $0xFFFFD880  }
0x39: {  	[hbm4b:s19+s11] =	stream.strided.scatter @!p0 [tilespmem:s15], [sflag:$0x5], $0x2780, s12, s11, $0x38;
	[tilespmem:$0x1A380] =	vst v63  }
.Ltmp1:
0x3a: {  	_ = 	snop;
	(pc) =	sbr.rel @!p1 .LBB2_11-.Ltmp1, $4  }
0x3b: {  	s11 =	simm.s32 @!p0 $0x5  }
0x3c: {  	_ =	swait.ge @!p0 [sflag:s11], $0x2780  }
0x3d: {  	[sflag:s11] =	ssyncset.done @!p0 $0x0  }
0x3e: {  	[sflag:s11] =	ssyncadd.s32 @!p0 $0xFFFFD880  }
.LBB2_1:
0x3f: {  	s17 =	simm.s32 $0x4F20  }
0x40: {  	[tilespmem:s17+$0xFFFFFFF0] =	vst v0  }
0x41: {  	[tilespmem:s17+$0x0] =	vst v0  }
0x42: {  	[tilespmem:s17+$0x10] =	vst v0  }
0x43: {  	s11 =	simm.s32 $0x76A0;
	[tilespmem:s17+$0xFFFFFFE0] =	vst v0  }
0x44: {  	[tilespmem:s11+$0xFFFFFFF0] =	vst v0  }
0x45: {  	[tilespmem:s11+$0x0] =	vst v0  }
0x46: {  	[tilespmem:s11+$0x10] =	vst v0  }
0x47: {  	s12 =	simm.s32 $0x9E20;
	[tilespmem:s11+$0xFFFFFFE0] =	vst v0  }
0x48: {  	[tilespmem:s12+$0xFFFFFFF0] =	vst v0  }
0x49: {  	[tilespmem:s12+$0x0] =	vst v0  }
0x4a: {  	[tilespmem:s12+$0x10] =	vst v0  }
0x4b: {  	s15 =	simm.s32 $0xC5A0;
	[tilespmem:s12+$0xFFFFFFE0] =	vst v0  }
0x4c: {  	[tilespmem:s15+$0xFFFFFFF0] =	vst v0  }
0x4d: {  	[tilespmem:s15+$0x0] =	vst v0  }
0x4e: {  	[tilespmem:s15+$0x10] =	vst v0  }
0x4f: {  	s16 =	simm.s32 $0x13C20;
	[tilespmem:s15+$0xFFFFFFE0] =	vst v0  }
0x50: {  	[tilespmem:s16+$0xFFFFFFF0] =	vst v0  }
0x51: {  	[tilespmem:s16+$0x0] =	vst v0  }
0x52: {  	[tilespmem:s16+$0x10] =	vst v0  }
0x53: {  	s18 =	simm.s32 $0x4F60;
	s17 =	simm.s32 $0x0;
	[tilespmem:s16+$0xFFFFFFE0] =	vst v0  }
.LBB2_2:
0x54: {  	[tilespmem:s18+$0xFFFFFFF0] =	vst v0;
	s11 =	sadd.s32 $0x40, s11  }
0x55: {  	s12 =	sadd.s32 $0x40, s12;
	[tilespmem:s11+$0xFFFFFFF0] =	vst v0  }
0x56: {  	s15 =	sadd.s32 $0x40, s15;
	[tilespmem:s12+$0xFFFFFFF0] =	vst v0  }
0x57: {  	s16 =	sadd.s32 $0x40, s16;
	[tilespmem:s15+$0xFFFFFFF0] =	vst v0  }
0x58: {  	[tilespmem:s16+$0xFFFFFFF0] =	vst v0  }
0x59: {  	[tilespmem:s18+$0x0] =	vst v0  }
0x5a: {  	[tilespmem:s11+$0x0] =	vst v0  }
0x5b: {  	[tilespmem:s12+$0x0] =	vst v0  }
0x5c: {  	[tilespmem:s15+$0x0] =	vst v0  }
0x5d: {  	[tilespmem:s16+$0x0] =	vst v0  }
0x5e: {  	[tilespmem:s18+$0x10] =	vst v0  }
0x5f: {  	[tilespmem:s11+$0x10] =	vst v0  }
0x60: {  	[tilespmem:s12+$0x10] =	vst v0  }
0x61: {  	s17 =	sadd.s32 $0x4, s17;
	[tilespmem:s15+$0x10] =	vst v0  }
0x62: {  	p1 =	slt.u32 s17, $0x26C;
	[tilespmem:s16+$0x10] =	vst v0  }
.Ltmp2:
0x63: {  	[tilespmem:s18+$0xFFFFFFE0] =	vst v0;
	(pc) =	sbr.rel @p1 .LBB2_2-.Ltmp2, $4  }
0x64: {  	[tilespmem:s11+$0xFFFFFFE0] =	vst v0  }
0x65: {  	[tilespmem:s12+$0xFFFFFFE0] =	vst v0  }
0x66: {  	[tilespmem:s15+$0xFFFFFFE0] =	vst v0  }
0x67: {  	s18 =	sadd.s32 $0x40, s18;
	[tilespmem:s16+$0xFFFFFFE0] =	vst v0  }
0x68: {  	[tilespmem:$0x7600] =	vst v0  }
0x69: {  	[tilespmem:$0x9D80] =	vst v0  }
0x6a: {  	[tilespmem:$0xC500] =	vst v0  }
0x6b: {  	[tilespmem:$0xEC80] =	vst v0  }
0x6c: {  	[tilespmem:$0x16300] =	vst v0;
	s11 =	simm.s32 $0x0;
	s12 =	rddreg [dreg:$0x3];
	s15 =	simm.s32 $0x16380  }
0x6d: {  	[tilespmem:s15], [sflag:$0x1] =	stream.linear.gather [hbm4b:s12+s11], $0xFA0, $0x38;
	[tilespmem:$0x1A380] =	vst v63  }
0x6e: {  	s16 =	simm.s32 $0x17380;
	s15 =	rddreg [dreg:$0x4]  }
0x6f: {  	[tilespmem:s16], [sflag:$0x2] =	stream.linear.gather [hbm4b:s15+s11], $0xFA0, $0x38;
	[tilespmem:$0x1A380] =	vst v63  }
0x70: {  	s17 =	rddreg [dreg:$0x5]  }
0x71: {  	[tilespmem:s23], [sflag:$0x3] =	stream.linear.gather [hbm4b:s17+s11], $0xFA0, $0x38;
	[tilespmem:$0x1A380] =	vst v63  }
0x72: {  	s18 =	rddreg [dreg:$0x6]  }
0x73: {  	[tilespmem:s24], [sflag:$0x4] =	stream.linear.gather [hbm4b:s18+s11], $0xFA0, $0x38;
	[tilespmem:$0x1A380] =	vst v63  }
0x74: {  	s15 =	rddreg [dreg:$0x7]  }
0x75: {  	[tilespmem:s11], [sflag:$0x5] =	stream.strided.gather [hbm4b:s15+s25], $0x2780, s26, s25, $0x38;
	[tilespmem:$0x1A380] =	vst v63  }
0x76: {  	_ =	swait.ge [sflag:s28], $0x2780  }
0x77: {  	[sflag:s28] =	ssyncset.done $0x0  }
0x78: {  	s16 =	rddreg [dreg:$0x8];
	[sflag:s28] =	ssyncadd.s32 $0xFFFFD880  }
0x79: {  	[tilespmem:s29], [sflag:$0x5] =	stream.strided.gather [hbm4b:s16+s25], $0x2780, s26, s25, $0x38;
	[tilespmem:$0x1A380] =	vst v63  }
0x7a: {  	_ =	swait.ge [sflag:s28], $0x2780  }
0x7b: {  	[sflag:s28] =	ssyncset.done $0x0  }
0x7c: {  	s17 =	rddreg [dreg:$0x2];
	[sflag:s28] =	ssyncadd.s32 $0xFFFFD880  }
0x7d: {  	[tilespmem:s31], [sflag:$0x5] =	stream.strided.gather [hbm4b:s17+s25], $0x2780, s30, s25, $0x38;
	[tilespmem:$0x1A380] =	vst v63  }
0x7e: {  	_ =	swait.ge [sflag:s28], $0x2780  }
0x7f: {  	[sflag:s28] =	ssyncset.done $0x0  }
0x80: {  	s18 =	rddreg [dreg:$0x9];
	[sflag:s28] =	ssyncadd.s32 $0xFFFFD880  }
0x81: {  	[tilespmem:s1], [sflag:$0x5] =	stream.strided.gather [hbm4b:s18+s25], $0x2780, s30, s25, $0x38;
	[tilespmem:$0x1A380] =	vst v63  }
0x82: {  	_ =	swait.ge [sflag:s28], $0x2780  }
0x83: {  	[sflag:s28] =	ssyncset.done $0x0  }
0x84: {  	[sflag:s28] =	ssyncadd.s32 $0xFFFFD880  }
.LBB2_4:
0x85: {  	_ =	swait.ge [sflag:s5], $0xFA0  }
0x86: {  	[sflag:s5] =	ssyncset.done $0x0  }
0x87: {  	[sflag:s5] =	ssyncadd.s32 $0xFFFFF060  }
0x88: {  	_ =	swait.ge [sflag:s0], $0xFA0  }
0x89: {  	[sflag:s0] =	ssyncset.done $0x0  }
0x8a: {  	s12 =	simm.s32 $0x16390;
	[sflag:s0] =	ssyncadd.s32 $0xFFFFF060  }
0x8b: {  	s15 =	simm.s32 $0x17390;
	v5 =	vld [tilespmem:s12+$0x0]  }
0x8c: {  	v10 =	vld [tilespmem:s15+$0x0];
	_ =	sdelay $0x4  }
0x8d: {  	v1 =	vld [tilespmem:s15+$0xFFFFFFF0]  }
0x8e: {  	v11 =	vld [tilespmem:s12+$0xFFFFFFF0]  }
0x8f: {  	v2 =	vld.idx.msk [tilespmem:v5+s31+$0x0], $0xffff  }
0x90: {  	v3 =	vld.idx.msk [tilespmem:v10+s1+$0x0], $0xffff;
	_ =	sdelay $0x4  }
0x91: {  	v2 =	vadd.f32 v3, v2;
	_ =	sdelay $0x1  }
0x92: {  	v4 =	vld.idx.msk [tilespmem:v11+s31+$0x0], $0xffff;
	v3 =	vmul.f32 $2.000000030e-01, v2  }
0x93: {  	v6 =	vld.idx.msk [tilespmem:v1+s1+$0x0], $0xffff  }
0x94: {  	v2 =	vmax.f32 v2, v3  }
0x95: {  	s17 =	simm.s32 $0x173B0;
	v2 =	vmul.f32 $1.442695020e+00, v2  }
0x96: {  	s16 =	simm.s32 $0x163B0;
	v3 =	vld [tilespmem:s17+$0x0]  }
0x97: {  	v12 =	vld [tilespmem:s16+$0x0];
	(erf) = vpow2.f32 v2  }
0x98: {  	v2 =	vadd.f32 v6, v4;
	_ =	sdelay $0x1  }
0x99: {  	v4 =	vmul.f32 $2.000000030e-01, v2  }
0x9a: {  	v6 =	vld.idx.msk [tilespmem:v5+s2+$0x0], $0xffff  }
0x9b: {  	v4 =	vmax.f32 v2, v4;
	v2 =	vld [tilespmem:s17+$0xFFFFFFF0]  }
0x9c: {  	v7 =	vmul.f32 $1.442695020e+00, v4;
	v4 =	vld [tilespmem:s16+$0xFFFFFFF0]  }
0x9d: {  	v8 =	vld.idx.msk [tilespmem:v3+s1+$0x0], $0xffff  }
0x9e: {  	(erf) = vpow2.f32 v7;
	v7 =	vld.idx.msk [tilespmem:v12+s31+$0x0], $0xffff  }
0x9f: {  	v9 =	vshll.u32 v6, $0x10;
	v13 =	vpop (erf)  }
0xa0: {  	v9 =	vmul.f32 v9, v13  }
0xa1: {  	v14 =	vld.idx.msk [tilespmem:v11+s2+$0x0], $0xffff;
	v6 =	vand.u32 $0xFFFF0000, v6  }
0xa2: {  	v6 =	vmul.f32 v6, v13;
	[tilespmem:v10+s21+$0x0] =	vst.idx.add.f32.msk $0xffff, v9  }
0xa3: {  	v7 =	vadd.f32 v8, v7;
	v15 =	vld.idx.msk [tilespmem:v2+s1+$0x0], $0xffff  }
0xa4: {  	[tilespmem:v10+s22+$0x0] =	vst.idx.add.f32.msk $0xffff, v6  }
0xa5: {  	v9 =	vld.idx.msk [tilespmem:v4+s31+$0x0], $0xffff;
	v8 =	vmul.f32 $2.000000030e-01, v7  }
0xa6: {  	v5 =	vld.idx.msk [tilespmem:v5+s29+$0x0], $0xffff  }
0xa7: {  	v16 =	vshll.u32 v14, $0x10;
	v6 =	vpop (erf);
	v7 =	vmax.f32 v7, v8  }
0xa8: {  	s18 =	simm.s32 $0x163D0;
	v18 =	vld.idx.msk [tilespmem:v4+s2+$0x0], $0xffff;
	v16 =	vmul.f32 v16, v6;
	v7 =	vmul.f32 $1.442695020e+00, v7  }
0xa9: {  	v8 =	vld [tilespmem:s18+$0x0]  }
0xaa: {  	s12 =	simm.s32 $0x173D0;
	v14 =	vand.u32 $0xFFFF0000, v14;
	v9 =	vadd.f32 v15, v9;
	[tilespmem:v1+s21+$0x0] =	vst.idx.add.f32.msk $0xffff, v16;
	(erf) = vpow2.f32 v7  }
0xab: {  	v14 =	vmul.f32 v14, v6;
	v16 =	vshll.u32 v5, $0x10;
	v7 =	vld [tilespmem:s12+$0x0]  }
0xac: {  	v15 =	vmul.f32 v16, v13;
	v16 =	vld.idx.msk [tilespmem:v12+s2+$0x0], $0xffff;
	v17 =	vmul.f32 $2.000000030e-01, v9  }
0xad: {  	[tilespmem:v1+s22+$0x0] =	vst.idx.add.f32.msk $0xffff, v14  }
0xae: {  	v5 =	vand.u32 $0xFFFF0000, v5;
	v14 =	vld.idx.msk [tilespmem:v11+s29+$0x0], $0xffff;
	v9 =	vmax.f32 v9, v17  }
0xaf: {  	v5 =	vmul.f32 v5, v13;
	[tilespmem:v10+s4+$0x0] =	vst.idx.add.f32.msk $0xffff, v15;
	v15 =	vmul.f32 $1.442695020e+00, v9  }
0xb0: {  	v9 =	vld [tilespmem:s18+$0xFFFFFFF0]  }
0xb1: {  	[tilespmem:v10+s6+$0x0] =	vst.idx.add.f32.msk $0xffff, v5;
	(erf) = vpow2.f32 v15  }
0xb2: {  	v5 =	vld [tilespmem:s12+$0xFFFFFFF0]  }
0xb3: {  	v17 =	vld.idx.msk [tilespmem:v8+s31+$0x0], $0xffff;
	v15 =	vshll.u32 v16, $0x10;
	v11 =	vpop (erf)  }
0xb4: {  	v16 =	vand.u32 $0xFFFF0000, v16;
	v19 =	vld.idx.msk [tilespmem:v7+s1+$0x0], $0xffff;
	v15 =	vmul.f32 v15, v11  }
0xb5: {  	[tilespmem:v10+s7+$0x0] =	vst.idx.add.f32.msk $0xffff, v13;
	v10 =	vmul.f32 v16, v11  }
0xb6: {  	[tilespmem:v3+s21+$0x0] =	vst.idx.add.f32.msk $0xffff, v15  }
0xb7: {  	[tilespmem:v3+s22+$0x0] =	vst.idx.add.f32.msk $0xffff, v10;
	v10 =	vshll.u32 v14, $0x10  }
0xb8: {  	v16 =	vld.idx.msk [tilespmem:v9+s31+$0x0], $0xffff  }
0xb9: {  	v19 =	vadd.f32 v19, v17;
	v15 =	vld.idx.msk [tilespmem:v12+s29+$0x0], $0xffff  }
0xba: {  	v13 =	vld.idx.msk [tilespmem:v9+s2+$0x0], $0xffff;
	v12 =	vshll.u32 v18, $0x10;
	v20 =	vmul.f32 v10, v6;
	v10 =	vpop (erf)  }
0xbb: {  	v17 =	vld.idx.msk [tilespmem:v5+s1+$0x0], $0xffff;
	v14 =	vand.u32 $0xFFFF0000, v14;
	v21 =	vmul.f32 $2.000000030e-01, v19;
	v22 =	vmul.f32 v12, v10  }
0xbc: {  	v18 =	vand.u32 $0xFFFF0000, v18;
	[tilespmem:v1+s4+$0x0] =	vst.idx.add.f32.msk $0xffff, v20;
	v12 =	vmul.f32 v14, v6  }
0xbd: {  	s15 =	simm.s32 $0x4;
	s16 =	simm.s32 $0x163F0;
	v14 =	vmul.f32 v18, v10;
	v18 =	vmax.f32 v19, v21;
	[tilespmem:v2+s21+$0x0] =	vst.idx.add.f32.msk $0xffff, v22  }
.LBB2_5:
0xbe: {  	v19 =	vld [tilespmem:s16+$0x0];
	v18 =	vmul.f32 $1.442695020e+00, v18;
	s12 =	sadd.s32 $0x20, s12;
	v20 =	vshll.u32 v15, $0x10  }
0xbf: {  	v15 =	vand.u32 $0xFFFF0000, v15;
	v21 =	vld [tilespmem:s12+$0x0];
	v20 =	vmul.f32 v20, v11  }
0xc0: {  	v16 =	vadd.f32 v17, v16;
	v15 =	vmul.f32 v15, v11;
	v17 =	vld.idx.msk [tilespmem:v8+s2+$0x0], $0xffff;
	(erf) = vpow2.f32 v18  }
0xc1: {  	v18 =	vshll.u32 v13, $0x10;
	v22 =	vand.u32 $0xFFFF0000, v13;
	[tilespmem:v3+s4+$0x0] =	vst.idx.add.f32.msk $0xffff, v20  }
0xc2: {  	v13 =	vmul.f32 $2.000000030e-01, v16;
	[tilespmem:v3+s6+$0x0] =	vst.idx.add.f32.msk $0xffff, v15  }
0xc3: {  	[tilespmem:v3+s7+$0x0] =	vst.idx.add.f32.msk $0xffff, v11;
	v3 =	vmov v7  }
0xc4: {  	s15 =	sadd.s32 $0x2, s15;
	v11 =	vmax.f32 v16, v13;
	v15 =	vld [tilespmem:s12+$0xFFFFFFF0];
	v7 =	vmov v21  }
0xc5: {  	p1 =	slt.u32 s15, $0xF8;
	v11 =	vmul.f32 $1.442695020e+00, v11;
	v13 =	vld [tilespmem:s16+$0xFFFFFFF0]  }
0xc6: {  	[tilespmem:v2+s22+$0x0] =	vst.idx.add.f32.msk $0xffff, v14  }
0xc7: {  	(erf) = vpow2.f32 v11;
	v14 =	vld.idx.msk [tilespmem:v4+s29+$0x0], $0xffff;
	v4 =	vmov v9  }
0xc8: {  	v20 =	vld.idx.msk [tilespmem:v19+s31+$0x0], $0xffff  }
0xc9: {  	v23 =	vshll.u32 v17, $0x10;
	v21 =	vld.idx.msk [tilespmem:v21+s1+$0x0], $0xffff;
	v11 =	vpop (erf)  }
0xca: {  	v16 =	vand.u32 $0xFFFF0000, v17;
	v17 =	vmul.f32 v23, v11;
	[tilespmem:v1+s6+$0x0] =	vst.idx.add.f32.msk $0xffff, v12;
	v9 =	vmov v13  }
0xcb: {  	v12 =	vmul.f32 v16, v11;
	[tilespmem:v1+s7+$0x0] =	vst.idx.add.f32.msk $0xffff, v6;
	v1 =	vmovc v2;
	v2 =	vmov v5;
	v5 =	vmov v15  }
0xcc: {  	v6 =	vmov v10;
	[tilespmem:v3+s21+$0x0] =	vst.idx.add.f32.msk $0xffff, v17  }
0xcd: {  	v10 =	vshll.u32 v14, $0x10;
	[tilespmem:v3+s22+$0x0] =	vst.idx.add.f32.msk $0xffff, v12;
	v12 =	vand.u32 $0xFFFF0000, v14  }
0xce: {  	v23 =	vmul.f32 v10, v6;
	v15 =	vld.idx.msk [tilespmem:v8+s29+$0x0], $0xffff;
	v12 =	vmul.f32 v12, v6;
	v8 =	vmov v19  }
.Ltmp3:
0xcf: {  	v19 =	vadd.f32 v21, v20;
	v16 =	vld.idx.msk [tilespmem:v13+s31+$0x0], $0xffff;
	(pc) =	sbr.rel @p1 .LBB2_5-.Ltmp3, $4  }
0xd0: {  	v17 =	vld.idx.msk [tilespmem:v5+s1+$0x0], $0xffff;
	v10 =	vpop (erf)  }
0xd1: {  	v20 =	vmul.f32 $2.000000030e-01, v19;
	v13 =	vld.idx.msk [tilespmem:v13+s2+$0x0], $0xffff;
	v21 =	vmul.f32 v18, v10  }
0xd2: {  	v14 =	vmul.f32 v22, v10;
	[tilespmem:v1+s4+$0x0] =	vst.idx.add.f32.msk $0xffff, v23  }
0xd3: {  	s16 =	sadd.s32 $0x20, s16;
	v18 =	vmax.f32 v19, v20;
	[tilespmem:v2+s21+$0x0] =	vst.idx.add.f32.msk $0xffff, v21  }
0xd4: {  	_ = 	snop  }
0xd5: {  	v18 =	vmul.f32 $1.442695020e+00, v18;
	v16 =	vadd.f32 v17, v16;
	_ =	sdelay $0x1  }
0xd6: {  	(erf) = vpow2.f32 v18;
	v17 =	vmul.f32 $2.000000030e-01, v16;
	_ =	sdelay $0x1  }
0xd7: {  	v16 =	vmax.f32 v16, v17  }
0xd8: {  	v16 =	vmul.f32 $1.442695020e+00, v16  }
0xd9: {  	v18 =	vshll.u32 v15, $0x10;
	v17 =	vld.idx.msk [tilespmem:v8+s2+$0x0], $0xffff  }
0xda: {  	(erf) = vpow2.f32 v16;
	v16 =	vmul.f32 v18, v11  }
0xdb: {  	v15 =	vand.u32 $0xFFFF0000, v15  }
0xdc: {  	v15 =	vmul.f32 v15, v11  }
0xdd: {  	[tilespmem:v3+s4+$0x0] =	vst.idx.add.f32.msk $0xffff, v16  }
0xde: {  	[tilespmem:v3+s6+$0x0] =	vst.idx.add.f32.msk $0xffff, v15;
	v15 =	vshll.u32 v17, $0x10;
	v16 =	vpop (erf)  }
0xdf: {  	[tilespmem:v2+s22+$0x0] =	vst.idx.add.f32.msk $0xffff, v14;
	v14 =	vand.u32 $0xFFFF0000, v17;
	v15 =	vmul.f32 v15, v16  }
0xe0: {  	v4 =	vld.idx.msk [tilespmem:v4+s29+$0x0], $0xffff;
	v14 =	vmul.f32 v14, v16  }
0xe1: {  	[tilespmem:v7+s21+$0x0] =	vst.idx.add.f32.msk $0xffff, v15  }
0xe2: {  	[tilespmem:v7+s22+$0x0] =	vst.idx.add.f32.msk $0xffff, v14  }
0xe3: {  	v14 =	vshll.u32 v13, $0x10;
	v8 =	vld.idx.msk [tilespmem:v8+s29+$0x0], $0xffff;
	v15 =	vpop (erf)  }
0xe4: {  	[tilespmem:v3+s7+$0x0] =	vst.idx.add.f32.msk $0xffff, v11;
	v13 =	vand.u32 $0xFFFF0000, v13;
	v3 =	vmul.f32 v14, v15  }
0xe5: {  	[tilespmem:v1+s6+$0x0] =	vst.idx.add.f32.msk $0xffff, v12;
	v11 =	vmul.f32 v13, v15  }
0xe6: {  	[tilespmem:v5+s21+$0x0] =	vst.idx.add.f32.msk $0xffff, v3  }
0xe7: {  	v3 =	vshll.u32 v4, $0x10;
	[tilespmem:v5+s22+$0x0] =	vst.idx.add.f32.msk $0xffff, v11  }
0xe8: {  	v3 =	vmul.f32 v3, v10;
	v11 =	vshll.u32 v8, $0x10;
	v9 =	vld.idx.msk [tilespmem:v9+s29+$0x0], $0xffff  }
0xe9: {  	[tilespmem:v1+s7+$0x0] =	vst.idx.add.f32.msk $0xffff, v6;
	v1 =	vand.u32 $0xFFFF0000, v8;
	v6 =	vmul.f32 v11, v16  }
0xea: {  	[tilespmem:v2+s4+$0x0] =	vst.idx.add.f32.msk $0xffff, v3;
	v1 =	vmul.f32 v1, v16;
	v3 =	vand.u32 $0xFFFF0000, v4  }
0xeb: {  	v3 =	vmul.f32 v3, v10;
	[tilespmem:v7+s4+$0x0] =	vst.idx.add.f32.msk $0xffff, v6  }
0xec: {  	[tilespmem:v7+s6+$0x0] =	vst.idx.add.f32.msk $0xffff, v1  }
0xed: {  	p1 =	seq.s32 s11, $0x9;
	[tilespmem:v2+s6+$0x0] =	vst.idx.add.f32.msk $0xffff, v3;
	v1 =	vshll.u32 v9, $0x10  }
0xee: {  	s12 =	smul.u32 @!p1 $0x1F40, s11;
	[tilespmem:v7+s7+$0x0] =	vst.idx.add.f32.msk $0xffff, v16;
	v3 =	vand.u32 $0xFFFF0000, v9;
	v1 =	vmul.f32 v1, v15  }
0xef: {  	[tilespmem:v2+s7+$0x0] =	vst.idx.add.f32.msk $0xffff, v10;
	v2 =	vmul.f32 v3, v15  }
0xf0: {  	s12 =	sadd.s32 @!p1 s12, s13;
	[tilespmem:v5+s4+$0x0] =	vst.idx.add.f32.msk $0xffff, v1  }
0xf1: {  	s16 =	simm.s32 @!p1 $0x0;
	s15 =	sshrl.u32 @!p1 s12, $0x3;
	s12 =	sadd.s32 @!p1 $0x4E200, s12;
	[tilespmem:v5+s6+$0x0] =	vst.idx.add.f32.msk $0xffff, v2  }
0xf2: {  	s17 =	simm.s32 @!p1 $0x16380;
	s15 =	sadd.s32 @!p1 s3, s15;
	s12 =	sshrl.u32 @!p1 s12, $0x3;
	[tilespmem:v5+s7+$0x0] =	vst.idx.add.f32.msk $0xffff, v15  }
0xf3: {  	[tilespmem:s17], [sflag:$0x1] =	stream.linear.gather @!p1 [hbm4b:s15+s16], $0xFA0, $0x38;
	[tilespmem:$0x1A380] =	vst v63  }
0xf4: {  	s12 =	sadd.s32 @!p1 s3, s12;
	s15 =	simm.s32 @!p1 $0x17380  }
0xf5: {  	[tilespmem:s15], [sflag:$0x2] =	stream.linear.gather @!p1 [hbm4b:s12+s16], $0xFA0, $0x38;
	[tilespmem:$0x1A380] =	vst v63  }
0xf6: {  	_ =	swait.ge [sflag:s8], $0xFA0  }
0xf7: {  	[sflag:s8] =	ssyncset.done $0x0  }
0xf8: {  	[sflag:s8] =	ssyncadd.s32 $0xFFFFF060  }
0xf9: {  	_ =	swait.ge [sflag:s9], $0xFA0  }
0xfa: {  	[sflag:s9] =	ssyncset.done $0x0  }
0xfb: {  	s17 =	simm.s32 $0x18390;
	[sflag:s9] =	ssyncadd.s32 $0xFFFFF060  }
0xfc: {  	s18 =	simm.s32 $0x19390;
	v5 =	vld [tilespmem:s17+$0x0]  }
0xfd: {  	v10 =	vld [tilespmem:s18+$0x0];
	_ =	sdelay $0x4  }
0xfe: {  	v1 =	vld [tilespmem:s18+$0xFFFFFFF0]  }
0xff: {  	v11 =	vld [tilespmem:s17+$0xFFFFFFF0]  }
0x100: {  	v2 =	vld.idx.msk [tilespmem:v5+s31+$0x0], $0xffff  }
0x101: {  	v3 =	vld.idx.msk [tilespmem:v10+s1+$0x0], $0xffff;
	_ =	sdelay $0x4  }
0x102: {  	v2 =	vadd.f32 v3, v2;
	_ =	sdelay $0x1  }
0x103: {  	v4 =	vld.idx.msk [tilespmem:v11+s31+$0x0], $0xffff;
	v3 =	vmul.f32 $2.000000030e-01, v2  }
0x104: {  	v6 =	vld.idx.msk [tilespmem:v1+s1+$0x0], $0xffff  }
0x105: {  	v2 =	vmax.f32 v2, v3  }
0x106: {  	s17 =	simm.s32 $0x193B0;
	v2 =	vmul.f32 $1.442695020e+00, v2  }
0x107: {  	s16 =	simm.s32 $0x183B0;
	v3 =	vld [tilespmem:s17+$0x0]  }
0x108: {  	v12 =	vld [tilespmem:s16+$0x0];
	(erf) = vpow2.f32 v2  }
0x109: {  	v2 =	vadd.f32 v6, v4;
	_ =	sdelay $0x1  }
0x10a: {  	v4 =	vmul.f32 $2.000000030e-01, v2  }
0x10b: {  	v6 =	vld.idx.msk [tilespmem:v5+s2+$0x0], $0xffff  }
0x10c: {  	v4 =	vmax.f32 v2, v4;
	v2 =	vld [tilespmem:s17+$0xFFFFFFF0]  }
0x10d: {  	v7 =	vmul.f32 $1.442695020e+00, v4;
	v4 =	vld [tilespmem:s16+$0xFFFFFFF0]  }
0x10e: {  	v8 =	vld.idx.msk [tilespmem:v3+s1+$0x0], $0xffff  }
0x10f: {  	(erf) = vpow2.f32 v7;
	v7 =	vld.idx.msk [tilespmem:v12+s31+$0x0], $0xffff  }
0x110: {  	v9 =	vshll.u32 v6, $0x10;
	v13 =	vpop (erf)  }
0x111: {  	v9 =	vmul.f32 v9, v13  }
0x112: {  	v14 =	vld.idx.msk [tilespmem:v11+s2+$0x0], $0xffff;
	v6 =	vand.u32 $0xFFFF0000, v6  }
0x113: {  	v6 =	vmul.f32 v6, v13;
	[tilespmem:v10+s21+$0x0] =	vst.idx.add.f32.msk $0xffff, v9  }
0x114: {  	v7 =	vadd.f32 v8, v7;
	v15 =	vld.idx.msk [tilespmem:v2+s1+$0x0], $0xffff  }
0x115: {  	[tilespmem:v10+s22+$0x0] =	vst.idx.add.f32.msk $0xffff, v6  }
0x116: {  	v9 =	vld.idx.msk [tilespmem:v4+s31+$0x0], $0xffff;
	v8 =	vmul.f32 $2.000000030e-01, v7  }
0x117: {  	v6 =	vld.idx.msk [tilespmem:v5+s29+$0x0], $0xffff  }
0x118: {  	v16 =	vshll.u32 v14, $0x10;
	v5 =	vpop (erf);
	v7 =	vmax.f32 v7, v8  }
0x119: {  	s18 =	simm.s32 $0x183D0;
	v18 =	vld.idx.msk [tilespmem:v4+s2+$0x0], $0xffff;
	v16 =	vmul.f32 v16, v5;
	v7 =	vmul.f32 $1.442695020e+00, v7  }
0x11a: {  	v8 =	vld [tilespmem:s18+$0x0]  }
0x11b: {  	s12 =	simm.s32 $0x193D0;
	v14 =	vand.u32 $0xFFFF0000, v14;
	v9 =	vadd.f32 v15, v9;
	[tilespmem:v1+s21+$0x0] =	vst.idx.add.f32.msk $0xffff, v16;
	(erf) = vpow2.f32 v7  }
0x11c: {  	v14 =	vmul.f32 v14, v5;
	v16 =	vshll.u32 v6, $0x10;
	v7 =	vld [tilespmem:s12+$0x0]  }
0x11d: {  	v15 =	vmul.f32 v16, v13;
	v16 =	vld.idx.msk [tilespmem:v12+s2+$0x0], $0xffff;
	v17 =	vmul.f32 $2.000000030e-01, v9  }
0x11e: {  	[tilespmem:v1+s22+$0x0] =	vst.idx.add.f32.msk $0xffff, v14  }
0x11f: {  	v6 =	vand.u32 $0xFFFF0000, v6;
	v14 =	vld.idx.msk [tilespmem:v11+s29+$0x0], $0xffff;
	v9 =	vmax.f32 v9, v17  }
0x120: {  	v6 =	vmul.f32 v6, v13;
	[tilespmem:v10+s4+$0x0] =	vst.idx.add.f32.msk $0xffff, v15;
	v15 =	vmul.f32 $1.442695020e+00, v9  }
0x121: {  	v9 =	vld [tilespmem:s18+$0xFFFFFFF0]  }
0x122: {  	[tilespmem:v10+s6+$0x0] =	vst.idx.add.f32.msk $0xffff, v6;
	(erf) = vpow2.f32 v15  }
0x123: {  	v6 =	vld [tilespmem:s12+$0xFFFFFFF0]  }
0x124: {  	v17 =	vld.idx.msk [tilespmem:v8+s31+$0x0], $0xffff;
	v15 =	vshll.u32 v16, $0x10;
	v11 =	vpop (erf)  }
0x125: {  	v16 =	vand.u32 $0xFFFF0000, v16;
	v19 =	vld.idx.msk [tilespmem:v7+s1+$0x0], $0xffff;
	v15 =	vmul.f32 v15, v11  }
0x126: {  	[tilespmem:v10+s7+$0x0] =	vst.idx.add.f32.msk $0xffff, v13;
	v10 =	vmul.f32 v16, v11  }
0x127: {  	[tilespmem:v3+s21+$0x0] =	vst.idx.add.f32.msk $0xffff, v15  }
0x128: {  	[tilespmem:v3+s22+$0x0] =	vst.idx.add.f32.msk $0xffff, v10;
	v10 =	vshll.u32 v14, $0x10  }
0x129: {  	v16 =	vld.idx.msk [tilespmem:v9+s31+$0x0], $0xffff  }
0x12a: {  	v19 =	vadd.f32 v19, v17;
	v15 =	vld.idx.msk [tilespmem:v12+s29+$0x0], $0xffff  }
0x12b: {  	v13 =	vld.idx.msk [tilespmem:v9+s2+$0x0], $0xffff;
	v12 =	vshll.u32 v18, $0x10;
	v20 =	vmul.f32 v10, v5;
	v10 =	vpop (erf)  }
0x12c: {  	v17 =	vld.idx.msk [tilespmem:v6+s1+$0x0], $0xffff;
	v14 =	vand.u32 $0xFFFF0000, v14;
	v21 =	vmul.f32 $2.000000030e-01, v19;
	v22 =	vmul.f32 v12, v10  }
0x12d: {  	v18 =	vand.u32 $0xFFFF0000, v18;
	[tilespmem:v1+s4+$0x0] =	vst.idx.add.f32.msk $0xffff, v20;
	v12 =	vmul.f32 v14, v5  }
0x12e: {  	s15 =	simm.s32 $0x4;
	s16 =	simm.s32 $0x183F0;
	v14 =	vmul.f32 v18, v10;
	v18 =	vmax.f32 v19, v21;
	[tilespmem:v2+s21+$0x0] =	vst.idx.add.f32.msk $0xffff, v22  }
.LBB2_7:
0x12f: {  	v19 =	vld [tilespmem:s16+$0x0];
	v18 =	vmul.f32 $1.442695020e+00, v18;
	s12 =	sadd.s32 $0x20, s12;
	v20 =	vshll.u32 v15, $0x10  }
0x130: {  	v15 =	vand.u32 $0xFFFF0000, v15;
	v21 =	vld [tilespmem:s12+$0x0];
	v20 =	vmul.f32 v20, v11  }
0x131: {  	v16 =	vadd.f32 v17, v16;
	v15 =	vmul.f32 v15, v11;
	v17 =	vld.idx.msk [tilespmem:v8+s2+$0x0], $0xffff;
	(erf) = vpow2.f32 v18  }
0x132: {  	v18 =	vshll.u32 v13, $0x10;
	v22 =	vand.u32 $0xFFFF0000, v13;
	[tilespmem:v3+s4+$0x0] =	vst.idx.add.f32.msk $0xffff, v20  }
0x133: {  	v13 =	vmul.f32 $2.000000030e-01, v16;
	[tilespmem:v3+s6+$0x0] =	vst.idx.add.f32.msk $0xffff, v15  }
0x134: {  	[tilespmem:v3+s7+$0x0] =	vst.idx.add.f32.msk $0xffff, v11;
	v3 =	vmov v7  }
0x135: {  	s15 =	sadd.s32 $0x2, s15;
	v11 =	vmax.f32 v16, v13;
	v15 =	vld [tilespmem:s12+$0xFFFFFFF0];
	v7 =	vmov v21  }
0x136: {  	p2 =	slt.u32 s15, $0xF8;
	v11 =	vmul.f32 $1.442695020e+00, v11;
	v13 =	vld [tilespmem:s16+$0xFFFFFFF0]  }
0x137: {  	[tilespmem:v2+s22+$0x0] =	vst.idx.add.f32.msk $0xffff, v14  }
0x138: {  	(erf) = vpow2.f32 v11;
	v14 =	vld.idx.msk [tilespmem:v4+s29+$0x0], $0xffff;
	v4 =	vmov v9  }
0x139: {  	v20 =	vld.idx.msk [tilespmem:v19+s31+$0x0], $0xffff  }
0x13a: {  	v23 =	vshll.u32 v17, $0x10;
	v21 =	vld.idx.msk [tilespmem:v21+s1+$0x0], $0xffff;
	v11 =	vpop (erf)  }
0x13b: {  	v16 =	vand.u32 $0xFFFF0000, v17;
	v17 =	vmul.f32 v23, v11;
	[tilespmem:v1+s6+$0x0] =	vst.idx.add.f32.msk $0xffff, v12;
	v9 =	vmov v13  }
0x13c: {  	v12 =	vmul.f32 v16, v11;
	[tilespmem:v1+s7+$0x0] =	vst.idx.add.f32.msk $0xffff, v5;
	v1 =	vmovc v2;
	v2 =	vmov v6;
	v6 =	vmov v15  }
0x13d: {  	v5 =	vmov v10;
	[tilespmem:v3+s21+$0x0] =	vst.idx.add.f32.msk $0xffff, v17  }
0x13e: {  	v10 =	vshll.u32 v14, $0x10;
	[tilespmem:v3+s22+$0x0] =	vst.idx.add.f32.msk $0xffff, v12;
	v12 =	vand.u32 $0xFFFF0000, v14  }
0x13f: {  	v23 =	vmul.f32 v10, v5;
	v15 =	vld.idx.msk [tilespmem:v8+s29+$0x0], $0xffff;
	v12 =	vmul.f32 v12, v5;
	v8 =	vmov v19  }
.Ltmp4:
0x140: {  	v19 =	vadd.f32 v21, v20;
	v16 =	vld.idx.msk [tilespmem:v13+s31+$0x0], $0xffff;
	(pc) =	sbr.rel @p2 .LBB2_7-.Ltmp4, $4  }
0x141: {  	v17 =	vld.idx.msk [tilespmem:v6+s1+$0x0], $0xffff;
	v10 =	vpop (erf)  }
0x142: {  	v20 =	vmul.f32 $2.000000030e-01, v19;
	v13 =	vld.idx.msk [tilespmem:v13+s2+$0x0], $0xffff;
	v21 =	vmul.f32 v18, v10  }
0x143: {  	v14 =	vmul.f32 v22, v10;
	[tilespmem:v1+s4+$0x0] =	vst.idx.add.f32.msk $0xffff, v23  }
0x144: {  	s16 =	sadd.s32 $0x20, s16;
	v18 =	vmax.f32 v19, v20;
	[tilespmem:v2+s21+$0x0] =	vst.idx.add.f32.msk $0xffff, v21  }
0x145: {  	_ = 	snop  }
0x146: {  	v18 =	vmul.f32 $1.442695020e+00, v18;
	v16 =	vadd.f32 v17, v16;
	_ =	sdelay $0x1  }
0x147: {  	(erf) = vpow2.f32 v18;
	v17 =	vmul.f32 $2.000000030e-01, v16;
	_ =	sdelay $0x1  }
0x148: {  	v16 =	vmax.f32 v16, v17  }
0x149: {  	v16 =	vmul.f32 $1.442695020e+00, v16  }
0x14a: {  	v50 =	vld.idx.msk [tilespmem:v8+s2+$0x0], $0xffff  }
0x14b: {  	(erf) = vpow2.f32 v16  }
0x14c: {  	v51 =	vshll.u32 v15, $0x10  }
0x14d: {  	v52 =	vand.u32 $0xFFFF0000, v15;
	v53 =	vmul.f32 v51, v11  }
0x14e: {  	[tilespmem:v2+s22+$0x0] =	vst.idx.add.f32.msk $0xffff, v14;
	v15 =	vmul.f32 v52, v11  }
0x14f: {  	[tilespmem:v3+s4+$0x0] =	vst.idx.add.f32.msk $0xffff, v53;
	v54 =	vshll.u32 v50, $0x10;
	v55 =	vpop (erf)  }
0x150: {  	[tilespmem:v3+s6+$0x0] =	vst.idx.add.f32.msk $0xffff, v15;
	v56 =	vand.u32 $0xFFFF0000, v50;
	v15 =	vmul.f32 v54, v55  }
0x151: {  	v4 =	vld.idx.msk [tilespmem:v4+s29+$0x0], $0xffff;
	v14 =	vmul.f32 v56, v55  }
0x152: {  	[tilespmem:v7+s21+$0x0] =	vst.idx.add.f32.msk $0xffff, v15  }
0x153: {  	[tilespmem:v7+s22+$0x0] =	vst.idx.add.f32.msk $0xffff, v14  }
0x154: {  	v57 =	vshll.u32 v13, $0x10;
	v58 =	vld.idx.msk [tilespmem:v8+s29+$0x0], $0xffff;
	v59 =	vpop (erf)  }
0x155: {  	v60 =	vand.u32 $0xFFFF0000, v13;
	[tilespmem:v3+s7+$0x0] =	vst.idx.add.f32.msk $0xffff, v11;
	v3 =	vmul.f32 v57, v59  }
0x156: {  	[tilespmem:v1+s6+$0x0] =	vst.idx.add.f32.msk $0xffff, v12;
	v61 =	vmul.f32 v60, v59  }
0x157: {  	[tilespmem:v6+s21+$0x0] =	vst.idx.add.f32.msk $0xffff, v3  }
0x158: {  	v3 =	vshll.u32 v4, $0x10;
	[tilespmem:v6+s22+$0x0] =	vst.idx.add.f32.msk $0xffff, v61  }
0x159: {  	v3 =	vmul.f32 v3, v10;
	v62 =	vshll.u32 v58, $0x10;
	v9 =	vld.idx.msk [tilespmem:v9+s29+$0x0], $0xffff  }
0x15a: {  	[tilespmem:v1+s7+$0x0] =	vst.idx.add.f32.msk $0xffff, v5;
	v1 =	vand.u32 $0xFFFF0000, v58;
	v63 =	vmul.f32 v62, v55  }
0x15b: {  	v1 =	vmul.f32 v1, v55;
	[tilespmem:v2+s4+$0x0] =	vst.idx.add.f32.msk $0xffff, v3  }
0x15c: {  	v3 =	vand.u32 $0xFFFF0000, v4;
	[tilespmem:v7+s4+$0x0] =	vst.idx.add.f32.msk $0xffff, v63  }
0x15d: {  	v3 =	vmul.f32 v3, v10;
	[tilespmem:v7+s6+$0x0] =	vst.idx.add.f32.msk $0xffff, v1  }
0x15e: {  	[tilespmem:v7+s7+$0x0] =	vst.idx.add.f32.msk $0xffff, v55;
	v1 =	vshll.u32 v9, $0x10  }
.Ltmp5:
0x15f: {  	[tilespmem:v2+s6+$0x0] =	vst.idx.add.f32.msk $0xffff, v3;
	v3 =	vand.u32 $0xFFFF0000, v9;
	v1 =	vmul.f32 v1, v59;
	(pc) =	sbr.rel @p1 .LBB2_10-.Ltmp5, $4  }
0x160: {  	[tilespmem:v2+s7+$0x0] =	vst.idx.add.f32.msk $0xffff, v10;
	v2 =	vmul.f32 v3, v59  }
0x161: {  	[tilespmem:v6+s4+$0x0] =	vst.idx.add.f32.msk $0xffff, v1  }
0x162: {  	[tilespmem:v6+s6+$0x0] =	vst.idx.add.f32.msk $0xffff, v2  }
0x163: {  	[tilespmem:v6+s7+$0x0] =	vst.idx.add.f32.msk $0xffff, v59  }
0x164: {  	s12 =	smul.u32 $0x1F40, s11;
	_ =	sdelay $0x1  }
0x165: {  	s12 =	sadd.s32 s12, s14  }
.Ltmp6:
0x166: {  	s15 =	sshrl.u32 s12, $0x3;
	s12 =	sadd.s32 $0x4E200, s12;
	(pc) =	sbr.rel .LBB2_4-.Ltmp6, $4  }
0x167: {  	s15 =	sadd.s32 s3, s15;
	s12 =	sshrl.u32 s12, $0x3  }
0x168: {  	[tilespmem:s23], [sflag:$0x3] =	stream.linear.gather [hbm4b:s15+s2], $0xFA0, $0x38;
	[tilespmem:$0x1A380] =	vst v63  }
0x169: {  	s11 =	sadd.s32 $0x1, s11;
	s12 =	sadd.s32 s3, s12  }
0x16a: {  	[tilespmem:s24], [sflag:$0x4] =	stream.linear.gather [hbm4b:s12+s2], $0xFA0, $0x38;
	[tilespmem:$0x1A380] =	vst v63  }
.LBB2_11:
0x16b: {  	_ =	sfence.sel $0x180000  }
0x16c: {  	[bflag:$0x0] =	sbarrier.arrive $0xFFFF  }
0x16d: {  	_ =	strace $0x90000047  }
0x16e: {  	s0 =	stileid.u32;
	[bflag:$0x2] =	sbarrier.arrive $0xFFFF  }
0x16f: {  	p0 =	sne.s32 s0, $0x0;
	s0 =	rddreg [dreg:$0x1]  }
0x170: {  	s0 =	sadd.s32 @!p0 $0x100000, s0  }
0x171: {  	[sflag:s0] =	ssyncadd.tile.s32 @!p0 $0x1;
	_ =	shalt  }
.Lfunc_end2:
_tile_overlayer_lowered:
.L_overlay_start_2:
0x172: {  	(tag) =	ssettag $0x2  }
0x173: {  	s0 =	rddreg [dreg:$0x0];
	s2 =	stileid.u32  }
0x174: {  	s1 =	rddreg [dreg:$0x1];
	p0 =	sne.s32 s2, $0x0  }
0x175: {  	s3 =	rddreg [dreg:$0x2];
	[bflag:$0x3] =	sbarrier.arrive $0xFFFF;
	s2 =	simm.s32 @!p0 $0x1C05  }
0x176: {  	[timem:s3], [sflag:s2] =	dma.local @!p0 [hbm:s0], s1  }
0x177: {  	s0 =	simm.s32 @!p0 $0x5  }
0x178: {  	_ =	swait.ge @!p0 [sflag:s0], s1  }
0x179: {  	s1 =	ssub.s32 @!p0 $0x0, s1;
	[sflag:s0] =	ssyncset.done @!p0 $0x0  }
0x17a: {  	[sflag:s0] =	ssyncadd.s32 @!p0 s1  }
0x17b: {  	[bflag:$0x3] =	sbarrier.arrive $0xFFFF  }
0x17c: {  	_ =	shalt  }

</sc_bundles>
